<compile_context>
chip_gen: v7x
topology: tpu7x:2x2x1
jax: 0.10.2.dev20260603
libtpu: 0.0.44.dev20260713+nightly
codegen_flags: <defaults>
</compile_context>

<pallas_src>
import functools

import jax
import jax.numpy as jnp
from jax import lax
from jax.experimental import pallas as pl
from jax.experimental.pallas import tpu as pltpu
from jax.experimental.pallas import tpu_sc as plsc

NUM_ITERATIONS = 2
GAMMA = 1.0

_NC = 2
_NS = 16
_NW = _NC * _NS
_L = 16

_EDGE_BLOCK = 2000
_ACC_BLOCK = 4000


def _npad(n_nodes):
    return ((n_nodes + _NW * 4 - 1) // (_NW * 4)) * (_NW * 4)




def _sc_mesh():
    return plsc.VectorSubcoreMesh(core_axis_name="c", subcore_axis_name="s",
                                  num_cores=_NC, num_subcores=_NS)


@functools.lru_cache(maxsize=None)
def _build_edge_update(n_edges, n_nodes):
    epw = n_edges // _NW
    block = _EDGE_BLOCK
    nblocks = epw // block

    def body(src_hbm, dst_hbm, sn_hbm, se_hbm, gm_hbm, snew_hbm,
             table_v, gm_v,
             src0_v, dst0_v, sin0_v, sout0_v, sem0,
             src1_v, dst1_v, sin1_v, sout1_v, sem1):
        wid = lax.axis_index("c") * _NS + lax.axis_index("s")
        pltpu.sync_copy(sn_hbm, table_v)
        pltpu.sync_copy(gm_hbm, gm_v)
        base0 = wid * epw
        slots = ((src0_v, dst0_v, sin0_v, sout0_v, sem0),
                 (src1_v, dst1_v, sin1_v, sout1_v, sem1))

        def copies(b, slot):
            src_v, dst_v, sin_v, _, sem = slot
            base = base0 + b * block
            return (
                pltpu.make_async_copy(src_hbm.at[pl.ds(base, block)],
                                      src_v, sem),
                pltpu.make_async_copy(dst_hbm.at[pl.ds(base, block)],
                                      dst_v, sem),
                pltpu.make_async_copy(se_hbm.at[pl.ds(base, block)],
                                      sin_v, sem))

        def start_in(b, slot):
            for c in copies(b, slot):
                c.start()

        def wait_in(b, slot):
            for c in copies(b, slot):
                c.wait()

        def compute(b, slot):
            src_v, dst_v, sin_v, sout_v, _ = slot
            gm = gm_v[...]

            def step(i, c2):
                o = i * _L
                isrc = src_v[pl.ds(o, _L)]
                idst = dst_v[pl.ds(o, _L)]
                nap = jnp.maximum(plsc.load_gather(table_v, [isrc]),
                                  plsc.load_gather(table_v, [idst]))
                f = 1.0 + nap * gm
                s = sin_v[pl.ds(o, _L)]
                sf = s * f
                sout_v[pl.ds(o, _L)] = sf / (1.0 - s + sf)
                return c2
            lax.fori_loop(0, block // _L, step, 0, unroll=8)
            base = base0 + b * block
            pltpu.sync_copy(sout_v, snew_hbm.at[pl.ds(base, block)])

        start_in(0, slots[0])

        def pair(g, carry):
            b0 = 2 * g
            start_in(b0 + 1, slots[1])
            wait_in(b0, slots[0])
            compute(b0, slots[0])

            @pl.when(g + 1 < nblocks // 2)
            def _():
                start_in(b0 + 2, slots[0])
            wait_in(b0 + 1, slots[1])
            compute(b0 + 1, slots[1])
            return carry
        lax.fori_loop(0, nblocks // 2, pair, 0)

    buf = lambda dt: pltpu.VMEM((block,), dt)
    return pl.kernel(
        body,
        out_type=jax.ShapeDtypeStruct((n_edges,), jnp.float32),
        mesh=_sc_mesh(),
        scratch_types=(pltpu.VMEM((n_nodes,), jnp.float32),
                       pltpu.VMEM((_L,), jnp.float32),
                       buf(jnp.int32), buf(jnp.int32), buf(jnp.float32),
                       buf(jnp.float32), pltpu.SemaphoreType.DMA,
                       buf(jnp.int32), buf(jnp.int32), buf(jnp.float32),
                       buf(jnp.float32), pltpu.SemaphoreType.DMA),
        compiler_params=pltpu.CompilerParams(needs_layout_passes=False))


@functools.lru_cache(maxsize=None)
def _build_edge_accum(n_edges, n_nodes, with_vals):
    npad = _npad(n_nodes)
    epw = n_edges // _NW
    block = _ACC_BLOCK
    nblocks = epw // block

    nbuf = [pltpu.VMEM((block,), jnp.int32),
            pltpu.VMEM((block,), jnp.int32)]
    if with_vals:
        nbuf.append(pltpu.VMEM((block,), jnp.float32))
    nbuf.append(pltpu.SemaphoreType.DMA)
    scratch = [pltpu.VMEM((npad,), jnp.float32)] + nbuf + nbuf

    def body(src_hbm, dst_hbm, *rest):
        nslot = 4 if with_vals else 3
        if with_vals:
            vals_hbm, out_hbm = rest[:2]
            rest = rest[2:]
        else:
            out_hbm = rest[0]
            rest = rest[1:]
        acc_v = rest[0]
        slots = (rest[1:1 + nslot], rest[1 + nslot:1 + 2 * nslot])
        wid = lax.axis_index("c") * _NS + lax.axis_index("s")

        def zstep(i, carry):
            acc_v[pl.ds(i * _L, _L)] = jnp.zeros((_L,), jnp.float32)
            return carry
        lax.fori_loop(0, npad // _L, zstep, 0, unroll=4)

        base0 = wid * epw
        ones = jnp.ones((_L,), jnp.float32)

        def copies(b, slot):
            base = base0 + b * block
            sem = slot[-1]
            cps = [pltpu.make_async_copy(src_hbm.at[pl.ds(base, block)],
                                         slot[0], sem),
                   pltpu.make_async_copy(dst_hbm.at[pl.ds(base, block)],
                                         slot[1], sem)]
            if with_vals:
                cps.append(pltpu.make_async_copy(
                    vals_hbm.at[pl.ds(base, block)], slot[2], sem))
            return cps

        def start_in(b, slot):
            for c in copies(b, slot):
                c.start()

        def wait_in(b, slot):
            for c in copies(b, slot):
                c.wait()

        def compute(slot):
            src_v, dst_v = slot[0], slot[1]

            def step(i, c2):
                o = i * _L
                v = slot[2][pl.ds(o, _L)] if with_vals else ones
                plsc.addupdate_scatter(acc_v, [src_v[pl.ds(o, _L)]], v)
                plsc.addupdate_scatter(acc_v, [dst_v[pl.ds(o, _L)]], v)
                return c2
            lax.fori_loop(0, block // _L, step, 0, unroll=4)

        start_in(0, slots[0])

        def pair(g, carry):
            b0 = 2 * g
            start_in(b0 + 1, slots[1])
            wait_in(b0, slots[0])
            compute(slots[0])

            @pl.when(g + 1 < nblocks // 2)
            def _():
                start_in(b0 + 2, slots[0])
            wait_in(b0 + 1, slots[1])
            compute(slots[1])
            return carry
        lax.fori_loop(0, nblocks // 2, pair, 0)

        pltpu.sync_copy(acc_v, out_hbm.at[wid])

    return pl.kernel(
        body,
        out_type=jax.ShapeDtypeStruct((_NW, npad), jnp.float32),
        mesh=_sc_mesh(),
        scratch_types=tuple(scratch),
        compiler_params=pltpu.CompilerParams(needs_layout_passes=False))



_EDGE_COLS = 51200
_NODE_COLS = 16384


def _abnormal_t_body(x_ref, o_ref):
    x = x_ref[...]
    m = jnp.max(x, axis=0)
    e = jnp.exp(x - m[None, :])
    z = jnp.sum(e, axis=0)
    o_ref[...] = 1.0 - e[0, :] / z


@functools.lru_cache(maxsize=None)
def _build_abnormal(cols, n_classes, block_cols):
    grid = pl.cdiv(cols, block_cols)
    return pl.pallas_call(
        _abnormal_t_body,
        grid=(grid,),
        in_specs=[pl.BlockSpec((n_classes, block_cols), lambda i: (0, i))],
        out_specs=pl.BlockSpec((block_cols,), lambda i: (i,)),
        out_shape=jax.ShapeDtypeStruct((cols,), jnp.float32),
    )


@functools.lru_cache(maxsize=None)
def _build_node_update(n_nodes, first):
    npad = _npad(n_nodes)

    def body(s_ref, sums_ref, deg_ref, gm_ref, snew_ref, *rest):
        s = s_ref[...]
        sums = jnp.sum(sums_ref[...], axis=0)[:n_nodes]
        if first:
            deg = jnp.sum(deg_ref[...], axis=0)[:n_nodes]
        else:
            deg = deg_ref[...]
        m = sums / (deg + 1e-6)
        f = 1.0 + gm_ref[0] * m
        sf = s * f
        snew_ref[...] = sf / (1.0 - s + sf)
        if first:
            rest[0][...] = deg

    deg_spec = (pl.BlockSpec((_NW, npad), lambda: (0, 0)) if first
                else pl.BlockSpec((n_nodes,), lambda: (0,)))
    if first:
        out_shape = (jax.ShapeDtypeStruct((n_nodes,), jnp.float32),
                     jax.ShapeDtypeStruct((n_nodes,), jnp.float32))
        out_specs = (pl.BlockSpec((n_nodes,), lambda: (0,)),
                     pl.BlockSpec((n_nodes,), lambda: (0,)))
    else:
        out_shape = jax.ShapeDtypeStruct((n_nodes,), jnp.float32)
        out_specs = pl.BlockSpec((n_nodes,), lambda: (0,))

    return pl.pallas_call(
        body,
        grid=(),
        in_specs=[pl.BlockSpec((n_nodes,), lambda: (0,)),
                  pl.BlockSpec((_NW, npad), lambda: (0, 0)),
                  deg_spec,
                  pl.BlockSpec(memory_space=pltpu.SMEM)],
        out_specs=out_specs,
        out_shape=out_shape,
    )


def _refine_t_body(x_ref, s0_ref, s2_ref, o_ref):
    x = x_ref[...]
    m = jnp.max(x, axis=0, keepdims=True)
    e = jnp.exp(x - m)
    z = jnp.sum(e, axis=0, keepdims=True)
    p = e / z
    s0 = s0_ref[...]
    s2 = s2_ref[...]
    r = (s2 / jnp.maximum(s0, 1e-30))[None, :]
    row = lax.broadcasted_iota(jnp.int32, x.shape, 0)
    vals = jnp.where(row == 0, (1.0 - s2)[None, :], p * r)
    o_ref[...] = jnp.log(vals + 1e-9)


@functools.lru_cache(maxsize=None)
def _build_refine(cols, n_classes, block_cols):
    grid = pl.cdiv(cols, block_cols)
    return pl.pallas_call(
        _refine_t_body,
        grid=(grid,),
        in_specs=[pl.BlockSpec((n_classes, block_cols), lambda i: (0, i)),
                  pl.BlockSpec((block_cols,), lambda i: (i,)),
                  pl.BlockSpec((block_cols,), lambda i: (i,))],
        out_specs=pl.BlockSpec((n_classes, block_cols), lambda i: (0, i)),
        out_shape=jax.ShapeDtypeStruct((n_classes, cols), jnp.float32),
    )




def kernel(node_logits, edge_logits, edge_index, node_factor_weights,
           edge_factor_weights):
    n_nodes, node_classes = node_logits.shape
    n_edges, edge_classes = edge_logits.shape

    src = edge_index[0].astype(jnp.int32)
    dst = edge_index[1].astype(jnp.int32)

    gm_e = GAMMA * jnp.mean(edge_factor_weights[1:, 1:].astype(jnp.float32))
    gm_n = GAMMA * jnp.mean(node_factor_weights[1:, 1:].astype(jnp.float32))
    gm_e_vec = jnp.full((_L,), gm_e, jnp.float32)
    gm_n_s = jnp.reshape(gm_n, (1,))

    edge_t = jnp.transpose(edge_logits)
    node_t = jnp.transpose(node_logits)
    s_e = _build_abnormal(n_edges, edge_classes, _EDGE_COLS)(edge_t)
    s_n = _build_abnormal(n_nodes, node_classes, _NODE_COLS)(node_t)
    s_e0, s_n0 = s_e, s_n

    edge_update = _build_edge_update(n_edges, n_nodes)
    edge_accum = _build_edge_accum(n_edges, n_nodes, True)
    deg_accum = _build_edge_accum(n_edges, n_nodes, False)
    node_upd1 = _build_node_update(n_nodes, True)
    node_upd2 = _build_node_update(n_nodes, False)

    deg_p = deg_accum(src, dst)
    deg = None
    for it in range(NUM_ITERATIONS):
        s_e = edge_update(src, dst, s_n, s_e, gm_e_vec)
        sums = edge_accum(src, dst, s_e)
        if it == 0:
            s_n, deg = node_upd1(s_n, sums, deg_p, gm_n_s)
        else:
            s_n = node_upd2(s_n, sums, deg, gm_n_s)

    node_out = jnp.transpose(
        _build_refine(n_nodes, node_classes, _NODE_COLS)(node_t, s_n0, s_n))
    edge_out = jnp.transpose(
        _build_refine(n_edges, edge_classes, _EDGE_COLS)(edge_t, s_e0, s_e))
    return (node_out, edge_out)

# --- scband reference (transcript-rebuilt; emitter-appended) ---
"""Pipeline reference for scband-factor-graph-layer-75788992905474 (READ-ONLY COPY).

The authoritative reference and input builder live on the scoring server;
editing this copy changes nothing except your own understanding.
"""

import jax, jax.numpy as jnp
import numpy as np

NUM_ITERATIONS = 2
GAMMA = 1.0
NODE_NUM_CLASSES = 5
EDGE_NUM_CLASSES = 5
N_NODES = 100000
N_EDGES = 6400000


def setup_inputs(seed: int = 0) -> dict:
    key = jax.random.key(seed)
    k1, k2, k3 = jax.random.split(key, 3)
    node_logits = jax.random.normal(k1, (N_NODES, NODE_NUM_CLASSES), dtype=jnp.float32)
    edge_logits = jax.random.normal(k2, (N_EDGES, EDGE_NUM_CLASSES), dtype=jnp.float32)
    edge_index = jax.random.randint(k3, (2, N_EDGES), 0, N_NODES, dtype=jnp.int64 if jax.config.read('jax_enable_x64') else jnp.int32)
    node_factor_weights = jnp.ones((NODE_NUM_CLASSES, EDGE_NUM_CLASSES), dtype=jnp.float32)
    edge_factor_weights = jnp.ones((EDGE_NUM_CLASSES, NODE_NUM_CLASSES), dtype=jnp.float32)
    return {
        'node_logits': node_logits,
        'edge_logits': edge_logits,
        'edge_index': edge_index,
        'node_factor_weights': node_factor_weights,
        'edge_factor_weights': edge_factor_weights,
    }


def reference(node_logits, edge_logits, edge_index, node_factor_weights, edge_factor_weights):
    node_probs = jax.nn.softmax(node_logits, axis=-1)
    edge_probs = jax.nn.softmax(edge_logits, axis=-1)
    src = edge_index[0]
    dst = edge_index[1]
    n_nodes = node_probs.shape[0]
    for _ in range(NUM_ITERATIONS):
        node_abnormal_prob = 1.0 - node_probs[:, 0]
        edge_node_abnormal = jnp.maximum(node_abnormal_prob[src], node_abnormal_prob[dst])
        # edge update (edge_num_classes > 1)
        abnormal_class_slice = edge_probs[:, 1:]
        avg_edge_factor = edge_factor_weights[1:, 1:].mean()
        new_edge_slice = abnormal_class_slice + GAMMA * edge_node_abnormal[:, None] * abnormal_class_slice * avg_edge_factor
        edge_probs_new = jnp.concatenate([edge_probs[:, :1], new_edge_slice], axis=1)
        edge_probs = edge_probs_new / edge_probs_new.sum(axis=-1, keepdims=True)
        # node update
        edge_abnormal_prob = 1.0 - edge_probs[:, 0]
        node_edge_abnormal_sum = jnp.zeros((n_nodes,), dtype=node_probs.dtype)
        node_edge_abnormal_sum = node_edge_abnormal_sum.at[src].add(edge_abnormal_prob)
        node_edge_abnormal_sum = node_edge_abnormal_sum.at[dst].add(edge_abnormal_prob)
        node_degree = jnp.zeros((n_nodes,), dtype=node_probs.dtype)
        node_degree = node_degree.at[src].add(jnp.ones_like(edge_abnormal_prob))
        node_degree = node_degree.at[dst].add(jnp.ones_like(edge_abnormal_prob))
        node_edge_abnormal_mean = node_edge_abnormal_sum / (node_degree + 1e-06)
        abnormal_node_slice = node_probs[:, 1:]
        avg_node_factor = node_factor_weights[1:, 1:].mean()
        new_node_slice = abnormal_node_slice + GAMMA * node_edge_abnormal_mean[:, None] * abnormal_node_slice * avg_node_factor
        node_probs_new = jnp.concatenate([node_probs[:, :1], new_node_slice], axis=1)
        node_probs = node_probs_new / node_probs_new.sum(axis=-1, keepdims=True)
    node_logits_refined = jnp.log(node_probs + 1e-09)
    edge_logits_refined = jnp.log(edge_probs + 1e-09)
    return (node_logits_refined, edge_logits_refined)

if __name__ == "__main__":
    import jax
    _d = setup_inputs()
    print(jax.jit(kernel)(*tuple(_d.values())))

</pallas_src>

<mosaic_0001>
#map = affine_map<(d0, d1) -> (0)>
#map1 = affine_map<(d0, d1) -> (0, 0)>
module attributes {stable_mosaic.version = 14 : i64} {
  func.func @body(%arg0: i32, %arg1: i32, %arg2: memref<6400000xi32, #tpu.memory_space<hbm>>, %arg3: memref<6400000xi32, #tpu.memory_space<hbm>>, %arg4: memref<32x100096xf32, #tpu.memory_space<hbm>>, %arg5: memref<100096xf32, #tpu.memory_space<vmem>>, %arg6: memref<4000xi32, #tpu.memory_space<vmem>>, %arg7: memref<4000xi32, #tpu.memory_space<vmem>>, %arg8: memref<!tpu.dma_semaphore, #tpu.memory_space<semaphore_mem>>, %arg9: memref<4000xi32, #tpu.memory_space<vmem>>, %arg10: memref<4000xi32, #tpu.memory_space<vmem>>, %arg11: memref<!tpu.dma_semaphore, #tpu.memory_space<semaphore_mem>>) attributes {dimension_semantics = [#tpu.dimension_semantics<core_parallel>, #tpu.dimension_semantics<subcore_parallel>], iteration_bounds = array<i64: 2, 16>, scalar_prefetch = 0 : i64, scratch_operands = 7 : i64, tpu.core_type = #tpu.core_type<sc_vector_subcore>, window_params = [{transform_indices = #map}, {transform_indices = #map}, {transform_indices = #map1}]} {
    %mul3A = arith.constant 16 : i32
    %mul3A_0 = arith.muli %arg0, %mul3A : i32
    %add3A = arith.addi %mul3A_0, %arg1 : i32
    %scan3A = arith.constant 0 : i32
    %scan3A_1 = arith.constant 0 : i32
    %scan3A_2 = arith.constant 6256 : i32
    %scan3A_3 = arith.addi %scan3A_1, %scan3A_2 : i32
    %scan3A_4 = arith.constant 4 : i32
    scf.for %scan3A_20 = %scan3A_1 to %scan3A_3 step %scan3A_4  : i32 {
      %broadcast_in_dim3A_21 = arith.constant 0.000000e+00 : f32
      %broadcast_in_dim3A_22 = vector.broadcast %broadcast_in_dim3A_21 : f32 to vector<16xf32>
      %mul3A_23 = arith.constant 16 : i32
      %mul3A_24 = arith.muli %scan3A_20, %mul3A_23 : i32
      %swap3A = arith.index_cast %mul3A_24 : i32 to index
      %swap3A_25 = tpu.vector_load %arg5[%swap3A] {strides = array<i32>} : memref<100096xf32, #tpu.memory_space<vmem>>, vector<16xf32>,
      tpu.vector_store %arg5[%swap3A], %broadcast_in_dim3A_22 {strides = array<i32>} : memref<100096xf32, #tpu.memory_space<vmem>>, vector<16xf32>,
      %scan3A_26 = arith.constant 1 : i32
      %scan3A_27 = arith.addi %scan3A_20, %scan3A_26 : i32
      %broadcast_in_dim3A_28 = arith.constant 0.000000e+00 : f32
      %broadcast_in_dim3A_29 = vector.broadcast %broadcast_in_dim3A_28 : f32 to vector<16xf32>
      %mul3A_30 = arith.constant 16 : i32
      %mul3A_31 = arith.muli %scan3A_27, %mul3A_30 : i32
      %swap3A_32 = arith.index_cast %mul3A_31 : i32 to index
      %swap3A_33 = tpu.vector_load %arg5[%swap3A_32] {strides = array<i32>} : memref<100096xf32, #tpu.memory_space<vmem>>, vector<16xf32>,
      tpu.vector_store %arg5[%swap3A_32], %broadcast_in_dim3A_29 {strides = array<i32>} : memref<100096xf32, #tpu.memory_space<vmem>>, vector<16xf32>,
      %scan3A_34 = arith.constant 2 : i32
      %scan3A_35 = arith.addi %scan3A_20, %scan3A_34 : i32
      %broadcast_in_dim3A_36 = arith.constant 0.000000e+00 : f32
      %broadcast_in_dim3A_37 = vector.broadcast %broadcast_in_dim3A_36 : f32 to vector<16xf32>
      %mul3A_38 = arith.constant 16 : i32
      %mul3A_39 = arith.muli %scan3A_35, %mul3A_38 : i32
      %swap3A_40 = arith.index_cast %mul3A_39 : i32 to index
      %swap3A_41 = tpu.vector_load %arg5[%swap3A_40] {strides = array<i32>} : memref<100096xf32, #tpu.memory_space<vmem>>, vector<16xf32>,
      tpu.vector_store %arg5[%swap3A_40], %broadcast_in_dim3A_37 {strides = array<i32>} : memref<100096xf32, #tpu.memory_space<vmem>>, vector<16xf32>,
      %scan3A_42 = arith.constant 3 : i32
      %scan3A_43 = arith.addi %scan3A_20, %scan3A_42 : i32
      %broadcast_in_dim3A_44 = arith.constant 0.000000e+00 : f32
      %broadcast_in_dim3A_45 = vector.broadcast %broadcast_in_dim3A_44 : f32 to vector<16xf32>
      %mul3A_46 = arith.constant 16 : i32
      %mul3A_47 = arith.muli %scan3A_43, %mul3A_46 : i32
      %swap3A_48 = arith.index_cast %mul3A_47 : i32 to index
      %swap3A_49 = tpu.vector_load %arg5[%swap3A_48] {strides = array<i32>} : memref<100096xf32, #tpu.memory_space<vmem>>, vector<16xf32>,
      tpu.vector_store %arg5[%swap3A_48], %broadcast_in_dim3A_45 {strides = array<i32>} : memref<100096xf32, #tpu.memory_space<vmem>>, vector<16xf32>,
    }
    %scan3A_5 = arith.constant 6256 : i32
    %mul3A_6 = arith.constant 200000 : i32
    %mul3A_7 = arith.muli %add3A, %mul3A_6 : i32
    %broadcast_in_dim3A = arith.constant 1.000000e+00 : f32
    %broadcast_in_dim3A_8 = vector.broadcast %broadcast_in_dim3A : f32 to vector<16xf32>
    %add3A_9 = arith.constant 0 : i32
    %add3A_10 = arith.addi %mul3A_7, %add3A_9 : i32
    %dma_start3A = tpu.memref_slice %arg2[%add3A_10] : memref<6400000xi32, #tpu.memory_space<hbm>> -> memref<4000xi32, #tpu.memory_space<hbm>>
    %dma_start3A_11 = tpu.memref_slice %arg2[%add3A_10] : memref<6400000xi32, #tpu.memory_space<hbm>> -> memref<4000xi32, #tpu.memory_space<hbm>>
    tpu.enqueue_dma source(%dma_start3A_11 : memref<4000xi32, #tpu.memory_space<hbm>>) target(%arg6 : memref<4000xi32, #tpu.memory_space<vmem>>) target_semaphore(%arg8 : memref<!tpu.dma_semaphore, #tpu.memory_space<semaphore_mem>>)
    %dma_start3A_12 = tpu.memref_slice %arg3[%add3A_10] : memref<6400000xi32, #tpu.memory_space<hbm>> -> memref<4000xi32, #tpu.memory_space<hbm>>
    %dma_start3A_13 = tpu.memref_slice %arg3[%add3A_10] : memref<6400000xi32, #tpu.memory_space<hbm>> -> memref<4000xi32, #tpu.memory_space<hbm>>
    tpu.enqueue_dma source(%dma_start3A_13 : memref<4000xi32, #tpu.memory_space<hbm>>) target(%arg7 : memref<4000xi32, #tpu.memory_space<vmem>>) target_semaphore(%arg8 : memref<!tpu.dma_semaphore, #tpu.memory_space<semaphore_mem>>)
    %scan3A_14 = arith.constant 0 : i32
    %scan3A_15 = arith.constant 0 : i32
    %scan3A_16 = arith.constant 25 : i32
    %scan3A_17 = arith.addi %scan3A_15, %scan3A_16 : i32
    %scan3A_18 = arith.constant 1 : i32
    scf.for %scan3A_20 = %scan3A_15 to %scan3A_17 step %scan3A_18  : i32 {
      %mul3A_21 = arith.constant 2 : i32
      %mul3A_22 = arith.muli %mul3A_21, %scan3A_20 : i32
      %add3A_23 = arith.constant 1 : i32
      %add3A_24 = arith.addi %mul3A_22, %add3A_23 : i32
      %mul3A_25 = arith.constant 4000 : i32
      %mul3A_26 = arith.muli %add3A_24, %mul3A_25 : i32
      %add3A_27 = arith.addi %mul3A_7, %mul3A_26 : i32
      %dma_start3A_28 = tpu.memref_slice %arg2[%add3A_27] : memref<6400000xi32, #tpu.memory_space<hbm>> -> memref<4000xi32, #tpu.memory_space<hbm>>
      %dma_start3A_29 = tpu.memref_slice %arg2[%add3A_27] : memref<6400000xi32, #tpu.memory_space<hbm>> -> memref<4000xi32, #tpu.memory_space<hbm>>
      tpu.enqueue_dma source(%dma_start3A_29 : memref<4000xi32, #tpu.memory_space<hbm>>) target(%arg9 : memref<4000xi32, #tpu.memory_space<vmem>>) target_semaphore(%arg11 : memref<!tpu.dma_semaphore, #tpu.memory_space<semaphore_mem>>)
      %dma_start3A_30 = tpu.memref_slice %arg3[%add3A_27] : memref<6400000xi32, #tpu.memory_space<hbm>> -> memref<4000xi32, #tpu.memory_space<hbm>>
      %dma_start3A_31 = tpu.memref_slice %arg3[%add3A_27] : memref<6400000xi32, #tpu.memory_space<hbm>> -> memref<4000xi32, #tpu.memory_space<hbm>>
      tpu.enqueue_dma source(%dma_start3A_31 : memref<4000xi32, #tpu.memory_space<hbm>>) target(%arg10 : memref<4000xi32, #tpu.memory_space<vmem>>) target_semaphore(%arg11 : memref<!tpu.dma_semaphore, #tpu.memory_space<semaphore_mem>>)
      %mul3A_32 = arith.constant 4000 : i32
      %mul3A_33 = arith.muli %mul3A_22, %mul3A_32 : i32
      %add3A_34 = arith.addi %mul3A_7, %mul3A_33 : i32
      %dma_wait3A = tpu.memref_slice %arg2[%add3A_34] : memref<6400000xi32, #tpu.memory_space<hbm>> -> memref<4000xi32, #tpu.memory_space<hbm>>
      %dma_wait3A_35 = tpu.memref_slice %arg2[%add3A_34] : memref<6400000xi32, #tpu.memory_space<hbm>> -> memref<4000xi32, #tpu.memory_space<hbm>>
      tpu.wait_dma2 semaphore(%arg8 : memref<!tpu.dma_semaphore, #tpu.memory_space<semaphore_mem>>) src(%dma_wait3A_35 : memref<4000xi32, #tpu.memory_space<hbm>>) dst(%arg6 : memref<4000xi32, #tpu.memory_space<vmem>>)
      %dma_wait3A_36 = tpu.memref_slice %arg3[%add3A_34] : memref<6400000xi32, #tpu.memory_space<hbm>> -> memref<4000xi32, #tpu.memory_space<hbm>>
      %dma_wait3A_37 = tpu.memref_slice %arg3[%add3A_34] : memref<6400000xi32, #tpu.memory_space<hbm>> -> memref<4000xi32, #tpu.memory_space<hbm>>
      tpu.wait_dma2 semaphore(%arg8 : memref<!tpu.dma_semaphore, #tpu.memory_space<semaphore_mem>>) src(%dma_wait3A_37 : memref<4000xi32, #tpu.memory_space<hbm>>) dst(%arg7 : memref<4000xi32, #tpu.memory_space<vmem>>)
      %scan3A_38 = arith.constant 0 : i32
      %scan3A_39 = arith.constant 0 : i32
      %scan3A_40 = arith.constant 248 : i32
      %scan3A_41 = arith.addi %scan3A_39, %scan3A_40 : i32
      %scan3A_42 = arith.constant 4 : i32
      scf.for %scan3A_94 = %scan3A_39 to %scan3A_41 step %scan3A_42  : i32 {
        %mul3A_95 = arith.constant 16 : i32
        %mul3A_96 = arith.muli %scan3A_94, %mul3A_95 : i32
        %get3A_97 = arith.index_cast %mul3A_96 : i32 to index
        %get3A_98 = tpu.vector_load %arg6[%get3A_97] {strides = array<i32>} : memref<4000xi32, #tpu.memory_space<vmem>>, vector<16xi32>,
        tpu.vector_store_idx %arg5[%get3A_98], %broadcast_in_dim3A_8 {add = true} : memref<100096xf32, #tpu.memory_space<vmem>>[vector<16xi32>], vector<16xf32>,
        %get3A_99 = arith.index_cast %mul3A_96 : i32 to index
        %get3A_100 = tpu.vector_load %arg7[%get3A_99] {strides = array<i32>} : memref<4000xi32, #tpu.memory_space<vmem>>, vector<16xi32>,
        tpu.vector_store_idx %arg5[%get3A_100], %broadcast_in_dim3A_8 {add = true} : memref<100096xf32, #tpu.memory_space<vmem>>[vector<16xi32>], vector<16xf32>,
        %scan3A_101 = arith.constant 1 : i32
        %scan3A_102 = arith.addi %scan3A_94, %scan3A_101 : i32
        %mul3A_103 = arith.constant 16 : i32
        %mul3A_104 = arith.muli %scan3A_102, %mul3A_103 : i32
        %get3A_105 = arith.index_cast %mul3A_104 : i32 to index
        %get3A_106 = tpu.vector_load %arg6[%get3A_105] {strides = array<i32>} : memref<4000xi32, #tpu.memory_space<vmem>>, vector<16xi32>,
        tpu.vector_store_idx %arg5[%get3A_106], %broadcast_in_dim3A_8 {add = true} : memref<100096xf32, #tpu.memory_space<vmem>>[vector<16xi32>], vector<16xf32>,
        %get3A_107 = arith.index_cast %mul3A_104 : i32 to index
        %get3A_108 = tpu.vector_load %arg7[%get3A_107] {strides = array<i32>} : memref<4000xi32, #tpu.memory_space<vmem>>, vector<16xi32>,
        tpu.vector_store_idx %arg5[%get3A_108], %broadcast_in_dim3A_8 {add = true} : memref<100096xf32, #tpu.memory_space<vmem>>[vector<16xi32>], vector<16xf32>,
        %scan3A_109 = arith.constant 2 : i32
        %scan3A_110 = arith.addi %scan3A_94, %scan3A_109 : i32
        %mul3A_111 = arith.constant 16 : i32
        %mul3A_112 = arith.muli %scan3A_110, %mul3A_111 : i32
        %get3A_113 = arith.index_cast %mul3A_112 : i32 to index
        %get3A_114 = tpu.vector_load %arg6[%get3A_113] {strides = array<i32>} : memref<4000xi32, #tpu.memory_space<vmem>>, vector<16xi32>,
        tpu.vector_store_idx %arg5[%get3A_114], %broadcast_in_dim3A_8 {add = true} : memref<100096xf32, #tpu.memory_space<vmem>>[vector<16xi32>], vector<16xf32>,
        %get3A_115 = arith.index_cast %mul3A_112 : i32 to index
        %get3A_116 = tpu.vector_load %arg7[%get3A_115] {strides = array<i32>} : memref<4000xi32, #tpu.memory_space<vmem>>, vector<16xi32>,
        tpu.vector_store_idx %arg5[%get3A_116], %broadcast_in_dim3A_8 {add = true} : memref<100096xf32, #tpu.memory_space<vmem>>[vector<16xi32>], vector<16xf32>,
        %scan3A_117 = arith.constant 3 : i32
        %scan3A_118 = arith.addi %scan3A_94, %scan3A_117 : i32
        %mul3A_119 = arith.constant 16 : i32
        %mul3A_120 = arith.muli %scan3A_118, %mul3A_119 : i32
        %get3A_121 = arith.index_cast %mul3A_120 : i32 to index
        %get3A_122 = tpu.vector_load %arg6[%get3A_121] {strides = array<i32>} : memref<4000xi32, #tpu.memory_space<vmem>>, vector<16xi32>,
        tpu.vector_store_idx %arg5[%get3A_122], %broadcast_in_dim3A_8 {add = true} : memref<100096xf32, #tpu.memory_space<vmem>>[vector<16xi32>], vector<16xf32>,
        %get3A_123 = arith.index_cast %mul3A_120 : i32 to index
        %get3A_124 = tpu.vector_load %arg7[%get3A_123] {strides = array<i32>} : memref<4000xi32, #tpu.memory_space<vmem>>, vector<16xi32>,
        tpu.vector_store_idx %arg5[%get3A_124], %broadcast_in_dim3A_8 {add = true} : memref<100096xf32, #tpu.memory_space<vmem>>[vector<16xi32>], vector<16xf32>,
      }
      %scan3A_43 = arith.constant 248 : i32
      %scan3A_44 = arith.addi %scan3A_39, %scan3A_43 : i32
      %mul3A_45 = arith.constant 16 : i32
      %mul3A_46 = arith.muli %scan3A_44, %mul3A_45 : i32
      %get3A = arith.index_cast %mul3A_46 : i32 to index
      %get3A_47 = tpu.vector_load %arg6[%get3A] {strides = array<i32>} : memref<4000xi32, #tpu.memory_space<vmem>>, vector<16xi32>,
      tpu.vector_store_idx %arg5[%get3A_47], %broadcast_in_dim3A_8 {add = true} : memref<100096xf32, #tpu.memory_space<vmem>>[vector<16xi32>], vector<16xf32>,
      %get3A_48 = arith.index_cast %mul3A_46 : i32 to index
      %get3A_49 = tpu.vector_load %arg7[%get3A_48] {strides = array<i32>} : memref<4000xi32, #tpu.memory_space<vmem>>, vector<16xi32>,
      tpu.vector_store_idx %arg5[%get3A_49], %broadcast_in_dim3A_8 {add = true} : memref<100096xf32, #tpu.memory_space<vmem>>[vector<16xi32>], vector<16xf32>,
      %scan3A_50 = arith.constant 249 : i32
      %scan3A_51 = arith.addi %scan3A_39, %scan3A_50 : i32
      %mul3A_52 = arith.constant 16 : i32
      %mul3A_53 = arith.muli %scan3A_51, %mul3A_52 : i32
      %get3A_54 = arith.index_cast %mul3A_53 : i32 to index
      %get3A_55 = tpu.vector_load %arg6[%get3A_54] {strides = array<i32>} : memref<4000xi32, #tpu.memory_space<vmem>>, vector<16xi32>,
      tpu.vector_store_idx %arg5[%get3A_55], %broadcast_in_dim3A_8 {add = true} : memref<100096xf32, #tpu.memory_space<vmem>>[vector<16xi32>], vector<16xf32>,
      %get3A_56 = arith.index_cast %mul3A_53 : i32 to index
      %get3A_57 = tpu.vector_load %arg7[%get3A_56] {strides = array<i32>} : memref<4000xi32, #tpu.memory_space<vmem>>, vector<16xi32>,
      tpu.vector_store_idx %arg5[%get3A_57], %broadcast_in_dim3A_8 {add = true} : memref<100096xf32, #tpu.memory_space<vmem>>[vector<16xi32>], vector<16xf32>,
      %scan3A_58 = arith.constant 250 : i32
      %add3A_59 = arith.constant 1 : i32
      %add3A_60 = arith.addi %scan3A_20, %add3A_59 : i32
      %lt3A = arith.constant 25 : i32
      %lt3A_61 = arith.cmpi slt, %add3A_60, %lt3A : i32
      %convert_element_type3A = arith.extui %lt3A_61 : i1 to i32
      %cond3A = arith.constant 0 : i32
      %cond3A_62 = arith.cmpi ne, %convert_element_type3A, %cond3A : i32
      scf.if %cond3A_62 {
        %add3A_94 = arith.constant 2 : i32
        %add3A_95 = arith.addi %mul3A_22, %add3A_94 : i32
        %mul3A_96 = arith.constant 4000 : i32
        %mul3A_97 = arith.muli %add3A_95, %mul3A_96 : i32
        %add3A_98 = arith.addi %mul3A_7, %mul3A_97 : i32
        %dma_start3A_99 = tpu.memref_slice %arg2[%add3A_98] : memref<6400000xi32, #tpu.memory_space<hbm>> -> memref<4000xi32, #tpu.memory_space<hbm>>
        %dma_start3A_100 = tpu.memref_slice %arg2[%add3A_98] : memref<6400000xi32, #tpu.memory_space<hbm>> -> memref<4000xi32, #tpu.memory_space<hbm>>
        tpu.enqueue_dma source(%dma_start3A_100 : memref<4000xi32, #tpu.memory_space<hbm>>) target(%arg6 : memref<4000xi32, #tpu.memory_space<vmem>>) target_semaphore(%arg8 : memref<!tpu.dma_semaphore, #tpu.memory_space<semaphore_mem>>)
        %dma_start3A_101 = tpu.memref_slice %arg3[%add3A_98] : memref<6400000xi32, #tpu.memory_space<hbm>> -> memref<4000xi32, #tpu.memory_space<hbm>>
        %dma_start3A_102 = tpu.memref_slice %arg3[%add3A_98] : memref<6400000xi32, #tpu.memory_space<hbm>> -> memref<4000xi32, #tpu.memory_space<hbm>>
        tpu.enqueue_dma source(%dma_start3A_102 : memref<4000xi32, #tpu.memory_space<hbm>>) target(%arg7 : memref<4000xi32, #tpu.memory_space<vmem>>) target_semaphore(%arg8 : memref<!tpu.dma_semaphore, #tpu.memory_space<semaphore_mem>>)
      } else {
      }
      %add3A_63 = arith.constant 1 : i32
      %add3A_64 = arith.addi %mul3A_22, %add3A_63 : i32
      %mul3A_65 = arith.constant 4000 : i32
      %mul3A_66 = arith.muli %add3A_64, %mul3A_65 : i32
      %add3A_67 = arith.addi %mul3A_7, %mul3A_66 : i32
      %dma_wait3A_68 = tpu.memref_slice %arg2[%add3A_67] : memref<6400000xi32, #tpu.memory_space<hbm>> -> memref<4000xi32, #tpu.memory_space<hbm>>
      %dma_wait3A_69 = tpu.memref_slice %arg2[%add3A_67] : memref<6400000xi32, #tpu.memory_space<hbm>> -> memref<4000xi32, #tpu.memory_space<hbm>>
      tpu.wait_dma2 semaphore(%arg11 : memref<!tpu.dma_semaphore, #tpu.memory_space<semaphore_mem>>) src(%dma_wait3A_69 : memref<4000xi32, #tpu.memory_space<hbm>>) dst(%arg9 : memref<4000xi32, #tpu.memory_space<vmem>>)
      %dma_wait3A_70 = tpu.memref_slice %arg3[%add3A_67] : memref<6400000xi32, #tpu.memory_space<hbm>> -> memref<4000xi32, #tpu.memory_space<hbm>>
      %dma_wait3A_71 = tpu.memref_slice %arg3[%add3A_67] : memref<6400000xi32, #tpu.memory_space<hbm>> -> memref<4000xi32, #tpu.memory_space<hbm>>
      tpu.wait_dma2 semaphore(%arg11 : memref<!tpu.dma_semaphore, #tpu.memory_space<semaphore_mem>>) src(%dma_wait3A_71 : memref<4000xi32, #tpu.memory_space<hbm>>) dst(%arg10 : memref<4000xi32, #tpu.memory_space<vmem>>)
      %scan3A_72 = arith.constant 0 : i32
      %scan3A_73 = arith.constant 0 : i32
      %scan3A_74 = arith.constant 248 : i32
      %scan3A_75 = arith.addi %scan3A_73, %scan3A_74 : i32
      %scan3A_76 = arith.constant 4 : i32
      scf.for %scan3A_94 = %scan3A_73 to %scan3A_75 step %scan3A_76  : i32 {
        %mul3A_95 = arith.constant 16 : i32
        %mul3A_96 = arith.muli %scan3A_94, %mul3A_95 : i32
        %get3A_97 = arith.index_cast %mul3A_96 : i32 to index
        %get3A_98 = tpu.vector_load %arg9[%get3A_97] {strides = array<i32>} : memref<4000xi32, #tpu.memory_space<vmem>>, vector<16xi32>,
        tpu.vector_store_idx %arg5[%get3A_98], %broadcast_in_dim3A_8 {add = true} : memref<100096xf32, #tpu.memory_space<vmem>>[vector<16xi32>], vector<16xf32>,
        %get3A_99 = arith.index_cast %mul3A_96 : i32 to index
        %get3A_100 = tpu.vector_load %arg10[%get3A_99] {strides = array<i32>} : memref<4000xi32, #tpu.memory_space<vmem>>, vector<16xi32>,
        tpu.vector_store_idx %arg5[%get3A_100], %broadcast_in_dim3A_8 {add = true} : memref<100096xf32, #tpu.memory_space<vmem>>[vector<16xi32>], vector<16xf32>,
        %scan3A_101 = arith.constant 1 : i32
        %scan3A_102 = arith.addi %scan3A_94, %scan3A_101 : i32
        %mul3A_103 = arith.constant 16 : i32
        %mul3A_104 = arith.muli %scan3A_102, %mul3A_103 : i32
        %get3A_105 = arith.index_cast %mul3A_104 : i32 to index
        %get3A_106 = tpu.vector_load %arg9[%get3A_105] {strides = array<i32>} : memref<4000xi32, #tpu.memory_space<vmem>>, vector<16xi32>,
        tpu.vector_store_idx %arg5[%get3A_106], %broadcast_in_dim3A_8 {add = true} : memref<100096xf32, #tpu.memory_space<vmem>>[vector<16xi32>], vector<16xf32>,
        %get3A_107 = arith.index_cast %mul3A_104 : i32 to index
        %get3A_108 = tpu.vector_load %arg10[%get3A_107] {strides = array<i32>} : memref<4000xi32, #tpu.memory_space<vmem>>, vector<16xi32>,
        tpu.vector_store_idx %arg5[%get3A_108], %broadcast_in_dim3A_8 {add = true} : memref<100096xf32, #tpu.memory_space<vmem>>[vector<16xi32>], vector<16xf32>,
        %scan3A_109 = arith.constant 2 : i32
        %scan3A_110 = arith.addi %scan3A_94, %scan3A_109 : i32
        %mul3A_111 = arith.constant 16 : i32
        %mul3A_112 = arith.muli %scan3A_110, %mul3A_111 : i32
        %get3A_113 = arith.index_cast %mul3A_112 : i32 to index
        %get3A_114 = tpu.vector_load %arg9[%get3A_113] {strides = array<i32>} : memref<4000xi32, #tpu.memory_space<vmem>>, vector<16xi32>,
        tpu.vector_store_idx %arg5[%get3A_114], %broadcast_in_dim3A_8 {add = true} : memref<100096xf32, #tpu.memory_space<vmem>>[vector<16xi32>], vector<16xf32>,
        %get3A_115 = arith.index_cast %mul3A_112 : i32 to index
        %get3A_116 = tpu.vector_load %arg10[%get3A_115] {strides = array<i32>} : memref<4000xi32, #tpu.memory_space<vmem>>, vector<16xi32>,
        tpu.vector_store_idx %arg5[%get3A_116], %broadcast_in_dim3A_8 {add = true} : memref<100096xf32, #tpu.memory_space<vmem>>[vector<16xi32>], vector<16xf32>,
        %scan3A_117 = arith.constant 3 : i32
        %scan3A_118 = arith.addi %scan3A_94, %scan3A_117 : i32
        %mul3A_119 = arith.constant 16 : i32
        %mul3A_120 = arith.muli %scan3A_118, %mul3A_119 : i32
        %get3A_121 = arith.index_cast %mul3A_120 : i32 to index
        %get3A_122 = tpu.vector_load %arg9[%get3A_121] {strides = array<i32>} : memref<4000xi32, #tpu.memory_space<vmem>>, vector<16xi32>,
        tpu.vector_store_idx %arg5[%get3A_122], %broadcast_in_dim3A_8 {add = true} : memref<100096xf32, #tpu.memory_space<vmem>>[vector<16xi32>], vector<16xf32>,
        %get3A_123 = arith.index_cast %mul3A_120 : i32 to index
        %get3A_124 = tpu.vector_load %arg10[%get3A_123] {strides = array<i32>} : memref<4000xi32, #tpu.memory_space<vmem>>, vector<16xi32>,
        tpu.vector_store_idx %arg5[%get3A_124], %broadcast_in_dim3A_8 {add = true} : memref<100096xf32, #tpu.memory_space<vmem>>[vector<16xi32>], vector<16xf32>,
      }
      %scan3A_77 = arith.constant 248 : i32
      %scan3A_78 = arith.addi %scan3A_73, %scan3A_77 : i32
      %mul3A_79 = arith.constant 16 : i32
      %mul3A_80 = arith.muli %scan3A_78, %mul3A_79 : i32
      %get3A_81 = arith.index_cast %mul3A_80 : i32 to index
      %get3A_82 = tpu.vector_load %arg9[%get3A_81] {strides = array<i32>} : memref<4000xi32, #tpu.memory_space<vmem>>, vector<16xi32>,
      tpu.vector_store_idx %arg5[%get3A_82], %broadcast_in_dim3A_8 {add = true} : memref<100096xf32, #tpu.memory_space<vmem>>[vector<16xi32>], vector<16xf32>,
      %get3A_83 = arith.index_cast %mul3A_80 : i32 to index
      %get3A_84 = tpu.vector_load %arg10[%get3A_83] {strides = array<i32>} : memref<4000xi32, #tpu.memory_space<vmem>>, vector<16xi32>,
      tpu.vector_store_idx %arg5[%get3A_84], %broadcast_in_dim3A_8 {add = true} : memref<100096xf32, #tpu.memory_space<vmem>>[vector<16xi32>], vector<16xf32>,
      %scan3A_85 = arith.constant 249 : i32
      %scan3A_86 = arith.addi %scan3A_73, %scan3A_85 : i32
      %mul3A_87 = arith.constant 16 : i32
      %mul3A_88 = arith.muli %scan3A_86, %mul3A_87 : i32
      %get3A_89 = arith.index_cast %mul3A_88 : i32 to index
      %get3A_90 = tpu.vector_load %arg9[%get3A_89] {strides = array<i32>} : memref<4000xi32, #tpu.memory_space<vmem>>, vector<16xi32>,
      tpu.vector_store_idx %arg5[%get3A_90], %broadcast_in_dim3A_8 {add = true} : memref<100096xf32, #tpu.memory_space<vmem>>[vector<16xi32>], vector<16xf32>,
      %get3A_91 = arith.index_cast %mul3A_88 : i32 to index
      %get3A_92 = tpu.vector_load %arg10[%get3A_91] {strides = array<i32>} : memref<4000xi32, #tpu.memory_space<vmem>>, vector<16xi32>,
      tpu.vector_store_idx %arg5[%get3A_92], %broadcast_in_dim3A_8 {add = true} : memref<100096xf32, #tpu.memory_space<vmem>>[vector<16xi32>], vector<16xf32>,
      %scan3A_93 = arith.constant 250 : i32
    }
    %scan3A_19 = arith.constant 25 : i32
    "tpu.region"() ({
      %run_scoped3A = tpu.sem_alloc : memref<!tpu.dma_semaphore, #tpu.memory_space<semaphore_mem>>
      %dma_start3A_20 = arith.constant 0 : i32
      %dma_start3A_21 = tpu.memref_slice %arg4[%add3A, %dma_start3A_20] : memref<32x100096xf32, #tpu.memory_space<hbm>> -> memref<1x100096xf32, #tpu.memory_space<hbm>>
      %dma_start3A_22 = tpu.memref_squeeze %dma_start3A_21 : memref<1x100096xf32, #tpu.memory_space<hbm>> -> memref<100096xf32, #tpu.memory_space<hbm>>
      %dma_start3A_23 = arith.constant 0 : i32
      %dma_start3A_24 = tpu.memref_slice %arg4[%add3A, %dma_start3A_23] : memref<32x100096xf32, #tpu.memory_space<hbm>> -> memref<1x100096xf32, #tpu.memory_space<hbm>>
      %dma_start3A_25 = tpu.memref_squeeze %dma_start3A_24 : memref<1x100096xf32, #tpu.memory_space<hbm>> -> memref<100096xf32, #tpu.memory_space<hbm>>
      tpu.enqueue_dma source(%arg5 : memref<100096xf32, #tpu.memory_space<vmem>>) target(%dma_start3A_25 : memref<100096xf32, #tpu.memory_space<hbm>>) target_semaphore(%run_scoped3A : memref<!tpu.dma_semaphore, #tpu.memory_space<semaphore_mem>>)
      %dma_wait3A = arith.constant 0 : i32
      %dma_wait3A_26 = tpu.memref_slice %arg4[%add3A, %dma_wait3A] : memref<32x100096xf32, #tpu.memory_space<hbm>> -> memref<1x100096xf32, #tpu.memory_space<hbm>>
      %dma_wait3A_27 = tpu.memref_squeeze %dma_wait3A_26 : memref<1x100096xf32, #tpu.memory_space<hbm>> -> memref<100096xf32, #tpu.memory_space<hbm>>
      %dma_wait3A_28 = arith.constant 0 : i32
      %dma_wait3A_29 = tpu.memref_slice %arg4[%add3A, %dma_wait3A_28] : memref<32x100096xf32, #tpu.memory_space<hbm>> -> memref<1x100096xf32, #tpu.memory_space<hbm>>
      %dma_wait3A_30 = tpu.memref_squeeze %dma_wait3A_29 : memref<1x100096xf32, #tpu.memory_space<hbm>> -> memref<100096xf32, #tpu.memory_space<hbm>>
      tpu.wait_dma2 semaphore(%run_scoped3A : memref<!tpu.dma_semaphore, #tpu.memory_space<semaphore_mem>>) src(%arg5 : memref<100096xf32, #tpu.memory_space<vmem>>) dst(%dma_wait3A_30 : memref<100096xf32, #tpu.memory_space<hbm>>)
      tpu.yield
    }) : () -> ()
    return
  }
}

#map = affine_map<(d0, d1) -> (0)>
module attributes {stable_mosaic.version = 14 : i64} {
  func.func @body(%arg0: i32, %arg1: i32, %arg2: memref<6400000xi32, #tpu.memory_space<hbm>>, %arg3: memref<6400000xi32, #tpu.memory_space<hbm>>, %arg4: memref<100000xf32, #tpu.memory_space<hbm>>, %arg5: memref<6400000xf32, #tpu.memory_space<hbm>>, %arg6: memref<16xf32, #tpu.memory_space<hbm>>, %arg7: memref<6400000xf32, #tpu.memory_space<hbm>>, %arg8: memref<100000xf32, #tpu.memory_space<vmem>>, %arg9: memref<16xf32, #tpu.memory_space<vmem>>, %arg10: memref<2000xi32, #tpu.memory_space<vmem>>, %arg11: memref<2000xi32, #tpu.memory_space<vmem>>, %arg12: memref<2000xf32, #tpu.memory_space<vmem>>, %arg13: memref<2000xf32, #tpu.memory_space<vmem>>, %arg14: memref<!tpu.dma_semaphore, #tpu.memory_space<semaphore_mem>>, %arg15: memref<2000xi32, #tpu.memory_space<vmem>>, %arg16: memref<2000xi32, #tpu.memory_space<vmem>>, %arg17: memref<2000xf32, #tpu.memory_space<vmem>>, %arg18: memref<2000xf32, #tpu.memory_space<vmem>>, %arg19: memref<!tpu.dma_semaphore, #tpu.memory_space<semaphore_mem>>) attributes {dimension_semantics = [#tpu.dimension_semantics<core_parallel>, #tpu.dimension_semantics<subcore_parallel>], iteration_bounds = array<i64: 2, 16>, scalar_prefetch = 0 : i64, scratch_operands = 12 : i64, tpu.core_type = #tpu.core_type<sc_vector_subcore>, window_params = [{transform_indices = #map}, {transform_indices = #map}, {transform_indices = #map}, {transform_indices = #map}, {transform_indices = #map}, {transform_indices = #map}]} {
    %mul3A = arith.constant 16 : i32
    %mul3A_0 = arith.muli %arg0, %mul3A : i32
    %add3A = arith.addi %mul3A_0, %arg1 : i32
    "tpu.region"() ({
      %run_scoped3A = tpu.sem_alloc : memref<!tpu.dma_semaphore, #tpu.memory_space<semaphore_mem>>
      tpu.enqueue_dma source(%arg4 : memref<100000xf32, #tpu.memory_space<hbm>>) target(%arg8 : memref<100000xf32, #tpu.memory_space<vmem>>) target_semaphore(%run_scoped3A : memref<!tpu.dma_semaphore, #tpu.memory_space<semaphore_mem>>)
      tpu.wait_dma2 semaphore(%run_scoped3A : memref<!tpu.dma_semaphore, #tpu.memory_space<semaphore_mem>>) src(%arg4 : memref<100000xf32, #tpu.memory_space<hbm>>) dst(%arg8 : memref<100000xf32, #tpu.memory_space<vmem>>)
      tpu.yield
    }) : () -> ()
    "tpu.region"() ({
      %run_scoped3A = tpu.sem_alloc : memref<!tpu.dma_semaphore, #tpu.memory_space<semaphore_mem>>
      tpu.enqueue_dma source(%arg6 : memref<16xf32, #tpu.memory_space<hbm>>) target(%arg9 : memref<16xf32, #tpu.memory_space<vmem>>) target_semaphore(%run_scoped3A : memref<!tpu.dma_semaphore, #tpu.memory_space<semaphore_mem>>)
      tpu.wait_dma2 semaphore(%run_scoped3A : memref<!tpu.dma_semaphore, #tpu.memory_space<semaphore_mem>>) src(%arg6 : memref<16xf32, #tpu.memory_space<hbm>>) dst(%arg9 : memref<16xf32, #tpu.memory_space<vmem>>)
      tpu.yield
    }) : () -> ()
    %mul3A_1 = arith.constant 200000 : i32
    %mul3A_2 = arith.muli %add3A, %mul3A_1 : i32
    %add3A_3 = arith.constant 0 : i32
    %add3A_4 = arith.addi %mul3A_2, %add3A_3 : i32
    %dma_start3A = tpu.memref_slice %arg2[%add3A_4] : memref<6400000xi32, #tpu.memory_space<hbm>> -> memref<2000xi32, #tpu.memory_space<hbm>>
    %dma_start3A_5 = tpu.memref_slice %arg2[%add3A_4] : memref<6400000xi32, #tpu.memory_space<hbm>> -> memref<2000xi32, #tpu.memory_space<hbm>>
    tpu.enqueue_dma source(%dma_start3A_5 : memref<2000xi32, #tpu.memory_space<hbm>>) target(%arg10 : memref<2000xi32, #tpu.memory_space<vmem>>) target_semaphore(%arg14 : memref<!tpu.dma_semaphore, #tpu.memory_space<semaphore_mem>>)
    %dma_start3A_6 = tpu.memref_slice %arg3[%add3A_4] : memref<6400000xi32, #tpu.memory_space<hbm>> -> memref<2000xi32, #tpu.memory_space<hbm>>
    %dma_start3A_7 = tpu.memref_slice %arg3[%add3A_4] : memref<6400000xi32, #tpu.memory_space<hbm>> -> memref<2000xi32, #tpu.memory_space<hbm>>
    tpu.enqueue_dma source(%dma_start3A_7 : memref<2000xi32, #tpu.memory_space<hbm>>) target(%arg11 : memref<2000xi32, #tpu.memory_space<vmem>>) target_semaphore(%arg14 : memref<!tpu.dma_semaphore, #tpu.memory_space<semaphore_mem>>)
    %dma_start3A_8 = tpu.memref_slice %arg5[%add3A_4] : memref<6400000xf32, #tpu.memory_space<hbm>> -> memref<2000xf32, #tpu.memory_space<hbm>>
    %dma_start3A_9 = tpu.memref_slice %arg5[%add3A_4] : memref<6400000xf32, #tpu.memory_space<hbm>> -> memref<2000xf32, #tpu.memory_space<hbm>>
    tpu.enqueue_dma source(%dma_start3A_9 : memref<2000xf32, #tpu.memory_space<hbm>>) target(%arg12 : memref<2000xf32, #tpu.memory_space<vmem>>) target_semaphore(%arg14 : memref<!tpu.dma_semaphore, #tpu.memory_space<semaphore_mem>>)
    %scan3A = arith.constant 0 : i32
    %scan3A_10 = arith.constant 0 : i32
    %scan3A_11 = arith.constant 50 : i32
    %scan3A_12 = arith.addi %scan3A_10, %scan3A_11 : i32
    %scan3A_13 = arith.constant 1 : i32
    scf.for %scan3A_15 = %scan3A_10 to %scan3A_12 step %scan3A_13  : i32 {
      %mul3A_16 = arith.constant 2 : i32
      %mul3A_17 = arith.muli %mul3A_16, %scan3A_15 : i32
      %add3A_18 = arith.constant 1 : i32
      %add3A_19 = arith.addi %mul3A_17, %add3A_18 : i32
      %mul3A_20 = arith.constant 2000 : i32
      %mul3A_21 = arith.muli %add3A_19, %mul3A_20 : i32
      %add3A_22 = arith.addi %mul3A_2, %mul3A_21 : i32
      %dma_start3A_23 = tpu.memref_slice %arg2[%add3A_22] : memref<6400000xi32, #tpu.memory_space<hbm>> -> memref<2000xi32, #tpu.memory_space<hbm>>
      %dma_start3A_24 = tpu.memref_slice %arg2[%add3A_22] : memref<6400000xi32, #tpu.memory_space<hbm>> -> memref<2000xi32, #tpu.memory_space<hbm>>
      tpu.enqueue_dma source(%dma_start3A_24 : memref<2000xi32, #tpu.memory_space<hbm>>) target(%arg15 : memref<2000xi32, #tpu.memory_space<vmem>>) target_semaphore(%arg19 : memref<!tpu.dma_semaphore, #tpu.memory_space<semaphore_mem>>)
      %dma_start3A_25 = tpu.memref_slice %arg3[%add3A_22] : memref<6400000xi32, #tpu.memory_space<hbm>> -> memref<2000xi32, #tpu.memory_space<hbm>>
      %dma_start3A_26 = tpu.memref_slice %arg3[%add3A_22] : memref<6400000xi32, #tpu.memory_space<hbm>> -> memref<2000xi32, #tpu.memory_space<hbm>>
      tpu.enqueue_dma source(%dma_start3A_26 : memref<2000xi32, #tpu.memory_space<hbm>>) target(%arg16 : memref<2000xi32, #tpu.memory_space<vmem>>) target_semaphore(%arg19 : memref<!tpu.dma_semaphore, #tpu.memory_space<semaphore_mem>>)
      %dma_start3A_27 = tpu.memref_slice %arg5[%add3A_22] : memref<6400000xf32, #tpu.memory_space<hbm>> -> memref<2000xf32, #tpu.memory_space<hbm>>
      %dma_start3A_28 = tpu.memref_slice %arg5[%add3A_22] : memref<6400000xf32, #tpu.memory_space<hbm>> -> memref<2000xf32, #tpu.memory_space<hbm>>
      tpu.enqueue_dma source(%dma_start3A_28 : memref<2000xf32, #tpu.memory_space<hbm>>) target(%arg17 : memref<2000xf32, #tpu.memory_space<vmem>>) target_semaphore(%arg19 : memref<!tpu.dma_semaphore, #tpu.memory_space<semaphore_mem>>)
      %mul3A_29 = arith.constant 2000 : i32
      %mul3A_30 = arith.muli %mul3A_17, %mul3A_29 : i32
      %add3A_31 = arith.addi %mul3A_2, %mul3A_30 : i32
      %dma_wait3A = tpu.memref_slice %arg2[%add3A_31] : memref<6400000xi32, #tpu.memory_space<hbm>> -> memref<2000xi32, #tpu.memory_space<hbm>>
      %dma_wait3A_32 = tpu.memref_slice %arg2[%add3A_31] : memref<6400000xi32, #tpu.memory_space<hbm>> -> memref<2000xi32, #tpu.memory_space<hbm>>
      tpu.wait_dma2 semaphore(%arg14 : memref<!tpu.dma_semaphore, #tpu.memory_space<semaphore_mem>>) src(%dma_wait3A_32 : memref<2000xi32, #tpu.memory_space<hbm>>) dst(%arg10 : memref<2000xi32, #tpu.memory_space<vmem>>)
      %dma_wait3A_33 = tpu.memref_slice %arg3[%add3A_31] : memref<6400000xi32, #tpu.memory_space<hbm>> -> memref<2000xi32, #tpu.memory_space<hbm>>
      %dma_wait3A_34 = tpu.memref_slice %arg3[%add3A_31] : memref<6400000xi32, #tpu.memory_space<hbm>> -> memref<2000xi32, #tpu.memory_space<hbm>>
      tpu.wait_dma2 semaphore(%arg14 : memref<!tpu.dma_semaphore, #tpu.memory_space<semaphore_mem>>) src(%dma_wait3A_34 : memref<2000xi32, #tpu.memory_space<hbm>>) dst(%arg11 : memref<2000xi32, #tpu.memory_space<vmem>>)
      %dma_wait3A_35 = tpu.memref_slice %arg5[%add3A_31] : memref<6400000xf32, #tpu.memory_space<hbm>> -> memref<2000xf32, #tpu.memory_space<hbm>>
      %dma_wait3A_36 = tpu.memref_slice %arg5[%add3A_31] : memref<6400000xf32, #tpu.memory_space<hbm>> -> memref<2000xf32, #tpu.memory_space<hbm>>
      tpu.wait_dma2 semaphore(%arg14 : memref<!tpu.dma_semaphore, #tpu.memory_space<semaphore_mem>>) src(%dma_wait3A_36 : memref<2000xf32, #tpu.memory_space<hbm>>) dst(%arg12 : memref<2000xf32, #tpu.memory_space<vmem>>)
      %get3A = arith.constant 0 : index
      %get3A_37 = tpu.vector_load %arg9[%get3A] {strides = array<i32>} : memref<16xf32, #tpu.memory_space<vmem>>, vector<16xf32>,
      %scan3A_38 = arith.constant 0 : i32
      %scan3A_39 = arith.constant 0 : i32
      %scan3A_40 = arith.constant 120 : i32
      %scan3A_41 = arith.addi %scan3A_39, %scan3A_40 : i32
      %scan3A_42 = arith.constant 8 : i32
      scf.for %scan3A_320 = %scan3A_39 to %scan3A_41 step %scan3A_42  : i32 {
        %mul3A_321 = arith.constant 16 : i32
        %mul3A_322 = arith.muli %scan3A_320, %mul3A_321 : i32
        %get3A_323 = arith.index_cast %mul3A_322 : i32 to index
        %get3A_324 = tpu.vector_load %arg10[%get3A_323] {strides = array<i32>} : memref<2000xi32, #tpu.memory_space<vmem>>, vector<16xi32>,
        %get3A_325 = arith.index_cast %mul3A_322 : i32 to index
        %get3A_326 = tpu.vector_load %arg11[%get3A_325] {strides = array<i32>} : memref<2000xi32, #tpu.memory_space<vmem>>, vector<16xi32>,
        %gather3A_327 = tpu.vector_load_idx %arg8[%get3A_324] : memref<100000xf32, #tpu.memory_space<vmem>>[vector<16xi32>], vector<16xf32>,
        %gather3A_328 = tpu.vector_load_idx %arg8[%get3A_326] : memref<100000xf32, #tpu.memory_space<vmem>>[vector<16xi32>], vector<16xf32>,
        %max3A_329 = arith.maximumf %gather3A_327, %gather3A_328 : vector<16xf32>
        %mul3A_330 = arith.mulf %max3A_329, %get3A_37 : vector<16xf32>
        %add3A_331 = arith.constant 1.000000e+00 : f32
        %add3A_332 = vector.broadcast %add3A_331 : f32 to vector<16xf32>
        %add3A_333 = arith.addf %add3A_332, %mul3A_330 : vector<16xf32>
        %get3A_334 = arith.index_cast %mul3A_322 : i32 to index
        %get3A_335 = tpu.vector_load %arg12[%get3A_334] {strides = array<i32>} : memref<2000xf32, #tpu.memory_space<vmem>>, vector<16xf32>,
        %mul3A_336 = arith.mulf %get3A_335, %add3A_333 : vector<16xf32>
        %sub3A_337 = arith.constant 1.000000e+00 : f32
        %sub3A_338 = vector.broadcast %sub3A_337 : f32 to vector<16xf32>
        %sub3A_339 = arith.subf %sub3A_338, %get3A_335 : vector<16xf32>
        %add3A_340 = arith.addf %sub3A_339, %mul3A_336 : vector<16xf32>
        %div3A_341 = arith.divf %mul3A_336, %add3A_340 : vector<16xf32>
        %swap3A_342 = arith.index_cast %mul3A_322 : i32 to index
        %swap3A_343 = tpu.vector_load %arg13[%swap3A_342] {strides = array<i32>} : memref<2000xf32, #tpu.memory_space<vmem>>, vector<16xf32>,
        tpu.vector_store %arg13[%swap3A_342], %div3A_341 {strides = array<i32>} : memref<2000xf32, #tpu.memory_space<vmem>>, vector<16xf32>,
        %scan3A_344 = arith.constant 1 : i32
        %scan3A_345 = arith.addi %scan3A_320, %scan3A_344 : i32
        %mul3A_346 = arith.constant 16 : i32
        %mul3A_347 = arith.muli %scan3A_345, %mul3A_346 : i32
        %get3A_348 = arith.index_cast %mul3A_347 : i32 to index
        %get3A_349 = tpu.vector_load %arg10[%get3A_348] {strides = array<i32>} : memref<2000xi32, #tpu.memory_space<vmem>>, vector<16xi32>,
        %get3A_350 = arith.index_cast %mul3A_347 : i32 to index
        %get3A_351 = tpu.vector_load %arg11[%get3A_350] {strides = array<i32>} : memref<2000xi32, #tpu.memory_space<vmem>>, vector<16xi32>,
        %gather3A_352 = tpu.vector_load_idx %arg8[%get3A_349] : memref<100000xf32, #tpu.memory_space<vmem>>[vector<16xi32>], vector<16xf32>,
        %gather3A_353 = tpu.vector_load_idx %arg8[%get3A_351] : memref<100000xf32, #tpu.memory_space<vmem>>[vector<16xi32>], vector<16xf32>,
        %max3A_354 = arith.maximumf %gather3A_352, %gather3A_353 : vector<16xf32>
        %mul3A_355 = arith.mulf %max3A_354, %get3A_37 : vector<16xf32>
        %add3A_356 = arith.constant 1.000000e+00 : f32
        %add3A_357 = vector.broadcast %add3A_356 : f32 to vector<16xf32>
        %add3A_358 = arith.addf %add3A_357, %mul3A_355 : vector<16xf32>
        %get3A_359 = arith.index_cast %mul3A_347 : i32 to index
        %get3A_360 = tpu.vector_load %arg12[%get3A_359] {strides = array<i32>} : memref<2000xf32, #tpu.memory_space<vmem>>, vector<16xf32>,
        %mul3A_361 = arith.mulf %get3A_360, %add3A_358 : vector<16xf32>
        %sub3A_362 = arith.constant 1.000000e+00 : f32
        %sub3A_363 = vector.broadcast %sub3A_362 : f32 to vector<16xf32>
        %sub3A_364 = arith.subf %sub3A_363, %get3A_360 : vector<16xf32>
        %add3A_365 = arith.addf %sub3A_364, %mul3A_361 : vector<16xf32>
        %div3A_366 = arith.divf %mul3A_361, %add3A_365 : vector<16xf32>
        %swap3A_367 = arith.index_cast %mul3A_347 : i32 to index
        %swap3A_368 = tpu.vector_load %arg13[%swap3A_367] {strides = array<i32>} : memref<2000xf32, #tpu.memory_space<vmem>>, vector<16xf32>,
        tpu.vector_store %arg13[%swap3A_367], %div3A_366 {strides = array<i32>} : memref<2000xf32, #tpu.memory_space<vmem>>, vector<16xf32>,
        %scan3A_369 = arith.constant 2 : i32
        %scan3A_370 = arith.addi %scan3A_320, %scan3A_369 : i32
        %mul3A_371 = arith.constant 16 : i32
        %mul3A_372 = arith.muli %scan3A_370, %mul3A_371 : i32
        %get3A_373 = arith.index_cast %mul3A_372 : i32 to index
        %get3A_374 = tpu.vector_load %arg10[%get3A_373] {strides = array<i32>} : memref<2000xi32, #tpu.memory_space<vmem>>, vector<16xi32>,
        %get3A_375 = arith.index_cast %mul3A_372 : i32 to index
        %get3A_376 = tpu.vector_load %arg11[%get3A_375] {strides = array<i32>} : memref<2000xi32, #tpu.memory_space<vmem>>, vector<16xi32>,
        %gather3A_377 = tpu.vector_load_idx %arg8[%get3A_374] : memref<100000xf32, #tpu.memory_space<vmem>>[vector<16xi32>], vector<16xf32>,
        %gather3A_378 = tpu.vector_load_idx %arg8[%get3A_376] : memref<100000xf32, #tpu.memory_space<vmem>>[vector<16xi32>], vector<16xf32>,
        %max3A_379 = arith.maximumf %gather3A_377, %gather3A_378 : vector<16xf32>
        %mul3A_380 = arith.mulf %max3A_379, %get3A_37 : vector<16xf32>
        %add3A_381 = arith.constant 1.000000e+00 : f32
        %add3A_382 = vector.broadcast %add3A_381 : f32 to vector<16xf32>
        %add3A_383 = arith.addf %add3A_382, %mul3A_380 : vector<16xf32>
        %get3A_384 = arith.index_cast %mul3A_372 : i32 to index
        %get3A_385 = tpu.vector_load %arg12[%get3A_384] {strides = array<i32>} : memref<2000xf32, #tpu.memory_space<vmem>>, vector<16xf32>,
        %mul3A_386 = arith.mulf %get3A_385, %add3A_383 : vector<16xf32>
        %sub3A_387 = arith.constant 1.000000e+00 : f32
        %sub3A_388 = vector.broadcast %sub3A_387 : f32 to vector<16xf32>
        %sub3A_389 = arith.subf %sub3A_388, %get3A_385 : vector<16xf32>
        %add3A_390 = arith.addf %sub3A_389, %mul3A_386 : vector<16xf32>
        %div3A_391 = arith.divf %mul3A_386, %add3A_390 : vector<16xf32>
        %swap3A_392 = arith.index_cast %mul3A_372 : i32 to index
        %swap3A_393 = tpu.vector_load %arg13[%swap3A_392] {strides = array<i32>} : memref<2000xf32, #tpu.memory_space<vmem>>, vector<16xf32>,
        tpu.vector_store %arg13[%swap3A_392], %div3A_391 {strides = array<i32>} : memref<2000xf32, #tpu.memory_space<vmem>>, vector<16xf32>,
        %scan3A_394 = arith.constant 3 : i32
        %scan3A_395 = arith.addi %scan3A_320, %scan3A_394 : i32
        %mul3A_396 = arith.constant 16 : i32
        %mul3A_397 = arith.muli %scan3A_395, %mul3A_396 : i32
        %get3A_398 = arith.index_cast %mul3A_397 : i32 to index
        %get3A_399 = tpu.vector_load %arg10[%get3A_398] {strides = array<i32>} : memref<2000xi32, #tpu.memory_space<vmem>>, vector<16xi32>,
        %get3A_400 = arith.index_cast %mul3A_397 : i32 to index
        %get3A_401 = tpu.vector_load %arg11[%get3A_400] {strides = array<i32>} : memref<2000xi32, #tpu.memory_space<vmem>>, vector<16xi32>,
        %gather3A_402 = tpu.vector_load_idx %arg8[%get3A_399] : memref<100000xf32, #tpu.memory_space<vmem>>[vector<16xi32>], vector<16xf32>,
        %gather3A_403 = tpu.vector_load_idx %arg8[%get3A_401] : memref<100000xf32, #tpu.memory_space<vmem>>[vector<16xi32>], vector<16xf32>,
        %max3A_404 = arith.maximumf %gather3A_402, %gather3A_403 : vector<16xf32>
        %mul3A_405 = arith.mulf %max3A_404, %get3A_37 : vector<16xf32>
        %add3A_406 = arith.constant 1.000000e+00 : f32
        %add3A_407 = vector.broadcast %add3A_406 : f32 to vector<16xf32>
        %add3A_408 = arith.addf %add3A_407, %mul3A_405 : vector<16xf32>
        %get3A_409 = arith.index_cast %mul3A_397 : i32 to index
        %get3A_410 = tpu.vector_load %arg12[%get3A_409] {strides = array<i32>} : memref<2000xf32, #tpu.memory_space<vmem>>, vector<16xf32>,
        %mul3A_411 = arith.mulf %get3A_410, %add3A_408 : vector<16xf32>
        %sub3A_412 = arith.constant 1.000000e+00 : f32
        %sub3A_413 = vector.broadcast %sub3A_412 : f32 to vector<16xf32>
        %sub3A_414 = arith.subf %sub3A_413, %get3A_410 : vector<16xf32>
        %add3A_415 = arith.addf %sub3A_414, %mul3A_411 : vector<16xf32>
        %div3A_416 = arith.divf %mul3A_411, %add3A_415 : vector<16xf32>
        %swap3A_417 = arith.index_cast %mul3A_397 : i32 to index
        %swap3A_418 = tpu.vector_load %arg13[%swap3A_417] {strides = array<i32>} : memref<2000xf32, #tpu.memory_space<vmem>>, vector<16xf32>,
        tpu.vector_store %arg13[%swap3A_417], %div3A_416 {strides = array<i32>} : memref<2000xf32, #tpu.memory_space<vmem>>, vector<16xf32>,
        %scan3A_419 = arith.constant 4 : i32
        %scan3A_420 = arith.addi %scan3A_320, %scan3A_419 : i32
        %mul3A_421 = arith.constant 16 : i32
        %mul3A_422 = arith.muli %scan3A_420, %mul3A_421 : i32
        %get3A_423 = arith.index_cast %mul3A_422 : i32 to index
        %get3A_424 = tpu.vector_load %arg10[%get3A_423] {strides = array<i32>} : memref<2000xi32, #tpu.memory_space<vmem>>, vector<16xi32>,
        %get3A_425 = arith.index_cast %mul3A_422 : i32 to index
        %get3A_426 = tpu.vector_load %arg11[%get3A_425] {strides = array<i32>} : memref<2000xi32, #tpu.memory_space<vmem>>, vector<16xi32>,
        %gather3A_427 = tpu.vector_load_idx %arg8[%get3A_424] : memref<100000xf32, #tpu.memory_space<vmem>>[vector<16xi32>], vector<16xf32>,
        %gather3A_428 = tpu.vector_load_idx %arg8[%get3A_426] : memref<100000xf32, #tpu.memory_space<vmem>>[vector<16xi32>], vector<16xf32>,
        %max3A_429 = arith.maximumf %gather3A_427, %gather3A_428 : vector<16xf32>
        %mul3A_430 = arith.mulf %max3A_429, %get3A_37 : vector<16xf32>
        %add3A_431 = arith.constant 1.000000e+00 : f32
        %add3A_432 = vector.broadcast %add3A_431 : f32 to vector<16xf32>
        %add3A_433 = arith.addf %add3A_432, %mul3A_430 : vector<16xf32>
        %get3A_434 = arith.index_cast %mul3A_422 : i32 to index
        %get3A_435 = tpu.vector_load %arg12[%get3A_434] {strides = array<i32>} : memref<2000xf32, #tpu.memory_space<vmem>>, vector<16xf32>,
        %mul3A_436 = arith.mulf %get3A_435, %add3A_433 : vector<16xf32>
        %sub3A_437 = arith.constant 1.000000e+00 : f32
        %sub3A_438 = vector.broadcast %sub3A_437 : f32 to vector<16xf32>
        %sub3A_439 = arith.subf %sub3A_438, %get3A_435 : vector<16xf32>
        %add3A_440 = arith.addf %sub3A_439, %mul3A_436 : vector<16xf32>
        %div3A_441 = arith.divf %mul3A_436, %add3A_440 : vector<16xf32>
        %swap3A_442 = arith.index_cast %mul3A_422 : i32 to index
        %swap3A_443 = tpu.vector_load %arg13[%swap3A_442] {strides = array<i32>} : memref<2000xf32, #tpu.memory_space<vmem>>, vector<16xf32>,
        tpu.vector_store %arg13[%swap3A_442], %div3A_441 {strides = array<i32>} : memref<2000xf32, #tpu.memory_space<vmem>>, vector<16xf32>,
        %scan3A_444 = arith.constant 5 : i32
        %scan3A_445 = arith.addi %scan3A_320, %scan3A_444 : i32
        %mul3A_446 = arith.constant 16 : i32
        %mul3A_447 = arith.muli %scan3A_445, %mul3A_446 : i32
        %get3A_448 = arith.index_cast %mul3A_447 : i32 to index
        %get3A_449 = tpu.vector_load %arg10[%get3A_448] {strides = array<i32>} : memref<2000xi32, #tpu.memory_space<vmem>>, vector<16xi32>,
        %get3A_450 = arith.index_cast %mul3A_447 : i32 to index
        %get3A_451 = tpu.vector_load %arg11[%get3A_450] {strides = array<i32>} : memref<2000xi32, #tpu.memory_space<vmem>>, vector<16xi32>,
        %gather3A_452 = tpu.vector_load_idx %arg8[%get3A_449] : memref<100000xf32, #tpu.memory_space<vmem>>[vector<16xi32>], vector<16xf32>,
        %gather3A_453 = tpu.vector_load_idx %arg8[%get3A_451] : memref<100000xf32, #tpu.memory_space<vmem>>[vector<16xi32>], vector<16xf32>,
        %max3A_454 = arith.maximumf %gather3A_452, %gather3A_453 : vector<16xf32>
        %mul3A_455 = arith.mulf %max3A_454, %get3A_37 : vector<16xf32>
        %add3A_456 = arith.constant 1.000000e+00 : f32
        %add3A_457 = vector.broadcast %add3A_456 : f32 to vector<16xf32>
        %add3A_458 = arith.addf %add3A_457, %mul3A_455 : vector<16xf32>
        %get3A_459 = arith.index_cast %mul3A_447 : i32 to index
        %get3A_460 = tpu.vector_load %arg12[%get3A_459] {strides = array<i32>} : memref<2000xf32, #tpu.memory_space<vmem>>, vector<16xf32>,
        %mul3A_461 = arith.mulf %get3A_460, %add3A_458 : vector<16xf32>
        %sub3A_462 = arith.constant 1.000000e+00 : f32
        %sub3A_463 = vector.broadcast %sub3A_462 : f32 to vector<16xf32>
        %sub3A_464 = arith.subf %sub3A_463, %get3A_460 : vector<16xf32>
        %add3A_465 = arith.addf %sub3A_464, %mul3A_461 : vector<16xf32>
        %div3A_466 = arith.divf %mul3A_461, %add3A_465 : vector<16xf32>
        %swap3A_467 = arith.index_cast %mul3A_447 : i32 to index
        %swap3A_468 = tpu.vector_load %arg13[%swap3A_467] {strides = array<i32>} : memref<2000xf32, #tpu.memory_space<vmem>>, vector<16xf32>,
        tpu.vector_store %arg13[%swap3A_467], %div3A_466 {strides = array<i32>} : memref<2000xf32, #tpu.memory_space<vmem>>, vector<16xf32>,
        %scan3A_469 = arith.constant 6 : i32
        %scan3A_470 = arith.addi %scan3A_320, %scan3A_469 : i32
        %mul3A_471 = arith.constant 16 : i32
        %mul3A_472 = arith.muli %scan3A_470, %mul3A_471 : i32
        %get3A_473 = arith.index_cast %mul3A_472 : i32 to index
        %get3A_474 = tpu.vector_load %arg10[%get3A_473] {strides = array<i32>} : memref<2000xi32, #tpu.memory_space<vmem>>, vector<16xi32>,
        %get3A_475 = arith.index_cast %mul3A_472 : i32 to index
        %get3A_476 = tpu.vector_load %arg11[%get3A_475] {strides = array<i32>} : memref<2000xi32, #tpu.memory_space<vmem>>, vector<16xi32>,
        %gather3A_477 = tpu.vector_load_idx %arg8[%get3A_474] : memref<100000xf32, #tpu.memory_space<vmem>>[vector<16xi32>], vector<16xf32>,
        %gather3A_478 = tpu.vector_load_idx %arg8[%get3A_476] : memref<100000xf32, #tpu.memory_space<vmem>>[vector<16xi32>], vector<16xf32>,
        %max3A_479 = arith.maximumf %gather3A_477, %gather3A_478 : vector<16xf32>
        %mul3A_480 = arith.mulf %max3A_479, %get3A_37 : vector<16xf32>
        %add3A_481 = arith.constant 1.000000e+00 : f32
        %add3A_482 = vector.broadcast %add3A_481 : f32 to vector<16xf32>
        %add3A_483 = arith.addf %add3A_482, %mul3A_480 : vector<16xf32>
        %get3A_484 = arith.index_cast %mul3A_472 : i32 to index
        %get3A_485 = tpu.vector_load %arg12[%get3A_484] {strides = array<i32>} : memref<2000xf32, #tpu.memory_space<vmem>>, vector<16xf32>,
        %mul3A_486 = arith.mulf %get3A_485, %add3A_483 : vector<16xf32>
        %sub3A_487 = arith.constant 1.000000e+00 : f32
        %sub3A_488 = vector.broadcast %sub3A_487 : f32 to vector<16xf32>
        %sub3A_489 = arith.subf %sub3A_488, %get3A_485 : vector<16xf32>
        %add3A_490 = arith.addf %sub3A_489, %mul3A_486 : vector<16xf32>
        %div3A_491 = arith.divf %mul3A_486, %add3A_490 : vector<16xf32>
        %swap3A_492 = arith.index_cast %mul3A_472 : i32 to index
        %swap3A_493 = tpu.vector_load %arg13[%swap3A_492] {strides = array<i32>} : memref<2000xf32, #tpu.memory_space<vmem>>, vector<16xf32>,
        tpu.vector_store %arg13[%swap3A_492], %div3A_491 {strides = array<i32>} : memref<2000xf32, #tpu.memory_space<vmem>>, vector<16xf32>,
        %scan3A_494 = arith.constant 7 : i32
        %scan3A_495 = arith.addi %scan3A_320, %scan3A_494 : i32
        %mul3A_496 = arith.constant 16 : i32
        %mul3A_497 = arith.muli %scan3A_495, %mul3A_496 : i32
        %get3A_498 = arith.index_cast %mul3A_497 : i32 to index
        %get3A_499 = tpu.vector_load %arg10[%get3A_498] {strides = array<i32>} : memref<2000xi32, #tpu.memory_space<vmem>>, vector<16xi32>,
        %get3A_500 = arith.index_cast %mul3A_497 : i32 to index
        %get3A_501 = tpu.vector_load %arg11[%get3A_500] {strides = array<i32>} : memref<2000xi32, #tpu.memory_space<vmem>>, vector<16xi32>,
        %gather3A_502 = tpu.vector_load_idx %arg8[%get3A_499] : memref<100000xf32, #tpu.memory_space<vmem>>[vector<16xi32>], vector<16xf32>,
        %gather3A_503 = tpu.vector_load_idx %arg8[%get3A_501] : memref<100000xf32, #tpu.memory_space<vmem>>[vector<16xi32>], vector<16xf32>,
        %max3A_504 = arith.maximumf %gather3A_502, %gather3A_503 : vector<16xf32>
        %mul3A_505 = arith.mulf %max3A_504, %get3A_37 : vector<16xf32>
        %add3A_506 = arith.constant 1.000000e+00 : f32
        %add3A_507 = vector.broadcast %add3A_506 : f32 to vector<16xf32>
        %add3A_508 = arith.addf %add3A_507, %mul3A_505 : vector<16xf32>
        %get3A_509 = arith.index_cast %mul3A_497 : i32 to index
        %get3A_510 = tpu.vector_load %arg12[%get3A_509] {strides = array<i32>} : memref<2000xf32, #tpu.memory_space<vmem>>, vector<16xf32>,
        %mul3A_511 = arith.mulf %get3A_510, %add3A_508 : vector<16xf32>
        %sub3A_512 = arith.constant 1.000000e+00 : f32
        %sub3A_513 = vector.broadcast %sub3A_512 : f32 to vector<16xf32>
        %sub3A_514 = arith.subf %sub3A_513, %get3A_510 : vector<16xf32>
        %add3A_515 = arith.addf %sub3A_514, %mul3A_511 : vector<16xf32>
        %div3A_516 = arith.divf %mul3A_511, %add3A_515 : vector<16xf32>
        %swap3A_517 = arith.index_cast %mul3A_497 : i32 to index
        %swap3A_518 = tpu.vector_load %arg13[%swap3A_517] {strides = array<i32>} : memref<2000xf32, #tpu.memory_space<vmem>>, vector<16xf32>,
        tpu.vector_store %arg13[%swap3A_517], %div3A_516 {strides = array<i32>} : memref<2000xf32, #tpu.memory_space<vmem>>, vector<16xf32>,
      }
      %scan3A_43 = arith.constant 120 : i32
      %scan3A_44 = arith.addi %scan3A_39, %scan3A_43 : i32
      %mul3A_45 = arith.constant 16 : i32
      %mul3A_46 = arith.muli %scan3A_44, %mul3A_45 : i32
      %get3A_47 = arith.index_cast %mul3A_46 : i32 to index
      %get3A_48 = tpu.vector_load %arg10[%get3A_47] {strides = array<i32>} : memref<2000xi32, #tpu.memory_space<vmem>>, vector<16xi32>,
      %get3A_49 = arith.index_cast %mul3A_46 : i32 to index
      %get3A_50 = tpu.vector_load %arg11[%get3A_49] {strides = array<i32>} : memref<2000xi32, #tpu.memory_space<vmem>>, vector<16xi32>,
      %gather3A = tpu.vector_load_idx %arg8[%get3A_48] : memref<100000xf32, #tpu.memory_space<vmem>>[vector<16xi32>], vector<16xf32>,
      %gather3A_51 = tpu.vector_load_idx %arg8[%get3A_50] : memref<100000xf32, #tpu.memory_space<vmem>>[vector<16xi32>], vector<16xf32>,
      %max3A = arith.maximumf %gather3A, %gather3A_51 : vector<16xf32>
      %mul3A_52 = arith.mulf %max3A, %get3A_37 : vector<16xf32>
      %add3A_53 = arith.constant 1.000000e+00 : f32
      %add3A_54 = vector.broadcast %add3A_53 : f32 to vector<16xf32>
      %add3A_55 = arith.addf %add3A_54, %mul3A_52 : vector<16xf32>
      %get3A_56 = arith.index_cast %mul3A_46 : i32 to index
      %get3A_57 = tpu.vector_load %arg12[%get3A_56] {strides = array<i32>} : memref<2000xf32, #tpu.memory_space<vmem>>, vector<16xf32>,
      %mul3A_58 = arith.mulf %get3A_57, %add3A_55 : vector<16xf32>
      %sub3A = arith.constant 1.000000e+00 : f32
      %sub3A_59 = vector.broadcast %sub3A : f32 to vector<16xf32>
      %sub3A_60 = arith.subf %sub3A_59, %get3A_57 : vector<16xf32>
      %add3A_61 = arith.addf %sub3A_60, %mul3A_58 : vector<16xf32>
      %div3A = arith.divf %mul3A_58, %add3A_61 : vector<16xf32>
      %swap3A = arith.index_cast %mul3A_46 : i32 to index
      %swap3A_62 = tpu.vector_load %arg13[%swap3A] {strides = array<i32>} : memref<2000xf32, #tpu.memory_space<vmem>>, vector<16xf32>,
      tpu.vector_store %arg13[%swap3A], %div3A {strides = array<i32>} : memref<2000xf32, #tpu.memory_space<vmem>>, vector<16xf32>,
      %scan3A_63 = arith.constant 121 : i32
      %scan3A_64 = arith.addi %scan3A_39, %scan3A_63 : i32
      %mul3A_65 = arith.constant 16 : i32
      %mul3A_66 = arith.muli %scan3A_64, %mul3A_65 : i32
      %get3A_67 = arith.index_cast %mul3A_66 : i32 to index
      %get3A_68 = tpu.vector_load %arg10[%get3A_67] {strides = array<i32>} : memref<2000xi32, #tpu.memory_space<vmem>>, vector<16xi32>,
      %get3A_69 = arith.index_cast %mul3A_66 : i32 to index
      %get3A_70 = tpu.vector_load %arg11[%get3A_69] {strides = array<i32>} : memref<2000xi32, #tpu.memory_space<vmem>>, vector<16xi32>,
      %gather3A_71 = tpu.vector_load_idx %arg8[%get3A_68] : memref<100000xf32, #tpu.memory_space<vmem>>[vector<16xi32>], vector<16xf32>,
      %gather3A_72 = tpu.vector_load_idx %arg8[%get3A_70] : memref<100000xf32, #tpu.memory_space<vmem>>[vector<16xi32>], vector<16xf32>,
      %max3A_73 = arith.maximumf %gather3A_71, %gather3A_72 : vector<16xf32>
      %mul3A_74 = arith.mulf %max3A_73, %get3A_37 : vector<16xf32>
      %add3A_75 = arith.constant 1.000000e+00 : f32
      %add3A_76 = vector.broadcast %add3A_75 : f32 to vector<16xf32>
      %add3A_77 = arith.addf %add3A_76, %mul3A_74 : vector<16xf32>
      %get3A_78 = arith.index_cast %mul3A_66 : i32 to index
      %get3A_79 = tpu.vector_load %arg12[%get3A_78] {strides = array<i32>} : memref<2000xf32, #tpu.memory_space<vmem>>, vector<16xf32>,
      %mul3A_80 = arith.mulf %get3A_79, %add3A_77 : vector<16xf32>
      %sub3A_81 = arith.constant 1.000000e+00 : f32
      %sub3A_82 = vector.broadcast %sub3A_81 : f32 to vector<16xf32>
      %sub3A_83 = arith.subf %sub3A_82, %get3A_79 : vector<16xf32>
      %add3A_84 = arith.addf %sub3A_83, %mul3A_80 : vector<16xf32>
      %div3A_85 = arith.divf %mul3A_80, %add3A_84 : vector<16xf32>
      %swap3A_86 = arith.index_cast %mul3A_66 : i32 to index
      %swap3A_87 = tpu.vector_load %arg13[%swap3A_86] {strides = array<i32>} : memref<2000xf32, #tpu.memory_space<vmem>>, vector<16xf32>,
      tpu.vector_store %arg13[%swap3A_86], %div3A_85 {strides = array<i32>} : memref<2000xf32, #tpu.memory_space<vmem>>, vector<16xf32>,
      %scan3A_88 = arith.constant 122 : i32
      %scan3A_89 = arith.addi %scan3A_39, %scan3A_88 : i32
      %mul3A_90 = arith.constant 16 : i32
      %mul3A_91 = arith.muli %scan3A_89, %mul3A_90 : i32
      %get3A_92 = arith.index_cast %mul3A_91 : i32 to index
      %get3A_93 = tpu.vector_load %arg10[%get3A_92] {strides = array<i32>} : memref<2000xi32, #tpu.memory_space<vmem>>, vector<16xi32>,
      %get3A_94 = arith.index_cast %mul3A_91 : i32 to index
      %get3A_95 = tpu.vector_load %arg11[%get3A_94] {strides = array<i32>} : memref<2000xi32, #tpu.memory_space<vmem>>, vector<16xi32>,
      %gather3A_96 = tpu.vector_load_idx %arg8[%get3A_93] : memref<100000xf32, #tpu.memory_space<vmem>>[vector<16xi32>], vector<16xf32>,
      %gather3A_97 = tpu.vector_load_idx %arg8[%get3A_95] : memref<100000xf32, #tpu.memory_space<vmem>>[vector<16xi32>], vector<16xf32>,
      %max3A_98 = arith.maximumf %gather3A_96, %gather3A_97 : vector<16xf32>
      %mul3A_99 = arith.mulf %max3A_98, %get3A_37 : vector<16xf32>
      %add3A_100 = arith.constant 1.000000e+00 : f32
      %add3A_101 = vector.broadcast %add3A_100 : f32 to vector<16xf32>
      %add3A_102 = arith.addf %add3A_101, %mul3A_99 : vector<16xf32>
      %get3A_103 = arith.index_cast %mul3A_91 : i32 to index
      %get3A_104 = tpu.vector_load %arg12[%get3A_103] {strides = array<i32>} : memref<2000xf32, #tpu.memory_space<vmem>>, vector<16xf32>,
      %mul3A_105 = arith.mulf %get3A_104, %add3A_102 : vector<16xf32>
      %sub3A_106 = arith.constant 1.000000e+00 : f32
      %sub3A_107 = vector.broadcast %sub3A_106 : f32 to vector<16xf32>
      %sub3A_108 = arith.subf %sub3A_107, %get3A_104 : vector<16xf32>
      %add3A_109 = arith.addf %sub3A_108, %mul3A_105 : vector<16xf32>
      %div3A_110 = arith.divf %mul3A_105, %add3A_109 : vector<16xf32>
      %swap3A_111 = arith.index_cast %mul3A_91 : i32 to index
      %swap3A_112 = tpu.vector_load %arg13[%swap3A_111] {strides = array<i32>} : memref<2000xf32, #tpu.memory_space<vmem>>, vector<16xf32>,
      tpu.vector_store %arg13[%swap3A_111], %div3A_110 {strides = array<i32>} : memref<2000xf32, #tpu.memory_space<vmem>>, vector<16xf32>,
      %scan3A_113 = arith.constant 123 : i32
      %scan3A_114 = arith.addi %scan3A_39, %scan3A_113 : i32
      %mul3A_115 = arith.constant 16 : i32
      %mul3A_116 = arith.muli %scan3A_114, %mul3A_115 : i32
      %get3A_117 = arith.index_cast %mul3A_116 : i32 to index
      %get3A_118 = tpu.vector_load %arg10[%get3A_117] {strides = array<i32>} : memref<2000xi32, #tpu.memory_space<vmem>>, vector<16xi32>,
      %get3A_119 = arith.index_cast %mul3A_116 : i32 to index
      %get3A_120 = tpu.vector_load %arg11[%get3A_119] {strides = array<i32>} : memref<2000xi32, #tpu.memory_space<vmem>>, vector<16xi32>,
      %gather3A_121 = tpu.vector_load_idx %arg8[%get3A_118] : memref<100000xf32, #tpu.memory_space<vmem>>[vector<16xi32>], vector<16xf32>,
      %gather3A_122 = tpu.vector_load_idx %arg8[%get3A_120] : memref<100000xf32, #tpu.memory_space<vmem>>[vector<16xi32>], vector<16xf32>,
      %max3A_123 = arith.maximumf %gather3A_121, %gather3A_122 : vector<16xf32>
      %mul3A_124 = arith.mulf %max3A_123, %get3A_37 : vector<16xf32>
      %add3A_125 = arith.constant 1.000000e+00 : f32
      %add3A_126 = vector.broadcast %add3A_125 : f32 to vector<16xf32>
      %add3A_127 = arith.addf %add3A_126, %mul3A_124 : vector<16xf32>
      %get3A_128 = arith.index_cast %mul3A_116 : i32 to index
      %get3A_129 = tpu.vector_load %arg12[%get3A_128] {strides = array<i32>} : memref<2000xf32, #tpu.memory_space<vmem>>, vector<16xf32>,
      %mul3A_130 = arith.mulf %get3A_129, %add3A_127 : vector<16xf32>
      %sub3A_131 = arith.constant 1.000000e+00 : f32
      %sub3A_132 = vector.broadcast %sub3A_131 : f32 to vector<16xf32>
      %sub3A_133 = arith.subf %sub3A_132, %get3A_129 : vector<16xf32>
      %add3A_134 = arith.addf %sub3A_133, %mul3A_130 : vector<16xf32>
      %div3A_135 = arith.divf %mul3A_130, %add3A_134 : vector<16xf32>
      %swap3A_136 = arith.index_cast %mul3A_116 : i32 to index
      %swap3A_137 = tpu.vector_load %arg13[%swap3A_136] {strides = array<i32>} : memref<2000xf32, #tpu.memory_space<vmem>>, vector<16xf32>,
      tpu.vector_store %arg13[%swap3A_136], %div3A_135 {strides = array<i32>} : memref<2000xf32, #tpu.memory_space<vmem>>, vector<16xf32>,
      %scan3A_138 = arith.constant 124 : i32
      %scan3A_139 = arith.addi %scan3A_39, %scan3A_138 : i32
      %mul3A_140 = arith.constant 16 : i32
      %mul3A_141 = arith.muli %scan3A_139, %mul3A_140 : i32
      %get3A_142 = arith.index_cast %mul3A_141 : i32 to index
      %get3A_143 = tpu.vector_load %arg10[%get3A_142] {strides = array<i32>} : memref<2000xi32, #tpu.memory_space<vmem>>, vector<16xi32>,
      %get3A_144 = arith.index_cast %mul3A_141 : i32 to index
      %get3A_145 = tpu.vector_load %arg11[%get3A_144] {strides = array<i32>} : memref<2000xi32, #tpu.memory_space<vmem>>, vector<16xi32>,
      %gather3A_146 = tpu.vector_load_idx %arg8[%get3A_143] : memref<100000xf32, #tpu.memory_space<vmem>>[vector<16xi32>], vector<16xf32>,
      %gather3A_147 = tpu.vector_load_idx %arg8[%get3A_145] : memref<100000xf32, #tpu.memory_space<vmem>>[vector<16xi32>], vector<16xf32>,
      %max3A_148 = arith.maximumf %gather3A_146, %gather3A_147 : vector<16xf32>
      %mul3A_149 = arith.mulf %max3A_148, %get3A_37 : vector<16xf32>
      %add3A_150 = arith.constant 1.000000e+00 : f32
      %add3A_151 = vector.broadcast %add3A_150 : f32 to vector<16xf32>
      %add3A_152 = arith.addf %add3A_151, %mul3A_149 : vector<16xf32>
      %get3A_153 = arith.index_cast %mul3A_141 : i32 to index
      %get3A_154 = tpu.vector_load %arg12[%get3A_153] {strides = array<i32>} : memref<2000xf32, #tpu.memory_space<vmem>>, vector<16xf32>,
      %mul3A_155 = arith.mulf %get3A_154, %add3A_152 : vector<16xf32>
      %sub3A_156 = arith.constant 1.000000e+00 : f32
      %sub3A_157 = vector.broadcast %sub3A_156 : f32 to vector<16xf32>
      %sub3A_158 = arith.subf %sub3A_157, %get3A_154 : vector<16xf32>
      %add3A_159 = arith.addf %sub3A_158, %mul3A_155 : vector<16xf32>
      %div3A_160 = arith.divf %mul3A_155, %add3A_159 : vector<16xf32>
      %swap3A_161 = arith.index_cast %mul3A_141 : i32 to index
      %swap3A_162 = tpu.vector_load %arg13[%swap3A_161] {strides = array<i32>} : memref<2000xf32, #tpu.memory_space<vmem>>, vector<16xf32>,
      tpu.vector_store %arg13[%swap3A_161], %div3A_160 {strides = array<i32>} : memref<2000xf32, #tpu.memory_space<vmem>>, vector<16xf32>,
      %scan3A_163 = arith.constant 125 : i32
      %mul3A_164 = arith.constant 2000 : i32
      %mul3A_165 = arith.muli %mul3A_17, %mul3A_164 : i32
      %add3A_166 = arith.addi %mul3A_2, %mul3A_165 : i32
      "tpu.region"() ({
        %run_scoped3A = tpu.sem_alloc : memref<!tpu.dma_semaphore, #tpu.memory_space<semaphore_mem>>
        %dma_start3A_320 = tpu.memref_slice %arg7[%add3A_166] : memref<6400000xf32, #tpu.memory_space<hbm>> -> memref<2000xf32, #tpu.memory_space<hbm>>
        %dma_start3A_321 = tpu.memref_slice %arg7[%add3A_166] : memref<6400000xf32, #tpu.memory_space<hbm>> -> memref<2000xf32, #tpu.memory_space<hbm>>
        tpu.enqueue_dma source(%arg13 : memref<2000xf32, #tpu.memory_space<vmem>>) target(%dma_start3A_321 : memref<2000xf32, #tpu.memory_space<hbm>>) target_semaphore(%run_scoped3A : memref<!tpu.dma_semaphore, #tpu.memory_space<semaphore_mem>>)
        %dma_wait3A_322 = tpu.memref_slice %arg7[%add3A_166] : memref<6400000xf32, #tpu.memory_space<hbm>> -> memref<2000xf32, #tpu.memory_space<hbm>>
        %dma_wait3A_323 = tpu.memref_slice %arg7[%add3A_166] : memref<6400000xf32, #tpu.memory_space<hbm>> -> memref<2000xf32, #tpu.memory_space<hbm>>
        tpu.wait_dma2 semaphore(%run_scoped3A : memref<!tpu.dma_semaphore, #tpu.memory_space<semaphore_mem>>) src(%arg13 : memref<2000xf32, #tpu.memory_space<vmem>>) dst(%dma_wait3A_323 : memref<2000xf32, #tpu.memory_space<hbm>>)
        tpu.yield
      }) : () -> ()
      %add3A_167 = arith.constant 1 : i32
      %add3A_168 = arith.addi %scan3A_15, %add3A_167 : i32
      %lt3A = arith.constant 50 : i32
      %lt3A_169 = arith.cmpi slt, %add3A_168, %lt3A : i32
      %convert_element_type3A = arith.extui %lt3A_169 : i1 to i32
      %cond3A = arith.constant 0 : i32
      %cond3A_170 = arith.cmpi ne, %convert_element_type3A, %cond3A : i32
      scf.if %cond3A_170 {
        %add3A_320 = arith.constant 2 : i32
        %add3A_321 = arith.addi %mul3A_17, %add3A_320 : i32
        %mul3A_322 = arith.constant 2000 : i32
        %mul3A_323 = arith.muli %add3A_321, %mul3A_322 : i32
        %add3A_324 = arith.addi %mul3A_2, %mul3A_323 : i32
        %dma_start3A_325 = tpu.memref_slice %arg2[%add3A_324] : memref<6400000xi32, #tpu.memory_space<hbm>> -> memref<2000xi32, #tpu.memory_space<hbm>>
        %dma_start3A_326 = tpu.memref_slice %arg2[%add3A_324] : memref<6400000xi32, #tpu.memory_space<hbm>> -> memref<2000xi32, #tpu.memory_space<hbm>>
        tpu.enqueue_dma source(%dma_start3A_326 : memref<2000xi32, #tpu.memory_space<hbm>>) target(%arg10 : memref<2000xi32, #tpu.memory_space<vmem>>) target_semaphore(%arg14 : memref<!tpu.dma_semaphore, #tpu.memory_space<semaphore_mem>>)
        %dma_start3A_327 = tpu.memref_slice %arg3[%add3A_324] : memref<6400000xi32, #tpu.memory_space<hbm>> -> memref<2000xi32, #tpu.memory_space<hbm>>
        %dma_start3A_328 = tpu.memref_slice %arg3[%add3A_324] : memref<6400000xi32, #tpu.memory_space<hbm>> -> memref<2000xi32, #tpu.memory_space<hbm>>
        tpu.enqueue_dma source(%dma_start3A_328 : memref<2000xi32, #tpu.memory_space<hbm>>) target(%arg11 : memref<2000xi32, #tpu.memory_space<vmem>>) target_semaphore(%arg14 : memref<!tpu.dma_semaphore, #tpu.memory_space<semaphore_mem>>)
        %dma_start3A_329 = tpu.memref_slice %arg5[%add3A_324] : memref<6400000xf32, #tpu.memory_space<hbm>> -> memref<2000xf32, #tpu.memory_space<hbm>>
        %dma_start3A_330 = tpu.memref_slice %arg5[%add3A_324] : memref<6400000xf32, #tpu.memory_space<hbm>> -> memref<2000xf32, #tpu.memory_space<hbm>>
        tpu.enqueue_dma source(%dma_start3A_330 : memref<2000xf32, #tpu.memory_space<hbm>>) target(%arg12 : memref<2000xf32, #tpu.memory_space<vmem>>) target_semaphore(%arg14 : memref<!tpu.dma_semaphore, #tpu.memory_space<semaphore_mem>>)
      } else {
      }
      %add3A_171 = arith.constant 1 : i32
      %add3A_172 = arith.addi %mul3A_17, %add3A_171 : i32
      %mul3A_173 = arith.constant 2000 : i32
      %mul3A_174 = arith.muli %add3A_172, %mul3A_173 : i32
      %add3A_175 = arith.addi %mul3A_2, %mul3A_174 : i32
      %dma_wait3A_176 = tpu.memref_slice %arg2[%add3A_175] : memref<6400000xi32, #tpu.memory_space<hbm>> -> memref<2000xi32, #tpu.memory_space<hbm>>
      %dma_wait3A_177 = tpu.memref_slice %arg2[%add3A_175] : memref<6400000xi32, #tpu.memory_space<hbm>> -> memref<2000xi32, #tpu.memory_space<hbm>>
      tpu.wait_dma2 semaphore(%arg19 : memref<!tpu.dma_semaphore, #tpu.memory_space<semaphore_mem>>) src(%dma_wait3A_177 : memref<2000xi32, #tpu.memory_space<hbm>>) dst(%arg15 : memref<2000xi32, #tpu.memory_space<vmem>>)
      %dma_wait3A_178 = tpu.memref_slice %arg3[%add3A_175] : memref<6400000xi32, #tpu.memory_space<hbm>> -> memref<2000xi32, #tpu.memory_space<hbm>>
      %dma_wait3A_179 = tpu.memref_slice %arg3[%add3A_175] : memref<6400000xi32, #tpu.memory_space<hbm>> -> memref<2000xi32, #tpu.memory_space<hbm>>
      tpu.wait_dma2 semaphore(%arg19 : memref<!tpu.dma_semaphore, #tpu.memory_space<semaphore_mem>>) src(%dma_wait3A_179 : memref<2000xi32, #tpu.memory_space<hbm>>) dst(%arg16 : memref<2000xi32, #tpu.memory_space<vmem>>)
      %dma_wait3A_180 = tpu.memref_slice %arg5[%add3A_175] : memref<6400000xf32, #tpu.memory_space<hbm>> -> memref<2000xf32, #tpu.memory_space<hbm>>
      %dma_wait3A_181 = tpu.memref_slice %arg5[%add3A_175] : memref<6400000xf32, #tpu.memory_space<hbm>> -> memref<2000xf32, #tpu.memory_space<hbm>>
      tpu.wait_dma2 semaphore(%arg19 : memref<!tpu.dma_semaphore, #tpu.memory_space<semaphore_mem>>) src(%dma_wait3A_181 : memref<2000xf32, #tpu.memory_space<hbm>>) dst(%arg17 : memref<2000xf32, #tpu.memory_space<vmem>>)
      %add3A_182 = arith.constant 1 : i32
      %add3A_183 = arith.addi %mul3A_17, %add3A_182 : i32
      %get3A_184 = arith.constant 0 : index
      %get3A_185 = tpu.vector_load %arg9[%get3A_184] {strides = array<i32>} : memref<16xf32, #tpu.memory_space<vmem>>, vector<16xf32>,
      %scan3A_186 = arith.constant 0 : i32
      %scan3A_187 = arith.constant 0 : i32
      %scan3A_188 = arith.constant 120 : i32
      %scan3A_189 = arith.addi %scan3A_187, %scan3A_188 : i32
      %scan3A_190 = arith.constant 8 : i32
      scf.for %scan3A_320 = %scan3A_187 to %scan3A_189 step %scan3A_190  : i32 {
        %mul3A_321 = arith.constant 16 : i32
        %mul3A_322 = arith.muli %scan3A_320, %mul3A_321 : i32
        %get3A_323 = arith.index_cast %mul3A_322 : i32 to index
        %get3A_324 = tpu.vector_load %arg15[%get3A_323] {strides = array<i32>} : memref<2000xi32, #tpu.memory_space<vmem>>, vector<16xi32>,
        %get3A_325 = arith.index_cast %mul3A_322 : i32 to index
        %get3A_326 = tpu.vector_load %arg16[%get3A_325] {strides = array<i32>} : memref<2000xi32, #tpu.memory_space<vmem>>, vector<16xi32>,
        %gather3A_327 = tpu.vector_load_idx %arg8[%get3A_324] : memref<100000xf32, #tpu.memory_space<vmem>>[vector<16xi32>], vector<16xf32>,
        %gather3A_328 = tpu.vector_load_idx %arg8[%get3A_326] : memref<100000xf32, #tpu.memory_space<vmem>>[vector<16xi32>], vector<16xf32>,
        %max3A_329 = arith.maximumf %gather3A_327, %gather3A_328 : vector<16xf32>
        %mul3A_330 = arith.mulf %max3A_329, %get3A_185 : vector<16xf32>
        %add3A_331 = arith.constant 1.000000e+00 : f32
        %add3A_332 = vector.broadcast %add3A_331 : f32 to vector<16xf32>
        %add3A_333 = arith.addf %add3A_332, %mul3A_330 : vector<16xf32>
        %get3A_334 = arith.index_cast %mul3A_322 : i32 to index
        %get3A_335 = tpu.vector_load %arg17[%get3A_334] {strides = array<i32>} : memref<2000xf32, #tpu.memory_space<vmem>>, vector<16xf32>,
        %mul3A_336 = arith.mulf %get3A_335, %add3A_333 : vector<16xf32>
        %sub3A_337 = arith.constant 1.000000e+00 : f32
        %sub3A_338 = vector.broadcast %sub3A_337 : f32 to vector<16xf32>
        %sub3A_339 = arith.subf %sub3A_338, %get3A_335 : vector<16xf32>
        %add3A_340 = arith.addf %sub3A_339, %mul3A_336 : vector<16xf32>
        %div3A_341 = arith.divf %mul3A_336, %add3A_340 : vector<16xf32>
        %swap3A_342 = arith.index_cast %mul3A_322 : i32 to index
        %swap3A_343 = tpu.vector_load %arg18[%swap3A_342] {strides = array<i32>} : memref<2000xf32, #tpu.memory_space<vmem>>, vector<16xf32>,
        tpu.vector_store %arg18[%swap3A_342], %div3A_341 {strides = array<i32>} : memref<2000xf32, #tpu.memory_space<vmem>>, vector<16xf32>,
        %scan3A_344 = arith.constant 1 : i32
        %scan3A_345 = arith.addi %scan3A_320, %scan3A_344 : i32
        %mul3A_346 = arith.constant 16 : i32
        %mul3A_347 = arith.muli %scan3A_345, %mul3A_346 : i32
        %get3A_348 = arith.index_cast %mul3A_347 : i32 to index
        %get3A_349 = tpu.vector_load %arg15[%get3A_348] {strides = array<i32>} : memref<2000xi32, #tpu.memory_space<vmem>>, vector<16xi32>,
        %get3A_350 = arith.index_cast %mul3A_347 : i32 to index
        %get3A_351 = tpu.vector_load %arg16[%get3A_350] {strides = array<i32>} : memref<2000xi32, #tpu.memory_space<vmem>>, vector<16xi32>,
        %gather3A_352 = tpu.vector_load_idx %arg8[%get3A_349] : memref<100000xf32, #tpu.memory_space<vmem>>[vector<16xi32>], vector<16xf32>,
        %gather3A_353 = tpu.vector_load_idx %arg8[%get3A_351] : memref<100000xf32, #tpu.memory_space<vmem>>[vector<16xi32>], vector<16xf32>,
        %max3A_354 = arith.maximumf %gather3A_352, %gather3A_353 : vector<16xf32>
        %mul3A_355 = arith.mulf %max3A_354, %get3A_185 : vector<16xf32>
        %add3A_356 = arith.constant 1.000000e+00 : f32
        %add3A_357 = vector.broadcast %add3A_356 : f32 to vector<16xf32>
        %add3A_358 = arith.addf %add3A_357, %mul3A_355 : vector<16xf32>
        %get3A_359 = arith.index_cast %mul3A_347 : i32 to index
        %get3A_360 = tpu.vector_load %arg17[%get3A_359] {strides = array<i32>} : memref<2000xf32, #tpu.memory_space<vmem>>, vector<16xf32>,
        %mul3A_361 = arith.mulf %get3A_360, %add3A_358 : vector<16xf32>
        %sub3A_362 = arith.constant 1.000000e+00 : f32
        %sub3A_363 = vector.broadcast %sub3A_362 : f32 to vector<16xf32>
        %sub3A_364 = arith.subf %sub3A_363, %get3A_360 : vector<16xf32>
        %add3A_365 = arith.addf %sub3A_364, %mul3A_361 : vector<16xf32>
        %div3A_366 = arith.divf %mul3A_361, %add3A_365 : vector<16xf32>
        %swap3A_367 = arith.index_cast %mul3A_347 : i32 to index
        %swap3A_368 = tpu.vector_load %arg18[%swap3A_367] {strides = array<i32>} : memref<2000xf32, #tpu.memory_space<vmem>>, vector<16xf32>,
        tpu.vector_store %arg18[%swap3A_367], %div3A_366 {strides = array<i32>} : memref<2000xf32, #tpu.memory_space<vmem>>, vector<16xf32>,
        %scan3A_369 = arith.constant 2 : i32
        %scan3A_370 = arith.addi %scan3A_320, %scan3A_369 : i32
        %mul3A_371 = arith.constant 16 : i32
        %mul3A_372 = arith.muli %scan3A_370, %mul3A_371 : i32
        %get3A_373 = arith.index_cast %mul3A_372 : i32 to index
        %get3A_374 = tpu.vector_load %arg15[%get3A_373] {strides = array<i32>} : memref<2000xi32, #tpu.memory_space<vmem>>, vector<16xi32>,
        %get3A_375 = arith.index_cast %mul3A_372 : i32 to index
        %get3A_376 = tpu.vector_load %arg16[%get3A_375] {strides = array<i32>} : memref<2000xi32, #tpu.memory_space<vmem>>, vector<16xi32>,
        %gather3A_377 = tpu.vector_load_idx %arg8[%get3A_374] : memref<100000xf32, #tpu.memory_space<vmem>>[vector<16xi32>], vector<16xf32>,
        %gather3A_378 = tpu.vector_load_idx %arg8[%get3A_376] : memref<100000xf32, #tpu.memory_space<vmem>>[vector<16xi32>], vector<16xf32>,
        %max3A_379 = arith.maximumf %gather3A_377, %gather3A_378 : vector<16xf32>
        %mul3A_380 = arith.mulf %max3A_379, %get3A_185 : vector<16xf32>
        %add3A_381 = arith.constant 1.000000e+00 : f32
        %add3A_382 = vector.broadcast %add3A_381 : f32 to vector<16xf32>
        %add3A_383 = arith.addf %add3A_382, %mul3A_380 : vector<16xf32>
        %get3A_384 = arith.index_cast %mul3A_372 : i32 to index
        %get3A_385 = tpu.vector_load %arg17[%get3A_384] {strides = array<i32>} : memref<2000xf32, #tpu.memory_space<vmem>>, vector<16xf32>,
        %mul3A_386 = arith.mulf %get3A_385, %add3A_383 : vector<16xf32>
        %sub3A_387 = arith.constant 1.000000e+00 : f32
        %sub3A_388 = vector.broadcast %sub3A_387 : f32 to vector<16xf32>
        %sub3A_389 = arith.subf %sub3A_388, %get3A_385 : vector<16xf32>
        %add3A_390 = arith.addf %sub3A_389, %mul3A_386 : vector<16xf32>
        %div3A_391 = arith.divf %mul3A_386, %add3A_390 : vector<16xf32>
        %swap3A_392 = arith.index_cast %mul3A_372 : i32 to index
        %swap3A_393 = tpu.vector_load %arg18[%swap3A_392] {strides = array<i32>} : memref<2000xf32, #tpu.memory_space<vmem>>, vector<16xf32>,
        tpu.vector_store %arg18[%swap3A_392], %div3A_391 {strides = array<i32>} : memref<2000xf32, #tpu.memory_space<vmem>>, vector<16xf32>,
        %scan3A_394 = arith.constant 3 : i32
        %scan3A_395 = arith.addi %scan3A_320, %scan3A_394 : i32
        %mul3A_396 = arith.constant 16 : i32
        %mul3A_397 = arith.muli %scan3A_395, %mul3A_396 : i32
        %get3A_398 = arith.index_cast %mul3A_397 : i32 to index
        %get3A_399 = tpu.vector_load %arg15[%get3A_398] {strides = array<i32>} : memref<2000xi32, #tpu.memory_space<vmem>>, vector<16xi32>,
        %get3A_400 = arith.index_cast %mul3A_397 : i32 to index
        %get3A_401 = tpu.vector_load %arg16[%get3A_400] {strides = array<i32>} : memref<2000xi32, #tpu.memory_space<vmem>>, vector<16xi32>,
        %gather3A_402 = tpu.vector_load_idx %arg8[%get3A_399] : memref<100000xf32, #tpu.memory_space<vmem>>[vector<16xi32>], vector<16xf32>,
        %gather3A_403 = tpu.vector_load_idx %arg8[%get3A_401] : memref<100000xf32, #tpu.memory_space<vmem>>[vector<16xi32>], vector<16xf32>,
        %max3A_404 = arith.maximumf %gather3A_402, %gather3A_403 : vector<16xf32>
        %mul3A_405 = arith.mulf %max3A_404, %get3A_185 : vector<16xf32>
        %add3A_406 = arith.constant 1.000000e+00 : f32
        %add3A_407 = vector.broadcast %add3A_406 : f32 to vector<16xf32>
        %add3A_408 = arith.addf %add3A_407, %mul3A_405 : vector<16xf32>
        %get3A_409 = arith.index_cast %mul3A_397 : i32 to index
        %get3A_410 = tpu.vector_load %arg17[%get3A_409] {strides = array<i32>} : memref<2000xf32, #tpu.memory_space<vmem>>, vector<16xf32>,
        %mul3A_411 = arith.mulf %get3A_410, %add3A_408 : vector<16xf32>
        %sub3A_412 = arith.constant 1.000000e+00 : f32
        %sub3A_413 = vector.broadcast %sub3A_412 : f32 to vector<16xf32>
        %sub3A_414 = arith.subf %sub3A_413, %get3A_410 : vector<16xf32>
        %add3A_415 = arith.addf %sub3A_414, %mul3A_411 : vector<16xf32>
        %div3A_416 = arith.divf %mul3A_411, %add3A_415 : vector<16xf32>
        %swap3A_417 = arith.index_cast %mul3A_397 : i32 to index
        %swap3A_418 = tpu.vector_load %arg18[%swap3A_417] {strides = array<i32>} : memref<2000xf32, #tpu.memory_space<vmem>>, vector<16xf32>,
        tpu.vector_store %arg18[%swap3A_417], %div3A_416 {strides = array<i32>} : memref<2000xf32, #tpu.memory_space<vmem>>, vector<16xf32>,
        %scan3A_419 = arith.constant 4 : i32
        %scan3A_420 = arith.addi %scan3A_320, %scan3A_419 : i32
        %mul3A_421 = arith.constant 16 : i32
        %mul3A_422 = arith.muli %scan3A_420, %mul3A_421 : i32
        %get3A_423 = arith.index_cast %mul3A_422 : i32 to index
        %get3A_424 = tpu.vector_load %arg15[%get3A_423] {strides = array<i32>} : memref<2000xi32, #tpu.memory_space<vmem>>, vector<16xi32>,
        %get3A_425 = arith.index_cast %mul3A_422 : i32 to index
        %get3A_426 = tpu.vector_load %arg16[%get3A_425] {strides = array<i32>} : memref<2000xi32, #tpu.memory_space<vmem>>, vector<16xi32>,
        %gather3A_427 = tpu.vector_load_idx %arg8[%get3A_424] : memref<100000xf32, #tpu.memory_space<vmem>>[vector<16xi32>], vector<16xf32>,
        %gather3A_428 = tpu.vector_load_idx %arg8[%get3A_426] : memref<100000xf32, #tpu.memory_space<vmem>>[vector<16xi32>], vector<16xf32>,
        %max3A_429 = arith.maximumf %gather3A_427, %gather3A_428 : vector<16xf32>
        %mul3A_430 = arith.mulf %max3A_429, %get3A_185 : vector<16xf32>
        %add3A_431 = arith.constant 1.000000e+00 : f32
        %add3A_432 = vector.broadcast %add3A_431 : f32 to vector<16xf32>
        %add3A_433 = arith.addf %add3A_432, %mul3A_430 : vector<16xf32>
        %get3A_434 = arith.index_cast %mul3A_422 : i32 to index
        %get3A_435 = tpu.vector_load %arg17[%get3A_434] {strides = array<i32>} : memref<2000xf32, #tpu.memory_space<vmem>>, vector<16xf32>,
        %mul3A_436 = arith.mulf %get3A_435, %add3A_433 : vector<16xf32>
        %sub3A_437 = arith.constant 1.000000e+00 : f32
        %sub3A_438 = vector.broadcast %sub3A_437 : f32 to vector<16xf32>
        %sub3A_439 = arith.subf %sub3A_438, %get3A_435 : vector<16xf32>
        %add3A_440 = arith.addf %sub3A_439, %mul3A_436 : vector<16xf32>
        %div3A_441 = arith.divf %mul3A_436, %add3A_440 : vector<16xf32>
        %swap3A_442 = arith.index_cast %mul3A_422 : i32 to index
        %swap3A_443 = tpu.vector_load %arg18[%swap3A_442] {strides = array<i32>} : memref<2000xf32, #tpu.memory_space<vmem>>, vector<16xf32>,
        tpu.vector_store %arg18[%swap3A_442], %div3A_441 {strides = array<i32>} : memref<2000xf32, #tpu.memory_space<vmem>>, vector<16xf32>,
        %scan3A_444 = arith.constant 5 : i32
        %scan3A_445 = arith.addi %scan3A_320, %scan3A_444 : i32
        %mul3A_446 = arith.constant 16 : i32
        %mul3A_447 = arith.muli %scan3A_445, %mul3A_446 : i32
        %get3A_448 = arith.index_cast %mul3A_447 : i32 to index
        %get3A_449 = tpu.vector_load %arg15[%get3A_448] {strides = array<i32>} : memref<2000xi32, #tpu.memory_space<vmem>>, vector<16xi32>,
        %get3A_450 = arith.index_cast %mul3A_447 : i32 to index
        %get3A_451 = tpu.vector_load %arg16[%get3A_450] {strides = array<i32>} : memref<2000xi32, #tpu.memory_space<vmem>>, vector<16xi32>,
        %gather3A_452 = tpu.vector_load_idx %arg8[%get3A_449] : memref<100000xf32, #tpu.memory_space<vmem>>[vector<16xi32>], vector<16xf32>,
        %gather3A_453 = tpu.vector_load_idx %arg8[%get3A_451] : memref<100000xf32, #tpu.memory_space<vmem>>[vector<16xi32>], vector<16xf32>,
        %max3A_454 = arith.maximumf %gather3A_452, %gather3A_453 : vector<16xf32>
        %mul3A_455 = arith.mulf %max3A_454, %get3A_185 : vector<16xf32>
        %add3A_456 = arith.constant 1.000000e+00 : f32
        %add3A_457 = vector.broadcast %add3A_456 : f32 to vector<16xf32>
        %add3A_458 = arith.addf %add3A_457, %mul3A_455 : vector<16xf32>
        %get3A_459 = arith.index_cast %mul3A_447 : i32 to index
        %get3A_460 = tpu.vector_load %arg17[%get3A_459] {strides = array<i32>} : memref<2000xf32, #tpu.memory_space<vmem>>, vector<16xf32>,
        %mul3A_461 = arith.mulf %get3A_460, %add3A_458 : vector<16xf32>
        %sub3A_462 = arith.constant 1.000000e+00 : f32
        %sub3A_463 = vector.broadcast %sub3A_462 : f32 to vector<16xf32>
        %sub3A_464 = arith.subf %sub3A_463, %get3A_460 : vector<16xf32>
        %add3A_465 = arith.addf %sub3A_464, %mul3A_461 : vector<16xf32>
        %div3A_466 = arith.divf %mul3A_461, %add3A_465 : vector<16xf32>
        %swap3A_467 = arith.index_cast %mul3A_447 : i32 to index
        %swap3A_468 = tpu.vector_load %arg18[%swap3A_467] {strides = array<i32>} : memref<2000xf32, #tpu.memory_space<vmem>>, vector<16xf32>,
        tpu.vector_store %arg18[%swap3A_467], %div3A_466 {strides = array<i32>} : memref<2000xf32, #tpu.memory_space<vmem>>, vector<16xf32>,
        %scan3A_469 = arith.constant 6 : i32
        %scan3A_470 = arith.addi %scan3A_320, %scan3A_469 : i32
        %mul3A_471 = arith.constant 16 : i32
        %mul3A_472 = arith.muli %scan3A_470, %mul3A_471 : i32
        %get3A_473 = arith.index_cast %mul3A_472 : i32 to index
        %get3A_474 = tpu.vector_load %arg15[%get3A_473] {strides = array<i32>} : memref<2000xi32, #tpu.memory_space<vmem>>, vector<16xi32>,
        %get3A_475 = arith.index_cast %mul3A_472 : i32 to index
        %get3A_476 = tpu.vector_load %arg16[%get3A_475] {strides = array<i32>} : memref<2000xi32, #tpu.memory_space<vmem>>, vector<16xi32>,
        %gather3A_477 = tpu.vector_load_idx %arg8[%get3A_474] : memref<100000xf32, #tpu.memory_space<vmem>>[vector<16xi32>], vector<16xf32>,
        %gather3A_478 = tpu.vector_load_idx %arg8[%get3A_476] : memref<100000xf32, #tpu.memory_space<vmem>>[vector<16xi32>], vector<16xf32>,
        %max3A_479 = arith.maximumf %gather3A_477, %gather3A_478 : vector<16xf32>
        %mul3A_480 = arith.mulf %max3A_479, %get3A_185 : vector<16xf32>
        %add3A_481 = arith.constant 1.000000e+00 : f32
        %add3A_482 = vector.broadcast %add3A_481 : f32 to vector<16xf32>
        %add3A_483 = arith.addf %add3A_482, %mul3A_480 : vector<16xf32>
        %get3A_484 = arith.index_cast %mul3A_472 : i32 to index
        %get3A_485 = tpu.vector_load %arg17[%get3A_484] {strides = array<i32>} : memref<2000xf32, #tpu.memory_space<vmem>>, vector<16xf32>,
        %mul3A_486 = arith.mulf %get3A_485, %add3A_483 : vector<16xf32>
        %sub3A_487 = arith.constant 1.000000e+00 : f32
        %sub3A_488 = vector.broadcast %sub3A_487 : f32 to vector<16xf32>
        %sub3A_489 = arith.subf %sub3A_488, %get3A_485 : vector<16xf32>
        %add3A_490 = arith.addf %sub3A_489, %mul3A_486 : vector<16xf32>
        %div3A_491 = arith.divf %mul3A_486, %add3A_490 : vector<16xf32>
        %swap3A_492 = arith.index_cast %mul3A_472 : i32 to index
        %swap3A_493 = tpu.vector_load %arg18[%swap3A_492] {strides = array<i32>} : memref<2000xf32, #tpu.memory_space<vmem>>, vector<16xf32>,
        tpu.vector_store %arg18[%swap3A_492], %div3A_491 {strides = array<i32>} : memref<2000xf32, #tpu.memory_space<vmem>>, vector<16xf32>,
        %scan3A_494 = arith.constant 7 : i32
        %scan3A_495 = arith.addi %scan3A_320, %scan3A_494 : i32
        %mul3A_496 = arith.constant 16 : i32
        %mul3A_497 = arith.muli %scan3A_495, %mul3A_496 : i32
        %get3A_498 = arith.index_cast %mul3A_497 : i32 to index
        %get3A_499 = tpu.vector_load %arg15[%get3A_498] {strides = array<i32>} : memref<2000xi32, #tpu.memory_space<vmem>>, vector<16xi32>,
        %get3A_500 = arith.index_cast %mul3A_497 : i32 to index
        %get3A_501 = tpu.vector_load %arg16[%get3A_500] {strides = array<i32>} : memref<2000xi32, #tpu.memory_space<vmem>>, vector<16xi32>,
        %gather3A_502 = tpu.vector_load_idx %arg8[%get3A_499] : memref<100000xf32, #tpu.memory_space<vmem>>[vector<16xi32>], vector<16xf32>,
        %gather3A_503 = tpu.vector_load_idx %arg8[%get3A_501] : memref<100000xf32, #tpu.memory_space<vmem>>[vector<16xi32>], vector<16xf32>,
        %max3A_504 = arith.maximumf %gather3A_502, %gather3A_503 : vector<16xf32>
        %mul3A_505 = arith.mulf %max3A_504, %get3A_185 : vector<16xf32>
        %add3A_506 = arith.constant 1.000000e+00 : f32
        %add3A_507 = vector.broadcast %add3A_506 : f32 to vector<16xf32>
        %add3A_508 = arith.addf %add3A_507, %mul3A_505 : vector<16xf32>
        %get3A_509 = arith.index_cast %mul3A_497 : i32 to index
        %get3A_510 = tpu.vector_load %arg17[%get3A_509] {strides = array<i32>} : memref<2000xf32, #tpu.memory_space<vmem>>, vector<16xf32>,
        %mul3A_511 = arith.mulf %get3A_510, %add3A_508 : vector<16xf32>
        %sub3A_512 = arith.constant 1.000000e+00 : f32
        %sub3A_513 = vector.broadcast %sub3A_512 : f32 to vector<16xf32>
        %sub3A_514 = arith.subf %sub3A_513, %get3A_510 : vector<16xf32>
        %add3A_515 = arith.addf %sub3A_514, %mul3A_511 : vector<16xf32>
        %div3A_516 = arith.divf %mul3A_511, %add3A_515 : vector<16xf32>
        %swap3A_517 = arith.index_cast %mul3A_497 : i32 to index
        %swap3A_518 = tpu.vector_load %arg18[%swap3A_517] {strides = array<i32>} : memref<2000xf32, #tpu.memory_space<vmem>>, vector<16xf32>,
        tpu.vector_store %arg18[%swap3A_517], %div3A_516 {strides = array<i32>} : memref<2000xf32, #tpu.memory_space<vmem>>, vector<16xf32>,
      }
      %scan3A_191 = arith.constant 120 : i32
      %scan3A_192 = arith.addi %scan3A_187, %scan3A_191 : i32
      %mul3A_193 = arith.constant 16 : i32
      %mul3A_194 = arith.muli %scan3A_192, %mul3A_193 : i32
      %get3A_195 = arith.index_cast %mul3A_194 : i32 to index
      %get3A_196 = tpu.vector_load %arg15[%get3A_195] {strides = array<i32>} : memref<2000xi32, #tpu.memory_space<vmem>>, vector<16xi32>,
      %get3A_197 = arith.index_cast %mul3A_194 : i32 to index
      %get3A_198 = tpu.vector_load %arg16[%get3A_197] {strides = array<i32>} : memref<2000xi32, #tpu.memory_space<vmem>>, vector<16xi32>,
      %gather3A_199 = tpu.vector_load_idx %arg8[%get3A_196] : memref<100000xf32, #tpu.memory_space<vmem>>[vector<16xi32>], vector<16xf32>,
      %gather3A_200 = tpu.vector_load_idx %arg8[%get3A_198] : memref<100000xf32, #tpu.memory_space<vmem>>[vector<16xi32>], vector<16xf32>,
      %max3A_201 = arith.maximumf %gather3A_199, %gather3A_200 : vector<16xf32>
      %mul3A_202 = arith.mulf %max3A_201, %get3A_185 : vector<16xf32>
      %add3A_203 = arith.constant 1.000000e+00 : f32
      %add3A_204 = vector.broadcast %add3A_203 : f32 to vector<16xf32>
      %add3A_205 = arith.addf %add3A_204, %mul3A_202 : vector<16xf32>
      %get3A_206 = arith.index_cast %mul3A_194 : i32 to index
      %get3A_207 = tpu.vector_load %arg17[%get3A_206] {strides = array<i32>} : memref<2000xf32, #tpu.memory_space<vmem>>, vector<16xf32>,
      %mul3A_208 = arith.mulf %get3A_207, %add3A_205 : vector<16xf32>
      %sub3A_209 = arith.constant 1.000000e+00 : f32
      %sub3A_210 = vector.broadcast %sub3A_209 : f32 to vector<16xf32>
      %sub3A_211 = arith.subf %sub3A_210, %get3A_207 : vector<16xf32>
      %add3A_212 = arith.addf %sub3A_211, %mul3A_208 : vector<16xf32>
      %div3A_213 = arith.divf %mul3A_208, %add3A_212 : vector<16xf32>
      %swap3A_214 = arith.index_cast %mul3A_194 : i32 to index
      %swap3A_215 = tpu.vector_load %arg18[%swap3A_214] {strides = array<i32>} : memref<2000xf32, #tpu.memory_space<vmem>>, vector<16xf32>,
      tpu.vector_store %arg18[%swap3A_214], %div3A_213 {strides = array<i32>} : memref<2000xf32, #tpu.memory_space<vmem>>, vector<16xf32>,
      %scan3A_216 = arith.constant 121 : i32
      %scan3A_217 = arith.addi %scan3A_187, %scan3A_216 : i32
      %mul3A_218 = arith.constant 16 : i32
      %mul3A_219 = arith.muli %scan3A_217, %mul3A_218 : i32
      %get3A_220 = arith.index_cast %mul3A_219 : i32 to index
      %get3A_221 = tpu.vector_load %arg15[%get3A_220] {strides = array<i32>} : memref<2000xi32, #tpu.memory_space<vmem>>, vector<16xi32>,
      %get3A_222 = arith.index_cast %mul3A_219 : i32 to index
      %get3A_223 = tpu.vector_load %arg16[%get3A_222] {strides = array<i32>} : memref<2000xi32, #tpu.memory_space<vmem>>, vector<16xi32>,
      %gather3A_224 = tpu.vector_load_idx %arg8[%get3A_221] : memref<100000xf32, #tpu.memory_space<vmem>>[vector<16xi32>], vector<16xf32>,
      %gather3A_225 = tpu.vector_load_idx %arg8[%get3A_223] : memref<100000xf32, #tpu.memory_space<vmem>>[vector<16xi32>], vector<16xf32>,
      %max3A_226 = arith.maximumf %gather3A_224, %gather3A_225 : vector<16xf32>
      %mul3A_227 = arith.mulf %max3A_226, %get3A_185 : vector<16xf32>
      %add3A_228 = arith.constant 1.000000e+00 : f32
      %add3A_229 = vector.broadcast %add3A_228 : f32 to vector<16xf32>
      %add3A_230 = arith.addf %add3A_229, %mul3A_227 : vector<16xf32>
      %get3A_231 = arith.index_cast %mul3A_219 : i32 to index
      %get3A_232 = tpu.vector_load %arg17[%get3A_231] {strides = array<i32>} : memref<2000xf32, #tpu.memory_space<vmem>>, vector<16xf32>,
      %mul3A_233 = arith.mulf %get3A_232, %add3A_230 : vector<16xf32>
      %sub3A_234 = arith.constant 1.000000e+00 : f32
      %sub3A_235 = vector.broadcast %sub3A_234 : f32 to vector<16xf32>
      %sub3A_236 = arith.subf %sub3A_235, %get3A_232 : vector<16xf32>
      %add3A_237 = arith.addf %sub3A_236, %mul3A_233 : vector<16xf32>
      %div3A_238 = arith.divf %mul3A_233, %add3A_237 : vector<16xf32>
      %swap3A_239 = arith.index_cast %mul3A_219 : i32 to index
      %swap3A_240 = tpu.vector_load %arg18[%swap3A_239] {strides = array<i32>} : memref<2000xf32, #tpu.memory_space<vmem>>, vector<16xf32>,
      tpu.vector_store %arg18[%swap3A_239], %div3A_238 {strides = array<i32>} : memref<2000xf32, #tpu.memory_space<vmem>>, vector<16xf32>,
      %scan3A_241 = arith.constant 122 : i32
      %scan3A_242 = arith.addi %scan3A_187, %scan3A_241 : i32
      %mul3A_243 = arith.constant 16 : i32
      %mul3A_244 = arith.muli %scan3A_242, %mul3A_243 : i32
      %get3A_245 = arith.index_cast %mul3A_244 : i32 to index
      %get3A_246 = tpu.vector_load %arg15[%get3A_245] {strides = array<i32>} : memref<2000xi32, #tpu.memory_space<vmem>>, vector<16xi32>,
      %get3A_247 = arith.index_cast %mul3A_244 : i32 to index
      %get3A_248 = tpu.vector_load %arg16[%get3A_247] {strides = array<i32>} : memref<2000xi32, #tpu.memory_space<vmem>>, vector<16xi32>,
      %gather3A_249 = tpu.vector_load_idx %arg8[%get3A_246] : memref<100000xf32, #tpu.memory_space<vmem>>[vector<16xi32>], vector<16xf32>,
      %gather3A_250 = tpu.vector_load_idx %arg8[%get3A_248] : memref<100000xf32, #tpu.memory_space<vmem>>[vector<16xi32>], vector<16xf32>,
      %max3A_251 = arith.maximumf %gather3A_249, %gather3A_250 : vector<16xf32>
      %mul3A_252 = arith.mulf %max3A_251, %get3A_185 : vector<16xf32>
      %add3A_253 = arith.constant 1.000000e+00 : f32
      %add3A_254 = vector.broadcast %add3A_253 : f32 to vector<16xf32>
      %add3A_255 = arith.addf %add3A_254, %mul3A_252 : vector<16xf32>
      %get3A_256 = arith.index_cast %mul3A_244 : i32 to index
      %get3A_257 = tpu.vector_load %arg17[%get3A_256] {strides = array<i32>} : memref<2000xf32, #tpu.memory_space<vmem>>, vector<16xf32>,
      %mul3A_258 = arith.mulf %get3A_257, %add3A_255 : vector<16xf32>
      %sub3A_259 = arith.constant 1.000000e+00 : f32
      %sub3A_260 = vector.broadcast %sub3A_259 : f32 to vector<16xf32>
      %sub3A_261 = arith.subf %sub3A_260, %get3A_257 : vector<16xf32>
      %add3A_262 = arith.addf %sub3A_261, %mul3A_258 : vector<16xf32>
      %div3A_263 = arith.divf %mul3A_258, %add3A_262 : vector<16xf32>
      %swap3A_264 = arith.index_cast %mul3A_244 : i32 to index
      %swap3A_265 = tpu.vector_load %arg18[%swap3A_264] {strides = array<i32>} : memref<2000xf32, #tpu.memory_space<vmem>>, vector<16xf32>,
      tpu.vector_store %arg18[%swap3A_264], %div3A_263 {strides = array<i32>} : memref<2000xf32, #tpu.memory_space<vmem>>, vector<16xf32>,
      %scan3A_266 = arith.constant 123 : i32
      %scan3A_267 = arith.addi %scan3A_187, %scan3A_266 : i32
      %mul3A_268 = arith.constant 16 : i32
      %mul3A_269 = arith.muli %scan3A_267, %mul3A_268 : i32
      %get3A_270 = arith.index_cast %mul3A_269 : i32 to index
      %get3A_271 = tpu.vector_load %arg15[%get3A_270] {strides = array<i32>} : memref<2000xi32, #tpu.memory_space<vmem>>, vector<16xi32>,
      %get3A_272 = arith.index_cast %mul3A_269 : i32 to index
      %get3A_273 = tpu.vector_load %arg16[%get3A_272] {strides = array<i32>} : memref<2000xi32, #tpu.memory_space<vmem>>, vector<16xi32>,
      %gather3A_274 = tpu.vector_load_idx %arg8[%get3A_271] : memref<100000xf32, #tpu.memory_space<vmem>>[vector<16xi32>], vector<16xf32>,
      %gather3A_275 = tpu.vector_load_idx %arg8[%get3A_273] : memref<100000xf32, #tpu.memory_space<vmem>>[vector<16xi32>], vector<16xf32>,
      %max3A_276 = arith.maximumf %gather3A_274, %gather3A_275 : vector<16xf32>
      %mul3A_277 = arith.mulf %max3A_276, %get3A_185 : vector<16xf32>
      %add3A_278 = arith.constant 1.000000e+00 : f32
      %add3A_279 = vector.broadcast %add3A_278 : f32 to vector<16xf32>
      %add3A_280 = arith.addf %add3A_279, %mul3A_277 : vector<16xf32>
      %get3A_281 = arith.index_cast %mul3A_269 : i32 to index
      %get3A_282 = tpu.vector_load %arg17[%get3A_281] {strides = array<i32>} : memref<2000xf32, #tpu.memory_space<vmem>>, vector<16xf32>,
      %mul3A_283 = arith.mulf %get3A_282, %add3A_280 : vector<16xf32>
      %sub3A_284 = arith.constant 1.000000e+00 : f32
      %sub3A_285 = vector.broadcast %sub3A_284 : f32 to vector<16xf32>
      %sub3A_286 = arith.subf %sub3A_285, %get3A_282 : vector<16xf32>
      %add3A_287 = arith.addf %sub3A_286, %mul3A_283 : vector<16xf32>
      %div3A_288 = arith.divf %mul3A_283, %add3A_287 : vector<16xf32>
      %swap3A_289 = arith.index_cast %mul3A_269 : i32 to index
      %swap3A_290 = tpu.vector_load %arg18[%swap3A_289] {strides = array<i32>} : memref<2000xf32, #tpu.memory_space<vmem>>, vector<16xf32>,
      tpu.vector_store %arg18[%swap3A_289], %div3A_288 {strides = array<i32>} : memref<2000xf32, #tpu.memory_space<vmem>>, vector<16xf32>,
      %scan3A_291 = arith.constant 124 : i32
      %scan3A_292 = arith.addi %scan3A_187, %scan3A_291 : i32
      %mul3A_293 = arith.constant 16 : i32
      %mul3A_294 = arith.muli %scan3A_292, %mul3A_293 : i32
      %get3A_295 = arith.index_cast %mul3A_294 : i32 to index
      %get3A_296 = tpu.vector_load %arg15[%get3A_295] {strides = array<i32>} : memref<2000xi32, #tpu.memory_space<vmem>>, vector<16xi32>,
      %get3A_297 = arith.index_cast %mul3A_294 : i32 to index
      %get3A_298 = tpu.vector_load %arg16[%get3A_297] {strides = array<i32>} : memref<2000xi32, #tpu.memory_space<vmem>>, vector<16xi32>,
      %gather3A_299 = tpu.vector_load_idx %arg8[%get3A_296] : memref<100000xf32, #tpu.memory_space<vmem>>[vector<16xi32>], vector<16xf32>,
      %gather3A_300 = tpu.vector_load_idx %arg8[%get3A_298] : memref<100000xf32, #tpu.memory_space<vmem>>[vector<16xi32>], vector<16xf32>,
      %max3A_301 = arith.maximumf %gather3A_299, %gather3A_300 : vector<16xf32>
      %mul3A_302 = arith.mulf %max3A_301, %get3A_185 : vector<16xf32>
      %add3A_303 = arith.constant 1.000000e+00 : f32
      %add3A_304 = vector.broadcast %add3A_303 : f32 to vector<16xf32>
      %add3A_305 = arith.addf %add3A_304, %mul3A_302 : vector<16xf32>
      %get3A_306 = arith.index_cast %mul3A_294 : i32 to index
      %get3A_307 = tpu.vector_load %arg17[%get3A_306] {strides = array<i32>} : memref<2000xf32, #tpu.memory_space<vmem>>, vector<16xf32>,
      %mul3A_308 = arith.mulf %get3A_307, %add3A_305 : vector<16xf32>
      %sub3A_309 = arith.constant 1.000000e+00 : f32
      %sub3A_310 = vector.broadcast %sub3A_309 : f32 to vector<16xf32>
      %sub3A_311 = arith.subf %sub3A_310, %get3A_307 : vector<16xf32>
      %add3A_312 = arith.addf %sub3A_311, %mul3A_308 : vector<16xf32>
      %div3A_313 = arith.divf %mul3A_308, %add3A_312 : vector<16xf32>
      %swap3A_314 = arith.index_cast %mul3A_294 : i32 to index
      %swap3A_315 = tpu.vector_load %arg18[%swap3A_314] {strides = array<i32>} : memref<2000xf32, #tpu.memory_space<vmem>>, vector<16xf32>,
      tpu.vector_store %arg18[%swap3A_314], %div3A_313 {strides = array<i32>} : memref<2000xf32, #tpu.memory_space<vmem>>, vector<16xf32>,
      %scan3A_316 = arith.constant 125 : i32
      %mul3A_317 = arith.constant 2000 : i32
      %mul3A_318 = arith.muli %add3A_183, %mul3A_317 : i32
      %add3A_319 = arith.addi %mul3A_2, %mul3A_318 : i32
      "tpu.region"() ({
        %run_scoped3A = tpu.sem_alloc : memref<!tpu.dma_semaphore, #tpu.memory_space<semaphore_mem>>
        %dma_start3A_320 = tpu.memref_slice %arg7[%add3A_319] : memref<6400000xf32, #tpu.memory_space<hbm>> -> memref<2000xf32, #tpu.memory_space<hbm>>
        %dma_start3A_321 = tpu.memref_slice %arg7[%add3A_319] : memref<6400000xf32, #tpu.memory_space<hbm>> -> memref<2000xf32, #tpu.memory_space<hbm>>
        tpu.enqueue_dma source(%arg18 : memref<2000xf32, #tpu.memory_space<vmem>>) target(%dma_start3A_321 : memref<2000xf32, #tpu.memory_space<hbm>>) target_semaphore(%run_scoped3A : memref<!tpu.dma_semaphore, #tpu.memory_space<semaphore_mem>>)
        %dma_wait3A_322 = tpu.memref_slice %arg7[%add3A_319] : memref<6400000xf32, #tpu.memory_space<hbm>> -> memref<2000xf32, #tpu.memory_space<hbm>>
        %dma_wait3A_323 = tpu.memref_slice %arg7[%add3A_319] : memref<6400000xf32, #tpu.memory_space<hbm>> -> memref<2000xf32, #tpu.memory_space<hbm>>
        tpu.wait_dma2 semaphore(%run_scoped3A : memref<!tpu.dma_semaphore, #tpu.memory_space<semaphore_mem>>) src(%arg18 : memref<2000xf32, #tpu.memory_space<vmem>>) dst(%dma_wait3A_323 : memref<2000xf32, #tpu.memory_space<hbm>>)
        tpu.yield
      }) : () -> ()
    }
    %scan3A_14 = arith.constant 50 : i32
    return
  }
}

#map = affine_map<(d0, d1) -> (0)>
#map1 = affine_map<(d0, d1) -> (0, 0)>
module attributes {stable_mosaic.version = 14 : i64} {
  func.func @body(%arg0: i32, %arg1: i32, %arg2: memref<6400000xi32, #tpu.memory_space<hbm>>, %arg3: memref<6400000xi32, #tpu.memory_space<hbm>>, %arg4: memref<6400000xf32, #tpu.memory_space<hbm>>, %arg5: memref<32x100096xf32, #tpu.memory_space<hbm>>, %arg6: memref<100096xf32, #tpu.memory_space<vmem>>, %arg7: memref<4000xi32, #tpu.memory_space<vmem>>, %arg8: memref<4000xi32, #tpu.memory_space<vmem>>, %arg9: memref<4000xf32, #tpu.memory_space<vmem>>, %arg10: memref<!tpu.dma_semaphore, #tpu.memory_space<semaphore_mem>>, %arg11: memref<4000xi32, #tpu.memory_space<vmem>>, %arg12: memref<4000xi32, #tpu.memory_space<vmem>>, %arg13: memref<4000xf32, #tpu.memory_space<vmem>>, %arg14: memref<!tpu.dma_semaphore, #tpu.memory_space<semaphore_mem>>) attributes {dimension_semantics = [#tpu.dimension_semantics<core_parallel>, #tpu.dimension_semantics<subcore_parallel>], iteration_bounds = array<i64: 2, 16>, scalar_prefetch = 0 : i64, scratch_operands = 9 : i64, tpu.core_type = #tpu.core_type<sc_vector_subcore>, window_params = [{transform_indices = #map}, {transform_indices = #map}, {transform_indices = #map}, {transform_indices = #map1}]} {
    %mul3A = arith.constant 16 : i32
    %mul3A_0 = arith.muli %arg0, %mul3A : i32
    %add3A = arith.addi %mul3A_0, %arg1 : i32
    %scan3A = arith.constant 0 : i32
    %scan3A_1 = arith.constant 0 : i32
    %scan3A_2 = arith.constant 6256 : i32
    %scan3A_3 = arith.addi %scan3A_1, %scan3A_2 : i32
    %scan3A_4 = arith.constant 4 : i32
    scf.for %scan3A_22 = %scan3A_1 to %scan3A_3 step %scan3A_4  : i32 {
      %broadcast_in_dim3A_23 = arith.constant 0.000000e+00 : f32
      %broadcast_in_dim3A_24 = vector.broadcast %broadcast_in_dim3A_23 : f32 to vector<16xf32>
      %mul3A_25 = arith.constant 16 : i32
      %mul3A_26 = arith.muli %scan3A_22, %mul3A_25 : i32
      %swap3A = arith.index_cast %mul3A_26 : i32 to index
      %swap3A_27 = tpu.vector_load %arg6[%swap3A] {strides = array<i32>} : memref<100096xf32, #tpu.memory_space<vmem>>, vector<16xf32>,
      tpu.vector_store %arg6[%swap3A], %broadcast_in_dim3A_24 {strides = array<i32>} : memref<100096xf32, #tpu.memory_space<vmem>>, vector<16xf32>,
      %scan3A_28 = arith.constant 1 : i32
      %scan3A_29 = arith.addi %scan3A_22, %scan3A_28 : i32
      %broadcast_in_dim3A_30 = arith.constant 0.000000e+00 : f32
      %broadcast_in_dim3A_31 = vector.broadcast %broadcast_in_dim3A_30 : f32 to vector<16xf32>
      %mul3A_32 = arith.constant 16 : i32
      %mul3A_33 = arith.muli %scan3A_29, %mul3A_32 : i32
      %swap3A_34 = arith.index_cast %mul3A_33 : i32 to index
      %swap3A_35 = tpu.vector_load %arg6[%swap3A_34] {strides = array<i32>} : memref<100096xf32, #tpu.memory_space<vmem>>, vector<16xf32>,
      tpu.vector_store %arg6[%swap3A_34], %broadcast_in_dim3A_31 {strides = array<i32>} : memref<100096xf32, #tpu.memory_space<vmem>>, vector<16xf32>,
      %scan3A_36 = arith.constant 2 : i32
      %scan3A_37 = arith.addi %scan3A_22, %scan3A_36 : i32
      %broadcast_in_dim3A_38 = arith.constant 0.000000e+00 : f32
      %broadcast_in_dim3A_39 = vector.broadcast %broadcast_in_dim3A_38 : f32 to vector<16xf32>
      %mul3A_40 = arith.constant 16 : i32
      %mul3A_41 = arith.muli %scan3A_37, %mul3A_40 : i32
      %swap3A_42 = arith.index_cast %mul3A_41 : i32 to index
      %swap3A_43 = tpu.vector_load %arg6[%swap3A_42] {strides = array<i32>} : memref<100096xf32, #tpu.memory_space<vmem>>, vector<16xf32>,
      tpu.vector_store %arg6[%swap3A_42], %broadcast_in_dim3A_39 {strides = array<i32>} : memref<100096xf32, #tpu.memory_space<vmem>>, vector<16xf32>,
      %scan3A_44 = arith.constant 3 : i32
      %scan3A_45 = arith.addi %scan3A_22, %scan3A_44 : i32
      %broadcast_in_dim3A_46 = arith.constant 0.000000e+00 : f32
      %broadcast_in_dim3A_47 = vector.broadcast %broadcast_in_dim3A_46 : f32 to vector<16xf32>
      %mul3A_48 = arith.constant 16 : i32
      %mul3A_49 = arith.muli %scan3A_45, %mul3A_48 : i32
      %swap3A_50 = arith.index_cast %mul3A_49 : i32 to index
      %swap3A_51 = tpu.vector_load %arg6[%swap3A_50] {strides = array<i32>} : memref<100096xf32, #tpu.memory_space<vmem>>, vector<16xf32>,
      tpu.vector_store %arg6[%swap3A_50], %broadcast_in_dim3A_47 {strides = array<i32>} : memref<100096xf32, #tpu.memory_space<vmem>>, vector<16xf32>,
    }
    %scan3A_5 = arith.constant 6256 : i32
    %mul3A_6 = arith.constant 200000 : i32
    %mul3A_7 = arith.muli %add3A, %mul3A_6 : i32
    %broadcast_in_dim3A = arith.constant 1.000000e+00 : f32
    %broadcast_in_dim3A_8 = vector.broadcast %broadcast_in_dim3A : f32 to vector<16xf32>
    %add3A_9 = arith.constant 0 : i32
    %add3A_10 = arith.addi %mul3A_7, %add3A_9 : i32
    %dma_start3A = tpu.memref_slice %arg2[%add3A_10] : memref<6400000xi32, #tpu.memory_space<hbm>> -> memref<4000xi32, #tpu.memory_space<hbm>>
    %dma_start3A_11 = tpu.memref_slice %arg2[%add3A_10] : memref<6400000xi32, #tpu.memory_space<hbm>> -> memref<4000xi32, #tpu.memory_space<hbm>>
    tpu.enqueue_dma source(%dma_start3A_11 : memref<4000xi32, #tpu.memory_space<hbm>>) target(%arg7 : memref<4000xi32, #tpu.memory_space<vmem>>) target_semaphore(%arg10 : memref<!tpu.dma_semaphore, #tpu.memory_space<semaphore_mem>>)
    %dma_start3A_12 = tpu.memref_slice %arg3[%add3A_10] : memref<6400000xi32, #tpu.memory_space<hbm>> -> memref<4000xi32, #tpu.memory_space<hbm>>
    %dma_start3A_13 = tpu.memref_slice %arg3[%add3A_10] : memref<6400000xi32, #tpu.memory_space<hbm>> -> memref<4000xi32, #tpu.memory_space<hbm>>
    tpu.enqueue_dma source(%dma_start3A_13 : memref<4000xi32, #tpu.memory_space<hbm>>) target(%arg8 : memref<4000xi32, #tpu.memory_space<vmem>>) target_semaphore(%arg10 : memref<!tpu.dma_semaphore, #tpu.memory_space<semaphore_mem>>)
    %dma_start3A_14 = tpu.memref_slice %arg4[%add3A_10] : memref<6400000xf32, #tpu.memory_space<hbm>> -> memref<4000xf32, #tpu.memory_space<hbm>>
    %dma_start3A_15 = tpu.memref_slice %arg4[%add3A_10] : memref<6400000xf32, #tpu.memory_space<hbm>> -> memref<4000xf32, #tpu.memory_space<hbm>>
    tpu.enqueue_dma source(%dma_start3A_15 : memref<4000xf32, #tpu.memory_space<hbm>>) target(%arg9 : memref<4000xf32, #tpu.memory_space<vmem>>) target_semaphore(%arg10 : memref<!tpu.dma_semaphore, #tpu.memory_space<semaphore_mem>>)
    %scan3A_16 = arith.constant 0 : i32
    %scan3A_17 = arith.constant 0 : i32
    %scan3A_18 = arith.constant 25 : i32
    %scan3A_19 = arith.addi %scan3A_17, %scan3A_18 : i32
    %scan3A_20 = arith.constant 1 : i32
    scf.for %scan3A_22 = %scan3A_17 to %scan3A_19 step %scan3A_20  : i32 {
      %mul3A_23 = arith.constant 2 : i32
      %mul3A_24 = arith.muli %mul3A_23, %scan3A_22 : i32
      %add3A_25 = arith.constant 1 : i32
      %add3A_26 = arith.addi %mul3A_24, %add3A_25 : i32
      %mul3A_27 = arith.constant 4000 : i32
      %mul3A_28 = arith.muli %add3A_26, %mul3A_27 : i32
      %add3A_29 = arith.addi %mul3A_7, %mul3A_28 : i32
      %dma_start3A_30 = tpu.memref_slice %arg2[%add3A_29] : memref<6400000xi32, #tpu.memory_space<hbm>> -> memref<4000xi32, #tpu.memory_space<hbm>>
      %dma_start3A_31 = tpu.memref_slice %arg2[%add3A_29] : memref<6400000xi32, #tpu.memory_space<hbm>> -> memref<4000xi32, #tpu.memory_space<hbm>>
      tpu.enqueue_dma source(%dma_start3A_31 : memref<4000xi32, #tpu.memory_space<hbm>>) target(%arg11 : memref<4000xi32, #tpu.memory_space<vmem>>) target_semaphore(%arg14 : memref<!tpu.dma_semaphore, #tpu.memory_space<semaphore_mem>>)
      %dma_start3A_32 = tpu.memref_slice %arg3[%add3A_29] : memref<6400000xi32, #tpu.memory_space<hbm>> -> memref<4000xi32, #tpu.memory_space<hbm>>
      %dma_start3A_33 = tpu.memref_slice %arg3[%add3A_29] : memref<6400000xi32, #tpu.memory_space<hbm>> -> memref<4000xi32, #tpu.memory_space<hbm>>
      tpu.enqueue_dma source(%dma_start3A_33 : memref<4000xi32, #tpu.memory_space<hbm>>) target(%arg12 : memref<4000xi32, #tpu.memory_space<vmem>>) target_semaphore(%arg14 : memref<!tpu.dma_semaphore, #tpu.memory_space<semaphore_mem>>)
      %dma_start3A_34 = tpu.memref_slice %arg4[%add3A_29] : memref<6400000xf32, #tpu.memory_space<hbm>> -> memref<4000xf32, #tpu.memory_space<hbm>>
      %dma_start3A_35 = tpu.memref_slice %arg4[%add3A_29] : memref<6400000xf32, #tpu.memory_space<hbm>> -> memref<4000xf32, #tpu.memory_space<hbm>>
      tpu.enqueue_dma source(%dma_start3A_35 : memref<4000xf32, #tpu.memory_space<hbm>>) target(%arg13 : memref<4000xf32, #tpu.memory_space<vmem>>) target_semaphore(%arg14 : memref<!tpu.dma_semaphore, #tpu.memory_space<semaphore_mem>>)
      %mul3A_36 = arith.constant 4000 : i32
      %mul3A_37 = arith.muli %mul3A_24, %mul3A_36 : i32
      %add3A_38 = arith.addi %mul3A_7, %mul3A_37 : i32
      %dma_wait3A = tpu.memref_slice %arg2[%add3A_38] : memref<6400000xi32, #tpu.memory_space<hbm>> -> memref<4000xi32, #tpu.memory_space<hbm>>
      %dma_wait3A_39 = tpu.memref_slice %arg2[%add3A_38] : memref<6400000xi32, #tpu.memory_space<hbm>> -> memref<4000xi32, #tpu.memory_space<hbm>>
      tpu.wait_dma2 semaphore(%arg10 : memref<!tpu.dma_semaphore, #tpu.memory_space<semaphore_mem>>) src(%dma_wait3A_39 : memref<4000xi32, #tpu.memory_space<hbm>>) dst(%arg7 : memref<4000xi32, #tpu.memory_space<vmem>>)
      %dma_wait3A_40 = tpu.memref_slice %arg3[%add3A_38] : memref<6400000xi32, #tpu.memory_space<hbm>> -> memref<4000xi32, #tpu.memory_space<hbm>>
      %dma_wait3A_41 = tpu.memref_slice %arg3[%add3A_38] : memref<6400000xi32, #tpu.memory_space<hbm>> -> memref<4000xi32, #tpu.memory_space<hbm>>
      tpu.wait_dma2 semaphore(%arg10 : memref<!tpu.dma_semaphore, #tpu.memory_space<semaphore_mem>>) src(%dma_wait3A_41 : memref<4000xi32, #tpu.memory_space<hbm>>) dst(%arg8 : memref<4000xi32, #tpu.memory_space<vmem>>)
      %dma_wait3A_42 = tpu.memref_slice %arg4[%add3A_38] : memref<6400000xf32, #tpu.memory_space<hbm>> -> memref<4000xf32, #tpu.memory_space<hbm>>
      %dma_wait3A_43 = tpu.memref_slice %arg4[%add3A_38] : memref<6400000xf32, #tpu.memory_space<hbm>> -> memref<4000xf32, #tpu.memory_space<hbm>>
      tpu.wait_dma2 semaphore(%arg10 : memref<!tpu.dma_semaphore, #tpu.memory_space<semaphore_mem>>) src(%dma_wait3A_43 : memref<4000xf32, #tpu.memory_space<hbm>>) dst(%arg9 : memref<4000xf32, #tpu.memory_space<vmem>>)
      %scan3A_44 = arith.constant 0 : i32
      %scan3A_45 = arith.constant 0 : i32
      %scan3A_46 = arith.constant 248 : i32
      %scan3A_47 = arith.addi %scan3A_45, %scan3A_46 : i32
      %scan3A_48 = arith.constant 4 : i32
      scf.for %scan3A_110 = %scan3A_45 to %scan3A_47 step %scan3A_48  : i32 {
        %mul3A_111 = arith.constant 16 : i32
        %mul3A_112 = arith.muli %scan3A_110, %mul3A_111 : i32
        %get3A_113 = arith.index_cast %mul3A_112 : i32 to index
        %get3A_114 = tpu.vector_load %arg9[%get3A_113] {strides = array<i32>} : memref<4000xf32, #tpu.memory_space<vmem>>, vector<16xf32>,
        %get3A_115 = arith.index_cast %mul3A_112 : i32 to index
        %get3A_116 = tpu.vector_load %arg7[%get3A_115] {strides = array<i32>} : memref<4000xi32, #tpu.memory_space<vmem>>, vector<16xi32>,
        tpu.vector_store_idx %arg6[%get3A_116], %get3A_114 {add = true} : memref<100096xf32, #tpu.memory_space<vmem>>[vector<16xi32>], vector<16xf32>,
        %get3A_117 = arith.index_cast %mul3A_112 : i32 to index
        %get3A_118 = tpu.vector_load %arg8[%get3A_117] {strides = array<i32>} : memref<4000xi32, #tpu.memory_space<vmem>>, vector<16xi32>,
        tpu.vector_store_idx %arg6[%get3A_118], %get3A_114 {add = true} : memref<100096xf32, #tpu.memory_space<vmem>>[vector<16xi32>], vector<16xf32>,
        %scan3A_119 = arith.constant 1 : i32
        %scan3A_120 = arith.addi %scan3A_110, %scan3A_119 : i32
        %mul3A_121 = arith.constant 16 : i32
        %mul3A_122 = arith.muli %scan3A_120, %mul3A_121 : i32
        %get3A_123 = arith.index_cast %mul3A_122 : i32 to index
        %get3A_124 = tpu.vector_load %arg9[%get3A_123] {strides = array<i32>} : memref<4000xf32, #tpu.memory_space<vmem>>, vector<16xf32>,
        %get3A_125 = arith.index_cast %mul3A_122 : i32 to index
        %get3A_126 = tpu.vector_load %arg7[%get3A_125] {strides = array<i32>} : memref<4000xi32, #tpu.memory_space<vmem>>, vector<16xi32>,
        tpu.vector_store_idx %arg6[%get3A_126], %get3A_124 {add = true} : memref<100096xf32, #tpu.memory_space<vmem>>[vector<16xi32>], vector<16xf32>,
        %get3A_127 = arith.index_cast %mul3A_122 : i32 to index
        %get3A_128 = tpu.vector_load %arg8[%get3A_127] {strides = array<i32>} : memref<4000xi32, #tpu.memory_space<vmem>>, vector<16xi32>,
        tpu.vector_store_idx %arg6[%get3A_128], %get3A_124 {add = true} : memref<100096xf32, #tpu.memory_space<vmem>>[vector<16xi32>], vector<16xf32>,
        %scan3A_129 = arith.constant 2 : i32
        %scan3A_130 = arith.addi %scan3A_110, %scan3A_129 : i32
        %mul3A_131 = arith.constant 16 : i32
        %mul3A_132 = arith.muli %scan3A_130, %mul3A_131 : i32
        %get3A_133 = arith.index_cast %mul3A_132 : i32 to index
        %get3A_134 = tpu.vector_load %arg9[%get3A_133] {strides = array<i32>} : memref<4000xf32, #tpu.memory_space<vmem>>, vector<16xf32>,
        %get3A_135 = arith.index_cast %mul3A_132 : i32 to index
        %get3A_136 = tpu.vector_load %arg7[%get3A_135] {strides = array<i32>} : memref<4000xi32, #tpu.memory_space<vmem>>, vector<16xi32>,
        tpu.vector_store_idx %arg6[%get3A_136], %get3A_134 {add = true} : memref<100096xf32, #tpu.memory_space<vmem>>[vector<16xi32>], vector<16xf32>,
        %get3A_137 = arith.index_cast %mul3A_132 : i32 to index
        %get3A_138 = tpu.vector_load %arg8[%get3A_137] {strides = array<i32>} : memref<4000xi32, #tpu.memory_space<vmem>>, vector<16xi32>,
        tpu.vector_store_idx %arg6[%get3A_138], %get3A_134 {add = true} : memref<100096xf32, #tpu.memory_space<vmem>>[vector<16xi32>], vector<16xf32>,
        %scan3A_139 = arith.constant 3 : i32
        %scan3A_140 = arith.addi %scan3A_110, %scan3A_139 : i32
        %mul3A_141 = arith.constant 16 : i32
        %mul3A_142 = arith.muli %scan3A_140, %mul3A_141 : i32
        %get3A_143 = arith.index_cast %mul3A_142 : i32 to index
        %get3A_144 = tpu.vector_load %arg9[%get3A_143] {strides = array<i32>} : memref<4000xf32, #tpu.memory_space<vmem>>, vector<16xf32>,
        %get3A_145 = arith.index_cast %mul3A_142 : i32 to index
        %get3A_146 = tpu.vector_load %arg7[%get3A_145] {strides = array<i32>} : memref<4000xi32, #tpu.memory_space<vmem>>, vector<16xi32>,
        tpu.vector_store_idx %arg6[%get3A_146], %get3A_144 {add = true} : memref<100096xf32, #tpu.memory_space<vmem>>[vector<16xi32>], vector<16xf32>,
        %get3A_147 = arith.index_cast %mul3A_142 : i32 to index
        %get3A_148 = tpu.vector_load %arg8[%get3A_147] {strides = array<i32>} : memref<4000xi32, #tpu.memory_space<vmem>>, vector<16xi32>,
        tpu.vector_store_idx %arg6[%get3A_148], %get3A_144 {add = true} : memref<100096xf32, #tpu.memory_space<vmem>>[vector<16xi32>], vector<16xf32>,
      }
      %scan3A_49 = arith.constant 248 : i32
      %scan3A_50 = arith.addi %scan3A_45, %scan3A_49 : i32
      %mul3A_51 = arith.constant 16 : i32
      %mul3A_52 = arith.muli %scan3A_50, %mul3A_51 : i32
      %get3A = arith.index_cast %mul3A_52 : i32 to index
      %get3A_53 = tpu.vector_load %arg9[%get3A] {strides = array<i32>} : memref<4000xf32, #tpu.memory_space<vmem>>, vector<16xf32>,
      %get3A_54 = arith.index_cast %mul3A_52 : i32 to index
      %get3A_55 = tpu.vector_load %arg7[%get3A_54] {strides = array<i32>} : memref<4000xi32, #tpu.memory_space<vmem>>, vector<16xi32>,
      tpu.vector_store_idx %arg6[%get3A_55], %get3A_53 {add = true} : memref<100096xf32, #tpu.memory_space<vmem>>[vector<16xi32>], vector<16xf32>,
      %get3A_56 = arith.index_cast %mul3A_52 : i32 to index
      %get3A_57 = tpu.vector_load %arg8[%get3A_56] {strides = array<i32>} : memref<4000xi32, #tpu.memory_space<vmem>>, vector<16xi32>,
      tpu.vector_store_idx %arg6[%get3A_57], %get3A_53 {add = true} : memref<100096xf32, #tpu.memory_space<vmem>>[vector<16xi32>], vector<16xf32>,
      %scan3A_58 = arith.constant 249 : i32
      %scan3A_59 = arith.addi %scan3A_45, %scan3A_58 : i32
      %mul3A_60 = arith.constant 16 : i32
      %mul3A_61 = arith.muli %scan3A_59, %mul3A_60 : i32
      %get3A_62 = arith.index_cast %mul3A_61 : i32 to index
      %get3A_63 = tpu.vector_load %arg9[%get3A_62] {strides = array<i32>} : memref<4000xf32, #tpu.memory_space<vmem>>, vector<16xf32>,
      %get3A_64 = arith.index_cast %mul3A_61 : i32 to index
      %get3A_65 = tpu.vector_load %arg7[%get3A_64] {strides = array<i32>} : memref<4000xi32, #tpu.memory_space<vmem>>, vector<16xi32>,
      tpu.vector_store_idx %arg6[%get3A_65], %get3A_63 {add = true} : memref<100096xf32, #tpu.memory_space<vmem>>[vector<16xi32>], vector<16xf32>,
      %get3A_66 = arith.index_cast %mul3A_61 : i32 to index
      %get3A_67 = tpu.vector_load %arg8[%get3A_66] {strides = array<i32>} : memref<4000xi32, #tpu.memory_space<vmem>>, vector<16xi32>,
      tpu.vector_store_idx %arg6[%get3A_67], %get3A_63 {add = true} : memref<100096xf32, #tpu.memory_space<vmem>>[vector<16xi32>], vector<16xf32>,
      %scan3A_68 = arith.constant 250 : i32
      %add3A_69 = arith.constant 1 : i32
      %add3A_70 = arith.addi %scan3A_22, %add3A_69 : i32
      %lt3A = arith.constant 25 : i32
      %lt3A_71 = arith.cmpi slt, %add3A_70, %lt3A : i32
      %convert_element_type3A = arith.extui %lt3A_71 : i1 to i32
      %cond3A = arith.constant 0 : i32
      %cond3A_72 = arith.cmpi ne, %convert_element_type3A, %cond3A : i32
      scf.if %cond3A_72 {
        %add3A_110 = arith.constant 2 : i32
        %add3A_111 = arith.addi %mul3A_24, %add3A_110 : i32
        %mul3A_112 = arith.constant 4000 : i32
        %mul3A_113 = arith.muli %add3A_111, %mul3A_112 : i32
        %add3A_114 = arith.addi %mul3A_7, %mul3A_113 : i32
        %dma_start3A_115 = tpu.memref_slice %arg2[%add3A_114] : memref<6400000xi32, #tpu.memory_space<hbm>> -> memref<4000xi32, #tpu.memory_space<hbm>>
        %dma_start3A_116 = tpu.memref_slice %arg2[%add3A_114] : memref<6400000xi32, #tpu.memory_space<hbm>> -> memref<4000xi32, #tpu.memory_space<hbm>>
        tpu.enqueue_dma source(%dma_start3A_116 : memref<4000xi32, #tpu.memory_space<hbm>>) target(%arg7 : memref<4000xi32, #tpu.memory_space<vmem>>) target_semaphore(%arg10 : memref<!tpu.dma_semaphore, #tpu.memory_space<semaphore_mem>>)
        %dma_start3A_117 = tpu.memref_slice %arg3[%add3A_114] : memref<6400000xi32, #tpu.memory_space<hbm>> -> memref<4000xi32, #tpu.memory_space<hbm>>
        %dma_start3A_118 = tpu.memref_slice %arg3[%add3A_114] : memref<6400000xi32, #tpu.memory_space<hbm>> -> memref<4000xi32, #tpu.memory_space<hbm>>
        tpu.enqueue_dma source(%dma_start3A_118 : memref<4000xi32, #tpu.memory_space<hbm>>) target(%arg8 : memref<4000xi32, #tpu.memory_space<vmem>>) target_semaphore(%arg10 : memref<!tpu.dma_semaphore, #tpu.memory_space<semaphore_mem>>)
        %dma_start3A_119 = tpu.memref_slice %arg4[%add3A_114] : memref<6400000xf32, #tpu.memory_space<hbm>> -> memref<4000xf32, #tpu.memory_space<hbm>>
        %dma_start3A_120 = tpu.memref_slice %arg4[%add3A_114] : memref<6400000xf32, #tpu.memory_space<hbm>> -> memref<4000xf32, #tpu.memory_space<hbm>>
        tpu.enqueue_dma source(%dma_start3A_120 : memref<4000xf32, #tpu.memory_space<hbm>>) target(%arg9 : memref<4000xf32, #tpu.memory_space<vmem>>) target_semaphore(%arg10 : memref<!tpu.dma_semaphore, #tpu.memory_space<semaphore_mem>>)
      } else {
      }
      %add3A_73 = arith.constant 1 : i32
      %add3A_74 = arith.addi %mul3A_24, %add3A_73 : i32
      %mul3A_75 = arith.constant 4000 : i32
      %mul3A_76 = arith.muli %add3A_74, %mul3A_75 : i32
      %add3A_77 = arith.addi %mul3A_7, %mul3A_76 : i32
      %dma_wait3A_78 = tpu.memref_slice %arg2[%add3A_77] : memref<6400000xi32, #tpu.memory_space<hbm>> -> memref<4000xi32, #tpu.memory_space<hbm>>
      %dma_wait3A_79 = tpu.memref_slice %arg2[%add3A_77] : memref<6400000xi32, #tpu.memory_space<hbm>> -> memref<4000xi32, #tpu.memory_space<hbm>>
      tpu.wait_dma2 semaphore(%arg14 : memref<!tpu.dma_semaphore, #tpu.memory_space<semaphore_mem>>) src(%dma_wait3A_79 : memref<4000xi32, #tpu.memory_space<hbm>>) dst(%arg11 : memref<4000xi32, #tpu.memory_space<vmem>>)
      %dma_wait3A_80 = tpu.memref_slice %arg3[%add3A_77] : memref<6400000xi32, #tpu.memory_space<hbm>> -> memref<4000xi32, #tpu.memory_space<hbm>>
      %dma_wait3A_81 = tpu.memref_slice %arg3[%add3A_77] : memref<6400000xi32, #tpu.memory_space<hbm>> -> memref<4000xi32, #tpu.memory_space<hbm>>
      tpu.wait_dma2 semaphore(%arg14 : memref<!tpu.dma_semaphore, #tpu.memory_space<semaphore_mem>>) src(%dma_wait3A_81 : memref<4000xi32, #tpu.memory_space<hbm>>) dst(%arg12 : memref<4000xi32, #tpu.memory_space<vmem>>)
      %dma_wait3A_82 = tpu.memref_slice %arg4[%add3A_77] : memref<6400000xf32, #tpu.memory_space<hbm>> -> memref<4000xf32, #tpu.memory_space<hbm>>
      %dma_wait3A_83 = tpu.memref_slice %arg4[%add3A_77] : memref<6400000xf32, #tpu.memory_space<hbm>> -> memref<4000xf32, #tpu.memory_space<hbm>>
      tpu.wait_dma2 semaphore(%arg14 : memref<!tpu.dma_semaphore, #tpu.memory_space<semaphore_mem>>) src(%dma_wait3A_83 : memref<4000xf32, #tpu.memory_space<hbm>>) dst(%arg13 : memref<4000xf32, #tpu.memory_space<vmem>>)
      %scan3A_84 = arith.constant 0 : i32
      %scan3A_85 = arith.constant 0 : i32
      %scan3A_86 = arith.constant 248 : i32
      %scan3A_87 = arith.addi %scan3A_85, %scan3A_86 : i32
      %scan3A_88 = arith.constant 4 : i32
      scf.for %scan3A_110 = %scan3A_85 to %scan3A_87 step %scan3A_88  : i32 {
        %mul3A_111 = arith.constant 16 : i32
        %mul3A_112 = arith.muli %scan3A_110, %mul3A_111 : i32
        %get3A_113 = arith.index_cast %mul3A_112 : i32 to index
        %get3A_114 = tpu.vector_load %arg13[%get3A_113] {strides = array<i32>} : memref<4000xf32, #tpu.memory_space<vmem>>, vector<16xf32>,
        %get3A_115 = arith.index_cast %mul3A_112 : i32 to index
        %get3A_116 = tpu.vector_load %arg11[%get3A_115] {strides = array<i32>} : memref<4000xi32, #tpu.memory_space<vmem>>, vector<16xi32>,
        tpu.vector_store_idx %arg6[%get3A_116], %get3A_114 {add = true} : memref<100096xf32, #tpu.memory_space<vmem>>[vector<16xi32>], vector<16xf32>,
        %get3A_117 = arith.index_cast %mul3A_112 : i32 to index
        %get3A_118 = tpu.vector_load %arg12[%get3A_117] {strides = array<i32>} : memref<4000xi32, #tpu.memory_space<vmem>>, vector<16xi32>,
        tpu.vector_store_idx %arg6[%get3A_118], %get3A_114 {add = true} : memref<100096xf32, #tpu.memory_space<vmem>>[vector<16xi32>], vector<16xf32>,
        %scan3A_119 = arith.constant 1 : i32
        %scan3A_120 = arith.addi %scan3A_110, %scan3A_119 : i32
        %mul3A_121 = arith.constant 16 : i32
        %mul3A_122 = arith.muli %scan3A_120, %mul3A_121 : i32
        %get3A_123 = arith.index_cast %mul3A_122 : i32 to index
        %get3A_124 = tpu.vector_load %arg13[%get3A_123] {strides = array<i32>} : memref<4000xf32, #tpu.memory_space<vmem>>, vector<16xf32>,
        %get3A_125 = arith.index_cast %mul3A_122 : i32 to index
        %get3A_126 = tpu.vector_load %arg11[%get3A_125] {strides = array<i32>} : memref<4000xi32, #tpu.memory_space<vmem>>, vector<16xi32>,
        tpu.vector_store_idx %arg6[%get3A_126], %get3A_124 {add = true} : memref<100096xf32, #tpu.memory_space<vmem>>[vector<16xi32>], vector<16xf32>,
        %get3A_127 = arith.index_cast %mul3A_122 : i32 to index
        %get3A_128 = tpu.vector_load %arg12[%get3A_127] {strides = array<i32>} : memref<4000xi32, #tpu.memory_space<vmem>>, vector<16xi32>,
        tpu.vector_store_idx %arg6[%get3A_128], %get3A_124 {add = true} : memref<100096xf32, #tpu.memory_space<vmem>>[vector<16xi32>], vector<16xf32>,
        %scan3A_129 = arith.constant 2 : i32
        %scan3A_130 = arith.addi %scan3A_110, %scan3A_129 : i32
        %mul3A_131 = arith.constant 16 : i32
        %mul3A_132 = arith.muli %scan3A_130, %mul3A_131 : i32
        %get3A_133 = arith.index_cast %mul3A_132 : i32 to index
        %get3A_134 = tpu.vector_load %arg13[%get3A_133] {strides = array<i32>} : memref<4000xf32, #tpu.memory_space<vmem>>, vector<16xf32>,
        %get3A_135 = arith.index_cast %mul3A_132 : i32 to index
        %get3A_136 = tpu.vector_load %arg11[%get3A_135] {strides = array<i32>} : memref<4000xi32, #tpu.memory_space<vmem>>, vector<16xi32>,
        tpu.vector_store_idx %arg6[%get3A_136], %get3A_134 {add = true} : memref<100096xf32, #tpu.memory_space<vmem>>[vector<16xi32>], vector<16xf32>,
        %get3A_137 = arith.index_cast %mul3A_132 : i32 to index
        %get3A_138 = tpu.vector_load %arg12[%get3A_137] {strides = array<i32>} : memref<4000xi32, #tpu.memory_space<vmem>>, vector<16xi32>,
        tpu.vector_store_idx %arg6[%get3A_138], %get3A_134 {add = true} : memref<100096xf32, #tpu.memory_space<vmem>>[vector<16xi32>], vector<16xf32>,
        %scan3A_139 = arith.constant 3 : i32
        %scan3A_140 = arith.addi %scan3A_110, %scan3A_139 : i32
        %mul3A_141 = arith.constant 16 : i32
        %mul3A_142 = arith.muli %scan3A_140, %mul3A_141 : i32
        %get3A_143 = arith.index_cast %mul3A_142 : i32 to index
        %get3A_144 = tpu.vector_load %arg13[%get3A_143] {strides = array<i32>} : memref<4000xf32, #tpu.memory_space<vmem>>, vector<16xf32>,
        %get3A_145 = arith.index_cast %mul3A_142 : i32 to index
        %get3A_146 = tpu.vector_load %arg11[%get3A_145] {strides = array<i32>} : memref<4000xi32, #tpu.memory_space<vmem>>, vector<16xi32>,
        tpu.vector_store_idx %arg6[%get3A_146], %get3A_144 {add = true} : memref<100096xf32, #tpu.memory_space<vmem>>[vector<16xi32>], vector<16xf32>,
        %get3A_147 = arith.index_cast %mul3A_142 : i32 to index
        %get3A_148 = tpu.vector_load %arg12[%get3A_147] {strides = array<i32>} : memref<4000xi32, #tpu.memory_space<vmem>>, vector<16xi32>,
        tpu.vector_store_idx %arg6[%get3A_148], %get3A_144 {add = true} : memref<100096xf32, #tpu.memory_space<vmem>>[vector<16xi32>], vector<16xf32>,
      }
      %scan3A_89 = arith.constant 248 : i32
      %scan3A_90 = arith.addi %scan3A_85, %scan3A_89 : i32
      %mul3A_91 = arith.constant 16 : i32
      %mul3A_92 = arith.muli %scan3A_90, %mul3A_91 : i32
      %get3A_93 = arith.index_cast %mul3A_92 : i32 to index
      %get3A_94 = tpu.vector_load %arg13[%get3A_93] {strides = array<i32>} : memref<4000xf32, #tpu.memory_space<vmem>>, vector<16xf32>,
      %get3A_95 = arith.index_cast %mul3A_92 : i32 to index
      %get3A_96 = tpu.vector_load %arg11[%get3A_95] {strides = array<i32>} : memref<4000xi32, #tpu.memory_space<vmem>>, vector<16xi32>,
      tpu.vector_store_idx %arg6[%get3A_96], %get3A_94 {add = true} : memref<100096xf32, #tpu.memory_space<vmem>>[vector<16xi32>], vector<16xf32>,
      %get3A_97 = arith.index_cast %mul3A_92 : i32 to index
      %get3A_98 = tpu.vector_load %arg12[%get3A_97] {strides = array<i32>} : memref<4000xi32, #tpu.memory_space<vmem>>, vector<16xi32>,
      tpu.vector_store_idx %arg6[%get3A_98], %get3A_94 {add = true} : memref<100096xf32, #tpu.memory_space<vmem>>[vector<16xi32>], vector<16xf32>,
      %scan3A_99 = arith.constant 249 : i32
      %scan3A_100 = arith.addi %scan3A_85, %scan3A_99 : i32
      %mul3A_101 = arith.constant 16 : i32
      %mul3A_102 = arith.muli %scan3A_100, %mul3A_101 : i32
      %get3A_103 = arith.index_cast %mul3A_102 : i32 to index
      %get3A_104 = tpu.vector_load %arg13[%get3A_103] {strides = array<i32>} : memref<4000xf32, #tpu.memory_space<vmem>>, vector<16xf32>,
      %get3A_105 = arith.index_cast %mul3A_102 : i32 to index
      %get3A_106 = tpu.vector_load %arg11[%get3A_105] {strides = array<i32>} : memref<4000xi32, #tpu.memory_space<vmem>>, vector<16xi32>,
      tpu.vector_store_idx %arg6[%get3A_106], %get3A_104 {add = true} : memref<100096xf32, #tpu.memory_space<vmem>>[vector<16xi32>], vector<16xf32>,
      %get3A_107 = arith.index_cast %mul3A_102 : i32 to index
      %get3A_108 = tpu.vector_load %arg12[%get3A_107] {strides = array<i32>} : memref<4000xi32, #tpu.memory_space<vmem>>, vector<16xi32>,
      tpu.vector_store_idx %arg6[%get3A_108], %get3A_104 {add = true} : memref<100096xf32, #tpu.memory_space<vmem>>[vector<16xi32>], vector<16xf32>,
      %scan3A_109 = arith.constant 250 : i32
    }
    %scan3A_21 = arith.constant 25 : i32
    "tpu.region"() ({
      %run_scoped3A = tpu.sem_alloc : memref<!tpu.dma_semaphore, #tpu.memory_space<semaphore_mem>>
      %dma_start3A_22 = arith.constant 0 : i32
      %dma_start3A_23 = tpu.memref_slice %arg5[%add3A, %dma_start3A_22] : memref<32x100096xf32, #tpu.memory_space<hbm>> -> memref<1x100096xf32, #tpu.memory_space<hbm>>
      %dma_start3A_24 = tpu.memref_squeeze %dma_start3A_23 : memref<1x100096xf32, #tpu.memory_space<hbm>> -> memref<100096xf32, #tpu.memory_space<hbm>>
      %dma_start3A_25 = arith.constant 0 : i32
      %dma_start3A_26 = tpu.memref_slice %arg5[%add3A, %dma_start3A_25] : memref<32x100096xf32, #tpu.memory_space<hbm>> -> memref<1x100096xf32, #tpu.memory_space<hbm>>
      %dma_start3A_27 = tpu.memref_squeeze %dma_start3A_26 : memref<1x100096xf32, #tpu.memory_space<hbm>> -> memref<100096xf32, #tpu.memory_space<hbm>>
      tpu.enqueue_dma source(%arg6 : memref<100096xf32, #tpu.memory_space<vmem>>) target(%dma_start3A_27 : memref<100096xf32, #tpu.memory_space<hbm>>) target_semaphore(%run_scoped3A : memref<!tpu.dma_semaphore, #tpu.memory_space<semaphore_mem>>)
      %dma_wait3A = arith.constant 0 : i32
      %dma_wait3A_28 = tpu.memref_slice %arg5[%add3A, %dma_wait3A] : memref<32x100096xf32, #tpu.memory_space<hbm>> -> memref<1x100096xf32, #tpu.memory_space<hbm>>
      %dma_wait3A_29 = tpu.memref_squeeze %dma_wait3A_28 : memref<1x100096xf32, #tpu.memory_space<hbm>> -> memref<100096xf32, #tpu.memory_space<hbm>>
      %dma_wait3A_30 = arith.constant 0 : i32
      %dma_wait3A_31 = tpu.memref_slice %arg5[%add3A, %dma_wait3A_30] : memref<32x100096xf32, #tpu.memory_space<hbm>> -> memref<1x100096xf32, #tpu.memory_space<hbm>>
      %dma_wait3A_32 = tpu.memref_squeeze %dma_wait3A_31 : memref<1x100096xf32, #tpu.memory_space<hbm>> -> memref<100096xf32, #tpu.memory_space<hbm>>
      tpu.wait_dma2 semaphore(%run_scoped3A : memref<!tpu.dma_semaphore, #tpu.memory_space<semaphore_mem>>) src(%arg6 : memref<100096xf32, #tpu.memory_space<vmem>>) dst(%dma_wait3A_32 : memref<100096xf32, #tpu.memory_space<hbm>>)
      tpu.yield
    }) : () -> ()
    return
  }
}

#map = affine_map<(d0, d1) -> (0)>
module attributes {stable_mosaic.version = 14 : i64} {
  func.func @body(%arg0: i32, %arg1: i32, %arg2: memref<6400000xi32, #tpu.memory_space<hbm>>, %arg3: memref<6400000xi32, #tpu.memory_space<hbm>>, %arg4: memref<100000xf32, #tpu.memory_space<hbm>>, %arg5: memref<6400000xf32, #tpu.memory_space<hbm>>, %arg6: memref<16xf32, #tpu.memory_space<hbm>>, %arg7: memref<6400000xf32, #tpu.memory_space<hbm>>, %arg8: memref<100000xf32, #tpu.memory_space<vmem>>, %arg9: memref<16xf32, #tpu.memory_space<vmem>>, %arg10: memref<2000xi32, #tpu.memory_space<vmem>>, %arg11: memref<2000xi32, #tpu.memory_space<vmem>>, %arg12: memref<2000xf32, #tpu.memory_space<vmem>>, %arg13: memref<2000xf32, #tpu.memory_space<vmem>>, %arg14: memref<!tpu.dma_semaphore, #tpu.memory_space<semaphore_mem>>, %arg15: memref<2000xi32, #tpu.memory_space<vmem>>, %arg16: memref<2000xi32, #tpu.memory_space<vmem>>, %arg17: memref<2000xf32, #tpu.memory_space<vmem>>, %arg18: memref<2000xf32, #tpu.memory_space<vmem>>, %arg19: memref<!tpu.dma_semaphore, #tpu.memory_space<semaphore_mem>>) attributes {dimension_semantics = [#tpu.dimension_semantics<core_parallel>, #tpu.dimension_semantics<subcore_parallel>], iteration_bounds = array<i64: 2, 16>, scalar_prefetch = 0 : i64, scratch_operands = 12 : i64, tpu.core_type = #tpu.core_type<sc_vector_subcore>, window_params = [{transform_indices = #map}, {transform_indices = #map}, {transform_indices = #map}, {transform_indices = #map}, {transform_indices = #map}, {transform_indices = #map}]} {
    %mul3A = arith.constant 16 : i32
    %mul3A_0 = arith.muli %arg0, %mul3A : i32
    %add3A = arith.addi %mul3A_0, %arg1 : i32
    "tpu.region"() ({
      %run_scoped3A = tpu.sem_alloc : memref<!tpu.dma_semaphore, #tpu.memory_space<semaphore_mem>>
      tpu.enqueue_dma source(%arg4 : memref<100000xf32, #tpu.memory_space<hbm>>) target(%arg8 : memref<100000xf32, #tpu.memory_space<vmem>>) target_semaphore(%run_scoped3A : memref<!tpu.dma_semaphore, #tpu.memory_space<semaphore_mem>>)
      tpu.wait_dma2 semaphore(%run_scoped3A : memref<!tpu.dma_semaphore, #tpu.memory_space<semaphore_mem>>) src(%arg4 : memref<100000xf32, #tpu.memory_space<hbm>>) dst(%arg8 : memref<100000xf32, #tpu.memory_space<vmem>>)
      tpu.yield
    }) : () -> ()
    "tpu.region"() ({
      %run_scoped3A = tpu.sem_alloc : memref<!tpu.dma_semaphore, #tpu.memory_space<semaphore_mem>>
      tpu.enqueue_dma source(%arg6 : memref<16xf32, #tpu.memory_space<hbm>>) target(%arg9 : memref<16xf32, #tpu.memory_space<vmem>>) target_semaphore(%run_scoped3A : memref<!tpu.dma_semaphore, #tpu.memory_space<semaphore_mem>>)
      tpu.wait_dma2 semaphore(%run_scoped3A : memref<!tpu.dma_semaphore, #tpu.memory_space<semaphore_mem>>) src(%arg6 : memref<16xf32, #tpu.memory_space<hbm>>) dst(%arg9 : memref<16xf32, #tpu.memory_space<vmem>>)
      tpu.yield
    }) : () -> ()
    %mul3A_1 = arith.constant 200000 : i32
    %mul3A_2 = arith.muli %add3A, %mul3A_1 : i32
    %add3A_3 = arith.constant 0 : i32
    %add3A_4 = arith.addi %mul3A_2, %add3A_3 : i32
    %dma_start3A = tpu.memref_slice %arg2[%add3A_4] : memref<6400000xi32, #tpu.memory_space<hbm>> -> memref<2000xi32, #tpu.memory_space<hbm>>
    %dma_start3A_5 = tpu.memref_slice %arg2[%add3A_4] : memref<6400000xi32, #tpu.memory_space<hbm>> -> memref<2000xi32, #tpu.memory_space<hbm>>
    tpu.enqueue_dma source(%dma_start3A_5 : memref<2000xi32, #tpu.memory_space<hbm>>) target(%arg10 : memref<2000xi32, #tpu.memory_space<vmem>>) target_semaphore(%arg14 : memref<!tpu.dma_semaphore, #tpu.memory_space<semaphore_mem>>)
    %dma_start3A_6 = tpu.memref_slice %arg3[%add3A_4] : memref<6400000xi32, #tpu.memory_space<hbm>> -> memref<2000xi32, #tpu.memory_space<hbm>>
    %dma_start3A_7 = tpu.memref_slice %arg3[%add3A_4] : memref<6400000xi32, #tpu.memory_space<hbm>> -> memref<2000xi32, #tpu.memory_space<hbm>>
    tpu.enqueue_dma source(%dma_start3A_7 : memref<2000xi32, #tpu.memory_space<hbm>>) target(%arg11 : memref<2000xi32, #tpu.memory_space<vmem>>) target_semaphore(%arg14 : memref<!tpu.dma_semaphore, #tpu.memory_space<semaphore_mem>>)
    %dma_start3A_8 = tpu.memref_slice %arg5[%add3A_4] : memref<6400000xf32, #tpu.memory_space<hbm>> -> memref<2000xf32, #tpu.memory_space<hbm>>
    %dma_start3A_9 = tpu.memref_slice %arg5[%add3A_4] : memref<6400000xf32, #tpu.memory_space<hbm>> -> memref<2000xf32, #tpu.memory_space<hbm>>
    tpu.enqueue_dma source(%dma_start3A_9 : memref<2000xf32, #tpu.memory_space<hbm>>) target(%arg12 : memref<2000xf32, #tpu.memory_space<vmem>>) target_semaphore(%arg14 : memref<!tpu.dma_semaphore, #tpu.memory_space<semaphore_mem>>)
    %scan3A = arith.constant 0 : i32
    %scan3A_10 = arith.constant 0 : i32
    %scan3A_11 = arith.constant 50 : i32
    %scan3A_12 = arith.addi %scan3A_10, %scan3A_11 : i32
    %scan3A_13 = arith.constant 1 : i32
    scf.for %scan3A_15 = %scan3A_10 to %scan3A_12 step %scan3A_13  : i32 {
      %mul3A_16 = arith.constant 2 : i32
      %mul3A_17 = arith.muli %mul3A_16, %scan3A_15 : i32
      %add3A_18 = arith.constant 1 : i32
      %add3A_19 = arith.addi %mul3A_17, %add3A_18 : i32
      %mul3A_20 = arith.constant 2000 : i32
      %mul3A_21 = arith.muli %add3A_19, %mul3A_20 : i32
      %add3A_22 = arith.addi %mul3A_2, %mul3A_21 : i32
      %dma_start3A_23 = tpu.memref_slice %arg2[%add3A_22] : memref<6400000xi32, #tpu.memory_space<hbm>> -> memref<2000xi32, #tpu.memory_space<hbm>>
      %dma_start3A_24 = tpu.memref_slice %arg2[%add3A_22] : memref<6400000xi32, #tpu.memory_space<hbm>> -> memref<2000xi32, #tpu.memory_space<hbm>>
      tpu.enqueue_dma source(%dma_start3A_24 : memref<2000xi32, #tpu.memory_space<hbm>>) target(%arg15 : memref<2000xi32, #tpu.memory_space<vmem>>) target_semaphore(%arg19 : memref<!tpu.dma_semaphore, #tpu.memory_space<semaphore_mem>>)
      %dma_start3A_25 = tpu.memref_slice %arg3[%add3A_22] : memref<6400000xi32, #tpu.memory_space<hbm>> -> memref<2000xi32, #tpu.memory_space<hbm>>
      %dma_start3A_26 = tpu.memref_slice %arg3[%add3A_22] : memref<6400000xi32, #tpu.memory_space<hbm>> -> memref<2000xi32, #tpu.memory_space<hbm>>
      tpu.enqueue_dma source(%dma_start3A_26 : memref<2000xi32, #tpu.memory_space<hbm>>) target(%arg16 : memref<2000xi32, #tpu.memory_space<vmem>>) target_semaphore(%arg19 : memref<!tpu.dma_semaphore, #tpu.memory_space<semaphore_mem>>)
      %dma_start3A_27 = tpu.memref_slice %arg5[%add3A_22] : memref<6400000xf32, #tpu.memory_space<hbm>> -> memref<2000xf32, #tpu.memory_space<hbm>>
      %dma_start3A_28 = tpu.memref_slice %arg5[%add3A_22] : memref<6400000xf32, #tpu.memory_space<hbm>> -> memref<2000xf32, #tpu.memory_space<hbm>>
      tpu.enqueue_dma source(%dma_start3A_28 : memref<2000xf32, #tpu.memory_space<hbm>>) target(%arg17 : memref<2000xf32, #tpu.memory_space<vmem>>) target_semaphore(%arg19 : memref<!tpu.dma_semaphore, #tpu.memory_space<semaphore_mem>>)
      %mul3A_29 = arith.constant 2000 : i32
      %mul3A_30 = arith.muli %mul3A_17, %mul3A_29 : i32
      %add3A_31 = arith.addi %mul3A_2, %mul3A_30 : i32
      %dma_wait3A = tpu.memref_slice %arg2[%add3A_31] : memref<6400000xi32, #tpu.memory_space<hbm>> -> memref<2000xi32, #tpu.memory_space<hbm>>
      %dma_wait3A_32 = tpu.memref_slice %arg2[%add3A_31] : memref<6400000xi32, #tpu.memory_space<hbm>> -> memref<2000xi32, #tpu.memory_space<hbm>>
      tpu.wait_dma2 semaphore(%arg14 : memref<!tpu.dma_semaphore, #tpu.memory_space<semaphore_mem>>) src(%dma_wait3A_32 : memref<2000xi32, #tpu.memory_space<hbm>>) dst(%arg10 : memref<2000xi32, #tpu.memory_space<vmem>>)
      %dma_wait3A_33 = tpu.memref_slice %arg3[%add3A_31] : memref<6400000xi32, #tpu.memory_space<hbm>> -> memref<2000xi32, #tpu.memory_space<hbm>>
      %dma_wait3A_34 = tpu.memref_slice %arg3[%add3A_31] : memref<6400000xi32, #tpu.memory_space<hbm>> -> memref<2000xi32, #tpu.memory_space<hbm>>
      tpu.wait_dma2 semaphore(%arg14 : memref<!tpu.dma_semaphore, #tpu.memory_space<semaphore_mem>>) src(%dma_wait3A_34 : memref<2000xi32, #tpu.memory_space<hbm>>) dst(%arg11 : memref<2000xi32, #tpu.memory_space<vmem>>)
      %dma_wait3A_35 = tpu.memref_slice %arg5[%add3A_31] : memref<6400000xf32, #tpu.memory_space<hbm>> -> memref<2000xf32, #tpu.memory_space<hbm>>
      %dma_wait3A_36 = tpu.memref_slice %arg5[%add3A_31] : memref<6400000xf32, #tpu.memory_space<hbm>> -> memref<2000xf32, #tpu.memory_space<hbm>>
      tpu.wait_dma2 semaphore(%arg14 : memref<!tpu.dma_semaphore, #tpu.memory_space<semaphore_mem>>) src(%dma_wait3A_36 : memref<2000xf32, #tpu.memory_space<hbm>>) dst(%arg12 : memref<2000xf32, #tpu.memory_space<vmem>>)
      %get3A = arith.constant 0 : index
      %get3A_37 = tpu.vector_load %arg9[%get3A] {strides = array<i32>} : memref<16xf32, #tpu.memory_space<vmem>>, vector<16xf32>,
      %scan3A_38 = arith.constant 0 : i32
      %scan3A_39 = arith.constant 0 : i32
      %scan3A_40 = arith.constant 120 : i32
      %scan3A_41 = arith.addi %scan3A_39, %scan3A_40 : i32
      %scan3A_42 = arith.constant 8 : i32
      scf.for %scan3A_320 = %scan3A_39 to %scan3A_41 step %scan3A_42  : i32 {
        %mul3A_321 = arith.constant 16 : i32
        %mul3A_322 = arith.muli %scan3A_320, %mul3A_321 : i32
        %get3A_323 = arith.index_cast %mul3A_322 : i32 to index
        %get3A_324 = tpu.vector_load %arg10[%get3A_323] {strides = array<i32>} : memref<2000xi32, #tpu.memory_space<vmem>>, vector<16xi32>,
        %get3A_325 = arith.index_cast %mul3A_322 : i32 to index
        %get3A_326 = tpu.vector_load %arg11[%get3A_325] {strides = array<i32>} : memref<2000xi32, #tpu.memory_space<vmem>>, vector<16xi32>,
        %gather3A_327 = tpu.vector_load_idx %arg8[%get3A_324] : memref<100000xf32, #tpu.memory_space<vmem>>[vector<16xi32>], vector<16xf32>,
        %gather3A_328 = tpu.vector_load_idx %arg8[%get3A_326] : memref<100000xf32, #tpu.memory_space<vmem>>[vector<16xi32>], vector<16xf32>,
        %max3A_329 = arith.maximumf %gather3A_327, %gather3A_328 : vector<16xf32>
        %mul3A_330 = arith.mulf %max3A_329, %get3A_37 : vector<16xf32>
        %add3A_331 = arith.constant 1.000000e+00 : f32
        %add3A_332 = vector.broadcast %add3A_331 : f32 to vector<16xf32>
        %add3A_333 = arith.addf %add3A_332, %mul3A_330 : vector<16xf32>
        %get3A_334 = arith.index_cast %mul3A_322 : i32 to index
        %get3A_335 = tpu.vector_load %arg12[%get3A_334] {strides = array<i32>} : memref<2000xf32, #tpu.memory_space<vmem>>, vector<16xf32>,
        %mul3A_336 = arith.mulf %get3A_335, %add3A_333 : vector<16xf32>
        %sub3A_337 = arith.constant 1.000000e+00 : f32
        %sub3A_338 = vector.broadcast %sub3A_337 : f32 to vector<16xf32>
        %sub3A_339 = arith.subf %sub3A_338, %get3A_335 : vector<16xf32>
        %add3A_340 = arith.addf %sub3A_339, %mul3A_336 : vector<16xf32>
        %div3A_341 = arith.divf %mul3A_336, %add3A_340 : vector<16xf32>
        %swap3A_342 = arith.index_cast %mul3A_322 : i32 to index
        %swap3A_343 = tpu.vector_load %arg13[%swap3A_342] {strides = array<i32>} : memref<2000xf32, #tpu.memory_space<vmem>>, vector<16xf32>,
        tpu.vector_store %arg13[%swap3A_342], %div3A_341 {strides = array<i32>} : memref<2000xf32, #tpu.memory_space<vmem>>, vector<16xf32>,
        %scan3A_344 = arith.constant 1 : i32
        %scan3A_345 = arith.addi %scan3A_320, %scan3A_344 : i32
        %mul3A_346 = arith.constant 16 : i32
        %mul3A_347 = arith.muli %scan3A_345, %mul3A_346 : i32
        %get3A_348 = arith.index_cast %mul3A_347 : i32 to index
        %get3A_349 = tpu.vector_load %arg10[%get3A_348] {strides = array<i32>} : memref<2000xi32, #tpu.memory_space<vmem>>, vector<16xi32>,
        %get3A_350 = arith.index_cast %mul3A_347 : i32 to index
        %get3A_351 = tpu.vector_load %arg11[%get3A_350] {strides = array<i32>} : memref<2000xi32, #tpu.memory_space<vmem>>, vector<16xi32>,
        %gather3A_352 = tpu.vector_load_idx %arg8[%get3A_349] : memref<100000xf32, #tpu.memory_space<vmem>>[vector<16xi32>], vector<16xf32>,
        %gather3A_353 = tpu.vector_load_idx %arg8[%get3A_351] : memref<100000xf32, #tpu.memory_space<vmem>>[vector<16xi32>], vector<16xf32>,
        %max3A_354 = arith.maximumf %gather3A_352, %gather3A_353 : vector<16xf32>
        %mul3A_355 = arith.mulf %max3A_354, %get3A_37 : vector<16xf32>
        %add3A_356 = arith.constant 1.000000e+00 : f32
        %add3A_357 = vector.broadcast %add3A_356 : f32 to vector<16xf32>
        %add3A_358 = arith.addf %add3A_357, %mul3A_355 : vector<16xf32>
        %get3A_359 = arith.index_cast %mul3A_347 : i32 to index
        %get3A_360 = tpu.vector_load %arg12[%get3A_359] {strides = array<i32>} : memref<2000xf32, #tpu.memory_space<vmem>>, vector<16xf32>,
        %mul3A_361 = arith.mulf %get3A_360, %add3A_358 : vector<16xf32>
        %sub3A_362 = arith.constant 1.000000e+00 : f32
        %sub3A_363 = vector.broadcast %sub3A_362 : f32 to vector<16xf32>
        %sub3A_364 = arith.subf %sub3A_363, %get3A_360 : vector<16xf32>
        %add3A_365 = arith.addf %sub3A_364, %mul3A_361 : vector<16xf32>
        %div3A_366 = arith.divf %mul3A_361, %add3A_365 : vector<16xf32>
        %swap3A_367 = arith.index_cast %mul3A_347 : i32 to index
        %swap3A_368 = tpu.vector_load %arg13[%swap3A_367] {strides = array<i32>} : memref<2000xf32, #tpu.memory_space<vmem>>, vector<16xf32>,
        tpu.vector_store %arg13[%swap3A_367], %div3A_366 {strides = array<i32>} : memref<2000xf32, #tpu.memory_space<vmem>>, vector<16xf32>,
        %scan3A_369 = arith.constant 2 : i32
        %scan3A_370 = arith.addi %scan3A_320, %scan3A_369 : i32
        %mul3A_371 = arith.constant 16 : i32
        %mul3A_372 = arith.muli %scan3A_370, %mul3A_371 : i32
        %get3A_373 = arith.index_cast %mul3A_372 : i32 to index
        %get3A_374 = tpu.vector_load %arg10[%get3A_373] {strides = array<i32>} : memref<2000xi32, #tpu.memory_space<vmem>>, vector<16xi32>,
        %get3A_375 = arith.index_cast %mul3A_372 : i32 to index
        %get3A_376 = tpu.vector_load %arg11[%get3A_375] {strides = array<i32>} : memref<2000xi32, #tpu.memory_space<vmem>>, vector<16xi32>,
        %gather3A_377 = tpu.vector_load_idx %arg8[%get3A_374] : memref<100000xf32, #tpu.memory_space<vmem>>[vector<16xi32>], vector<16xf32>,
        %gather3A_378 = tpu.vector_load_idx %arg8[%get3A_376] : memref<100000xf32, #tpu.memory_space<vmem>>[vector<16xi32>], vector<16xf32>,
        %max3A_379 = arith.maximumf %gather3A_377, %gather3A_378 : vector<16xf32>
        %mul3A_380 = arith.mulf %max3A_379, %get3A_37 : vector<16xf32>
        %add3A_381 = arith.constant 1.000000e+00 : f32
        %add3A_382 = vector.broadcast %add3A_381 : f32 to vector<16xf32>
        %add3A_383 = arith.addf %add3A_382, %mul3A_380 : vector<16xf32>
        %get3A_384 = arith.index_cast %mul3A_372 : i32 to index
        %get3A_385 = tpu.vector_load %arg12[%get3A_384] {strides = array<i32>} : memref<2000xf32, #tpu.memory_space<vmem>>, vector<16xf32>,
        %mul3A_386 = arith.mulf %get3A_385, %add3A_383 : vector<16xf32>
        %sub3A_387 = arith.constant 1.000000e+00 : f32
        %sub3A_388 = vector.broadcast %sub3A_387 : f32 to vector<16xf32>
        %sub3A_389 = arith.subf %sub3A_388, %get3A_385 : vector<16xf32>
        %add3A_390 = arith.addf %sub3A_389, %mul3A_386 : vector<16xf32>
        %div3A_391 = arith.divf %mul3A_386, %add3A_390 : vector<16xf32>
        %swap3A_392 = arith.index_cast %mul3A_372 : i32 to index
        %swap3A_393 = tpu.vector_load %arg13[%swap3A_392] {strides = array<i32>} : memref<2000xf32, #tpu.memory_space<vmem>>, vector<16xf32>,
        tpu.vector_store %arg13[%swap3A_392], %div3A_391 {strides = array<i32>} : memref<2000xf32, #tpu.memory_space<vmem>>, vector<16xf32>,
        %scan3A_394 = arith.constant 3 : i32
        %scan3A_395 = arith.addi %scan3A_320, %scan3A_394 : i32
        %mul3A_396 = arith.constant 16 : i32
        %mul3A_397 = arith.muli %scan3A_395, %mul3A_396 : i32
        %get3A_398 = arith.index_cast %mul3A_397 : i32 to index
        %get3A_399 = tpu.vector_load %arg10[%get3A_398] {strides = array<i32>} : memref<2000xi32, #tpu.memory_space<vmem>>, vector<16xi32>,
        %get3A_400 = arith.index_cast %mul3A_397 : i32 to index
        %get3A_401 = tpu.vector_load %arg11[%get3A_400] {strides = array<i32>} : memref<2000xi32, #tpu.memory_space<vmem>>, vector<16xi32>,
        %gather3A_402 = tpu.vector_load_idx %arg8[%get3A_399] : memref<100000xf32, #tpu.memory_space<vmem>>[vector<16xi32>], vector<16xf32>,
        %gather3A_403 = tpu.vector_load_idx %arg8[%get3A_401] : memref<100000xf32, #tpu.memory_space<vmem>>[vector<16xi32>], vector<16xf32>,
        %max3A_404 = arith.maximumf %gather3A_402, %gather3A_403 : vector<16xf32>
        %mul3A_405 = arith.mulf %max3A_404, %get3A_37 : vector<16xf32>
        %add3A_406 = arith.constant 1.000000e+00 : f32
        %add3A_407 = vector.broadcast %add3A_406 : f32 to vector<16xf32>
        %add3A_408 = arith.addf %add3A_407, %mul3A_405 : vector<16xf32>
        %get3A_409 = arith.index_cast %mul3A_397 : i32 to index
        %get3A_410 = tpu.vector_load %arg12[%get3A_409] {strides = array<i32>} : memref<2000xf32, #tpu.memory_space<vmem>>, vector<16xf32>,
        %mul3A_411 = arith.mulf %get3A_410, %add3A_408 : vector<16xf32>
        %sub3A_412 = arith.constant 1.000000e+00 : f32
        %sub3A_413 = vector.broadcast %sub3A_412 : f32 to vector<16xf32>
        %sub3A_414 = arith.subf %sub3A_413, %get3A_410 : vector<16xf32>
        %add3A_415 = arith.addf %sub3A_414, %mul3A_411 : vector<16xf32>
        %div3A_416 = arith.divf %mul3A_411, %add3A_415 : vector<16xf32>
        %swap3A_417 = arith.index_cast %mul3A_397 : i32 to index
        %swap3A_418 = tpu.vector_load %arg13[%swap3A_417] {strides = array<i32>} : memref<2000xf32, #tpu.memory_space<vmem>>, vector<16xf32>,
        tpu.vector_store %arg13[%swap3A_417], %div3A_416 {strides = array<i32>} : memref<2000xf32, #tpu.memory_space<vmem>>, vector<16xf32>,
        %scan3A_419 = arith.constant 4 : i32
        %scan3A_420 = arith.addi %scan3A_320, %scan3A_419 : i32
        %mul3A_421 = arith.constant 16 : i32
        %mul3A_422 = arith.muli %scan3A_420, %mul3A_421 : i32
        %get3A_423 = arith.index_cast %mul3A_422 : i32 to index
        %get3A_424 = tpu.vector_load %arg10[%get3A_423] {strides = array<i32>} : memref<2000xi32, #tpu.memory_space<vmem>>, vector<16xi32>,
        %get3A_425 = arith.index_cast %mul3A_422 : i32 to index
        %get3A_426 = tpu.vector_load %arg11[%get3A_425] {strides = array<i32>} : memref<2000xi32, #tpu.memory_space<vmem>>, vector<16xi32>,
        %gather3A_427 = tpu.vector_load_idx %arg8[%get3A_424] : memref<100000xf32, #tpu.memory_space<vmem>>[vector<16xi32>], vector<16xf32>,
        %gather3A_428 = tpu.vector_load_idx %arg8[%get3A_426] : memref<100000xf32, #tpu.memory_space<vmem>>[vector<16xi32>], vector<16xf32>,
        %max3A_429 = arith.maximumf %gather3A_427, %gather3A_428 : vector<16xf32>
        %mul3A_430 = arith.mulf %max3A_429, %get3A_37 : vector<16xf32>
        %add3A_431 = arith.constant 1.000000e+00 : f32
        %add3A_432 = vector.broadcast %add3A_431 : f32 to vector<16xf32>
        %add3A_433 = arith.addf %add3A_432, %mul3A_430 : vector<16xf32>
        %get3A_434 = arith.index_cast %mul3A_422 : i32 to index
        %get3A_435 = tpu.vector_load %arg12[%get3A_434] {strides = array<i32>} : memref<2000xf32, #tpu.memory_space<vmem>>, vector<16xf32>,
        %mul3A_436 = arith.mulf %get3A_435, %add3A_433 : vector<16xf32>
        %sub3A_437 = arith.constant 1.000000e+00 : f32
        %sub3A_438 = vector.broadcast %sub3A_437 : f32 to vector<16xf32>
        %sub3A_439 = arith.subf %sub3A_438, %get3A_435 : vector<16xf32>
        %add3A_440 = arith.addf %sub3A_439, %mul3A_436 : vector<16xf32>
        %div3A_441 = arith.divf %mul3A_436, %add3A_440 : vector<16xf32>
        %swap3A_442 = arith.index_cast %mul3A_422 : i32 to index
        %swap3A_443 = tpu.vector_load %arg13[%swap3A_442] {strides = array<i32>} : memref<2000xf32, #tpu.memory_space<vmem>>, vector<16xf32>,
        tpu.vector_store %arg13[%swap3A_442], %div3A_441 {strides = array<i32>} : memref<2000xf32, #tpu.memory_space<vmem>>, vector<16xf32>,
        %scan3A_444 = arith.constant 5 : i32
        %scan3A_445 = arith.addi %scan3A_320, %scan3A_444 : i32
        %mul3A_446 = arith.constant 16 : i32
        %mul3A_447 = arith.muli %scan3A_445, %mul3A_446 : i32
        %get3A_448 = arith.index_cast %mul3A_447 : i32 to index
        %get3A_449 = tpu.vector_load %arg10[%get3A_448] {strides = array<i32>} : memref<2000xi32, #tpu.memory_space<vmem>>, vector<16xi32>,
        %get3A_450 = arith.index_cast %mul3A_447 : i32 to index
        %get3A_451 = tpu.vector_load %arg11[%get3A_450] {strides = array<i32>} : memref<2000xi32, #tpu.memory_space<vmem>>, vector<16xi32>,
        %gather3A_452 = tpu.vector_load_idx %arg8[%get3A_449] : memref<100000xf32, #tpu.memory_space<vmem>>[vector<16xi32>], vector<16xf32>,
        %gather3A_453 = tpu.vector_load_idx %arg8[%get3A_451] : memref<100000xf32, #tpu.memory_space<vmem>>[vector<16xi32>], vector<16xf32>,
        %max3A_454 = arith.maximumf %gather3A_452, %gather3A_453 : vector<16xf32>
        %mul3A_455 = arith.mulf %max3A_454, %get3A_37 : vector<16xf32>
        %add3A_456 = arith.constant 1.000000e+00 : f32
        %add3A_457 = vector.broadcast %add3A_456 : f32 to vector<16xf32>
        %add3A_458 = arith.addf %add3A_457, %mul3A_455 : vector<16xf32>
        %get3A_459 = arith.index_cast %mul3A_447 : i32 to index
        %get3A_460 = tpu.vector_load %arg12[%get3A_459] {strides = array<i32>} : memref<2000xf32, #tpu.memory_space<vmem>>, vector<16xf32>,
        %mul3A_461 = arith.mulf %get3A_460, %add3A_458 : vector<16xf32>
        %sub3A_462 = arith.constant 1.000000e+00 : f32
        %sub3A_463 = vector.broadcast %sub3A_462 : f32 to vector<16xf32>
        %sub3A_464 = arith.subf %sub3A_463, %get3A_460 : vector<16xf32>
        %add3A_465 = arith.addf %sub3A_464, %mul3A_461 : vector<16xf32>
        %div3A_466 = arith.divf %mul3A_461, %add3A_465 : vector<16xf32>
        %swap3A_467 = arith.index_cast %mul3A_447 : i32 to index
        %swap3A_468 = tpu.vector_load %arg13[%swap3A_467] {strides = array<i32>} : memref<2000xf32, #tpu.memory_space<vmem>>, vector<16xf32>,
        tpu.vector_store %arg13[%swap3A_467], %div3A_466 {strides = array<i32>} : memref<2000xf32, #tpu.memory_space<vmem>>, vector<16xf32>,
        %scan3A_469 = arith.constant 6 : i32
        %scan3A_470 = arith.addi %scan3A_320, %scan3A_469 : i32
        %mul3A_471 = arith.constant 16 : i32
        %mul3A_472 = arith.muli %scan3A_470, %mul3A_471 : i32
        %get3A_473 = arith.index_cast %mul3A_472 : i32 to index
        %get3A_474 = tpu.vector_load %arg10[%get3A_473] {strides = array<i32>} : memref<2000xi32, #tpu.memory_space<vmem>>, vector<16xi32>,
        %get3A_475 = arith.index_cast %mul3A_472 : i32 to index
        %get3A_476 = tpu.vector_load %arg11[%get3A_475] {strides = array<i32>} : memref<2000xi32, #tpu.memory_space<vmem>>, vector<16xi32>,
        %gather3A_477 = tpu.vector_load_idx %arg8[%get3A_474] : memref<100000xf32, #tpu.memory_space<vmem>>[vector<16xi32>], vector<16xf32>,
        %gather3A_478 = tpu.vector_load_idx %arg8[%get3A_476] : memref<100000xf32, #tpu.memory_space<vmem>>[vector<16xi32>], vector<16xf32>,
        %max3A_479 = arith.maximumf %gather3A_477, %gather3A_478 : vector<16xf32>
        %mul3A_480 = arith.mulf %max3A_479, %get3A_37 : vector<16xf32>
        %add3A_481 = arith.constant 1.000000e+00 : f32
        %add3A_482 = vector.broadcast %add3A_481 : f32 to vector<16xf32>
        %add3A_483 = arith.addf %add3A_482, %mul3A_480 : vector<16xf32>
        %get3A_484 = arith.index_cast %mul3A_472 : i32 to index
        %get3A_485 = tpu.vector_load %arg12[%get3A_484] {strides = array<i32>} : memref<2000xf32, #tpu.memory_space<vmem>>, vector<16xf32>,
        %mul3A_486 = arith.mulf %get3A_485, %add3A_483 : vector<16xf32>
        %sub3A_487 = arith.constant 1.000000e+00 : f32
        %sub3A_488 = vector.broadcast %sub3A_487 : f32 to vector<16xf32>
        %sub3A_489 = arith.subf %sub3A_488, %get3A_485 : vector<16xf32>
        %add3A_490 = arith.addf %sub3A_489, %mul3A_486 : vector<16xf32>
        %div3A_491 = arith.divf %mul3A_486, %add3A_490 : vector<16xf32>
        %swap3A_492 = arith.index_cast %mul3A_472 : i32 to index
        %swap3A_493 = tpu.vector_load %arg13[%swap3A_492] {strides = array<i32>} : memref<2000xf32, #tpu.memory_space<vmem>>, vector<16xf32>,
        tpu.vector_store %arg13[%swap3A_492], %div3A_491 {strides = array<i32>} : memref<2000xf32, #tpu.memory_space<vmem>>, vector<16xf32>,
        %scan3A_494 = arith.constant 7 : i32
        %scan3A_495 = arith.addi %scan3A_320, %scan3A_494 : i32
        %mul3A_496 = arith.constant 16 : i32
        %mul3A_497 = arith.muli %scan3A_495, %mul3A_496 : i32
        %get3A_498 = arith.index_cast %mul3A_497 : i32 to index
        %get3A_499 = tpu.vector_load %arg10[%get3A_498] {strides = array<i32>} : memref<2000xi32, #tpu.memory_space<vmem>>, vector<16xi32>,
        %get3A_500 = arith.index_cast %mul3A_497 : i32 to index
        %get3A_501 = tpu.vector_load %arg11[%get3A_500] {strides = array<i32>} : memref<2000xi32, #tpu.memory_space<vmem>>, vector<16xi32>,
        %gather3A_502 = tpu.vector_load_idx %arg8[%get3A_499] : memref<100000xf32, #tpu.memory_space<vmem>>[vector<16xi32>], vector<16xf32>,
        %gather3A_503 = tpu.vector_load_idx %arg8[%get3A_501] : memref<100000xf32, #tpu.memory_space<vmem>>[vector<16xi32>], vector<16xf32>,
        %max3A_504 = arith.maximumf %gather3A_502, %gather3A_503 : vector<16xf32>
        %mul3A_505 = arith.mulf %max3A_504, %get3A_37 : vector<16xf32>
        %add3A_506 = arith.constant 1.000000e+00 : f32
        %add3A_507 = vector.broadcast %add3A_506 : f32 to vector<16xf32>
        %add3A_508 = arith.addf %add3A_507, %mul3A_505 : vector<16xf32>
        %get3A_509 = arith.index_cast %mul3A_497 : i32 to index
        %get3A_510 = tpu.vector_load %arg12[%get3A_509] {strides = array<i32>} : memref<2000xf32, #tpu.memory_space<vmem>>, vector<16xf32>,
        %mul3A_511 = arith.mulf %get3A_510, %add3A_508 : vector<16xf32>
        %sub3A_512 = arith.constant 1.000000e+00 : f32
        %sub3A_513 = vector.broadcast %sub3A_512 : f32 to vector<16xf32>
        %sub3A_514 = arith.subf %sub3A_513, %get3A_510 : vector<16xf32>
        %add3A_515 = arith.addf %sub3A_514, %mul3A_511 : vector<16xf32>
        %div3A_516 = arith.divf %mul3A_511, %add3A_515 : vector<16xf32>
        %swap3A_517 = arith.index_cast %mul3A_497 : i32 to index
        %swap3A_518 = tpu.vector_load %arg13[%swap3A_517] {strides = array<i32>} : memref<2000xf32, #tpu.memory_space<vmem>>, vector<16xf32>,
        tpu.vector_store %arg13[%swap3A_517], %div3A_516 {strides = array<i32>} : memref<2000xf32, #tpu.memory_space<vmem>>, vector<16xf32>,
      }
      %scan3A_43 = arith.constant 120 : i32
      %scan3A_44 = arith.addi %scan3A_39, %scan3A_43 : i32
      %mul3A_45 = arith.constant 16 : i32
      %mul3A_46 = arith.muli %scan3A_44, %mul3A_45 : i32
      %get3A_47 = arith.index_cast %mul3A_46 : i32 to index
      %get3A_48 = tpu.vector_load %arg10[%get3A_47] {strides = array<i32>} : memref<2000xi32, #tpu.memory_space<vmem>>, vector<16xi32>,
      %get3A_49 = arith.index_cast %mul3A_46 : i32 to index
      %get3A_50 = tpu.vector_load %arg11[%get3A_49] {strides = array<i32>} : memref<2000xi32, #tpu.memory_space<vmem>>, vector<16xi32>,
      %gather3A = tpu.vector_load_idx %arg8[%get3A_48] : memref<100000xf32, #tpu.memory_space<vmem>>[vector<16xi32>], vector<16xf32>,
      %gather3A_51 = tpu.vector_load_idx %arg8[%get3A_50] : memref<100000xf32, #tpu.memory_space<vmem>>[vector<16xi32>], vector<16xf32>,
      %max3A = arith.maximumf %gather3A, %gather3A_51 : vector<16xf32>
      %mul3A_52 = arith.mulf %max3A, %get3A_37 : vector<16xf32>
      %add3A_53 = arith.constant 1.000000e+00 : f32
      %add3A_54 = vector.broadcast %add3A_53 : f32 to vector<16xf32>
      %add3A_55 = arith.addf %add3A_54, %mul3A_52 : vector<16xf32>
      %get3A_56 = arith.index_cast %mul3A_46 : i32 to index
      %get3A_57 = tpu.vector_load %arg12[%get3A_56] {strides = array<i32>} : memref<2000xf32, #tpu.memory_space<vmem>>, vector<16xf32>,
      %mul3A_58 = arith.mulf %get3A_57, %add3A_55 : vector<16xf32>
      %sub3A = arith.constant 1.000000e+00 : f32
      %sub3A_59 = vector.broadcast %sub3A : f32 to vector<16xf32>
      %sub3A_60 = arith.subf %sub3A_59, %get3A_57 : vector<16xf32>
      %add3A_61 = arith.addf %sub3A_60, %mul3A_58 : vector<16xf32>
      %div3A = arith.divf %mul3A_58, %add3A_61 : vector<16xf32>
      %swap3A = arith.index_cast %mul3A_46 : i32 to index
      %swap3A_62 = tpu.vector_load %arg13[%swap3A] {strides = array<i32>} : memref<2000xf32, #tpu.memory_space<vmem>>, vector<16xf32>,
      tpu.vector_store %arg13[%swap3A], %div3A {strides = array<i32>} : memref<2000xf32, #tpu.memory_space<vmem>>, vector<16xf32>,
      %scan3A_63 = arith.constant 121 : i32
      %scan3A_64 = arith.addi %scan3A_39, %scan3A_63 : i32
      %mul3A_65 = arith.constant 16 : i32
      %mul3A_66 = arith.muli %scan3A_64, %mul3A_65 : i32
      %get3A_67 = arith.index_cast %mul3A_66 : i32 to index
      %get3A_68 = tpu.vector_load %arg10[%get3A_67] {strides = array<i32>} : memref<2000xi32, #tpu.memory_space<vmem>>, vector<16xi32>,
      %get3A_69 = arith.index_cast %mul3A_66 : i32 to index
      %get3A_70 = tpu.vector_load %arg11[%get3A_69] {strides = array<i32>} : memref<2000xi32, #tpu.memory_space<vmem>>, vector<16xi32>,
      %gather3A_71 = tpu.vector_load_idx %arg8[%get3A_68] : memref<100000xf32, #tpu.memory_space<vmem>>[vector<16xi32>], vector<16xf32>,
      %gather3A_72 = tpu.vector_load_idx %arg8[%get3A_70] : memref<100000xf32, #tpu.memory_space<vmem>>[vector<16xi32>], vector<16xf32>,
      %max3A_73 = arith.maximumf %gather3A_71, %gather3A_72 : vector<16xf32>
      %mul3A_74 = arith.mulf %max3A_73, %get3A_37 : vector<16xf32>
      %add3A_75 = arith.constant 1.000000e+00 : f32
      %add3A_76 = vector.broadcast %add3A_75 : f32 to vector<16xf32>
      %add3A_77 = arith.addf %add3A_76, %mul3A_74 : vector<16xf32>
      %get3A_78 = arith.index_cast %mul3A_66 : i32 to index
      %get3A_79 = tpu.vector_load %arg12[%get3A_78] {strides = array<i32>} : memref<2000xf32, #tpu.memory_space<vmem>>, vector<16xf32>,
      %mul3A_80 = arith.mulf %get3A_79, %add3A_77 : vector<16xf32>
      %sub3A_81 = arith.constant 1.000000e+00 : f32
      %sub3A_82 = vector.broadcast %sub3A_81 : f32 to vector<16xf32>
      %sub3A_83 = arith.subf %sub3A_82, %get3A_79 : vector<16xf32>
      %add3A_84 = arith.addf %sub3A_83, %mul3A_80 : vector<16xf32>
      %div3A_85 = arith.divf %mul3A_80, %add3A_84 : vector<16xf32>
      %swap3A_86 = arith.index_cast %mul3A_66 : i32 to index
      %swap3A_87 = tpu.vector_load %arg13[%swap3A_86] {strides = array<i32>} : memref<2000xf32, #tpu.memory_space<vmem>>, vector<16xf32>,
      tpu.vector_store %arg13[%swap3A_86], %div3A_85 {strides = array<i32>} : memref<2000xf32, #tpu.memory_space<vmem>>, vector<16xf32>,
      %scan3A_88 = arith.constant 122 : i32
      %scan3A_89 = arith.addi %scan3A_39, %scan3A_88 : i32
      %mul3A_90 = arith.constant 16 : i32
      %mul3A_91 = arith.muli %scan3A_89, %mul3A_90 : i32
      %get3A_92 = arith.index_cast %mul3A_91 : i32 to index
      %get3A_93 = tpu.vector_load %arg10[%get3A_92] {strides = array<i32>} : memref<2000xi32, #tpu.memory_space<vmem>>, vector<16xi32>,
      %get3A_94 = arith.index_cast %mul3A_91 : i32 to index
      %get3A_95 = tpu.vector_load %arg11[%get3A_94] {strides = array<i32>} : memref<2000xi32, #tpu.memory_space<vmem>>, vector<16xi32>,
      %gather3A_96 = tpu.vector_load_idx %arg8[%get3A_93] : memref<100000xf32, #tpu.memory_space<vmem>>[vector<16xi32>], vector<16xf32>,
      %gather3A_97 = tpu.vector_load_idx %arg8[%get3A_95] : memref<100000xf32, #tpu.memory_space<vmem>>[vector<16xi32>], vector<16xf32>,
      %max3A_98 = arith.maximumf %gather3A_96, %gather3A_97 : vector<16xf32>
      %mul3A_99 = arith.mulf %max3A_98, %get3A_37 : vector<16xf32>
      %add3A_100 = arith.constant 1.000000e+00 : f32
      %add3A_101 = vector.broadcast %add3A_100 : f32 to vector<16xf32>
      %add3A_102 = arith.addf %add3A_101, %mul3A_99 : vector<16xf32>
      %get3A_103 = arith.index_cast %mul3A_91 : i32 to index
      %get3A_104 = tpu.vector_load %arg12[%get3A_103] {strides = array<i32>} : memref<2000xf32, #tpu.memory_space<vmem>>, vector<16xf32>,
      %mul3A_105 = arith.mulf %get3A_104, %add3A_102 : vector<16xf32>
      %sub3A_106 = arith.constant 1.000000e+00 : f32
      %sub3A_107 = vector.broadcast %sub3A_106 : f32 to vector<16xf32>
      %sub3A_108 = arith.subf %sub3A_107, %get3A_104 : vector<16xf32>
      %add3A_109 = arith.addf %sub3A_108, %mul3A_105 : vector<16xf32>
      %div3A_110 = arith.divf %mul3A_105, %add3A_109 : vector<16xf32>
      %swap3A_111 = arith.index_cast %mul3A_91 : i32 to index
      %swap3A_112 = tpu.vector_load %arg13[%swap3A_111] {strides = array<i32>} : memref<2000xf32, #tpu.memory_space<vmem>>, vector<16xf32>,
      tpu.vector_store %arg13[%swap3A_111], %div3A_110 {strides = array<i32>} : memref<2000xf32, #tpu.memory_space<vmem>>, vector<16xf32>,
      %scan3A_113 = arith.constant 123 : i32
      %scan3A_114 = arith.addi %scan3A_39, %scan3A_113 : i32
      %mul3A_115 = arith.constant 16 : i32
      %mul3A_116 = arith.muli %scan3A_114, %mul3A_115 : i32
      %get3A_117 = arith.index_cast %mul3A_116 : i32 to index
      %get3A_118 = tpu.vector_load %arg10[%get3A_117] {strides = array<i32>} : memref<2000xi32, #tpu.memory_space<vmem>>, vector<16xi32>,
      %get3A_119 = arith.index_cast %mul3A_116 : i32 to index
      %get3A_120 = tpu.vector_load %arg11[%get3A_119] {strides = array<i32>} : memref<2000xi32, #tpu.memory_space<vmem>>, vector<16xi32>,
      %gather3A_121 = tpu.vector_load_idx %arg8[%get3A_118] : memref<100000xf32, #tpu.memory_space<vmem>>[vector<16xi32>], vector<16xf32>,
      %gather3A_122 = tpu.vector_load_idx %arg8[%get3A_120] : memref<100000xf32, #tpu.memory_space<vmem>>[vector<16xi32>], vector<16xf32>,
      %max3A_123 = arith.maximumf %gather3A_121, %gather3A_122 : vector<16xf32>
      %mul3A_124 = arith.mulf %max3A_123, %get3A_37 : vector<16xf32>
      %add3A_125 = arith.constant 1.000000e+00 : f32
      %add3A_126 = vector.broadcast %add3A_125 : f32 to vector<16xf32>
      %add3A_127 = arith.addf %add3A_126, %mul3A_124 : vector<16xf32>
      %get3A_128 = arith.index_cast %mul3A_116 : i32 to index
      %get3A_129 = tpu.vector_load %arg12[%get3A_128] {strides = array<i32>} : memref<2000xf32, #tpu.memory_space<vmem>>, vector<16xf32>,
      %mul3A_130 = arith.mulf %get3A_129, %add3A_127 : vector<16xf32>
      %sub3A_131 = arith.constant 1.000000e+00 : f32
      %sub3A_132 = vector.broadcast %sub3A_131 : f32 to vector<16xf32>
      %sub3A_133 = arith.subf %sub3A_132, %get3A_129 : vector<16xf32>
      %add3A_134 = arith.addf %sub3A_133, %mul3A_130 : vector<16xf32>
      %div3A_135 = arith.divf %mul3A_130, %add3A_134 : vector<16xf32>
      %swap3A_136 = arith.index_cast %mul3A_116 : i32 to index
      %swap3A_137 = tpu.vector_load %arg13[%swap3A_136] {strides = array<i32>} : memref<2000xf32, #tpu.memory_space<vmem>>, vector<16xf32>,
      tpu.vector_store %arg13[%swap3A_136], %div3A_135 {strides = array<i32>} : memref<2000xf32, #tpu.memory_space<vmem>>, vector<16xf32>,
      %scan3A_138 = arith.constant 124 : i32
      %scan3A_139 = arith.addi %scan3A_39, %scan3A_138 : i32
      %mul3A_140 = arith.constant 16 : i32
      %mul3A_141 = arith.muli %scan3A_139, %mul3A_140 : i32
      %get3A_142 = arith.index_cast %mul3A_141 : i32 to index
      %get3A_143 = tpu.vector_load %arg10[%get3A_142] {strides = array<i32>} : memref<2000xi32, #tpu.memory_space<vmem>>, vector<16xi32>,
      %get3A_144 = arith.index_cast %mul3A_141 : i32 to index
      %get3A_145 = tpu.vector_load %arg11[%get3A_144] {strides = array<i32>} : memref<2000xi32, #tpu.memory_space<vmem>>, vector<16xi32>,
      %gather3A_146 = tpu.vector_load_idx %arg8[%get3A_143] : memref<100000xf32, #tpu.memory_space<vmem>>[vector<16xi32>], vector<16xf32>,
      %gather3A_147 = tpu.vector_load_idx %arg8[%get3A_145] : memref<100000xf32, #tpu.memory_space<vmem>>[vector<16xi32>], vector<16xf32>,
      %max3A_148 = arith.maximumf %gather3A_146, %gather3A_147 : vector<16xf32>
      %mul3A_149 = arith.mulf %max3A_148, %get3A_37 : vector<16xf32>
      %add3A_150 = arith.constant 1.000000e+00 : f32
      %add3A_151 = vector.broadcast %add3A_150 : f32 to vector<16xf32>
      %add3A_152 = arith.addf %add3A_151, %mul3A_149 : vector<16xf32>
      %get3A_153 = arith.index_cast %mul3A_141 : i32 to index
      %get3A_154 = tpu.vector_load %arg12[%get3A_153] {strides = array<i32>} : memref<2000xf32, #tpu.memory_space<vmem>>, vector<16xf32>,
      %mul3A_155 = arith.mulf %get3A_154, %add3A_152 : vector<16xf32>
      %sub3A_156 = arith.constant 1.000000e+00 : f32
      %sub3A_157 = vector.broadcast %sub3A_156 : f32 to vector<16xf32>
      %sub3A_158 = arith.subf %sub3A_157, %get3A_154 : vector<16xf32>
      %add3A_159 = arith.addf %sub3A_158, %mul3A_155 : vector<16xf32>
      %div3A_160 = arith.divf %mul3A_155, %add3A_159 : vector<16xf32>
      %swap3A_161 = arith.index_cast %mul3A_141 : i32 to index
      %swap3A_162 = tpu.vector_load %arg13[%swap3A_161] {strides = array<i32>} : memref<2000xf32, #tpu.memory_space<vmem>>, vector<16xf32>,
      tpu.vector_store %arg13[%swap3A_161], %div3A_160 {strides = array<i32>} : memref<2000xf32, #tpu.memory_space<vmem>>, vector<16xf32>,
      %scan3A_163 = arith.constant 125 : i32
      %mul3A_164 = arith.constant 2000 : i32
      %mul3A_165 = arith.muli %mul3A_17, %mul3A_164 : i32
      %add3A_166 = arith.addi %mul3A_2, %mul3A_165 : i32
      "tpu.region"() ({
        %run_scoped3A = tpu.sem_alloc : memref<!tpu.dma_semaphore, #tpu.memory_space<semaphore_mem>>
        %dma_start3A_320 = tpu.memref_slice %arg7[%add3A_166] : memref<6400000xf32, #tpu.memory_space<hbm>> -> memref<2000xf32, #tpu.memory_space<hbm>>
        %dma_start3A_321 = tpu.memref_slice %arg7[%add3A_166] : memref<6400000xf32, #tpu.memory_space<hbm>> -> memref<2000xf32, #tpu.memory_space<hbm>>
        tpu.enqueue_dma source(%arg13 : memref<2000xf32, #tpu.memory_space<vmem>>) target(%dma_start3A_321 : memref<2000xf32, #tpu.memory_space<hbm>>) target_semaphore(%run_scoped3A : memref<!tpu.dma_semaphore, #tpu.memory_space<semaphore_mem>>)
        %dma_wait3A_322 = tpu.memref_slice %arg7[%add3A_166] : memref<6400000xf32, #tpu.memory_space<hbm>> -> memref<2000xf32, #tpu.memory_space<hbm>>
        %dma_wait3A_323 = tpu.memref_slice %arg7[%add3A_166] : memref<6400000xf32, #tpu.memory_space<hbm>> -> memref<2000xf32, #tpu.memory_space<hbm>>
        tpu.wait_dma2 semaphore(%run_scoped3A : memref<!tpu.dma_semaphore, #tpu.memory_space<semaphore_mem>>) src(%arg13 : memref<2000xf32, #tpu.memory_space<vmem>>) dst(%dma_wait3A_323 : memref<2000xf32, #tpu.memory_space<hbm>>)
        tpu.yield
      }) : () -> ()
      %add3A_167 = arith.constant 1 : i32
      %add3A_168 = arith.addi %scan3A_15, %add3A_167 : i32
      %lt3A = arith.constant 50 : i32
      %lt3A_169 = arith.cmpi slt, %add3A_168, %lt3A : i32
      %convert_element_type3A = arith.extui %lt3A_169 : i1 to i32
      %cond3A = arith.constant 0 : i32
      %cond3A_170 = arith.cmpi ne, %convert_element_type3A, %cond3A : i32
      scf.if %cond3A_170 {
        %add3A_320 = arith.constant 2 : i32
        %add3A_321 = arith.addi %mul3A_17, %add3A_320 : i32
        %mul3A_322 = arith.constant 2000 : i32
        %mul3A_323 = arith.muli %add3A_321, %mul3A_322 : i32
        %add3A_324 = arith.addi %mul3A_2, %mul3A_323 : i32
        %dma_start3A_325 = tpu.memref_slice %arg2[%add3A_324] : memref<6400000xi32, #tpu.memory_space<hbm>> -> memref<2000xi32, #tpu.memory_space<hbm>>
        %dma_start3A_326 = tpu.memref_slice %arg2[%add3A_324] : memref<6400000xi32, #tpu.memory_space<hbm>> -> memref<2000xi32, #tpu.memory_space<hbm>>
        tpu.enqueue_dma source(%dma_start3A_326 : memref<2000xi32, #tpu.memory_space<hbm>>) target(%arg10 : memref<2000xi32, #tpu.memory_space<vmem>>) target_semaphore(%arg14 : memref<!tpu.dma_semaphore, #tpu.memory_space<semaphore_mem>>)
        %dma_start3A_327 = tpu.memref_slice %arg3[%add3A_324] : memref<6400000xi32, #tpu.memory_space<hbm>> -> memref<2000xi32, #tpu.memory_space<hbm>>
        %dma_start3A_328 = tpu.memref_slice %arg3[%add3A_324] : memref<6400000xi32, #tpu.memory_space<hbm>> -> memref<2000xi32, #tpu.memory_space<hbm>>
        tpu.enqueue_dma source(%dma_start3A_328 : memref<2000xi32, #tpu.memory_space<hbm>>) target(%arg11 : memref<2000xi32, #tpu.memory_space<vmem>>) target_semaphore(%arg14 : memref<!tpu.dma_semaphore, #tpu.memory_space<semaphore_mem>>)
        %dma_start3A_329 = tpu.memref_slice %arg5[%add3A_324] : memref<6400000xf32, #tpu.memory_space<hbm>> -> memref<2000xf32, #tpu.memory_space<hbm>>
        %dma_start3A_330 = tpu.memref_slice %arg5[%add3A_324] : memref<6400000xf32, #tpu.memory_space<hbm>> -> memref<2000xf32, #tpu.memory_space<hbm>>
        tpu.enqueue_dma source(%dma_start3A_330 : memref<2000xf32, #tpu.memory_space<hbm>>) target(%arg12 : memref<2000xf32, #tpu.memory_space<vmem>>) target_semaphore(%arg14 : memref<!tpu.dma_semaphore, #tpu.memory_space<semaphore_mem>>)
      } else {
      }
      %add3A_171 = arith.constant 1 : i32
      %add3A_172 = arith.addi %mul3A_17, %add3A_171 : i32
      %mul3A_173 = arith.constant 2000 : i32
      %mul3A_174 = arith.muli %add3A_172, %mul3A_173 : i32
      %add3A_175 = arith.addi %mul3A_2, %mul3A_174 : i32
      %dma_wait3A_176 = tpu.memref_slice %arg2[%add3A_175] : memref<6400000xi32, #tpu.memory_space<hbm>> -> memref<2000xi32, #tpu.memory_space<hbm>>
      %dma_wait3A_177 = tpu.memref_slice %arg2[%add3A_175] : memref<6400000xi32, #tpu.memory_space<hbm>> -> memref<2000xi32, #tpu.memory_space<hbm>>
      tpu.wait_dma2 semaphore(%arg19 : memref<!tpu.dma_semaphore, #tpu.memory_space<semaphore_mem>>) src(%dma_wait3A_177 : memref<2000xi32, #tpu.memory_space<hbm>>) dst(%arg15 : memref<2000xi32, #tpu.memory_space<vmem>>)
      %dma_wait3A_178 = tpu.memref_slice %arg3[%add3A_175] : memref<6400000xi32, #tpu.memory_space<hbm>> -> memref<2000xi32, #tpu.memory_space<hbm>>
      %dma_wait3A_179 = tpu.memref_slice %arg3[%add3A_175] : memref<6400000xi32, #tpu.memory_space<hbm>> -> memref<2000xi32, #tpu.memory_space<hbm>>
      tpu.wait_dma2 semaphore(%arg19 : memref<!tpu.dma_semaphore, #tpu.memory_space<semaphore_mem>>) src(%dma_wait3A_179 : memref<2000xi32, #tpu.memory_space<hbm>>) dst(%arg16 : memref<2000xi32, #tpu.memory_space<vmem>>)
      %dma_wait3A_180 = tpu.memref_slice %arg5[%add3A_175] : memref<6400000xf32, #tpu.memory_space<hbm>> -> memref<2000xf32, #tpu.memory_space<hbm>>
      %dma_wait3A_181 = tpu.memref_slice %arg5[%add3A_175] : memref<6400000xf32, #tpu.memory_space<hbm>> -> memref<2000xf32, #tpu.memory_space<hbm>>
      tpu.wait_dma2 semaphore(%arg19 : memref<!tpu.dma_semaphore, #tpu.memory_space<semaphore_mem>>) src(%dma_wait3A_181 : memref<2000xf32, #tpu.memory_space<hbm>>) dst(%arg17 : memref<2000xf32, #tpu.memory_space<vmem>>)
      %add3A_182 = arith.constant 1 : i32
      %add3A_183 = arith.addi %mul3A_17, %add3A_182 : i32
      %get3A_184 = arith.constant 0 : index
      %get3A_185 = tpu.vector_load %arg9[%get3A_184] {strides = array<i32>} : memref<16xf32, #tpu.memory_space<vmem>>, vector<16xf32>,
      %scan3A_186 = arith.constant 0 : i32
      %scan3A_187 = arith.constant 0 : i32
      %scan3A_188 = arith.constant 120 : i32
      %scan3A_189 = arith.addi %scan3A_187, %scan3A_188 : i32
      %scan3A_190 = arith.constant 8 : i32
      scf.for %scan3A_320 = %scan3A_187 to %scan3A_189 step %scan3A_190  : i32 {
        %mul3A_321 = arith.constant 16 : i32
        %mul3A_322 = arith.muli %scan3A_320, %mul3A_321 : i32
        %get3A_323 = arith.index_cast %mul3A_322 : i32 to index
        %get3A_324 = tpu.vector_load %arg15[%get3A_323] {strides = array<i32>} : memref<2000xi32, #tpu.memory_space<vmem>>, vector<16xi32>,
        %get3A_325 = arith.index_cast %mul3A_322 : i32 to index
        %get3A_326 = tpu.vector_load %arg16[%get3A_325] {strides = array<i32>} : memref<2000xi32, #tpu.memory_space<vmem>>, vector<16xi32>,
        %gather3A_327 = tpu.vector_load_idx %arg8[%get3A_324] : memref<100000xf32, #tpu.memory_space<vmem>>[vector<16xi32>], vector<16xf32>,
        %gather3A_328 = tpu.vector_load_idx %arg8[%get3A_326] : memref<100000xf32, #tpu.memory_space<vmem>>[vector<16xi32>], vector<16xf32>,
        %max3A_329 = arith.maximumf %gather3A_327, %gather3A_328 : vector<16xf32>
        %mul3A_330 = arith.mulf %max3A_329, %get3A_185 : vector<16xf32>
        %add3A_331 = arith.constant 1.000000e+00 : f32
        %add3A_332 = vector.broadcast %add3A_331 : f32 to vector<16xf32>
        %add3A_333 = arith.addf %add3A_332, %mul3A_330 : vector<16xf32>
        %get3A_334 = arith.index_cast %mul3A_322 : i32 to index
        %get3A_335 = tpu.vector_load %arg17[%get3A_334] {strides = array<i32>} : memref<2000xf32, #tpu.memory_space<vmem>>, vector<16xf32>,
        %mul3A_336 = arith.mulf %get3A_335, %add3A_333 : vector<16xf32>
        %sub3A_337 = arith.constant 1.000000e+00 : f32
        %sub3A_338 = vector.broadcast %sub3A_337 : f32 to vector<16xf32>
        %sub3A_339 = arith.subf %sub3A_338, %get3A_335 : vector<16xf32>
        %add3A_340 = arith.addf %sub3A_339, %mul3A_336 : vector<16xf32>
        %div3A_341 = arith.divf %mul3A_336, %add3A_340 : vector<16xf32>
        %swap3A_342 = arith.index_cast %mul3A_322 : i32 to index
        %swap3A_343 = tpu.vector_load %arg18[%swap3A_342] {strides = array<i32>} : memref<2000xf32, #tpu.memory_space<vmem>>, vector<16xf32>,
        tpu.vector_store %arg18[%swap3A_342], %div3A_341 {strides = array<i32>} : memref<2000xf32, #tpu.memory_space<vmem>>, vector<16xf32>,
        %scan3A_344 = arith.constant 1 : i32
        %scan3A_345 = arith.addi %scan3A_320, %scan3A_344 : i32
        %mul3A_346 = arith.constant 16 : i32
        %mul3A_347 = arith.muli %scan3A_345, %mul3A_346 : i32
        %get3A_348 = arith.index_cast %mul3A_347 : i32 to index
        %get3A_349 = tpu.vector_load %arg15[%get3A_348] {strides = array<i32>} : memref<2000xi32, #tpu.memory_space<vmem>>, vector<16xi32>,
        %get3A_350 = arith.index_cast %mul3A_347 : i32 to index
        %get3A_351 = tpu.vector_load %arg16[%get3A_350] {strides = array<i32>} : memref<2000xi32, #tpu.memory_space<vmem>>, vector<16xi32>,
        %gather3A_352 = tpu.vector_load_idx %arg8[%get3A_349] : memref<100000xf32, #tpu.memory_space<vmem>>[vector<16xi32>], vector<16xf32>,
        %gather3A_353 = tpu.vector_load_idx %arg8[%get3A_351] : memref<100000xf32, #tpu.memory_space<vmem>>[vector<16xi32>], vector<16xf32>,
        %max3A_354 = arith.maximumf %gather3A_352, %gather3A_353 : vector<16xf32>
        %mul3A_355 = arith.mulf %max3A_354, %get3A_185 : vector<16xf32>
        %add3A_356 = arith.constant 1.000000e+00 : f32
        %add3A_357 = vector.broadcast %add3A_356 : f32 to vector<16xf32>
        %add3A_358 = arith.addf %add3A_357, %mul3A_355 : vector<16xf32>
        %get3A_359 = arith.index_cast %mul3A_347 : i32 to index
        %get3A_360 = tpu.vector_load %arg17[%get3A_359] {strides = array<i32>} : memref<2000xf32, #tpu.memory_space<vmem>>, vector<16xf32>,
        %mul3A_361 = arith.mulf %get3A_360, %add3A_358 : vector<16xf32>
        %sub3A_362 = arith.constant 1.000000e+00 : f32
        %sub3A_363 = vector.broadcast %sub3A_362 : f32 to vector<16xf32>
        %sub3A_364 = arith.subf %sub3A_363, %get3A_360 : vector<16xf32>
        %add3A_365 = arith.addf %sub3A_364, %mul3A_361 : vector<16xf32>
        %div3A_366 = arith.divf %mul3A_361, %add3A_365 : vector<16xf32>
        %swap3A_367 = arith.index_cast %mul3A_347 : i32 to index
        %swap3A_368 = tpu.vector_load %arg18[%swap3A_367] {strides = array<i32>} : memref<2000xf32, #tpu.memory_space<vmem>>, vector<16xf32>,
        tpu.vector_store %arg18[%swap3A_367], %div3A_366 {strides = array<i32>} : memref<2000xf32, #tpu.memory_space<vmem>>, vector<16xf32>,
        %scan3A_369 = arith.constant 2 : i32
        %scan3A_370 = arith.addi %scan3A_320, %scan3A_369 : i32
        %mul3A_371 = arith.constant 16 : i32
        %mul3A_372 = arith.muli %scan3A_370, %mul3A_371 : i32
        %get3A_373 = arith.index_cast %mul3A_372 : i32 to index
        %get3A_374 = tpu.vector_load %arg15[%get3A_373] {strides = array<i32>} : memref<2000xi32, #tpu.memory_space<vmem>>, vector<16xi32>,
        %get3A_375 = arith.index_cast %mul3A_372 : i32 to index
        %get3A_376 = tpu.vector_load %arg16[%get3A_375] {strides = array<i32>} : memref<2000xi32, #tpu.memory_space<vmem>>, vector<16xi32>,
        %gather3A_377 = tpu.vector_load_idx %arg8[%get3A_374] : memref<100000xf32, #tpu.memory_space<vmem>>[vector<16xi32>], vector<16xf32>,
        %gather3A_378 = tpu.vector_load_idx %arg8[%get3A_376] : memref<100000xf32, #tpu.memory_space<vmem>>[vector<16xi32>], vector<16xf32>,
        %max3A_379 = arith.maximumf %gather3A_377, %gather3A_378 : vector<16xf32>
        %mul3A_380 = arith.mulf %max3A_379, %get3A_185 : vector<16xf32>
        %add3A_381 = arith.constant 1.000000e+00 : f32
        %add3A_382 = vector.broadcast %add3A_381 : f32 to vector<16xf32>
        %add3A_383 = arith.addf %add3A_382, %mul3A_380 : vector<16xf32>
        %get3A_384 = arith.index_cast %mul3A_372 : i32 to index
        %get3A_385 = tpu.vector_load %arg17[%get3A_384] {strides = array<i32>} : memref<2000xf32, #tpu.memory_space<vmem>>, vector<16xf32>,
        %mul3A_386 = arith.mulf %get3A_385, %add3A_383 : vector<16xf32>
        %sub3A_387 = arith.constant 1.000000e+00 : f32
        %sub3A_388 = vector.broadcast %sub3A_387 : f32 to vector<16xf32>
        %sub3A_389 = arith.subf %sub3A_388, %get3A_385 : vector<16xf32>
        %add3A_390 = arith.addf %sub3A_389, %mul3A_386 : vector<16xf32>
        %div3A_391 = arith.divf %mul3A_386, %add3A_390 : vector<16xf32>
        %swap3A_392 = arith.index_cast %mul3A_372 : i32 to index
        %swap3A_393 = tpu.vector_load %arg18[%swap3A_392] {strides = array<i32>} : memref<2000xf32, #tpu.memory_space<vmem>>, vector<16xf32>,
        tpu.vector_store %arg18[%swap3A_392], %div3A_391 {strides = array<i32>} : memref<2000xf32, #tpu.memory_space<vmem>>, vector<16xf32>,
        %scan3A_394 = arith.constant 3 : i32
        %scan3A_395 = arith.addi %scan3A_320, %scan3A_394 : i32
        %mul3A_396 = arith.constant 16 : i32
        %mul3A_397 = arith.muli %scan3A_395, %mul3A_396 : i32
        %get3A_398 = arith.index_cast %mul3A_397 : i32 to index
        %get3A_399 = tpu.vector_load %arg15[%get3A_398] {strides = array<i32>} : memref<2000xi32, #tpu.memory_space<vmem>>, vector<16xi32>,
        %get3A_400 = arith.index_cast %mul3A_397 : i32 to index
        %get3A_401 = tpu.vector_load %arg16[%get3A_400] {strides = array<i32>} : memref<2000xi32, #tpu.memory_space<vmem>>, vector<16xi32>,
        %gather3A_402 = tpu.vector_load_idx %arg8[%get3A_399] : memref<100000xf32, #tpu.memory_space<vmem>>[vector<16xi32>], vector<16xf32>,
        %gather3A_403 = tpu.vector_load_idx %arg8[%get3A_401] : memref<100000xf32, #tpu.memory_space<vmem>>[vector<16xi32>], vector<16xf32>,
        %max3A_404 = arith.maximumf %gather3A_402, %gather3A_403 : vector<16xf32>
        %mul3A_405 = arith.mulf %max3A_404, %get3A_185 : vector<16xf32>
        %add3A_406 = arith.constant 1.000000e+00 : f32
        %add3A_407 = vector.broadcast %add3A_406 : f32 to vector<16xf32>
        %add3A_408 = arith.addf %add3A_407, %mul3A_405 : vector<16xf32>
        %get3A_409 = arith.index_cast %mul3A_397 : i32 to index
        %get3A_410 = tpu.vector_load %arg17[%get3A_409] {strides = array<i32>} : memref<2000xf32, #tpu.memory_space<vmem>>, vector<16xf32>,
        %mul3A_411 = arith.mulf %get3A_410, %add3A_408 : vector<16xf32>
        %sub3A_412 = arith.constant 1.000000e+00 : f32
        %sub3A_413 = vector.broadcast %sub3A_412 : f32 to vector<16xf32>
        %sub3A_414 = arith.subf %sub3A_413, %get3A_410 : vector<16xf32>
        %add3A_415 = arith.addf %sub3A_414, %mul3A_411 : vector<16xf32>
        %div3A_416 = arith.divf %mul3A_411, %add3A_415 : vector<16xf32>
        %swap3A_417 = arith.index_cast %mul3A_397 : i32 to index
        %swap3A_418 = tpu.vector_load %arg18[%swap3A_417] {strides = array<i32>} : memref<2000xf32, #tpu.memory_space<vmem>>, vector<16xf32>,
        tpu.vector_store %arg18[%swap3A_417], %div3A_416 {strides = array<i32>} : memref<2000xf32, #tpu.memory_space<vmem>>, vector<16xf32>,
        %scan3A_419 = arith.constant 4 : i32
        %scan3A_420 = arith.addi %scan3A_320, %scan3A_419 : i32
        %mul3A_421 = arith.constant 16 : i32
        %mul3A_422 = arith.muli %scan3A_420, %mul3A_421 : i32
        %get3A_423 = arith.index_cast %mul3A_422 : i32 to index
        %get3A_424 = tpu.vector_load %arg15[%get3A_423] {strides = array<i32>} : memref<2000xi32, #tpu.memory_space<vmem>>, vector<16xi32>,
        %get3A_425 = arith.index_cast %mul3A_422 : i32 to index
        %get3A_426 = tpu.vector_load %arg16[%get3A_425] {strides = array<i32>} : memref<2000xi32, #tpu.memory_space<vmem>>, vector<16xi32>,
        %gather3A_427 = tpu.vector_load_idx %arg8[%get3A_424] : memref<100000xf32, #tpu.memory_space<vmem>>[vector<16xi32>], vector<16xf32>,
        %gather3A_428 = tpu.vector_load_idx %arg8[%get3A_426] : memref<100000xf32, #tpu.memory_space<vmem>>[vector<16xi32>], vector<16xf32>,
        %max3A_429 = arith.maximumf %gather3A_427, %gather3A_428 : vector<16xf32>
        %mul3A_430 = arith.mulf %max3A_429, %get3A_185 : vector<16xf32>
        %add3A_431 = arith.constant 1.000000e+00 : f32
        %add3A_432 = vector.broadcast %add3A_431 : f32 to vector<16xf32>
        %add3A_433 = arith.addf %add3A_432, %mul3A_430 : vector<16xf32>
        %get3A_434 = arith.index_cast %mul3A_422 : i32 to index
        %get3A_435 = tpu.vector_load %arg17[%get3A_434] {strides = array<i32>} : memref<2000xf32, #tpu.memory_space<vmem>>, vector<16xf32>,
        %mul3A_436 = arith.mulf %get3A_435, %add3A_433 : vector<16xf32>
        %sub3A_437 = arith.constant 1.000000e+00 : f32
        %sub3A_438 = vector.broadcast %sub3A_437 : f32 to vector<16xf32>
        %sub3A_439 = arith.subf %sub3A_438, %get3A_435 : vector<16xf32>
        %add3A_440 = arith.addf %sub3A_439, %mul3A_436 : vector<16xf32>
        %div3A_441 = arith.divf %mul3A_436, %add3A_440 : vector<16xf32>
        %swap3A_442 = arith.index_cast %mul3A_422 : i32 to index
        %swap3A_443 = tpu.vector_load %arg18[%swap3A_442] {strides = array<i32>} : memref<2000xf32, #tpu.memory_space<vmem>>, vector<16xf32>,
        tpu.vector_store %arg18[%swap3A_442], %div3A_441 {strides = array<i32>} : memref<2000xf32, #tpu.memory_space<vmem>>, vector<16xf32>,
        %scan3A_444 = arith.constant 5 : i32
        %scan3A_445 = arith.addi %scan3A_320, %scan3A_444 : i32
        %mul3A_446 = arith.constant 16 : i32
        %mul3A_447 = arith.muli %scan3A_445, %mul3A_446 : i32
        %get3A_448 = arith.index_cast %mul3A_447 : i32 to index
        %get3A_449 = tpu.vector_load %arg15[%get3A_448] {strides = array<i32>} : memref<2000xi32, #tpu.memory_space<vmem>>, vector<16xi32>,
        %get3A_450 = arith.index_cast %mul3A_447 : i32 to index
        %get3A_451 = tpu.vector_load %arg16[%get3A_450] {strides = array<i32>} : memref<2000xi32, #tpu.memory_space<vmem>>, vector<16xi32>,
        %gather3A_452 = tpu.vector_load_idx %arg8[%get3A_449] : memref<100000xf32, #tpu.memory_space<vmem>>[vector<16xi32>], vector<16xf32>,
        %gather3A_453 = tpu.vector_load_idx %arg8[%get3A_451] : memref<100000xf32, #tpu.memory_space<vmem>>[vector<16xi32>], vector<16xf32>,
        %max3A_454 = arith.maximumf %gather3A_452, %gather3A_453 : vector<16xf32>
        %mul3A_455 = arith.mulf %max3A_454, %get3A_185 : vector<16xf32>
        %add3A_456 = arith.constant 1.000000e+00 : f32
        %add3A_457 = vector.broadcast %add3A_456 : f32 to vector<16xf32>
        %add3A_458 = arith.addf %add3A_457, %mul3A_455 : vector<16xf32>
        %get3A_459 = arith.index_cast %mul3A_447 : i32 to index
        %get3A_460 = tpu.vector_load %arg17[%get3A_459] {strides = array<i32>} : memref<2000xf32, #tpu.memory_space<vmem>>, vector<16xf32>,
        %mul3A_461 = arith.mulf %get3A_460, %add3A_458 : vector<16xf32>
        %sub3A_462 = arith.constant 1.000000e+00 : f32
        %sub3A_463 = vector.broadcast %sub3A_462 : f32 to vector<16xf32>
        %sub3A_464 = arith.subf %sub3A_463, %get3A_460 : vector<16xf32>
        %add3A_465 = arith.addf %sub3A_464, %mul3A_461 : vector<16xf32>
        %div3A_466 = arith.divf %mul3A_461, %add3A_465 : vector<16xf32>
        %swap3A_467 = arith.index_cast %mul3A_447 : i32 to index
        %swap3A_468 = tpu.vector_load %arg18[%swap3A_467] {strides = array<i32>} : memref<2000xf32, #tpu.memory_space<vmem>>, vector<16xf32>,
        tpu.vector_store %arg18[%swap3A_467], %div3A_466 {strides = array<i32>} : memref<2000xf32, #tpu.memory_space<vmem>>, vector<16xf32>,
        %scan3A_469 = arith.constant 6 : i32
        %scan3A_470 = arith.addi %scan3A_320, %scan3A_469 : i32
        %mul3A_471 = arith.constant 16 : i32
        %mul3A_472 = arith.muli %scan3A_470, %mul3A_471 : i32
        %get3A_473 = arith.index_cast %mul3A_472 : i32 to index
        %get3A_474 = tpu.vector_load %arg15[%get3A_473] {strides = array<i32>} : memref<2000xi32, #tpu.memory_space<vmem>>, vector<16xi32>,
        %get3A_475 = arith.index_cast %mul3A_472 : i32 to index
        %get3A_476 = tpu.vector_load %arg16[%get3A_475] {strides = array<i32>} : memref<2000xi32, #tpu.memory_space<vmem>>, vector<16xi32>,
        %gather3A_477 = tpu.vector_load_idx %arg8[%get3A_474] : memref<100000xf32, #tpu.memory_space<vmem>>[vector<16xi32>], vector<16xf32>,
        %gather3A_478 = tpu.vector_load_idx %arg8[%get3A_476] : memref<100000xf32, #tpu.memory_space<vmem>>[vector<16xi32>], vector<16xf32>,
        %max3A_479 = arith.maximumf %gather3A_477, %gather3A_478 : vector<16xf32>
        %mul3A_480 = arith.mulf %max3A_479, %get3A_185 : vector<16xf32>
        %add3A_481 = arith.constant 1.000000e+00 : f32
        %add3A_482 = vector.broadcast %add3A_481 : f32 to vector<16xf32>
        %add3A_483 = arith.addf %add3A_482, %mul3A_480 : vector<16xf32>
        %get3A_484 = arith.index_cast %mul3A_472 : i32 to index
        %get3A_485 = tpu.vector_load %arg17[%get3A_484] {strides = array<i32>} : memref<2000xf32, #tpu.memory_space<vmem>>, vector<16xf32>,
        %mul3A_486 = arith.mulf %get3A_485, %add3A_483 : vector<16xf32>
        %sub3A_487 = arith.constant 1.000000e+00 : f32
        %sub3A_488 = vector.broadcast %sub3A_487 : f32 to vector<16xf32>
        %sub3A_489 = arith.subf %sub3A_488, %get3A_485 : vector<16xf32>
        %add3A_490 = arith.addf %sub3A_489, %mul3A_486 : vector<16xf32>
        %div3A_491 = arith.divf %mul3A_486, %add3A_490 : vector<16xf32>
        %swap3A_492 = arith.index_cast %mul3A_472 : i32 to index
        %swap3A_493 = tpu.vector_load %arg18[%swap3A_492] {strides = array<i32>} : memref<2000xf32, #tpu.memory_space<vmem>>, vector<16xf32>,
        tpu.vector_store %arg18[%swap3A_492], %div3A_491 {strides = array<i32>} : memref<2000xf32, #tpu.memory_space<vmem>>, vector<16xf32>,
        %scan3A_494 = arith.constant 7 : i32
        %scan3A_495 = arith.addi %scan3A_320, %scan3A_494 : i32
        %mul3A_496 = arith.constant 16 : i32
        %mul3A_497 = arith.muli %scan3A_495, %mul3A_496 : i32
        %get3A_498 = arith.index_cast %mul3A_497 : i32 to index
        %get3A_499 = tpu.vector_load %arg15[%get3A_498] {strides = array<i32>} : memref<2000xi32, #tpu.memory_space<vmem>>, vector<16xi32>,
        %get3A_500 = arith.index_cast %mul3A_497 : i32 to index
        %get3A_501 = tpu.vector_load %arg16[%get3A_500] {strides = array<i32>} : memref<2000xi32, #tpu.memory_space<vmem>>, vector<16xi32>,
        %gather3A_502 = tpu.vector_load_idx %arg8[%get3A_499] : memref<100000xf32, #tpu.memory_space<vmem>>[vector<16xi32>], vector<16xf32>,
        %gather3A_503 = tpu.vector_load_idx %arg8[%get3A_501] : memref<100000xf32, #tpu.memory_space<vmem>>[vector<16xi32>], vector<16xf32>,
        %max3A_504 = arith.maximumf %gather3A_502, %gather3A_503 : vector<16xf32>
        %mul3A_505 = arith.mulf %max3A_504, %get3A_185 : vector<16xf32>
        %add3A_506 = arith.constant 1.000000e+00 : f32
        %add3A_507 = vector.broadcast %add3A_506 : f32 to vector<16xf32>
        %add3A_508 = arith.addf %add3A_507, %mul3A_505 : vector<16xf32>
        %get3A_509 = arith.index_cast %mul3A_497 : i32 to index
        %get3A_510 = tpu.vector_load %arg17[%get3A_509] {strides = array<i32>} : memref<2000xf32, #tpu.memory_space<vmem>>, vector<16xf32>,
        %mul3A_511 = arith.mulf %get3A_510, %add3A_508 : vector<16xf32>
        %sub3A_512 = arith.constant 1.000000e+00 : f32
        %sub3A_513 = vector.broadcast %sub3A_512 : f32 to vector<16xf32>
        %sub3A_514 = arith.subf %sub3A_513, %get3A_510 : vector<16xf32>
        %add3A_515 = arith.addf %sub3A_514, %mul3A_511 : vector<16xf32>
        %div3A_516 = arith.divf %mul3A_511, %add3A_515 : vector<16xf32>
        %swap3A_517 = arith.index_cast %mul3A_497 : i32 to index
        %swap3A_518 = tpu.vector_load %arg18[%swap3A_517] {strides = array<i32>} : memref<2000xf32, #tpu.memory_space<vmem>>, vector<16xf32>,
        tpu.vector_store %arg18[%swap3A_517], %div3A_516 {strides = array<i32>} : memref<2000xf32, #tpu.memory_space<vmem>>, vector<16xf32>,
      }
      %scan3A_191 = arith.constant 120 : i32
      %scan3A_192 = arith.addi %scan3A_187, %scan3A_191 : i32
      %mul3A_193 = arith.constant 16 : i32
      %mul3A_194 = arith.muli %scan3A_192, %mul3A_193 : i32
      %get3A_195 = arith.index_cast %mul3A_194 : i32 to index
      %get3A_196 = tpu.vector_load %arg15[%get3A_195] {strides = array<i32>} : memref<2000xi32, #tpu.memory_space<vmem>>, vector<16xi32>,
      %get3A_197 = arith.index_cast %mul3A_194 : i32 to index
      %get3A_198 = tpu.vector_load %arg16[%get3A_197] {strides = array<i32>} : memref<2000xi32, #tpu.memory_space<vmem>>, vector<16xi32>,
      %gather3A_199 = tpu.vector_load_idx %arg8[%get3A_196] : memref<100000xf32, #tpu.memory_space<vmem>>[vector<16xi32>], vector<16xf32>,
      %gather3A_200 = tpu.vector_load_idx %arg8[%get3A_198] : memref<100000xf32, #tpu.memory_space<vmem>>[vector<16xi32>], vector<16xf32>,
      %max3A_201 = arith.maximumf %gather3A_199, %gather3A_200 : vector<16xf32>
      %mul3A_202 = arith.mulf %max3A_201, %get3A_185 : vector<16xf32>
      %add3A_203 = arith.constant 1.000000e+00 : f32
      %add3A_204 = vector.broadcast %add3A_203 : f32 to vector<16xf32>
      %add3A_205 = arith.addf %add3A_204, %mul3A_202 : vector<16xf32>
      %get3A_206 = arith.index_cast %mul3A_194 : i32 to index
      %get3A_207 = tpu.vector_load %arg17[%get3A_206] {strides = array<i32>} : memref<2000xf32, #tpu.memory_space<vmem>>, vector<16xf32>,
      %mul3A_208 = arith.mulf %get3A_207, %add3A_205 : vector<16xf32>
      %sub3A_209 = arith.constant 1.000000e+00 : f32
      %sub3A_210 = vector.broadcast %sub3A_209 : f32 to vector<16xf32>
      %sub3A_211 = arith.subf %sub3A_210, %get3A_207 : vector<16xf32>
      %add3A_212 = arith.addf %sub3A_211, %mul3A_208 : vector<16xf32>
      %div3A_213 = arith.divf %mul3A_208, %add3A_212 : vector<16xf32>
      %swap3A_214 = arith.index_cast %mul3A_194 : i32 to index
      %swap3A_215 = tpu.vector_load %arg18[%swap3A_214] {strides = array<i32>} : memref<2000xf32, #tpu.memory_space<vmem>>, vector<16xf32>,
      tpu.vector_store %arg18[%swap3A_214], %div3A_213 {strides = array<i32>} : memref<2000xf32, #tpu.memory_space<vmem>>, vector<16xf32>,
      %scan3A_216 = arith.constant 121 : i32
      %scan3A_217 = arith.addi %scan3A_187, %scan3A_216 : i32
      %mul3A_218 = arith.constant 16 : i32
      %mul3A_219 = arith.muli %scan3A_217, %mul3A_218 : i32
      %get3A_220 = arith.index_cast %mul3A_219 : i32 to index
      %get3A_221 = tpu.vector_load %arg15[%get3A_220] {strides = array<i32>} : memref<2000xi32, #tpu.memory_space<vmem>>, vector<16xi32>,
      %get3A_222 = arith.index_cast %mul3A_219 : i32 to index
      %get3A_223 = tpu.vector_load %arg16[%get3A_222] {strides = array<i32>} : memref<2000xi32, #tpu.memory_space<vmem>>, vector<16xi32>,
      %gather3A_224 = tpu.vector_load_idx %arg8[%get3A_221] : memref<100000xf32, #tpu.memory_space<vmem>>[vector<16xi32>], vector<16xf32>,
      %gather3A_225 = tpu.vector_load_idx %arg8[%get3A_223] : memref<100000xf32, #tpu.memory_space<vmem>>[vector<16xi32>], vector<16xf32>,
      %max3A_226 = arith.maximumf %gather3A_224, %gather3A_225 : vector<16xf32>
      %mul3A_227 = arith.mulf %max3A_226, %get3A_185 : vector<16xf32>
      %add3A_228 = arith.constant 1.000000e+00 : f32
      %add3A_229 = vector.broadcast %add3A_228 : f32 to vector<16xf32>
      %add3A_230 = arith.addf %add3A_229, %mul3A_227 : vector<16xf32>
      %get3A_231 = arith.index_cast %mul3A_219 : i32 to index
      %get3A_232 = tpu.vector_load %arg17[%get3A_231] {strides = array<i32>} : memref<2000xf32, #tpu.memory_space<vmem>>, vector<16xf32>,
      %mul3A_233 = arith.mulf %get3A_232, %add3A_230 : vector<16xf32>
      %sub3A_234 = arith.constant 1.000000e+00 : f32
      %sub3A_235 = vector.broadcast %sub3A_234 : f32 to vector<16xf32>
      %sub3A_236 = arith.subf %sub3A_235, %get3A_232 : vector<16xf32>
      %add3A_237 = arith.addf %sub3A_236, %mul3A_233 : vector<16xf32>
      %div3A_238 = arith.divf %mul3A_233, %add3A_237 : vector<16xf32>
      %swap3A_239 = arith.index_cast %mul3A_219 : i32 to index
      %swap3A_240 = tpu.vector_load %arg18[%swap3A_239] {strides = array<i32>} : memref<2000xf32, #tpu.memory_space<vmem>>, vector<16xf32>,
      tpu.vector_store %arg18[%swap3A_239], %div3A_238 {strides = array<i32>} : memref<2000xf32, #tpu.memory_space<vmem>>, vector<16xf32>,
      %scan3A_241 = arith.constant 122 : i32
      %scan3A_242 = arith.addi %scan3A_187, %scan3A_241 : i32
      %mul3A_243 = arith.constant 16 : i32
      %mul3A_244 = arith.muli %scan3A_242, %mul3A_243 : i32
      %get3A_245 = arith.index_cast %mul3A_244 : i32 to index
      %get3A_246 = tpu.vector_load %arg15[%get3A_245] {strides = array<i32>} : memref<2000xi32, #tpu.memory_space<vmem>>, vector<16xi32>,
      %get3A_247 = arith.index_cast %mul3A_244 : i32 to index
      %get3A_248 = tpu.vector_load %arg16[%get3A_247] {strides = array<i32>} : memref<2000xi32, #tpu.memory_space<vmem>>, vector<16xi32>,
      %gather3A_249 = tpu.vector_load_idx %arg8[%get3A_246] : memref<100000xf32, #tpu.memory_space<vmem>>[vector<16xi32>], vector<16xf32>,
      %gather3A_250 = tpu.vector_load_idx %arg8[%get3A_248] : memref<100000xf32, #tpu.memory_space<vmem>>[vector<16xi32>], vector<16xf32>,
      %max3A_251 = arith.maximumf %gather3A_249, %gather3A_250 : vector<16xf32>
      %mul3A_252 = arith.mulf %max3A_251, %get3A_185 : vector<16xf32>
      %add3A_253 = arith.constant 1.000000e+00 : f32
      %add3A_254 = vector.broadcast %add3A_253 : f32 to vector<16xf32>
      %add3A_255 = arith.addf %add3A_254, %mul3A_252 : vector<16xf32>
      %get3A_256 = arith.index_cast %mul3A_244 : i32 to index
      %get3A_257 = tpu.vector_load %arg17[%get3A_256] {strides = array<i32>} : memref<2000xf32, #tpu.memory_space<vmem>>, vector<16xf32>,
      %mul3A_258 = arith.mulf %get3A_257, %add3A_255 : vector<16xf32>
      %sub3A_259 = arith.constant 1.000000e+00 : f32
      %sub3A_260 = vector.broadcast %sub3A_259 : f32 to vector<16xf32>
      %sub3A_261 = arith.subf %sub3A_260, %get3A_257 : vector<16xf32>
      %add3A_262 = arith.addf %sub3A_261, %mul3A_258 : vector<16xf32>
      %div3A_263 = arith.divf %mul3A_258, %add3A_262 : vector<16xf32>
      %swap3A_264 = arith.index_cast %mul3A_244 : i32 to index
      %swap3A_265 = tpu.vector_load %arg18[%swap3A_264] {strides = array<i32>} : memref<2000xf32, #tpu.memory_space<vmem>>, vector<16xf32>,
      tpu.vector_store %arg18[%swap3A_264], %div3A_263 {strides = array<i32>} : memref<2000xf32, #tpu.memory_space<vmem>>, vector<16xf32>,
      %scan3A_266 = arith.constant 123 : i32
      %scan3A_267 = arith.addi %scan3A_187, %scan3A_266 : i32
      %mul3A_268 = arith.constant 16 : i32
      %mul3A_269 = arith.muli %scan3A_267, %mul3A_268 : i32
      %get3A_270 = arith.index_cast %mul3A_269 : i32 to index
      %get3A_271 = tpu.vector_load %arg15[%get3A_270] {strides = array<i32>} : memref<2000xi32, #tpu.memory_space<vmem>>, vector<16xi32>,
      %get3A_272 = arith.index_cast %mul3A_269 : i32 to index
      %get3A_273 = tpu.vector_load %arg16[%get3A_272] {strides = array<i32>} : memref<2000xi32, #tpu.memory_space<vmem>>, vector<16xi32>,
      %gather3A_274 = tpu.vector_load_idx %arg8[%get3A_271] : memref<100000xf32, #tpu.memory_space<vmem>>[vector<16xi32>], vector<16xf32>,
      %gather3A_275 = tpu.vector_load_idx %arg8[%get3A_273] : memref<100000xf32, #tpu.memory_space<vmem>>[vector<16xi32>], vector<16xf32>,
      %max3A_276 = arith.maximumf %gather3A_274, %gather3A_275 : vector<16xf32>
      %mul3A_277 = arith.mulf %max3A_276, %get3A_185 : vector<16xf32>
      %add3A_278 = arith.constant 1.000000e+00 : f32
      %add3A_279 = vector.broadcast %add3A_278 : f32 to vector<16xf32>
      %add3A_280 = arith.addf %add3A_279, %mul3A_277 : vector<16xf32>
      %get3A_281 = arith.index_cast %mul3A_269 : i32 to index
      %get3A_282 = tpu.vector_load %arg17[%get3A_281] {strides = array<i32>} : memref<2000xf32, #tpu.memory_space<vmem>>, vector<16xf32>,
      %mul3A_283 = arith.mulf %get3A_282, %add3A_280 : vector<16xf32>
      %sub3A_284 = arith.constant 1.000000e+00 : f32
      %sub3A_285 = vector.broadcast %sub3A_284 : f32 to vector<16xf32>
      %sub3A_286 = arith.subf %sub3A_285, %get3A_282 : vector<16xf32>
      %add3A_287 = arith.addf %sub3A_286, %mul3A_283 : vector<16xf32>
      %div3A_288 = arith.divf %mul3A_283, %add3A_287 : vector<16xf32>
      %swap3A_289 = arith.index_cast %mul3A_269 : i32 to index
      %swap3A_290 = tpu.vector_load %arg18[%swap3A_289] {strides = array<i32>} : memref<2000xf32, #tpu.memory_space<vmem>>, vector<16xf32>,
      tpu.vector_store %arg18[%swap3A_289], %div3A_288 {strides = array<i32>} : memref<2000xf32, #tpu.memory_space<vmem>>, vector<16xf32>,
      %scan3A_291 = arith.constant 124 : i32
      %scan3A_292 = arith.addi %scan3A_187, %scan3A_291 : i32
      %mul3A_293 = arith.constant 16 : i32
      %mul3A_294 = arith.muli %scan3A_292, %mul3A_293 : i32
      %get3A_295 = arith.index_cast %mul3A_294 : i32 to index
      %get3A_296 = tpu.vector_load %arg15[%get3A_295] {strides = array<i32>} : memref<2000xi32, #tpu.memory_space<vmem>>, vector<16xi32>,
      %get3A_297 = arith.index_cast %mul3A_294 : i32 to index
      %get3A_298 = tpu.vector_load %arg16[%get3A_297] {strides = array<i32>} : memref<2000xi32, #tpu.memory_space<vmem>>, vector<16xi32>,
      %gather3A_299 = tpu.vector_load_idx %arg8[%get3A_296] : memref<100000xf32, #tpu.memory_space<vmem>>[vector<16xi32>], vector<16xf32>,
      %gather3A_300 = tpu.vector_load_idx %arg8[%get3A_298] : memref<100000xf32, #tpu.memory_space<vmem>>[vector<16xi32>], vector<16xf32>,
      %max3A_301 = arith.maximumf %gather3A_299, %gather3A_300 : vector<16xf32>
      %mul3A_302 = arith.mulf %max3A_301, %get3A_185 : vector<16xf32>
      %add3A_303 = arith.constant 1.000000e+00 : f32
      %add3A_304 = vector.broadcast %add3A_303 : f32 to vector<16xf32>
      %add3A_305 = arith.addf %add3A_304, %mul3A_302 : vector<16xf32>
      %get3A_306 = arith.index_cast %mul3A_294 : i32 to index
      %get3A_307 = tpu.vector_load %arg17[%get3A_306] {strides = array<i32>} : memref<2000xf32, #tpu.memory_space<vmem>>, vector<16xf32>,
      %mul3A_308 = arith.mulf %get3A_307, %add3A_305 : vector<16xf32>
      %sub3A_309 = arith.constant 1.000000e+00 : f32
      %sub3A_310 = vector.broadcast %sub3A_309 : f32 to vector<16xf32>
      %sub3A_311 = arith.subf %sub3A_310, %get3A_307 : vector<16xf32>
      %add3A_312 = arith.addf %sub3A_311, %mul3A_308 : vector<16xf32>
      %div3A_313 = arith.divf %mul3A_308, %add3A_312 : vector<16xf32>
      %swap3A_314 = arith.index_cast %mul3A_294 : i32 to index
      %swap3A_315 = tpu.vector_load %arg18[%swap3A_314] {strides = array<i32>} : memref<2000xf32, #tpu.memory_space<vmem>>, vector<16xf32>,
      tpu.vector_store %arg18[%swap3A_314], %div3A_313 {strides = array<i32>} : memref<2000xf32, #tpu.memory_space<vmem>>, vector<16xf32>,
      %scan3A_316 = arith.constant 125 : i32
      %mul3A_317 = arith.constant 2000 : i32
      %mul3A_318 = arith.muli %add3A_183, %mul3A_317 : i32
      %add3A_319 = arith.addi %mul3A_2, %mul3A_318 : i32
      "tpu.region"() ({
        %run_scoped3A = tpu.sem_alloc : memref<!tpu.dma_semaphore, #tpu.memory_space<semaphore_mem>>
        %dma_start3A_320 = tpu.memref_slice %arg7[%add3A_319] : memref<6400000xf32, #tpu.memory_space<hbm>> -> memref<2000xf32, #tpu.memory_space<hbm>>
        %dma_start3A_321 = tpu.memref_slice %arg7[%add3A_319] : memref<6400000xf32, #tpu.memory_space<hbm>> -> memref<2000xf32, #tpu.memory_space<hbm>>
        tpu.enqueue_dma source(%arg18 : memref<2000xf32, #tpu.memory_space<vmem>>) target(%dma_start3A_321 : memref<2000xf32, #tpu.memory_space<hbm>>) target_semaphore(%run_scoped3A : memref<!tpu.dma_semaphore, #tpu.memory_space<semaphore_mem>>)
        %dma_wait3A_322 = tpu.memref_slice %arg7[%add3A_319] : memref<6400000xf32, #tpu.memory_space<hbm>> -> memref<2000xf32, #tpu.memory_space<hbm>>
        %dma_wait3A_323 = tpu.memref_slice %arg7[%add3A_319] : memref<6400000xf32, #tpu.memory_space<hbm>> -> memref<2000xf32, #tpu.memory_space<hbm>>
        tpu.wait_dma2 semaphore(%run_scoped3A : memref<!tpu.dma_semaphore, #tpu.memory_space<semaphore_mem>>) src(%arg18 : memref<2000xf32, #tpu.memory_space<vmem>>) dst(%dma_wait3A_323 : memref<2000xf32, #tpu.memory_space<hbm>>)
        tpu.yield
      }) : () -> ()
    }
    %scan3A_14 = arith.constant 50 : i32
    return
  }
}

#map = affine_map<(d0, d1) -> (0)>
#map1 = affine_map<(d0, d1) -> (0, 0)>
module attributes {stable_mosaic.version = 14 : i64} {
  func.func @body(%arg0: i32, %arg1: i32, %arg2: memref<6400000xi32, #tpu.memory_space<hbm>>, %arg3: memref<6400000xi32, #tpu.memory_space<hbm>>, %arg4: memref<6400000xf32, #tpu.memory_space<hbm>>, %arg5: memref<32x100096xf32, #tpu.memory_space<hbm>>, %arg6: memref<100096xf32, #tpu.memory_space<vmem>>, %arg7: memref<4000xi32, #tpu.memory_space<vmem>>, %arg8: memref<4000xi32, #tpu.memory_space<vmem>>, %arg9: memref<4000xf32, #tpu.memory_space<vmem>>, %arg10: memref<!tpu.dma_semaphore, #tpu.memory_space<semaphore_mem>>, %arg11: memref<4000xi32, #tpu.memory_space<vmem>>, %arg12: memref<4000xi32, #tpu.memory_space<vmem>>, %arg13: memref<4000xf32, #tpu.memory_space<vmem>>, %arg14: memref<!tpu.dma_semaphore, #tpu.memory_space<semaphore_mem>>) attributes {dimension_semantics = [#tpu.dimension_semantics<core_parallel>, #tpu.dimension_semantics<subcore_parallel>], iteration_bounds = array<i64: 2, 16>, scalar_prefetch = 0 : i64, scratch_operands = 9 : i64, tpu.core_type = #tpu.core_type<sc_vector_subcore>, window_params = [{transform_indices = #map}, {transform_indices = #map}, {transform_indices = #map}, {transform_indices = #map1}]} {
    %mul3A = arith.constant 16 : i32
    %mul3A_0 = arith.muli %arg0, %mul3A : i32
    %add3A = arith.addi %mul3A_0, %arg1 : i32
    %scan3A = arith.constant 0 : i32
    %scan3A_1 = arith.constant 0 : i32
    %scan3A_2 = arith.constant 6256 : i32
    %scan3A_3 = arith.addi %scan3A_1, %scan3A_2 : i32
    %scan3A_4 = arith.constant 4 : i32
    scf.for %scan3A_22 = %scan3A_1 to %scan3A_3 step %scan3A_4  : i32 {
      %broadcast_in_dim3A_23 = arith.constant 0.000000e+00 : f32
      %broadcast_in_dim3A_24 = vector.broadcast %broadcast_in_dim3A_23 : f32 to vector<16xf32>
      %mul3A_25 = arith.constant 16 : i32
      %mul3A_26 = arith.muli %scan3A_22, %mul3A_25 : i32
      %swap3A = arith.index_cast %mul3A_26 : i32 to index
      %swap3A_27 = tpu.vector_load %arg6[%swap3A] {strides = array<i32>} : memref<100096xf32, #tpu.memory_space<vmem>>, vector<16xf32>,
      tpu.vector_store %arg6[%swap3A], %broadcast_in_dim3A_24 {strides = array<i32>} : memref<100096xf32, #tpu.memory_space<vmem>>, vector<16xf32>,
      %scan3A_28 = arith.constant 1 : i32
      %scan3A_29 = arith.addi %scan3A_22, %scan3A_28 : i32
      %broadcast_in_dim3A_30 = arith.constant 0.000000e+00 : f32
      %broadcast_in_dim3A_31 = vector.broadcast %broadcast_in_dim3A_30 : f32 to vector<16xf32>
      %mul3A_32 = arith.constant 16 : i32
      %mul3A_33 = arith.muli %scan3A_29, %mul3A_32 : i32
      %swap3A_34 = arith.index_cast %mul3A_33 : i32 to index
      %swap3A_35 = tpu.vector_load %arg6[%swap3A_34] {strides = array<i32>} : memref<100096xf32, #tpu.memory_space<vmem>>, vector<16xf32>,
      tpu.vector_store %arg6[%swap3A_34], %broadcast_in_dim3A_31 {strides = array<i32>} : memref<100096xf32, #tpu.memory_space<vmem>>, vector<16xf32>,
      %scan3A_36 = arith.constant 2 : i32
      %scan3A_37 = arith.addi %scan3A_22, %scan3A_36 : i32
      %broadcast_in_dim3A_38 = arith.constant 0.000000e+00 : f32
      %broadcast_in_dim3A_39 = vector.broadcast %broadcast_in_dim3A_38 : f32 to vector<16xf32>
      %mul3A_40 = arith.constant 16 : i32
      %mul3A_41 = arith.muli %scan3A_37, %mul3A_40 : i32
      %swap3A_42 = arith.index_cast %mul3A_41 : i32 to index
      %swap3A_43 = tpu.vector_load %arg6[%swap3A_42] {strides = array<i32>} : memref<100096xf32, #tpu.memory_space<vmem>>, vector<16xf32>,
      tpu.vector_store %arg6[%swap3A_42], %broadcast_in_dim3A_39 {strides = array<i32>} : memref<100096xf32, #tpu.memory_space<vmem>>, vector<16xf32>,
      %scan3A_44 = arith.constant 3 : i32
      %scan3A_45 = arith.addi %scan3A_22, %scan3A_44 : i32
      %broadcast_in_dim3A_46 = arith.constant 0.000000e+00 : f32
      %broadcast_in_dim3A_47 = vector.broadcast %broadcast_in_dim3A_46 : f32 to vector<16xf32>
      %mul3A_48 = arith.constant 16 : i32
      %mul3A_49 = arith.muli %scan3A_45, %mul3A_48 : i32
      %swap3A_50 = arith.index_cast %mul3A_49 : i32 to index
      %swap3A_51 = tpu.vector_load %arg6[%swap3A_50] {strides = array<i32>} : memref<100096xf32, #tpu.memory_space<vmem>>, vector<16xf32>,
      tpu.vector_store %arg6[%swap3A_50], %broadcast_in_dim3A_47 {strides = array<i32>} : memref<100096xf32, #tpu.memory_space<vmem>>, vector<16xf32>,
    }
    %scan3A_5 = arith.constant 6256 : i32
    %mul3A_6 = arith.constant 200000 : i32
    %mul3A_7 = arith.muli %add3A, %mul3A_6 : i32
    %broadcast_in_dim3A = arith.constant 1.000000e+00 : f32
    %broadcast_in_dim3A_8 = vector.broadcast %broadcast_in_dim3A : f32 to vector<16xf32>
    %add3A_9 = arith.constant 0 : i32
    %add3A_10 = arith.addi %mul3A_7, %add3A_9 : i32
    %dma_start3A = tpu.memref_slice %arg2[%add3A_10] : memref<6400000xi32, #tpu.memory_space<hbm>> -> memref<4000xi32, #tpu.memory_space<hbm>>
    %dma_start3A_11 = tpu.memref_slice %arg2[%add3A_10] : memref<6400000xi32, #tpu.memory_space<hbm>> -> memref<4000xi32, #tpu.memory_space<hbm>>
    tpu.enqueue_dma source(%dma_start3A_11 : memref<4000xi32, #tpu.memory_space<hbm>>) target(%arg7 : memref<4000xi32, #tpu.memory_space<vmem>>) target_semaphore(%arg10 : memref<!tpu.dma_semaphore, #tpu.memory_space<semaphore_mem>>)
    %dma_start3A_12 = tpu.memref_slice %arg3[%add3A_10] : memref<6400000xi32, #tpu.memory_space<hbm>> -> memref<4000xi32, #tpu.memory_space<hbm>>
    %dma_start3A_13 = tpu.memref_slice %arg3[%add3A_10] : memref<6400000xi32, #tpu.memory_space<hbm>> -> memref<4000xi32, #tpu.memory_space<hbm>>
    tpu.enqueue_dma source(%dma_start3A_13 : memref<4000xi32, #tpu.memory_space<hbm>>) target(%arg8 : memref<4000xi32, #tpu.memory_space<vmem>>) target_semaphore(%arg10 : memref<!tpu.dma_semaphore, #tpu.memory_space<semaphore_mem>>)
    %dma_start3A_14 = tpu.memref_slice %arg4[%add3A_10] : memref<6400000xf32, #tpu.memory_space<hbm>> -> memref<4000xf32, #tpu.memory_space<hbm>>
    %dma_start3A_15 = tpu.memref_slice %arg4[%add3A_10] : memref<6400000xf32, #tpu.memory_space<hbm>> -> memref<4000xf32, #tpu.memory_space<hbm>>
    tpu.enqueue_dma source(%dma_start3A_15 : memref<4000xf32, #tpu.memory_space<hbm>>) target(%arg9 : memref<4000xf32, #tpu.memory_space<vmem>>) target_semaphore(%arg10 : memref<!tpu.dma_semaphore, #tpu.memory_space<semaphore_mem>>)
    %scan3A_16 = arith.constant 0 : i32
    %scan3A_17 = arith.constant 0 : i32
    %scan3A_18 = arith.constant 25 : i32
    %scan3A_19 = arith.addi %scan3A_17, %scan3A_18 : i32
    %scan3A_20 = arith.constant 1 : i32
    scf.for %scan3A_22 = %scan3A_17 to %scan3A_19 step %scan3A_20  : i32 {
      %mul3A_23 = arith.constant 2 : i32
      %mul3A_24 = arith.muli %mul3A_23, %scan3A_22 : i32
      %add3A_25 = arith.constant 1 : i32
      %add3A_26 = arith.addi %mul3A_24, %add3A_25 : i32
      %mul3A_27 = arith.constant 4000 : i32
      %mul3A_28 = arith.muli %add3A_26, %mul3A_27 : i32
      %add3A_29 = arith.addi %mul3A_7, %mul3A_28 : i32
      %dma_start3A_30 = tpu.memref_slice %arg2[%add3A_29] : memref<6400000xi32, #tpu.memory_space<hbm>> -> memref<4000xi32, #tpu.memory_space<hbm>>
      %dma_start3A_31 = tpu.memref_slice %arg2[%add3A_29] : memref<6400000xi32, #tpu.memory_space<hbm>> -> memref<4000xi32, #tpu.memory_space<hbm>>
      tpu.enqueue_dma source(%dma_start3A_31 : memref<4000xi32, #tpu.memory_space<hbm>>) target(%arg11 : memref<4000xi32, #tpu.memory_space<vmem>>) target_semaphore(%arg14 : memref<!tpu.dma_semaphore, #tpu.memory_space<semaphore_mem>>)
      %dma_start3A_32 = tpu.memref_slice %arg3[%add3A_29] : memref<6400000xi32, #tpu.memory_space<hbm>> -> memref<4000xi32, #tpu.memory_space<hbm>>
      %dma_start3A_33 = tpu.memref_slice %arg3[%add3A_29] : memref<6400000xi32, #tpu.memory_space<hbm>> -> memref<4000xi32, #tpu.memory_space<hbm>>
      tpu.enqueue_dma source(%dma_start3A_33 : memref<4000xi32, #tpu.memory_space<hbm>>) target(%arg12 : memref<4000xi32, #tpu.memory_space<vmem>>) target_semaphore(%arg14 : memref<!tpu.dma_semaphore, #tpu.memory_space<semaphore_mem>>)
      %dma_start3A_34 = tpu.memref_slice %arg4[%add3A_29] : memref<6400000xf32, #tpu.memory_space<hbm>> -> memref<4000xf32, #tpu.memory_space<hbm>>
      %dma_start3A_35 = tpu.memref_slice %arg4[%add3A_29] : memref<6400000xf32, #tpu.memory_space<hbm>> -> memref<4000xf32, #tpu.memory_space<hbm>>
      tpu.enqueue_dma source(%dma_start3A_35 : memref<4000xf32, #tpu.memory_space<hbm>>) target(%arg13 : memref<4000xf32, #tpu.memory_space<vmem>>) target_semaphore(%arg14 : memref<!tpu.dma_semaphore, #tpu.memory_space<semaphore_mem>>)
      %mul3A_36 = arith.constant 4000 : i32
      %mul3A_37 = arith.muli %mul3A_24, %mul3A_36 : i32
      %add3A_38 = arith.addi %mul3A_7, %mul3A_37 : i32
      %dma_wait3A = tpu.memref_slice %arg2[%add3A_38] : memref<6400000xi32, #tpu.memory_space<hbm>> -> memref<4000xi32, #tpu.memory_space<hbm>>
      %dma_wait3A_39 = tpu.memref_slice %arg2[%add3A_38] : memref<6400000xi32, #tpu.memory_space<hbm>> -> memref<4000xi32, #tpu.memory_space<hbm>>
      tpu.wait_dma2 semaphore(%arg10 : memref<!tpu.dma_semaphore, #tpu.memory_space<semaphore_mem>>) src(%dma_wait3A_39 : memref<4000xi32, #tpu.memory_space<hbm>>) dst(%arg7 : memref<4000xi32, #tpu.memory_space<vmem>>)
      %dma_wait3A_40 = tpu.memref_slice %arg3[%add3A_38] : memref<6400000xi32, #tpu.memory_space<hbm>> -> memref<4000xi32, #tpu.memory_space<hbm>>
      %dma_wait3A_41 = tpu.memref_slice %arg3[%add3A_38] : memref<6400000xi32, #tpu.memory_space<hbm>> -> memref<4000xi32, #tpu.memory_space<hbm>>
      tpu.wait_dma2 semaphore(%arg10 : memref<!tpu.dma_semaphore, #tpu.memory_space<semaphore_mem>>) src(%dma_wait3A_41 : memref<4000xi32, #tpu.memory_space<hbm>>) dst(%arg8 : memref<4000xi32, #tpu.memory_space<vmem>>)
      %dma_wait3A_42 = tpu.memref_slice %arg4[%add3A_38] : memref<6400000xf32, #tpu.memory_space<hbm>> -> memref<4000xf32, #tpu.memory_space<hbm>>
      %dma_wait3A_43 = tpu.memref_slice %arg4[%add3A_38] : memref<6400000xf32, #tpu.memory_space<hbm>> -> memref<4000xf32, #tpu.memory_space<hbm>>
      tpu.wait_dma2 semaphore(%arg10 : memref<!tpu.dma_semaphore, #tpu.memory_space<semaphore_mem>>) src(%dma_wait3A_43 : memref<4000xf32, #tpu.memory_space<hbm>>) dst(%arg9 : memref<4000xf32, #tpu.memory_space<vmem>>)
      %scan3A_44 = arith.constant 0 : i32
      %scan3A_45 = arith.constant 0 : i32
      %scan3A_46 = arith.constant 248 : i32
      %scan3A_47 = arith.addi %scan3A_45, %scan3A_46 : i32
      %scan3A_48 = arith.constant 4 : i32
      scf.for %scan3A_110 = %scan3A_45 to %scan3A_47 step %scan3A_48  : i32 {
        %mul3A_111 = arith.constant 16 : i32
        %mul3A_112 = arith.muli %scan3A_110, %mul3A_111 : i32
        %get3A_113 = arith.index_cast %mul3A_112 : i32 to index
        %get3A_114 = tpu.vector_load %arg9[%get3A_113] {strides = array<i32>} : memref<4000xf32, #tpu.memory_space<vmem>>, vector<16xf32>,
        %get3A_115 = arith.index_cast %mul3A_112 : i32 to index
        %get3A_116 = tpu.vector_load %arg7[%get3A_115] {strides = array<i32>} : memref<4000xi32, #tpu.memory_space<vmem>>, vector<16xi32>,
        tpu.vector_store_idx %arg6[%get3A_116], %get3A_114 {add = true} : memref<100096xf32, #tpu.memory_space<vmem>>[vector<16xi32>], vector<16xf32>,
        %get3A_117 = arith.index_cast %mul3A_112 : i32 to index
        %get3A_118 = tpu.vector_load %arg8[%get3A_117] {strides = array<i32>} : memref<4000xi32, #tpu.memory_space<vmem>>, vector<16xi32>,
        tpu.vector_store_idx %arg6[%get3A_118], %get3A_114 {add = true} : memref<100096xf32, #tpu.memory_space<vmem>>[vector<16xi32>], vector<16xf32>,
        %scan3A_119 = arith.constant 1 : i32
        %scan3A_120 = arith.addi %scan3A_110, %scan3A_119 : i32
        %mul3A_121 = arith.constant 16 : i32
        %mul3A_122 = arith.muli %scan3A_120, %mul3A_121 : i32
        %get3A_123 = arith.index_cast %mul3A_122 : i32 to index
        %get3A_124 = tpu.vector_load %arg9[%get3A_123] {strides = array<i32>} : memref<4000xf32, #tpu.memory_space<vmem>>, vector<16xf32>,
        %get3A_125 = arith.index_cast %mul3A_122 : i32 to index
        %get3A_126 = tpu.vector_load %arg7[%get3A_125] {strides = array<i32>} : memref<4000xi32, #tpu.memory_space<vmem>>, vector<16xi32>,
        tpu.vector_store_idx %arg6[%get3A_126], %get3A_124 {add = true} : memref<100096xf32, #tpu.memory_space<vmem>>[vector<16xi32>], vector<16xf32>,
        %get3A_127 = arith.index_cast %mul3A_122 : i32 to index
        %get3A_128 = tpu.vector_load %arg8[%get3A_127] {strides = array<i32>} : memref<4000xi32, #tpu.memory_space<vmem>>, vector<16xi32>,
        tpu.vector_store_idx %arg6[%get3A_128], %get3A_124 {add = true} : memref<100096xf32, #tpu.memory_space<vmem>>[vector<16xi32>], vector<16xf32>,
        %scan3A_129 = arith.constant 2 : i32
        %scan3A_130 = arith.addi %scan3A_110, %scan3A_129 : i32
        %mul3A_131 = arith.constant 16 : i32
        %mul3A_132 = arith.muli %scan3A_130, %mul3A_131 : i32
        %get3A_133 = arith.index_cast %mul3A_132 : i32 to index
        %get3A_134 = tpu.vector_load %arg9[%get3A_133] {strides = array<i32>} : memref<4000xf32, #tpu.memory_space<vmem>>, vector<16xf32>,
        %get3A_135 = arith.index_cast %mul3A_132 : i32 to index
        %get3A_136 = tpu.vector_load %arg7[%get3A_135] {strides = array<i32>} : memref<4000xi32, #tpu.memory_space<vmem>>, vector<16xi32>,
        tpu.vector_store_idx %arg6[%get3A_136], %get3A_134 {add = true} : memref<100096xf32, #tpu.memory_space<vmem>>[vector<16xi32>], vector<16xf32>,
        %get3A_137 = arith.index_cast %mul3A_132 : i32 to index
        %get3A_138 = tpu.vector_load %arg8[%get3A_137] {strides = array<i32>} : memref<4000xi32, #tpu.memory_space<vmem>>, vector<16xi32>,
        tpu.vector_store_idx %arg6[%get3A_138], %get3A_134 {add = true} : memref<100096xf32, #tpu.memory_space<vmem>>[vector<16xi32>], vector<16xf32>,
        %scan3A_139 = arith.constant 3 : i32
        %scan3A_140 = arith.addi %scan3A_110, %scan3A_139 : i32
        %mul3A_141 = arith.constant 16 : i32
        %mul3A_142 = arith.muli %scan3A_140, %mul3A_141 : i32
        %get3A_143 = arith.index_cast %mul3A_142 : i32 to index
        %get3A_144 = tpu.vector_load %arg9[%get3A_143] {strides = array<i32>} : memref<4000xf32, #tpu.memory_space<vmem>>, vector<16xf32>,
        %get3A_145 = arith.index_cast %mul3A_142 : i32 to index
        %get3A_146 = tpu.vector_load %arg7[%get3A_145] {strides = array<i32>} : memref<4000xi32, #tpu.memory_space<vmem>>, vector<16xi32>,
        tpu.vector_store_idx %arg6[%get3A_146], %get3A_144 {add = true} : memref<100096xf32, #tpu.memory_space<vmem>>[vector<16xi32>], vector<16xf32>,
        %get3A_147 = arith.index_cast %mul3A_142 : i32 to index
        %get3A_148 = tpu.vector_load %arg8[%get3A_147] {strides = array<i32>} : memref<4000xi32, #tpu.memory_space<vmem>>, vector<16xi32>,
        tpu.vector_store_idx %arg6[%get3A_148], %get3A_144 {add = true} : memref<100096xf32, #tpu.memory_space<vmem>>[vector<16xi32>], vector<16xf32>,
      }
      %scan3A_49 = arith.constant 248 : i32
      %scan3A_50 = arith.addi %scan3A_45, %scan3A_49 : i32
      %mul3A_51 = arith.constant 16 : i32
      %mul3A_52 = arith.muli %scan3A_50, %mul3A_51 : i32
      %get3A = arith.index_cast %mul3A_52 : i32 to index
      %get3A_53 = tpu.vector_load %arg9[%get3A] {strides = array<i32>} : memref<4000xf32, #tpu.memory_space<vmem>>, vector<16xf32>,
      %get3A_54 = arith.index_cast %mul3A_52 : i32 to index
      %get3A_55 = tpu.vector_load %arg7[%get3A_54] {strides = array<i32>} : memref<4000xi32, #tpu.memory_space<vmem>>, vector<16xi32>,
      tpu.vector_store_idx %arg6[%get3A_55], %get3A_53 {add = true} : memref<100096xf32, #tpu.memory_space<vmem>>[vector<16xi32>], vector<16xf32>,
      %get3A_56 = arith.index_cast %mul3A_52 : i32 to index
      %get3A_57 = tpu.vector_load %arg8[%get3A_56] {strides = array<i32>} : memref<4000xi32, #tpu.memory_space<vmem>>, vector<16xi32>,
      tpu.vector_store_idx %arg6[%get3A_57], %get3A_53 {add = true} : memref<100096xf32, #tpu.memory_space<vmem>>[vector<16xi32>], vector<16xf32>,
      %scan3A_58 = arith.constant 249 : i32
      %scan3A_59 = arith.addi %scan3A_45, %scan3A_58 : i32
      %mul3A_60 = arith.constant 16 : i32
      %mul3A_61 = arith.muli %scan3A_59, %mul3A_60 : i32
      %get3A_62 = arith.index_cast %mul3A_61 : i32 to index
      %get3A_63 = tpu.vector_load %arg9[%get3A_62] {strides = array<i32>} : memref<4000xf32, #tpu.memory_space<vmem>>, vector<16xf32>,
      %get3A_64 = arith.index_cast %mul3A_61 : i32 to index
      %get3A_65 = tpu.vector_load %arg7[%get3A_64] {strides = array<i32>} : memref<4000xi32, #tpu.memory_space<vmem>>, vector<16xi32>,
      tpu.vector_store_idx %arg6[%get3A_65], %get3A_63 {add = true} : memref<100096xf32, #tpu.memory_space<vmem>>[vector<16xi32>], vector<16xf32>,
      %get3A_66 = arith.index_cast %mul3A_61 : i32 to index
      %get3A_67 = tpu.vector_load %arg8[%get3A_66] {strides = array<i32>} : memref<4000xi32, #tpu.memory_space<vmem>>, vector<16xi32>,
      tpu.vector_store_idx %arg6[%get3A_67], %get3A_63 {add = true} : memref<100096xf32, #tpu.memory_space<vmem>>[vector<16xi32>], vector<16xf32>,
      %scan3A_68 = arith.constant 250 : i32
      %add3A_69 = arith.constant 1 : i32
      %add3A_70 = arith.addi %scan3A_22, %add3A_69 : i32
      %lt3A = arith.constant 25 : i32
      %lt3A_71 = arith.cmpi slt, %add3A_70, %lt3A : i32
      %convert_element_type3A = arith.extui %lt3A_71 : i1 to i32
      %cond3A = arith.constant 0 : i32
      %cond3A_72 = arith.cmpi ne, %convert_element_type3A, %cond3A : i32
      scf.if %cond3A_72 {
        %add3A_110 = arith.constant 2 : i32
        %add3A_111 = arith.addi %mul3A_24, %add3A_110 : i32
        %mul3A_112 = arith.constant 4000 : i32
        %mul3A_113 = arith.muli %add3A_111, %mul3A_112 : i32
        %add3A_114 = arith.addi %mul3A_7, %mul3A_113 : i32
        %dma_start3A_115 = tpu.memref_slice %arg2[%add3A_114] : memref<6400000xi32, #tpu.memory_space<hbm>> -> memref<4000xi32, #tpu.memory_space<hbm>>
        %dma_start3A_116 = tpu.memref_slice %arg2[%add3A_114] : memref<6400000xi32, #tpu.memory_space<hbm>> -> memref<4000xi32, #tpu.memory_space<hbm>>
        tpu.enqueue_dma source(%dma_start3A_116 : memref<4000xi32, #tpu.memory_space<hbm>>) target(%arg7 : memref<4000xi32, #tpu.memory_space<vmem>>) target_semaphore(%arg10 : memref<!tpu.dma_semaphore, #tpu.memory_space<semaphore_mem>>)
        %dma_start3A_117 = tpu.memref_slice %arg3[%add3A_114] : memref<6400000xi32, #tpu.memory_space<hbm>> -> memref<4000xi32, #tpu.memory_space<hbm>>
        %dma_start3A_118 = tpu.memref_slice %arg3[%add3A_114] : memref<6400000xi32, #tpu.memory_space<hbm>> -> memref<4000xi32, #tpu.memory_space<hbm>>
        tpu.enqueue_dma source(%dma_start3A_118 : memref<4000xi32, #tpu.memory_space<hbm>>) target(%arg8 : memref<4000xi32, #tpu.memory_space<vmem>>) target_semaphore(%arg10 : memref<!tpu.dma_semaphore, #tpu.memory_space<semaphore_mem>>)
        %dma_start3A_119 = tpu.memref_slice %arg4[%add3A_114] : memref<6400000xf32, #tpu.memory_space<hbm>> -> memref<4000xf32, #tpu.memory_space<hbm>>
        %dma_start3A_120 = tpu.memref_slice %arg4[%add3A_114] : memref<6400000xf32, #tpu.memory_space<hbm>> -> memref<4000xf32, #tpu.memory_space<hbm>>
        tpu.enqueue_dma source(%dma_start3A_120 : memref<4000xf32, #tpu.memory_space<hbm>>) target(%arg9 : memref<4000xf32, #tpu.memory_space<vmem>>) target_semaphore(%arg10 : memref<!tpu.dma_semaphore, #tpu.memory_space<semaphore_mem>>)
      } else {
      }
      %add3A_73 = arith.constant 1 : i32
      %add3A_74 = arith.addi %mul3A_24, %add3A_73 : i32
      %mul3A_75 = arith.constant 4000 : i32
      %mul3A_76 = arith.muli %add3A_74, %mul3A_75 : i32
      %add3A_77 = arith.addi %mul3A_7, %mul3A_76 : i32
      %dma_wait3A_78 = tpu.memref_slice %arg2[%add3A_77] : memref<6400000xi32, #tpu.memory_space<hbm>> -> memref<4000xi32, #tpu.memory_space<hbm>>
      %dma_wait3A_79 = tpu.memref_slice %arg2[%add3A_77] : memref<6400000xi32, #tpu.memory_space<hbm>> -> memref<4000xi32, #tpu.memory_space<hbm>>
      tpu.wait_dma2 semaphore(%arg14 : memref<!tpu.dma_semaphore, #tpu.memory_space<semaphore_mem>>) src(%dma_wait3A_79 : memref<4000xi32, #tpu.memory_space<hbm>>) dst(%arg11 : memref<4000xi32, #tpu.memory_space<vmem>>)
      %dma_wait3A_80 = tpu.memref_slice %arg3[%add3A_77] : memref<6400000xi32, #tpu.memory_space<hbm>> -> memref<4000xi32, #tpu.memory_space<hbm>>
      %dma_wait3A_81 = tpu.memref_slice %arg3[%add3A_77] : memref<6400000xi32, #tpu.memory_space<hbm>> -> memref<4000xi32, #tpu.memory_space<hbm>>
      tpu.wait_dma2 semaphore(%arg14 : memref<!tpu.dma_semaphore, #tpu.memory_space<semaphore_mem>>) src(%dma_wait3A_81 : memref<4000xi32, #tpu.memory_space<hbm>>) dst(%arg12 : memref<4000xi32, #tpu.memory_space<vmem>>)
      %dma_wait3A_82 = tpu.memref_slice %arg4[%add3A_77] : memref<6400000xf32, #tpu.memory_space<hbm>> -> memref<4000xf32, #tpu.memory_space<hbm>>
      %dma_wait3A_83 = tpu.memref_slice %arg4[%add3A_77] : memref<6400000xf32, #tpu.memory_space<hbm>> -> memref<4000xf32, #tpu.memory_space<hbm>>
      tpu.wait_dma2 semaphore(%arg14 : memref<!tpu.dma_semaphore, #tpu.memory_space<semaphore_mem>>) src(%dma_wait3A_83 : memref<4000xf32, #tpu.memory_space<hbm>>) dst(%arg13 : memref<4000xf32, #tpu.memory_space<vmem>>)
      %scan3A_84 = arith.constant 0 : i32
      %scan3A_85 = arith.constant 0 : i32
      %scan3A_86 = arith.constant 248 : i32
      %scan3A_87 = arith.addi %scan3A_85, %scan3A_86 : i32
      %scan3A_88 = arith.constant 4 : i32
      scf.for %scan3A_110 = %scan3A_85 to %scan3A_87 step %scan3A_88  : i32 {
        %mul3A_111 = arith.constant 16 : i32
        %mul3A_112 = arith.muli %scan3A_110, %mul3A_111 : i32
        %get3A_113 = arith.index_cast %mul3A_112 : i32 to index
        %get3A_114 = tpu.vector_load %arg13[%get3A_113] {strides = array<i32>} : memref<4000xf32, #tpu.memory_space<vmem>>, vector<16xf32>,
        %get3A_115 = arith.index_cast %mul3A_112 : i32 to index
        %get3A_116 = tpu.vector_load %arg11[%get3A_115] {strides = array<i32>} : memref<4000xi32, #tpu.memory_space<vmem>>, vector<16xi32>,
        tpu.vector_store_idx %arg6[%get3A_116], %get3A_114 {add = true} : memref<100096xf32, #tpu.memory_space<vmem>>[vector<16xi32>], vector<16xf32>,
        %get3A_117 = arith.index_cast %mul3A_112 : i32 to index
        %get3A_118 = tpu.vector_load %arg12[%get3A_117] {strides = array<i32>} : memref<4000xi32, #tpu.memory_space<vmem>>, vector<16xi32>,
        tpu.vector_store_idx %arg6[%get3A_118], %get3A_114 {add = true} : memref<100096xf32, #tpu.memory_space<vmem>>[vector<16xi32>], vector<16xf32>,
        %scan3A_119 = arith.constant 1 : i32
        %scan3A_120 = arith.addi %scan3A_110, %scan3A_119 : i32
        %mul3A_121 = arith.constant 16 : i32
        %mul3A_122 = arith.muli %scan3A_120, %mul3A_121 : i32
        %get3A_123 = arith.index_cast %mul3A_122 : i32 to index
        %get3A_124 = tpu.vector_load %arg13[%get3A_123] {strides = array<i32>} : memref<4000xf32, #tpu.memory_space<vmem>>, vector<16xf32>,
        %get3A_125 = arith.index_cast %mul3A_122 : i32 to index
        %get3A_126 = tpu.vector_load %arg11[%get3A_125] {strides = array<i32>} : memref<4000xi32, #tpu.memory_space<vmem>>, vector<16xi32>,
        tpu.vector_store_idx %arg6[%get3A_126], %get3A_124 {add = true} : memref<100096xf32, #tpu.memory_space<vmem>>[vector<16xi32>], vector<16xf32>,
        %get3A_127 = arith.index_cast %mul3A_122 : i32 to index
        %get3A_128 = tpu.vector_load %arg12[%get3A_127] {strides = array<i32>} : memref<4000xi32, #tpu.memory_space<vmem>>, vector<16xi32>,
        tpu.vector_store_idx %arg6[%get3A_128], %get3A_124 {add = true} : memref<100096xf32, #tpu.memory_space<vmem>>[vector<16xi32>], vector<16xf32>,
        %scan3A_129 = arith.constant 2 : i32
        %scan3A_130 = arith.addi %scan3A_110, %scan3A_129 : i32
        %mul3A_131 = arith.constant 16 : i32
        %mul3A_132 = arith.muli %scan3A_130, %mul3A_131 : i32
        %get3A_133 = arith.index_cast %mul3A_132 : i32 to index
        %get3A_134 = tpu.vector_load %arg13[%get3A_133] {strides = array<i32>} : memref<4000xf32, #tpu.memory_space<vmem>>, vector<16xf32>,
        %get3A_135 = arith.index_cast %mul3A_132 : i32 to index
        %get3A_136 = tpu.vector_load %arg11[%get3A_135] {strides = array<i32>} : memref<4000xi32, #tpu.memory_space<vmem>>, vector<16xi32>,
        tpu.vector_store_idx %arg6[%get3A_136], %get3A_134 {add = true} : memref<100096xf32, #tpu.memory_space<vmem>>[vector<16xi32>], vector<16xf32>,
        %get3A_137 = arith.index_cast %mul3A_132 : i32 to index
        %get3A_138 = tpu.vector_load %arg12[%get3A_137] {strides = array<i32>} : memref<4000xi32, #tpu.memory_space<vmem>>, vector<16xi32>,
        tpu.vector_store_idx %arg6[%get3A_138], %get3A_134 {add = true} : memref<100096xf32, #tpu.memory_space<vmem>>[vector<16xi32>], vector<16xf32>,
        %scan3A_139 = arith.constant 3 : i32
        %scan3A_140 = arith.addi %scan3A_110, %scan3A_139 : i32
        %mul3A_141 = arith.constant 16 : i32
        %mul3A_142 = arith.muli %scan3A_140, %mul3A_141 : i32
        %get3A_143 = arith.index_cast %mul3A_142 : i32 to index
        %get3A_144 = tpu.vector_load %arg13[%get3A_143] {strides = array<i32>} : memref<4000xf32, #tpu.memory_space<vmem>>, vector<16xf32>,
        %get3A_145 = arith.index_cast %mul3A_142 : i32 to index
        %get3A_146 = tpu.vector_load %arg11[%get3A_145] {strides = array<i32>} : memref<4000xi32, #tpu.memory_space<vmem>>, vector<16xi32>,
        tpu.vector_store_idx %arg6[%get3A_146], %get3A_144 {add = true} : memref<100096xf32, #tpu.memory_space<vmem>>[vector<16xi32>], vector<16xf32>,
        %get3A_147 = arith.index_cast %mul3A_142 : i32 to index
        %get3A_148 = tpu.vector_load %arg12[%get3A_147] {strides = array<i32>} : memref<4000xi32, #tpu.memory_space<vmem>>, vector<16xi32>,
        tpu.vector_store_idx %arg6[%get3A_148], %get3A_144 {add = true} : memref<100096xf32, #tpu.memory_space<vmem>>[vector<16xi32>], vector<16xf32>,
      }
      %scan3A_89 = arith.constant 248 : i32
      %scan3A_90 = arith.addi %scan3A_85, %scan3A_89 : i32
      %mul3A_91 = arith.constant 16 : i32
      %mul3A_92 = arith.muli %scan3A_90, %mul3A_91 : i32
      %get3A_93 = arith.index_cast %mul3A_92 : i32 to index
      %get3A_94 = tpu.vector_load %arg13[%get3A_93] {strides = array<i32>} : memref<4000xf32, #tpu.memory_space<vmem>>, vector<16xf32>,
      %get3A_95 = arith.index_cast %mul3A_92 : i32 to index
      %get3A_96 = tpu.vector_load %arg11[%get3A_95] {strides = array<i32>} : memref<4000xi32, #tpu.memory_space<vmem>>, vector<16xi32>,
      tpu.vector_store_idx %arg6[%get3A_96], %get3A_94 {add = true} : memref<100096xf32, #tpu.memory_space<vmem>>[vector<16xi32>], vector<16xf32>,
      %get3A_97 = arith.index_cast %mul3A_92 : i32 to index
      %get3A_98 = tpu.vector_load %arg12[%get3A_97] {strides = array<i32>} : memref<4000xi32, #tpu.memory_space<vmem>>, vector<16xi32>,
      tpu.vector_store_idx %arg6[%get3A_98], %get3A_94 {add = true} : memref<100096xf32, #tpu.memory_space<vmem>>[vector<16xi32>], vector<16xf32>,
      %scan3A_99 = arith.constant 249 : i32
      %scan3A_100 = arith.addi %scan3A_85, %scan3A_99 : i32
      %mul3A_101 = arith.constant 16 : i32
      %mul3A_102 = arith.muli %scan3A_100, %mul3A_101 : i32
      %get3A_103 = arith.index_cast %mul3A_102 : i32 to index
      %get3A_104 = tpu.vector_load %arg13[%get3A_103] {strides = array<i32>} : memref<4000xf32, #tpu.memory_space<vmem>>, vector<16xf32>,
      %get3A_105 = arith.index_cast %mul3A_102 : i32 to index
      %get3A_106 = tpu.vector_load %arg11[%get3A_105] {strides = array<i32>} : memref<4000xi32, #tpu.memory_space<vmem>>, vector<16xi32>,
      tpu.vector_store_idx %arg6[%get3A_106], %get3A_104 {add = true} : memref<100096xf32, #tpu.memory_space<vmem>>[vector<16xi32>], vector<16xf32>,
      %get3A_107 = arith.index_cast %mul3A_102 : i32 to index
      %get3A_108 = tpu.vector_load %arg12[%get3A_107] {strides = array<i32>} : memref<4000xi32, #tpu.memory_space<vmem>>, vector<16xi32>,
      tpu.vector_store_idx %arg6[%get3A_108], %get3A_104 {add = true} : memref<100096xf32, #tpu.memory_space<vmem>>[vector<16xi32>], vector<16xf32>,
      %scan3A_109 = arith.constant 250 : i32
    }
    %scan3A_21 = arith.constant 25 : i32
    "tpu.region"() ({
      %run_scoped3A = tpu.sem_alloc : memref<!tpu.dma_semaphore, #tpu.memory_space<semaphore_mem>>
      %dma_start3A_22 = arith.constant 0 : i32
      %dma_start3A_23 = tpu.memref_slice %arg5[%add3A, %dma_start3A_22] : memref<32x100096xf32, #tpu.memory_space<hbm>> -> memref<1x100096xf32, #tpu.memory_space<hbm>>
      %dma_start3A_24 = tpu.memref_squeeze %dma_start3A_23 : memref<1x100096xf32, #tpu.memory_space<hbm>> -> memref<100096xf32, #tpu.memory_space<hbm>>
      %dma_start3A_25 = arith.constant 0 : i32
      %dma_start3A_26 = tpu.memref_slice %arg5[%add3A, %dma_start3A_25] : memref<32x100096xf32, #tpu.memory_space<hbm>> -> memref<1x100096xf32, #tpu.memory_space<hbm>>
      %dma_start3A_27 = tpu.memref_squeeze %dma_start3A_26 : memref<1x100096xf32, #tpu.memory_space<hbm>> -> memref<100096xf32, #tpu.memory_space<hbm>>
      tpu.enqueue_dma source(%arg6 : memref<100096xf32, #tpu.memory_space<vmem>>) target(%dma_start3A_27 : memref<100096xf32, #tpu.memory_space<hbm>>) target_semaphore(%run_scoped3A : memref<!tpu.dma_semaphore, #tpu.memory_space<semaphore_mem>>)
      %dma_wait3A = arith.constant 0 : i32
      %dma_wait3A_28 = tpu.memref_slice %arg5[%add3A, %dma_wait3A] : memref<32x100096xf32, #tpu.memory_space<hbm>> -> memref<1x100096xf32, #tpu.memory_space<hbm>>
      %dma_wait3A_29 = tpu.memref_squeeze %dma_wait3A_28 : memref<1x100096xf32, #tpu.memory_space<hbm>> -> memref<100096xf32, #tpu.memory_space<hbm>>
      %dma_wait3A_30 = arith.constant 0 : i32
      %dma_wait3A_31 = tpu.memref_slice %arg5[%add3A, %dma_wait3A_30] : memref<32x100096xf32, #tpu.memory_space<hbm>> -> memref<1x100096xf32, #tpu.memory_space<hbm>>
      %dma_wait3A_32 = tpu.memref_squeeze %dma_wait3A_31 : memref<1x100096xf32, #tpu.memory_space<hbm>> -> memref<100096xf32, #tpu.memory_space<hbm>>
      tpu.wait_dma2 semaphore(%run_scoped3A : memref<!tpu.dma_semaphore, #tpu.memory_space<semaphore_mem>>) src(%arg6 : memref<100096xf32, #tpu.memory_space<vmem>>) dst(%dma_wait3A_32 : memref<100096xf32, #tpu.memory_space<hbm>>)
      tpu.yield
    }) : () -> ()
    return
  }
}

module attributes {stable_mosaic.version = 14 : i64} {
  func.func @_abnormal_t_body(%arg0: i32, %arg1: memref<5x51200xf32, #tpu.memory_space<vmem>>, %arg2: memref<51200xf32, #tpu.memory_space<vmem>>) attributes {dimension_semantics = [#tpu.dimension_semantics<arbitrary>], iteration_bounds = array<i64: 125>, scalar_prefetch = 0 : i64, scratch_operands = 0 : i64, tpu.core_type = #tpu.core_type<tc>, window_params = [{transform_indices = @transform_0, window_bounds = array<i64: 5, 51200>}, {transform_indices = @transform_1, window_bounds = array<i64: 51200>}]} {
    %get3A = arith.constant 0 : index
    %get3A_0 = arith.constant 0 : index
    %get3A_1 = vector.load %arg1[%get3A, %get3A_0] : memref<5x51200xf32, #tpu.memory_space<vmem>>, vector<5x51200xf32>
    %reduce_max3A = arith.constant dense<0xFF800000> : vector<51200xf32>
    %reduce_max3A_2 = vector.multi_reduction <maximumf>, %get3A_1, %reduce_max3A [0] : vector<5x51200xf32> to vector<51200xf32>
    %broadcast_in_dim3A = vector.shape_cast %reduce_max3A_2 : vector<51200xf32> to vector<1x51200xf32>
    %sub3A = vector.broadcast %broadcast_in_dim3A : vector<1x51200xf32> to vector<5x51200xf32>
    %sub3A_3 = arith.subf %get3A_1, %sub3A : vector<5x51200xf32>
    %exp3A = math.exp %sub3A_3 : vector<5x51200xf32>
    %reduce_sum3A = arith.constant dense<0.000000e+00> : vector<51200xf32>
    %reduce_sum3A_4 = vector.multi_reduction <add>, %exp3A, %reduce_sum3A [0] : vector<5x51200xf32> to vector<51200xf32>
    %slice3A = vector.extract_strided_slice %exp3A {offsets = [0, 0], sizes = [1, 51200], strides = [1, 1]} : vector<5x51200xf32> to vector<1x51200xf32>
    %squeeze3A = vector.shape_cast %slice3A : vector<1x51200xf32> to vector<51200xf32>
    %div3A = arith.divf %squeeze3A, %reduce_sum3A_4 : vector<51200xf32>
    %sub3A_5 = arith.constant 1.000000e+00 : f32
    %sub3A_6 = vector.broadcast %sub3A_5 : f32 to vector<51200xf32>
    %sub3A_7 = arith.subf %sub3A_6, %div3A : vector<51200xf32>
    %swap3A = arith.constant 0 : index
    %swap3A_8 = vector.load %arg2[%swap3A] : memref<51200xf32, #tpu.memory_space<vmem>>, vector<51200xf32>
    tpu.vector_store %arg2[%swap3A], %sub3A_7 {strides = array<i32>} : memref<51200xf32, #tpu.memory_space<vmem>>, vector<51200xf32>,
    return
  }
  func.func @transform_0(%arg0: i32) -> (i32, i32) {
    %c0_i32 = arith.constant 0 : i32
    %c0_i32_0 = arith.constant 0 : i32
    return %c0_i32, %arg0 : i32, i32
  }
  func.func @transform_1(%arg0: i32) -> i32 {
    %c0_i32 = arith.constant 0 : i32
    return %arg0 : i32
  }
}

module attributes {stable_mosaic.version = 14 : i64} {
  func.func @_abnormal_t_body(%arg0: i32, %arg1: memref<5x16384xf32, #tpu.memory_space<vmem>>, %arg2: memref<16384xf32, #tpu.memory_space<vmem>>) attributes {dimension_semantics = [#tpu.dimension_semantics<arbitrary>], iteration_bounds = array<i64: 7>, scalar_prefetch = 0 : i64, scratch_operands = 0 : i64, tpu.core_type = #tpu.core_type<tc>, window_params = [{transform_indices = @transform_0, window_bounds = array<i64: 5, 16384>}, {transform_indices = @transform_1, window_bounds = array<i64: 16384>}]} {
    %get3A = arith.constant 0 : index
    %get3A_0 = arith.constant 0 : index
    %get3A_1 = vector.load %arg1[%get3A, %get3A_0] : memref<5x16384xf32, #tpu.memory_space<vmem>>, vector<5x16384xf32>
    %reduce_max3A = arith.constant dense<0xFF800000> : vector<16384xf32>
    %reduce_max3A_2 = vector.multi_reduction <maximumf>, %get3A_1, %reduce_max3A [0] : vector<5x16384xf32> to vector<16384xf32>
    %broadcast_in_dim3A = vector.shape_cast %reduce_max3A_2 : vector<16384xf32> to vector<1x16384xf32>
    %sub3A = vector.broadcast %broadcast_in_dim3A : vector<1x16384xf32> to vector<5x16384xf32>
    %sub3A_3 = arith.subf %get3A_1, %sub3A : vector<5x16384xf32>
    %exp3A = math.exp %sub3A_3 : vector<5x16384xf32>
    %reduce_sum3A = arith.constant dense<0.000000e+00> : vector<16384xf32>
    %reduce_sum3A_4 = vector.multi_reduction <add>, %exp3A, %reduce_sum3A [0] : vector<5x16384xf32> to vector<16384xf32>
    %slice3A = vector.extract_strided_slice %exp3A {offsets = [0, 0], sizes = [1, 16384], strides = [1, 1]} : vector<5x16384xf32> to vector<1x16384xf32>
    %squeeze3A = vector.shape_cast %slice3A : vector<1x16384xf32> to vector<16384xf32>
    %div3A = arith.divf %squeeze3A, %reduce_sum3A_4 : vector<16384xf32>
    %sub3A_5 = arith.constant 1.000000e+00 : f32
    %sub3A_6 = vector.broadcast %sub3A_5 : f32 to vector<16384xf32>
    %sub3A_7 = arith.subf %sub3A_6, %div3A : vector<16384xf32>
    %swap3A = arith.constant 0 : index
    %swap3A_8 = vector.load %arg2[%swap3A] : memref<16384xf32, #tpu.memory_space<vmem>>, vector<16384xf32>
    tpu.vector_store %arg2[%swap3A], %sub3A_7 {strides = array<i32>} : memref<16384xf32, #tpu.memory_space<vmem>>, vector<16384xf32>,
    return
  }
  func.func @transform_0(%arg0: i32) -> (i32, i32) {
    %c0_i32 = arith.constant 0 : i32
    %c0_i32_0 = arith.constant 0 : i32
    return %c0_i32, %arg0 : i32, i32
  }
  func.func @transform_1(%arg0: i32) -> i32 {
    %c0_i32 = arith.constant 0 : i32
    return %arg0 : i32
  }
}

module attributes {stable_mosaic.version = 14 : i64} {
  func.func @body(%arg0: memref<100000xf32, #tpu.memory_space<vmem>>, %arg1: memref<32x100096xf32, #tpu.memory_space<vmem>>, %arg2: memref<32x100096xf32, #tpu.memory_space<vmem>>, %arg3: memref<1xf32, #tpu.memory_space<smem>>, %arg4: memref<100000xf32, #tpu.memory_space<vmem>>, %arg5: memref<100000xf32, #tpu.memory_space<vmem>>) attributes {dimension_semantics = [], scalar_prefetch = 0 : i64, scratch_operands = 0 : i64, tpu.core_type = #tpu.core_type<tc>} {
    %get3A = arith.constant 0 : index
    %get3A_0 = vector.load %arg0[%get3A] : memref<100000xf32, #tpu.memory_space<vmem>>, vector<100000xf32>
    %get3A_1 = arith.constant 0 : index
    %get3A_2 = arith.constant 0 : index
    %get3A_3 = vector.load %arg1[%get3A_1, %get3A_2] : memref<32x100096xf32, #tpu.memory_space<vmem>>, vector<32x100096xf32>
    %reduce_sum3A = arith.constant dense<0.000000e+00> : vector<100096xf32>
    %reduce_sum3A_4 = vector.multi_reduction <add>, %get3A_3, %reduce_sum3A [0] : vector<32x100096xf32> to vector<100096xf32>
    %slice3A = vector.extract_strided_slice %reduce_sum3A_4 {offsets = [0], sizes = [100000], strides = [1]} : vector<100096xf32> to vector<100000xf32>
    %get3A_5 = arith.constant 0 : index
    %get3A_6 = arith.constant 0 : index
    %get3A_7 = vector.load %arg2[%get3A_5, %get3A_6] : memref<32x100096xf32, #tpu.memory_space<vmem>>, vector<32x100096xf32>
    %reduce_sum3A_8 = arith.constant dense<0.000000e+00> : vector<100096xf32>
    %reduce_sum3A_9 = vector.multi_reduction <add>, %get3A_7, %reduce_sum3A_8 [0] : vector<32x100096xf32> to vector<100096xf32>
    %slice3A_10 = vector.extract_strided_slice %reduce_sum3A_9 {offsets = [0], sizes = [100000], strides = [1]} : vector<100096xf32> to vector<100000xf32>
    %add3A = arith.constant 9.99999997E-7 : f32
    %add3A_11 = vector.broadcast %add3A : f32 to vector<100000xf32>
    %add3A_12 = arith.addf %slice3A_10, %add3A_11 : vector<100000xf32>
    %div3A = arith.divf %slice3A, %add3A_12 : vector<100000xf32>
    %get3A_13 = arith.constant 0 : index
    %get3A_14 = memref.load %arg3[%get3A_13] : memref<1xf32, #tpu.memory_space<smem>>
    %mul3A = vector.broadcast %get3A_14 : f32 to vector<100000xf32>
    %mul3A_15 = arith.mulf %mul3A, %div3A : vector<100000xf32>
    %add3A_16 = arith.constant 1.000000e+00 : f32
    %add3A_17 = vector.broadcast %add3A_16 : f32 to vector<100000xf32>
    %add3A_18 = arith.addf %add3A_17, %mul3A_15 : vector<100000xf32>
    %mul3A_19 = arith.mulf %get3A_0, %add3A_18 : vector<100000xf32>
    %sub3A = arith.constant 1.000000e+00 : f32
    %sub3A_20 = vector.broadcast %sub3A : f32 to vector<100000xf32>
    %sub3A_21 = arith.subf %sub3A_20, %get3A_0 : vector<100000xf32>
    %add3A_22 = arith.addf %sub3A_21, %mul3A_19 : vector<100000xf32>
    %div3A_23 = arith.divf %mul3A_19, %add3A_22 : vector<100000xf32>
    %swap3A = arith.constant 0 : index
    %swap3A_24 = vector.load %arg4[%swap3A] : memref<100000xf32, #tpu.memory_space<vmem>>, vector<100000xf32>
    tpu.vector_store %arg4[%swap3A], %div3A_23 {strides = array<i32>} : memref<100000xf32, #tpu.memory_space<vmem>>, vector<100000xf32>,
    %swap3A_25 = arith.constant 0 : index
    %swap3A_26 = vector.load %arg5[%swap3A_25] : memref<100000xf32, #tpu.memory_space<vmem>>, vector<100000xf32>
    tpu.vector_store %arg5[%swap3A_25], %slice3A_10 {strides = array<i32>} : memref<100000xf32, #tpu.memory_space<vmem>>, vector<100000xf32>,
    return
  }
}

module attributes {stable_mosaic.version = 14 : i64} {
  func.func @_refine_t_body(%arg0: i32, %arg1: memref<5x51200xf32, #tpu.memory_space<vmem>>, %arg2: memref<51200xf32, #tpu.memory_space<vmem>>, %arg3: memref<51200xf32, #tpu.memory_space<vmem>>, %arg4: memref<5x51200xf32, #tpu.memory_space<vmem>>) attributes {dimension_semantics = [#tpu.dimension_semantics<arbitrary>], iteration_bounds = array<i64: 125>, scalar_prefetch = 0 : i64, scratch_operands = 0 : i64, tpu.core_type = #tpu.core_type<tc>, window_params = [{transform_indices = @transform_0, window_bounds = array<i64: 5, 51200>}, {transform_indices = @transform_1, window_bounds = array<i64: 51200>}, {transform_indices = @transform_2, window_bounds = array<i64: 51200>}, {transform_indices = @transform_3, window_bounds = array<i64: 5, 51200>}]} {
    %get3A = arith.constant 0 : index
    %get3A_0 = arith.constant 0 : index
    %get3A_1 = vector.load %arg1[%get3A, %get3A_0] : memref<5x51200xf32, #tpu.memory_space<vmem>>, vector<5x51200xf32>
    %reduce_max3A = arith.constant dense<0xFF800000> : vector<51200xf32>
    %reduce_max3A_2 = vector.multi_reduction <maximumf>, %get3A_1, %reduce_max3A [0] : vector<5x51200xf32> to vector<51200xf32>
    %broadcast_in_dim3A = vector.shape_cast %reduce_max3A_2 : vector<51200xf32> to vector<1x51200xf32>
    %sub3A = vector.broadcast %broadcast_in_dim3A : vector<1x51200xf32> to vector<5x51200xf32>
    %sub3A_3 = arith.subf %get3A_1, %sub3A : vector<5x51200xf32>
    %exp3A = math.exp %sub3A_3 : vector<5x51200xf32>
    %reduce_sum3A = arith.constant dense<0.000000e+00> : vector<51200xf32>
    %reduce_sum3A_4 = vector.multi_reduction <add>, %exp3A, %reduce_sum3A [0] : vector<5x51200xf32> to vector<51200xf32>
    %broadcast_in_dim3A_5 = vector.shape_cast %reduce_sum3A_4 : vector<51200xf32> to vector<1x51200xf32>
    %div3A = vector.broadcast %broadcast_in_dim3A_5 : vector<1x51200xf32> to vector<5x51200xf32>
    %div3A_6 = arith.divf %exp3A, %div3A : vector<5x51200xf32>
    %get3A_7 = arith.constant 0 : index
    %get3A_8 = vector.load %arg2[%get3A_7] : memref<51200xf32, #tpu.memory_space<vmem>>, vector<51200xf32>
    %get3A_9 = arith.constant 0 : index
    %get3A_10 = vector.load %arg3[%get3A_9] : memref<51200xf32, #tpu.memory_space<vmem>>, vector<51200xf32>
    %max3A = arith.constant 1.000000e-30 : f32
    %max3A_11 = vector.broadcast %max3A : f32 to vector<51200xf32>
    %max3A_12 = arith.maximumf %get3A_8, %max3A_11 : vector<51200xf32>
    %div3A_13 = arith.divf %get3A_10, %max3A_12 : vector<51200xf32>
    %broadcast_in_dim3A_14 = vector.shape_cast %div3A_13 : vector<51200xf32> to vector<1x51200xf32>
    %iota3A = tpu.iota {dimensions = array<i32: 0>} : vector<5x51200xi32>
    %eq3A = arith.constant 0 : i32
    %eq3A_15 = vector.broadcast %eq3A : i32 to vector<5x51200xi32>
    %eq3A_16 = arith.cmpi eq, %iota3A, %eq3A_15 : vector<5x51200xi32>
    %sub3A_17 = arith.constant 1.000000e+00 : f32
    %sub3A_18 = vector.broadcast %sub3A_17 : f32 to vector<51200xf32>
    %sub3A_19 = arith.subf %sub3A_18, %get3A_10 : vector<51200xf32>
    %broadcast_in_dim3A_20 = vector.shape_cast %sub3A_19 : vector<51200xf32> to vector<1x51200xf32>
    %mul3A = vector.broadcast %broadcast_in_dim3A_14 : vector<1x51200xf32> to vector<5x51200xf32>
    %mul3A_21 = arith.mulf %div3A_6, %mul3A : vector<5x51200xf32>
    %broadcast_in_dim3A_22 = vector.shape_cast %broadcast_in_dim3A_20 : vector<1x51200xf32> to vector<1x51200xf32>
    %broadcast_in_dim3A_23 = vector.broadcast %broadcast_in_dim3A_22 : vector<1x51200xf32> to vector<5x51200xf32>
    %select_n3A = arith.select %eq3A_16, %broadcast_in_dim3A_23, %mul3A_21 : vector<5x51200xi1>, vector<5x51200xf32>
    %add3A = arith.constant 9.99999971E-10 : f32
    %add3A_24 = vector.broadcast %add3A : f32 to vector<5x51200xf32>
    %add3A_25 = arith.addf %select_n3A, %add3A_24 : vector<5x51200xf32>
    %log3A = math.log %add3A_25 : vector<5x51200xf32>
    %swap3A = arith.constant 0 : index
    %swap3A_26 = arith.constant 0 : index
    %swap3A_27 = vector.load %arg4[%swap3A, %swap3A_26] : memref<5x51200xf32, #tpu.memory_space<vmem>>, vector<5x51200xf32>
    tpu.vector_store %arg4[%swap3A, %swap3A_26], %log3A {strides = array<i32>} : memref<5x51200xf32, #tpu.memory_space<vmem>>, vector<5x51200xf32>,
    return
  }
  func.func @transform_0(%arg0: i32) -> (i32, i32) {
    %c0_i32 = arith.constant 0 : i32
    %c0_i32_0 = arith.constant 0 : i32
    return %c0_i32, %arg0 : i32, i32
  }
  func.func @transform_1(%arg0: i32) -> i32 {
    %c0_i32 = arith.constant 0 : i32
    return %arg0 : i32
  }
  func.func @transform_2(%arg0: i32) -> i32 {
    %c0_i32 = arith.constant 0 : i32
    return %arg0 : i32
  }
  func.func @transform_3(%arg0: i32) -> (i32, i32) {
    %c0_i32 = arith.constant 0 : i32
    %c0_i32_0 = arith.constant 0 : i32
    return %c0_i32, %arg0 : i32, i32
  }
}

module attributes {stable_mosaic.version = 14 : i64} {
  func.func @body(%arg0: memref<100000xf32, #tpu.memory_space<vmem>>, %arg1: memref<32x100096xf32, #tpu.memory_space<vmem>>, %arg2: memref<100000xf32, #tpu.memory_space<vmem>>, %arg3: memref<1xf32, #tpu.memory_space<smem>>, %arg4: memref<100000xf32, #tpu.memory_space<vmem>>) attributes {dimension_semantics = [], scalar_prefetch = 0 : i64, scratch_operands = 0 : i64, tpu.core_type = #tpu.core_type<tc>} {
    %get3A = arith.constant 0 : index
    %get3A_0 = vector.load %arg0[%get3A] : memref<100000xf32, #tpu.memory_space<vmem>>, vector<100000xf32>
    %get3A_1 = arith.constant 0 : index
    %get3A_2 = arith.constant 0 : index
    %get3A_3 = vector.load %arg1[%get3A_1, %get3A_2] : memref<32x100096xf32, #tpu.memory_space<vmem>>, vector<32x100096xf32>
    %reduce_sum3A = arith.constant dense<0.000000e+00> : vector<100096xf32>
    %reduce_sum3A_4 = vector.multi_reduction <add>, %get3A_3, %reduce_sum3A [0] : vector<32x100096xf32> to vector<100096xf32>
    %slice3A = vector.extract_strided_slice %reduce_sum3A_4 {offsets = [0], sizes = [100000], strides = [1]} : vector<100096xf32> to vector<100000xf32>
    %get3A_5 = arith.constant 0 : index
    %get3A_6 = vector.load %arg2[%get3A_5] : memref<100000xf32, #tpu.memory_space<vmem>>, vector<100000xf32>
    %add3A = arith.constant 9.99999997E-7 : f32
    %add3A_7 = vector.broadcast %add3A : f32 to vector<100000xf32>
    %add3A_8 = arith.addf %get3A_6, %add3A_7 : vector<100000xf32>
    %div3A = arith.divf %slice3A, %add3A_8 : vector<100000xf32>
    %get3A_9 = arith.constant 0 : index
    %get3A_10 = memref.load %arg3[%get3A_9] : memref<1xf32, #tpu.memory_space<smem>>
    %mul3A = vector.broadcast %get3A_10 : f32 to vector<100000xf32>
    %mul3A_11 = arith.mulf %mul3A, %div3A : vector<100000xf32>
    %add3A_12 = arith.constant 1.000000e+00 : f32
    %add3A_13 = vector.broadcast %add3A_12 : f32 to vector<100000xf32>
    %add3A_14 = arith.addf %add3A_13, %mul3A_11 : vector<100000xf32>
    %mul3A_15 = arith.mulf %get3A_0, %add3A_14 : vector<100000xf32>
    %sub3A = arith.constant 1.000000e+00 : f32
    %sub3A_16 = vector.broadcast %sub3A : f32 to vector<100000xf32>
    %sub3A_17 = arith.subf %sub3A_16, %get3A_0 : vector<100000xf32>
    %add3A_18 = arith.addf %sub3A_17, %mul3A_15 : vector<100000xf32>
    %div3A_19 = arith.divf %mul3A_15, %add3A_18 : vector<100000xf32>
    %swap3A = arith.constant 0 : index
    %swap3A_20 = vector.load %arg4[%swap3A] : memref<100000xf32, #tpu.memory_space<vmem>>, vector<100000xf32>
    tpu.vector_store %arg4[%swap3A], %div3A_19 {strides = array<i32>} : memref<100000xf32, #tpu.memory_space<vmem>>, vector<100000xf32>,
    return
  }
}

module attributes {stable_mosaic.version = 14 : i64} {
  func.func @_refine_t_body(%arg0: i32, %arg1: memref<5x16384xf32, #tpu.memory_space<vmem>>, %arg2: memref<16384xf32, #tpu.memory_space<vmem>>, %arg3: memref<16384xf32, #tpu.memory_space<vmem>>, %arg4: memref<5x16384xf32, #tpu.memory_space<vmem>>) attributes {dimension_semantics = [#tpu.dimension_semantics<arbitrary>], iteration_bounds = array<i64: 7>, scalar_prefetch = 0 : i64, scratch_operands = 0 : i64, tpu.core_type = #tpu.core_type<tc>, window_params = [{transform_indices = @transform_0, window_bounds = array<i64: 5, 16384>}, {transform_indices = @transform_1, window_bounds = array<i64: 16384>}, {transform_indices = @transform_2, window_bounds = array<i64: 16384>}, {transform_indices = @transform_3, window_bounds = array<i64: 5, 16384>}]} {
    %get3A = arith.constant 0 : index
    %get3A_0 = arith.constant 0 : index
    %get3A_1 = vector.load %arg1[%get3A, %get3A_0] : memref<5x16384xf32, #tpu.memory_space<vmem>>, vector<5x16384xf32>
    %reduce_max3A = arith.constant dense<0xFF800000> : vector<16384xf32>
    %reduce_max3A_2 = vector.multi_reduction <maximumf>, %get3A_1, %reduce_max3A [0] : vector<5x16384xf32> to vector<16384xf32>
    %broadcast_in_dim3A = vector.shape_cast %reduce_max3A_2 : vector<16384xf32> to vector<1x16384xf32>
    %sub3A = vector.broadcast %broadcast_in_dim3A : vector<1x16384xf32> to vector<5x16384xf32>
    %sub3A_3 = arith.subf %get3A_1, %sub3A : vector<5x16384xf32>
    %exp3A = math.exp %sub3A_3 : vector<5x16384xf32>
    %reduce_sum3A = arith.constant dense<0.000000e+00> : vector<16384xf32>
    %reduce_sum3A_4 = vector.multi_reduction <add>, %exp3A, %reduce_sum3A [0] : vector<5x16384xf32> to vector<16384xf32>
    %broadcast_in_dim3A_5 = vector.shape_cast %reduce_sum3A_4 : vector<16384xf32> to vector<1x16384xf32>
    %div3A = vector.broadcast %broadcast_in_dim3A_5 : vector<1x16384xf32> to vector<5x16384xf32>
    %div3A_6 = arith.divf %exp3A, %div3A : vector<5x16384xf32>
    %get3A_7 = arith.constant 0 : index
    %get3A_8 = vector.load %arg2[%get3A_7] : memref<16384xf32, #tpu.memory_space<vmem>>, vector<16384xf32>
    %get3A_9 = arith.constant 0 : index
    %get3A_10 = vector.load %arg3[%get3A_9] : memref<16384xf32, #tpu.memory_space<vmem>>, vector<16384xf32>
    %max3A = arith.constant 1.000000e-30 : f32
    %max3A_11 = vector.broadcast %max3A : f32 to vector<16384xf32>
    %max3A_12 = arith.maximumf %get3A_8, %max3A_11 : vector<16384xf32>
    %div3A_13 = arith.divf %get3A_10, %max3A_12 : vector<16384xf32>
    %broadcast_in_dim3A_14 = vector.shape_cast %div3A_13 : vector<16384xf32> to vector<1x16384xf32>
    %iota3A = tpu.iota {dimensions = array<i32: 0>} : vector<5x16384xi32>
    %eq3A = arith.constant 0 : i32
    %eq3A_15 = vector.broadcast %eq3A : i32 to vector<5x16384xi32>
    %eq3A_16 = arith.cmpi eq, %iota3A, %eq3A_15 : vector<5x16384xi32>
    %sub3A_17 = arith.constant 1.000000e+00 : f32
    %sub3A_18 = vector.broadcast %sub3A_17 : f32 to vector<16384xf32>
    %sub3A_19 = arith.subf %sub3A_18, %get3A_10 : vector<16384xf32>
    %broadcast_in_dim3A_20 = vector.shape_cast %sub3A_19 : vector<16384xf32> to vector<1x16384xf32>
    %mul3A = vector.broadcast %broadcast_in_dim3A_14 : vector<1x16384xf32> to vector<5x16384xf32>
    %mul3A_21 = arith.mulf %div3A_6, %mul3A : vector<5x16384xf32>
    %broadcast_in_dim3A_22 = vector.shape_cast %broadcast_in_dim3A_20 : vector<1x16384xf32> to vector<1x16384xf32>
    %broadcast_in_dim3A_23 = vector.broadcast %broadcast_in_dim3A_22 : vector<1x16384xf32> to vector<5x16384xf32>
    %select_n3A = arith.select %eq3A_16, %broadcast_in_dim3A_23, %mul3A_21 : vector<5x16384xi1>, vector<5x16384xf32>
    %add3A = arith.constant 9.99999971E-10 : f32
    %add3A_24 = vector.broadcast %add3A : f32 to vector<5x16384xf32>
    %add3A_25 = arith.addf %select_n3A, %add3A_24 : vector<5x16384xf32>
    %log3A = math.log %add3A_25 : vector<5x16384xf32>
    %swap3A = arith.constant 0 : index
    %swap3A_26 = arith.constant 0 : index
    %swap3A_27 = vector.load %arg4[%swap3A, %swap3A_26] : memref<5x16384xf32, #tpu.memory_space<vmem>>, vector<5x16384xf32>
    tpu.vector_store %arg4[%swap3A, %swap3A_26], %log3A {strides = array<i32>} : memref<5x16384xf32, #tpu.memory_space<vmem>>, vector<5x16384xf32>,
    return
  }
  func.func @transform_0(%arg0: i32) -> (i32, i32) {
    %c0_i32 = arith.constant 0 : i32
    %c0_i32_0 = arith.constant 0 : i32
    return %c0_i32, %arg0 : i32, i32
  }
  func.func @transform_1(%arg0: i32) -> i32 {
    %c0_i32 = arith.constant 0 : i32
    return %arg0 : i32
  }
  func.func @transform_2(%arg0: i32) -> i32 {
    %c0_i32 = arith.constant 0 : i32
    return %arg0 : i32
  }
  func.func @transform_3(%arg0: i32) -> (i32, i32) {
    %c0_i32 = arith.constant 0 : i32
    %c0_i32_0 = arith.constant 0 : i32
    return %c0_i32, %arg0 : i32, i32
  }
}

</mosaic_0001>

<sc_bundles>
// kernel: kernel.13.cloned.1.call-start
scs
__scs_entry_jumppad:
0x0: {  	(pc) =	sbr.rel $0x88, $3  }
0x1: {  	(tag) =	ssettag $0x0;
	lr =	simm.s32 $0x1  }
0x2: {  	[smem:$0x3F9C] =	sst lr;
	_ =	strace $0xD0000000  }
0x3: {  	_ = 	snop  }
0x4: {  	_ = 	snop  }
0x5: {  	_ = 	snop  }
0x6: {  	_ = 	snop  }
0x7: {  	_ = 	snop  }
__scs_overlays_trampoline_lowered:
0x8: {  	[smem:$0x3FAB] =	sst s0  }
0x9: {  	[smem:$0x3FAC] =	sst s1  }
0xa: {  	[smem:$0x3FAD] =	sst s2  }
0xb: {  	[smem:$0x3FAE] =	sst s3  }
0xc: {  	[smem:$0x3FAF] =	sst s4  }
0xd: {  	[smem:$0x3FB0] =	sst s5  }
0xe: {  	[smem:$0x3FB1] =	sst s6  }
0xf: {  	[smem:$0x3FB2] =	sst s7  }
0x10: {  	[smem:$0x3FB3] =	sst s8  }
0x11: {  	[smem:$0x3FB4] =	sst s9;
	s0 =	simm.s32 @!p0 $0x0  }
0x12: {  	s1 =	sld [smem:$0x3F9A];
	s0 =	simm.s32 @p0 $0x1  }
0x13: {  	[smem:$0x3FB5] =	sst s0;
	s0 =	simm.s32 @!p1 $0x0  }
0x14: {  	s2 =	sld [smem:$0x3F99];
	s0 =	simm.s32 @p1 $0x1  }
0x15: {  	[smem:$0x3FB6] =	sst s0;
	s0 =	simm.s32 @!p2 $0x0  }
0x16: {  	s3 =	sld [smem:$0x3FDB];
	s0 =	simm.s32 @p2 $0x1  }
0x17: {  	s4 =	simm.s32 $0x1BF5;
	[smem:$0x3FB8] =	sst s0  }
0x18: {  	s0 =	sld [smem:$0x3F9B];
	_ =	swait.ge [sflag:s4], $0x0  }
0x19: {  	s7 =	sld [smem:$0x3F9C]  }
0x1a: {  	s8 =	sadd.s32 $0xFFFFE003, lr  }
0x1b: {  	s9 =	sadd.s32 $0xFFFFFEF7, lr;
	s5 =	simm.s32 $0xFFFFFFFF;
	p2 =	slt.u32 s8, $0xFFFFF086  }
0x1c: {  	p1 =	slt.u32 s9, $0xF7A;
	s5 =	simm.s32 @!p2 $0x0  }
0x1d: {  	s5 =	simm.s32 @p1 $0x1;
	p0 =	seq.s32 s7, s2  }
0x1e: {  	s7 =	smul.u32 @!p0 $0xF7A, s2;
	p2 =	seq.s32 @!p0 s5, $0x0  }
0x1f: {  	s9 =	smul.u32 $0xF7A, s1;
	s8 =	simm.s32 @!p0 $0x1BF5;
	p2 =	por !p2, p0  }
0x20: {  	[sflag:s8] =	ssyncset.s32 @!p0 $0xFFFFF086;
	s6 =	sadd.s32 @!p0 s3, s7;
	s7 =	simm.s32 @!p0 $0x108  }
0x21: {  	s3 =	sadd.s32 s3, s9;
	s6 =	sadd.s32 @!p0 $0x88, s6;
	s7 =	simm.s32 @p2 $0x1082  }
0x22: {  	[simem:s7], [sflag:s8] =	dma.local @!p0 [hbm:s6], $0xF7A  }
0x23: {  	s9 =	sor.u32 $0xD0000000, s2;
	s6 =	simm.s32 $0x108;
	_ =	swait.ge @!p0 [sflag:s8], $0x0  }
0x24: {  	s3 =	sadd.s32 $0x88, s3;
	s6 =	simm.s32 @!p1 $0x1082;
	[sflag:s4] =	ssyncset.s32 $0xFFFFF086  }
0x25: {  	[simem:s6], [sflag:s4] =	dma.local [hbm:s3], $0xF7A  }
0x26: {  	[smem:$0x3F9C] =	sst s1;
	(tag) =	ssettag s2;
	_ =	strace s9  }
0x27: {  	s1 =	sld [smem:$0x3FAC]  }
0x28: {  	s2 =	sld [smem:$0x3FAD]  }
0x29: {  	s4 =	sld [smem:$0x3FAF]  }
0x2a: {  	p0 =	seq.s32 s5, $0x0;
	s5 =	sld [smem:$0x3FB0]  }
0x2b: {  	s6 =	sld [smem:$0x3FB1]  }
0x2c: {  	s7 =	sld [smem:$0x3FB2]  }
0x2d: {  	s3 =	simm.s32 $0x108;
	s8 =	sld [smem:$0x3FB3]  }
0x2e: {  	s3 =	simm.s32 @!p0 $0x1082;
	s9 =	sld [smem:$0x3FB4]  }
0x2f: {  	lr =	sadd.s32 s0, s3;
	s0 =	sld [smem:$0x3FAB]  }
0x30: {  	s3 =	sld [smem:$0x3FAE]  }
0x31: {  	[smem:$0x3FB7] =	sst s10  }
0x32: {  	s10 =	sld [smem:$0x3FB5];
	_ =	sdelay $0x3  }
0x33: {  	p0 =	seq.s32 s10, $0x1;
	s10 =	sld [smem:$0x3FB7];
	_ =	sdelay $0x3  }
0x34: {  	[smem:$0x3FB7] =	sst s10  }
0x35: {  	s10 =	sld [smem:$0x3FB6];
	_ =	sdelay $0x3  }
0x36: {  	p1 =	seq.s32 s10, $0x1;
	s10 =	sld [smem:$0x3FB7];
	_ =	sdelay $0x3  }
0x37: {  	[smem:$0x3FB7] =	sst s10  }
0x38: {  	s10 =	sld [smem:$0x3FB8]  }
0x39: {  	_ = 	snop;
	(pc) =	sbr.ind lr, $3  }
0x3a: {  	_ = 	snop  }
0x3b: {  	_ = 	snop  }
0x3c: {  	p2 =	seq.s32 s10, $0x1;
	s10 =	sld [smem:$0x3FB7]  }
0x3d: {  	_ =	shalt  }
0x3e: {  	_ =	shalt  }
0x3f: {  	_ =	shalt  }
0x40: {  	_ =	shalt  }
0x41: {  	_ =	shalt  }
0x42: {  	_ =	shalt  }
0x43: {  	_ =	shalt  }
0x44: {  	_ =	shalt  }
0x45: {  	_ =	shalt  }
0x46: {  	_ =	shalt  }
0x47: {  	_ =	shalt  }
0x48: {  	_ =	shalt  }
0x49: {  	_ =	shalt  }
0x4a: {  	_ =	shalt  }
0x4b: {  	_ =	shalt  }
0x4c: {  	_ =	shalt  }
0x4d: {  	_ =	shalt  }
0x4e: {  	_ =	shalt  }
0x4f: {  	_ =	shalt  }
0x50: {  	_ =	shalt  }
0x51: {  	_ =	shalt  }
0x52: {  	_ =	shalt  }
0x53: {  	_ =	shalt  }
0x54: {  	_ =	shalt  }
0x55: {  	_ =	shalt  }
0x56: {  	_ =	shalt  }
0x57: {  	_ =	shalt  }
0x58: {  	_ =	shalt  }
0x59: {  	_ =	shalt  }
0x5a: {  	_ =	shalt  }
0x5b: {  	_ =	shalt  }
0x5c: {  	_ =	shalt  }
0x5d: {  	_ =	shalt  }
0x5e: {  	_ =	shalt  }
0x5f: {  	_ =	shalt  }
0x60: {  	_ =	shalt  }
0x61: {  	_ =	shalt  }
0x62: {  	_ =	shalt  }
0x63: {  	_ =	shalt  }
0x64: {  	_ =	shalt  }
0x65: {  	_ =	shalt  }
0x66: {  	_ =	shalt  }
0x67: {  	_ =	shalt  }
0x68: {  	_ =	shalt  }
0x69: {  	_ =	shalt  }
0x6a: {  	_ =	shalt  }
0x6b: {  	_ =	shalt  }
0x6c: {  	_ =	shalt  }
0x6d: {  	_ =	shalt  }
0x6e: {  	_ =	shalt  }
0x6f: {  	_ =	shalt  }
0x70: {  	_ =	shalt  }
0x71: {  	_ =	shalt  }
0x72: {  	_ =	shalt  }
0x73: {  	_ =	shalt  }
0x74: {  	_ =	shalt  }
0x75: {  	_ =	shalt  }
0x76: {  	_ =	shalt  }
0x77: {  	_ =	shalt  }
0x78: {  	_ =	shalt  }
0x79: {  	_ =	shalt  }
0x7a: {  	_ =	shalt  }
0x7b: {  	_ =	shalt  }
0x7c: {  	_ =	shalt  }
0x7d: {  	_ =	shalt  }
0x7e: {  	_ =	shalt  }
0x7f: {  	_ =	shalt  }
0x80: {  	_ =	shalt  }
0x81: {  	_ =	shalt  }
0x82: {  	_ =	shalt  }
0x83: {  	_ =	shalt  }
0x84: {  	_ =	shalt  }
0x85: {  	_ =	shalt  }
0x86: {  	_ =	shalt  }
0x87: {  	_ =	shalt  }
.Lfunc_end0:
.L_simem_size_0:
called_computation_lowered:
.L_overlay_start_0:
0x88: {  	s2 =	sld [smem:$0x3FD9]  }
0x89: {  	s3 =	sld [smem:$0x3FFE];
	_ =	sdelay $0x1  }
0x8a: {  	s1 =	srdreg.scid  }
0x8b: {  	s0 =	sand.u32 $0x1, s1  }
0x8c: {  	s17 =	sshll.u32 s0, $0xA;
	s2 =	sadd.s32 s3, s2  }
0x8d: {  	s2 =	sadd.s32 s2, s17  }
0x8e: {  	[smem:$0x3FC3] =	sst s2  }
0x8f: {  	_ = 	snop  }
0x90: {  	(tm) =	ssettm $0x1  }
0x91: {  	s18 =	sld [smem:$0x3FFB];
	_ =	sdelay $0x3  }
0x92: {  	_ =	strace s18  }
0x93: {  	s2 =	sld [smem:$0x3FFC];
	_ =	sdelay $0x3  }
0x94: {  	_ =	strace s2  }
0x95: {  	s2 =	sld [smem:$0x3FFD];
	_ =	sdelay $0x3  }
0x96: {  	_ =	strace s2  }
0x97: {  	_ =	strace $0x8FFFFFFF  }
0x98: {  	s19 =	sld [smem:$0x3FDB];
	_ =	sdelay $0x1  }
0x99: {  	s20 =	simm.s32 $_scs_section_size  }
0x9a: {  	s4 =	simm.s32 $_size__tile_overlayer_lowered;
	s5 =	simm.s32 $_tile_overlayer_lowered  }
0x9b: {  	s6 =	simm.s32 $0x1BFF;
	s21 =	sshll.u32 s5, $0x1;
	s3 =	sadd.s32 s20, s19  }
0x9c: {  	s22 =	simm.s32 $0x0;
	s4 =	sshll.u32 s4, $0x1;
	s5 =	sadd.s32 s21, s3  }
0x9d: {  	[timem:s22], [sflag:s6] =	dma.local [hbm:s5], s4  }
0x9e: {  	_ =	swait.ge [sflag:s6], s4  }
0x9f: {  	s4 =	ssub.s32 $0x0, s4;
	[sflag:s6] =	ssyncset.done $0x0  }
0xa0: {  	[sflag:s6] =	ssyncadd.s32 s4;
	_ =	sdelay $0x1  }
0xa1: {  	s23 =	simm.s32 $0x1B8B  }
0xa2: {  	_ =	swait.ge [sflag:s23], $0x1  }
0xa3: {  	[sflag:s23] =	ssyncset.done $0x0  }
0xa4: {  	[sflag:s23] =	ssyncadd.s32 $0xFFFFFFFF  }
0xa5: {  	s4 =	sld [smem:$0x0]  }
0xa6: {  	s5 =	sand.u32 $0xFFFFFFFE, s1  }
0xa7: {  	p0 =	sne.s32 s1, s5  }
0xa8: {  	s5 =	sshll.u32 @p0 s5, $0xE  }
0xa9: {  	s5 =	sadd.s32 @p0 $0x11B8D, s5;
	s6 =	sshll.u32 @p0 s4, $0x11  }
0xaa: {  	s5 =	sor.u32 @p0 s6, s5  }
0xab: {  	[sflag:s5] =	ssyncadd.remote.s32 @p0 $0x1;
	_ =	sdelay $0x1  }
0xac: {  	s5 =	simm.s32 @p0 $0x1B8D  }
0xad: {  	_ =	swait.eq @p0 [sflag:s5], $0x1  }
0xae: {  	[sflag:s5] =	ssyncadd.s32 @p0 $0xFFFFFFFF  }
0xaf: {  	s6 =	sshll.u32 @!p0 s1, $0xE  }
0xb0: {  	s6 =	sor.u32 @!p0 $0x4000, s6;
	s5 =	simm.s32 @!p0 $0x1B8D  }
0xb1: {  	s4 =	sshll.u32 @!p0 s4, $0x11;
	s6 =	sadd.s32 @!p0 $0x11B8D, s6;
	_ =	swait.eq @!p0 [sflag:s5], $0x1  }
0xb2: {  	s4 =	sor.u32 @!p0 s4, s6;
	[sflag:s5] =	ssyncadd.s32 @!p0 $0xFFFFFFFF  }
0xb3: {  	s25 =	simm.s32 $0x1B8E;
	s24 =	sld [smem:$0x3FFE];
	[sflag:s4] =	ssyncadd.remote.s32 @!p0 $0x1  }
0xb4: {  	s26 =	simm.s32 $execute0_lowered;
	[smem:$0x3FD2] =	sst s25  }
0xb5: {  	s5 =	sshll.u32 s26, $0x1;
	_ =	strace $0x80000049;
	[dreg:$0x1] =	wrdreg $0xFFFFFFFF  }
0xb6: {  	s28 =	simm.s32 $_size_execute0_lowered;
	s3 =	sadd.s32 s3, s5;
	[dreg:$0x0] =	wrdreg $0x0  }
0xb7: {  	s5 =	sshll.u32 s28, $0x1;
	[dreg:$0x2] =	wrdreg s3  }
0xb8: {  	[dreg:$0x3] =	wrdreg s5  }
0xb9: {  	[dreg:$0x4] =	wrdreg $0xC0  }
0xba: {  	_ =	task [dreg:s22], $0x5FFFF  }
0xbb: {  	[dreg:$0x1] =	wrdreg $0xFFFFFFFF  }
0xbc: {  	[dreg:$0x0] =	wrdreg $0x60  }
0xbd: {  	[dreg:$0x2] =	wrdreg s24  }
0xbe: {  	[dreg:$0x3] =	wrdreg $0x9  }
0xbf: {  	_ =	task.clear_ibuf [dreg:s22], $0x4FFFF;
	_ =	strace $0x90000049  }
0xc0: {  	s29 =	simm.s32 $0x9;
	_ =	strace $0x8000004B  }
0xc1: {  	_ =	swait.ge [sflag:s29], $0x1  }
0xc2: {  	[sflag:s29] =	ssyncadd.s32 $0xFFFFFFFF  }
0xc3: {  	_ =	strace $0x9000004B  }
0xc4: {  	_ =	sfence  }
0xc5: {  	s30 =	sld [smem:$0x0];
	_ =	sdelay $0x2  }
0xc6: {  	s31 =	sshll.u32 s1, $0xD;
	s1 =	sshrl.u32 s1, $0x2  }
0xc7: {  	s4 =	sand.u32 $0x4000, s31;
	s1 =	sadd.s32 s1, s30  }
0xc8: {  	s0 =	sor.u32 s4, s0;
	s1 =	sshll.u32 s1, $0x11  }
0xc9: {  	s0 =	sor.u32 s1, s0  }
0xca: {  	s0 =	sadd.s32 $0x8F2B, s0  }
0xcb: {  	[sflag:s0] =	ssyncadd.remote.s32 $0x1  }
0xcc: {  	_ =	sfence.sel $0xFFFF  }
0xcd: {  	[dreg:$0x0] =	wrdreg $0xFFFFFFFF;
	(pc) =	sbr.abs _section_cstart, $3  }
0xce: {  	[dreg:$0x1] =	wrdreg $0xFFFFFFFF  }
0xcf: {  	_ =	task.clear_ibuf [dreg:s22], $0x2FFFF;
	_ =	strace $0x9FFFFFFF  }
0xd0: {  	(tm) =	ssettm $0x7FFFFFFF  }
0xd1: {  	_ =	shalt  }
tec
execute0_lowered:
.L_overlay_start_1:
0x0: {  	(tag) =	ssettag $0x1  }
0x1: {  	s0 =	srdreg.scid  }
0x2: {  	s6 =	rddreg [dreg:$0x0];
	s1 =	stileid.u32;
	s2 =	simm.s32 $0x0  }
0x3: {  	s13 =	simm.s32 $0x1A700;
	s14 =	simm.s32 $0x1B700;
	s15 =	simm.s32 $0x1  }
0x4: {  	s16 =	simm.s32 $0x2;
	s17 =	simm.s32 $0x80;
	s5 =	sand.u32 $0x1, s0  }
0x5: {  	s18 =	simm.s32 $0x400;
	s19 =	simm.s32 $0x3;
	s3 =	sshll.u32 s5, $0x4  }
0x6: {  	s20 =	simm.s32 $0x0;
	s0 =	rddreg [dreg:$0x1];
	s4 =	sor.u32 s1, s3  }
0x7: {  	[smem:$0x7FF] =	sst s2;
	s8 =	sshll.u32 s1, $0x7;
	s3 =	sshrl.u32 s4, $0x3  }
0x8: {  	_ =	strace $0x8000004A;
	s5 =	ssub.s32 $0x2, s5;
	s7 =	smul.u32 $0xC3800, s3  }
0x9: {  	s8 =	sand.u32 $0x380, s8;
	s31 =	sshrl.u32 s5, $0x1;
	s9 =	smul.u32 $0x30D40, s4  }
0xa: {  	s4 =	sadd.s32 $0xC5C00, s6;
	s12 =	ssub.s32 s5, s31;
	s7 =	sor.u32 s8, s7  }
0xb: {  	s3 =	sadd.s32 $0x189200, s6;
	s10 =	sshrl.u32 s9, $0x3;
	s7 =	sshrl.u32 s7, $0x3  }
0xc: {  	s5 =	sadd.s32 s3, s10;
	s8 =	sadd.s32 $0x1F40, s9;
	s11 =	sadd.s32 s7, s6  }
0xd: {  	s6 =	sadd.s32 s4, s10;
	s7 =	sadd.s32 $0xFA0, s9;
	s10 =	smax.u32 s12, $0x1  }
0xe: {  	v0 =	vimm.f32 $0.0e+00;
	v1 =	vimm.f32 $1.000000000e+00;
	s12 =	simm.s32 $0x19700;
	s9 =	sadd.s32 $0x24CA00, s11;
	s11 =	simm.s32 $0x18700  }
.LBB2_1:
0xf: {  	s21 =	simm.s32 $0x20  }
0x10: {  	[tilespmem:s21+$0xFFFFFFE0] =	vst v0  }
0x11: {  	[tilespmem:s21+$0x10] =	vst v0  }
0x12: {  	s22 =	simm.s32 $0x0;
	[tilespmem:s21+$0x0] =	vst v0  }
.LBB2_2:
0x13: {  	s22 =	sadd.s32 $0x4, s22  }
0x14: {  	[tilespmem:s21+$0xFFFFFFF0] =	vst v0;
	s21 =	sadd.s32 $0x40, s21;
	p0 =	slt.u32 s22, $0x186C  }
.Ltmp0:
0x15: {  	[tilespmem:s21+$0xFFFFFFE0] =	vst v0;
	(pc) =	sbr.rel @p0 .LBB2_2-.Ltmp0, $3  }
0x16: {  	_ =	sdelay $0x1  }
0x17: {  	[tilespmem:s21+$0x10] =	vst v0  }
0x18: {  	[tilespmem:s21+$0x0] =	vst v0  }
0x19: {  	[tilespmem:s21+$0xFFFFFFF0] =	vst v0;
	s21 =	simm.s32 $0x0  }
0x1a: {  	[tilespmem:s11], [sflag:$0x1] =	stream.linear.gather [hbm4b:s5+s21], $0xFA0, $0x38;
	[tilespmem:$0x1C700] =	vst v63  }
0x1b: {  	_ = 	snop  }
0x1c: {  	[tilespmem:s12], [sflag:$0x1] =	stream.linear.gather [hbm4b:s6+s21], $0xFA0, $0x38;
	[tilespmem:$0x1C700] =	vst v63  }
.LBB2_4:
0x1d: {  	s22 =	smul.u32 $0x1F40, s21;
	_ =	sdelay $0x1  }
0x1e: {  	s23 =	sadd.s32 s22, s7  }
0x1f: {  	s23 =	sshrl.u32 s23, $0x3  }
0x20: {  	s24 =	sadd.s32 s3, s23  }
0x21: {  	[tilespmem:s13], [sflag:$0x2] =	stream.linear.gather [hbm4b:s24+s2], $0xFA0, $0x38;
	[tilespmem:$0x1C700] =	vst v63  }
0x22: {  	s23 =	sadd.s32 s4, s23  }
0x23: {  	[tilespmem:s14], [sflag:$0x2] =	stream.linear.gather [hbm4b:s23+s2], $0xFA0, $0x38;
	[tilespmem:$0x1C700] =	vst v63  }
0x24: {  	_ =	swait.ge [sflag:s15], $0xFA0  }
0x25: {  	[sflag:s15] =	ssyncset.done $0x0  }
0x26: {  	[sflag:s15] =	ssyncadd.s32 $0xFFFFF060  }
0x27: {  	_ =	swait.ge [sflag:s15], $0xFA0  }
0x28: {  	s25 =	simm.s32 $0x18720;
	[sflag:s15] =	ssyncset.done $0x0  }
0x29: {  	s24 =	simm.s32 $0x19720;
	s23 =	simm.s32 $0xFFFFFFFC;
	[sflag:s15] =	ssyncadd.s32 $0xFFFFF060  }
.LBB2_5:
0x2a: {  	v2 =	vld [tilespmem:s25+$0xFFFFFFE0];
	_ =	sdelay $0x7  }
0x2b: {  	[tilespmem:v2+s2+$0x0] =	vst.idx.add.f32.msk $0xffff, v1  }
0x2c: {  	v2 =	vld [tilespmem:s24+$0xFFFFFFE0];
	_ =	sdelay $0x7  }
0x2d: {  	[tilespmem:v2+s2+$0x0] =	vst.idx.add.f32.msk $0xffff, v1  }
0x2e: {  	v2 =	vld [tilespmem:s25+$0xFFFFFFF0];
	_ =	sdelay $0x7  }
0x2f: {  	[tilespmem:v2+s2+$0x0] =	vst.idx.add.f32.msk $0xffff, v1  }
0x30: {  	v2 =	vld [tilespmem:s24+$0xFFFFFFF0];
	_ =	sdelay $0x7  }
0x31: {  	[tilespmem:v2+s2+$0x0] =	vst.idx.add.f32.msk $0xffff, v1  }
0x32: {  	v2 =	vld [tilespmem:s25+$0x0];
	_ =	sdelay $0x7  }
0x33: {  	[tilespmem:v2+s2+$0x0] =	vst.idx.add.f32.msk $0xffff, v1  }
0x34: {  	v2 =	vld [tilespmem:s24+$0x0];
	_ =	sdelay $0x7  }
0x35: {  	[tilespmem:v2+s2+$0x0] =	vst.idx.add.f32.msk $0xffff, v1  }
0x36: {  	v2 =	vld [tilespmem:s25+$0x10];
	_ =	sdelay $0x7  }
0x37: {  	[tilespmem:v2+s2+$0x0] =	vst.idx.add.f32.msk $0xffff, v1  }
0x38: {  	v2 =	vld [tilespmem:s24+$0x10];
	_ =	sdelay $0x1  }
0x39: {  	s23 =	sadd.s32 $0x4, s23  }
0x3a: {  	p0 =	slt.u32 s23, $0xF4  }
.Ltmp1:
0x3b: {  	_ = 	snop;
	(pc) =	sbr.rel @p0 .LBB2_5-.Ltmp1, $2  }
0x3c: {  	_ =	sdelay $0x2  }
0x3d: {  	s25 =	sadd.s32 $0x40, s25;
	s24 =	sadd.s32 $0x40, s24;
	[tilespmem:v2+s2+$0x0] =	vst.idx.add.f32.msk $0xffff, v1  }
0x3e: {  	v2 =	vld [tilespmem:$0x19680];
	_ =	sdelay $0x7  }
0x3f: {  	[tilespmem:v2+s2+$0x0] =	vst.idx.add.f32.msk $0xffff, v1  }
0x40: {  	v2 =	vld [tilespmem:$0x1A680];
	_ =	sdelay $0x7  }
0x41: {  	[tilespmem:v2+s2+$0x0] =	vst.idx.add.f32.msk $0xffff, v1  }
0x42: {  	v2 =	vld [tilespmem:$0x19690];
	_ =	sdelay $0x7  }
0x43: {  	[tilespmem:v2+s2+$0x0] =	vst.idx.add.f32.msk $0xffff, v1  }
0x44: {  	v2 =	vld [tilespmem:$0x1A690];
	_ =	sdelay $0x4  }
0x45: {  	p0 =	seq.s32 s21, $0x18  }
0x46: {  	s22 =	sadd.s32 @!p0 s22, s8  }
0x47: {  	s22 =	sshrl.u32 @!p0 s22, $0x3  }
0x48: {  	s24 =	simm.s32 @!p0 $0x0;
	s25 =	simm.s32 @!p0 $0x18700;
	s23 =	sadd.s32 @!p0 s3, s22;
	[tilespmem:v2+s2+$0x0] =	vst.idx.add.f32.msk $0xffff, v1  }
0x49: {  	[tilespmem:s25], [sflag:$0x1] =	stream.linear.gather @!p0 [hbm4b:s23+s24], $0xFA0, $0x38;
	[tilespmem:$0x1C700] =	vst v63  }
0x4a: {  	s22 =	sadd.s32 @!p0 s4, s22;
	s23 =	simm.s32 @!p0 $0x19700  }
0x4b: {  	[tilespmem:s23], [sflag:$0x1] =	stream.linear.gather @!p0 [hbm4b:s22+s24], $0xFA0, $0x38;
	[tilespmem:$0x1C700] =	vst v63  }
0x4c: {  	_ =	swait.ge [sflag:s16], $0xFA0  }
0x4d: {  	[sflag:s16] =	ssyncset.done $0x0  }
0x4e: {  	[sflag:s16] =	ssyncadd.s32 $0xFFFFF060  }
0x4f: {  	_ =	swait.ge [sflag:s16], $0xFA0  }
0x50: {  	s21 =	sadd.s32 $0x1, s21;
	s22 =	simm.s32 $0xFFFFFFFC;
	[sflag:s16] =	ssyncset.done $0x0  }
0x51: {  	s23 =	simm.s32 $0x1B720;
	s24 =	simm.s32 $0x1A720;
	[sflag:s16] =	ssyncadd.s32 $0xFFFFF060  }
.LBB2_7:
0x52: {  	v2 =	vld [tilespmem:s24+$0xFFFFFFE0];
	_ =	sdelay $0x7  }
0x53: {  	[tilespmem:v2+s2+$0x0] =	vst.idx.add.f32.msk $0xffff, v1  }
0x54: {  	v2 =	vld [tilespmem:s23+$0xFFFFFFE0];
	_ =	sdelay $0x7  }
0x55: {  	[tilespmem:v2+s2+$0x0] =	vst.idx.add.f32.msk $0xffff, v1  }
0x56: {  	v2 =	vld [tilespmem:s24+$0xFFFFFFF0];
	_ =	sdelay $0x7  }
0x57: {  	[tilespmem:v2+s2+$0x0] =	vst.idx.add.f32.msk $0xffff, v1  }
0x58: {  	v2 =	vld [tilespmem:s23+$0xFFFFFFF0];
	_ =	sdelay $0x7  }
0x59: {  	[tilespmem:v2+s2+$0x0] =	vst.idx.add.f32.msk $0xffff, v1  }
0x5a: {  	v2 =	vld [tilespmem:s24+$0x0];
	_ =	sdelay $0x7  }
0x5b: {  	[tilespmem:v2+s2+$0x0] =	vst.idx.add.f32.msk $0xffff, v1  }
0x5c: {  	v2 =	vld [tilespmem:s23+$0x0];
	_ =	sdelay $0x7  }
0x5d: {  	[tilespmem:v2+s2+$0x0] =	vst.idx.add.f32.msk $0xffff, v1  }
0x5e: {  	v2 =	vld [tilespmem:s24+$0x10];
	_ =	sdelay $0x7  }
0x5f: {  	[tilespmem:v2+s2+$0x0] =	vst.idx.add.f32.msk $0xffff, v1  }
0x60: {  	v2 =	vld [tilespmem:s23+$0x10];
	_ =	sdelay $0x1  }
0x61: {  	s22 =	sadd.s32 $0x4, s22  }
0x62: {  	p0 =	slt.u32 s22, $0xF4  }
.Ltmp2:
0x63: {  	_ = 	snop;
	(pc) =	sbr.rel @p0 .LBB2_7-.Ltmp2, $2  }
0x64: {  	_ =	sdelay $0x2  }
0x65: {  	s24 =	sadd.s32 $0x40, s24;
	s23 =	sadd.s32 $0x40, s23;
	[tilespmem:v2+s2+$0x0] =	vst.idx.add.f32.msk $0xffff, v1  }
0x66: {  	v2 =	vld [tilespmem:$0x1B680];
	_ =	sdelay $0x7  }
0x67: {  	[tilespmem:v2+s2+$0x0] =	vst.idx.add.f32.msk $0xffff, v1  }
0x68: {  	v2 =	vld [tilespmem:$0x1C680];
	_ =	sdelay $0x7  }
0x69: {  	[tilespmem:v2+s2+$0x0] =	vst.idx.add.f32.msk $0xffff, v1  }
0x6a: {  	v2 =	vld [tilespmem:$0x1B690];
	_ =	sdelay $0x7  }
0x6b: {  	[tilespmem:v2+s2+$0x0] =	vst.idx.add.f32.msk $0xffff, v1  }
0x6c: {  	v2 =	vld [tilespmem:$0x1C690];
	_ =	sdelay $0x2  }
0x6d: {  	p0 =	sne.s32 s21, $0x19  }
.Ltmp3:
0x6e: {  	_ = 	snop;
	(pc) =	sbr.rel @p0 .LBB2_4-.Ltmp3, $2  }
0x6f: {  	_ =	sdelay $0x2  }
0x70: {  	[tilespmem:v2+s2+$0x0] =	vst.idx.add.f32.msk $0xffff, v1  }
0x71: {  	s20 =	sadd.s32 $0x1, s20  }
0x72: {  	p0 =	sne.s32 s20, s10  }
.Ltmp4:
0x73: {  	_ = 	snop;
	(pc) =	sbr.rel @p0 .LBB2_1-.Ltmp4, $4  }
0x74: {  	[hbm4b:s9+s17] =	stream.strided.scatter [tilespmem:s2], [sflag:$0x3], $0x18700, s18, s17, $0x38;
	[tilespmem:$0x1C700] =	vst v63  }
0x75: {  	_ =	swait.ge [sflag:s19], $0x18700  }
0x76: {  	[sflag:s19] =	ssyncset.done $0x0  }
0x77: {  	[sflag:s19] =	ssyncadd.s32 $0xFFFE7900  }
0x78: {  	_ =	sfence.sel $0x180000  }
0x79: {  	[bflag:$0x0] =	sbarrier.arrive $0xFFFF  }
0x7a: {  	p0 =	sne.s32 s1, $0x0;
	_ =	strace $0x9000004A  }
0x7b: {  	s0 =	sadd.s32 @!p0 $0x100000, s0;
	[bflag:$0x2] =	sbarrier.arrive $0xFFFF  }
0x7c: {  	[sflag:s0] =	ssyncadd.tile.s32 @!p0 $0x1;
	_ =	shalt  }
.Lfunc_end2:
_tile_overlayer_lowered:
.L_overlay_start_2:
0x7d: {  	(tag) =	ssettag $0x2  }
0x7e: {  	s0 =	rddreg [dreg:$0x0];
	s2 =	stileid.u32  }
0x7f: {  	s1 =	rddreg [dreg:$0x1];
	p0 =	sne.s32 s2, $0x0  }
0x80: {  	s3 =	rddreg [dreg:$0x2];
	[bflag:$0x3] =	sbarrier.arrive $0xFFFF;
	s2 =	simm.s32 @!p0 $0x1C03  }
0x81: {  	[timem:s3], [sflag:s2] =	dma.local @!p0 [hbm:s0], s1  }
0x82: {  	s0 =	simm.s32 @!p0 $0x3  }
0x83: {  	_ =	swait.ge @!p0 [sflag:s0], s1  }
0x84: {  	s1 =	ssub.s32 @!p0 $0x0, s1;
	[sflag:s0] =	ssyncset.done @!p0 $0x0  }
0x85: {  	[sflag:s0] =	ssyncadd.s32 @!p0 s1  }
0x86: {  	[bflag:$0x3] =	sbarrier.arrive $0xFFFF  }
0x87: {  	_ =	shalt  }

// kernel: kernel.16.cloned.1.call-start
scs
__scs_entry_jumppad:
0x0: {  	(pc) =	sbr.rel $0x88, $3  }
0x1: {  	(tag) =	ssettag $0x0;
	lr =	simm.s32 $0x1  }
0x2: {  	[smem:$0x3F9C] =	sst lr;
	_ =	strace $0xD0000000  }
0x3: {  	_ = 	snop  }
0x4: {  	_ = 	snop  }
0x5: {  	_ = 	snop  }
0x6: {  	_ = 	snop  }
0x7: {  	_ = 	snop  }
__scs_overlays_trampoline_lowered:
0x8: {  	[smem:$0x3FAB] =	sst s0  }
0x9: {  	[smem:$0x3FAC] =	sst s1  }
0xa: {  	[smem:$0x3FAD] =	sst s2  }
0xb: {  	[smem:$0x3FAE] =	sst s3  }
0xc: {  	[smem:$0x3FAF] =	sst s4  }
0xd: {  	[smem:$0x3FB0] =	sst s5  }
0xe: {  	[smem:$0x3FB1] =	sst s6  }
0xf: {  	[smem:$0x3FB2] =	sst s7  }
0x10: {  	[smem:$0x3FB3] =	sst s8  }
0x11: {  	[smem:$0x3FB4] =	sst s9;
	s0 =	simm.s32 @!p0 $0x0  }
0x12: {  	s1 =	sld [smem:$0x3F9A];
	s0 =	simm.s32 @p0 $0x1  }
0x13: {  	[smem:$0x3FB5] =	sst s0;
	s0 =	simm.s32 @!p1 $0x0  }
0x14: {  	s2 =	sld [smem:$0x3F99];
	s0 =	simm.s32 @p1 $0x1  }
0x15: {  	[smem:$0x3FB6] =	sst s0;
	s0 =	simm.s32 @!p2 $0x0  }
0x16: {  	s3 =	sld [smem:$0x3FDB];
	s0 =	simm.s32 @p2 $0x1  }
0x17: {  	s4 =	simm.s32 $0x1BF5;
	[smem:$0x3FB8] =	sst s0  }
0x18: {  	s0 =	sld [smem:$0x3F9B];
	_ =	swait.ge [sflag:s4], $0x0  }
0x19: {  	s7 =	sld [smem:$0x3F9C]  }
0x1a: {  	s8 =	sadd.s32 $0xFFFFE003, lr  }
0x1b: {  	s9 =	sadd.s32 $0xFFFFFEF7, lr;
	s5 =	simm.s32 $0xFFFFFFFF;
	p2 =	slt.u32 s8, $0xFFFFF086  }
0x1c: {  	p1 =	slt.u32 s9, $0xF7A;
	s5 =	simm.s32 @!p2 $0x0  }
0x1d: {  	s5 =	simm.s32 @p1 $0x1;
	p0 =	seq.s32 s7, s2  }
0x1e: {  	s7 =	smul.u32 @!p0 $0xF7A, s2;
	p2 =	seq.s32 @!p0 s5, $0x0  }
0x1f: {  	s9 =	smul.u32 $0xF7A, s1;
	s8 =	simm.s32 @!p0 $0x1BF5;
	p2 =	por !p2, p0  }
0x20: {  	[sflag:s8] =	ssyncset.s32 @!p0 $0xFFFFF086;
	s6 =	sadd.s32 @!p0 s3, s7;
	s7 =	simm.s32 @!p0 $0x108  }
0x21: {  	s3 =	sadd.s32 s3, s9;
	s6 =	sadd.s32 @!p0 $0x88, s6;
	s7 =	simm.s32 @p2 $0x1082  }
0x22: {  	[simem:s7], [sflag:s8] =	dma.local @!p0 [hbm:s6], $0xF7A  }
0x23: {  	s9 =	sor.u32 $0xD0000000, s2;
	s6 =	simm.s32 $0x108;
	_ =	swait.ge @!p0 [sflag:s8], $0x0  }
0x24: {  	s3 =	sadd.s32 $0x88, s3;
	s6 =	simm.s32 @!p1 $0x1082;
	[sflag:s4] =	ssyncset.s32 $0xFFFFF086  }
0x25: {  	[simem:s6], [sflag:s4] =	dma.local [hbm:s3], $0xF7A  }
0x26: {  	[smem:$0x3F9C] =	sst s1;
	(tag) =	ssettag s2;
	_ =	strace s9  }
0x27: {  	s1 =	sld [smem:$0x3FAC]  }
0x28: {  	s2 =	sld [smem:$0x3FAD]  }
0x29: {  	s4 =	sld [smem:$0x3FAF]  }
0x2a: {  	p0 =	seq.s32 s5, $0x0;
	s5 =	sld [smem:$0x3FB0]  }
0x2b: {  	s6 =	sld [smem:$0x3FB1]  }
0x2c: {  	s7 =	sld [smem:$0x3FB2]  }
0x2d: {  	s3 =	simm.s32 $0x108;
	s8 =	sld [smem:$0x3FB3]  }
0x2e: {  	s3 =	simm.s32 @!p0 $0x1082;
	s9 =	sld [smem:$0x3FB4]  }
0x2f: {  	lr =	sadd.s32 s0, s3;
	s0 =	sld [smem:$0x3FAB]  }
0x30: {  	s3 =	sld [smem:$0x3FAE]  }
0x31: {  	[smem:$0x3FB7] =	sst s10  }
0x32: {  	s10 =	sld [smem:$0x3FB5];
	_ =	sdelay $0x3  }
0x33: {  	p0 =	seq.s32 s10, $0x1;
	s10 =	sld [smem:$0x3FB7];
	_ =	sdelay $0x3  }
0x34: {  	[smem:$0x3FB7] =	sst s10  }
0x35: {  	s10 =	sld [smem:$0x3FB6];
	_ =	sdelay $0x3  }
0x36: {  	p1 =	seq.s32 s10, $0x1;
	s10 =	sld [smem:$0x3FB7];
	_ =	sdelay $0x3  }
0x37: {  	[smem:$0x3FB7] =	sst s10  }
0x38: {  	s10 =	sld [smem:$0x3FB8]  }
0x39: {  	_ = 	snop;
	(pc) =	sbr.ind lr, $3  }
0x3a: {  	_ = 	snop  }
0x3b: {  	_ = 	snop  }
0x3c: {  	p2 =	seq.s32 s10, $0x1;
	s10 =	sld [smem:$0x3FB7]  }
0x3d: {  	_ =	shalt  }
0x3e: {  	_ =	shalt  }
0x3f: {  	_ =	shalt  }
0x40: {  	_ =	shalt  }
0x41: {  	_ =	shalt  }
0x42: {  	_ =	shalt  }
0x43: {  	_ =	shalt  }
0x44: {  	_ =	shalt  }
0x45: {  	_ =	shalt  }
0x46: {  	_ =	shalt  }
0x47: {  	_ =	shalt  }
0x48: {  	_ =	shalt  }
0x49: {  	_ =	shalt  }
0x4a: {  	_ =	shalt  }
0x4b: {  	_ =	shalt  }
0x4c: {  	_ =	shalt  }
0x4d: {  	_ =	shalt  }
0x4e: {  	_ =	shalt  }
0x4f: {  	_ =	shalt  }
0x50: {  	_ =	shalt  }
0x51: {  	_ =	shalt  }
0x52: {  	_ =	shalt  }
0x53: {  	_ =	shalt  }
0x54: {  	_ =	shalt  }
0x55: {  	_ =	shalt  }
0x56: {  	_ =	shalt  }
0x57: {  	_ =	shalt  }
0x58: {  	_ =	shalt  }
0x59: {  	_ =	shalt  }
0x5a: {  	_ =	shalt  }
0x5b: {  	_ =	shalt  }
0x5c: {  	_ =	shalt  }
0x5d: {  	_ =	shalt  }
0x5e: {  	_ =	shalt  }
0x5f: {  	_ =	shalt  }
0x60: {  	_ =	shalt  }
0x61: {  	_ =	shalt  }
0x62: {  	_ =	shalt  }
0x63: {  	_ =	shalt  }
0x64: {  	_ =	shalt  }
0x65: {  	_ =	shalt  }
0x66: {  	_ =	shalt  }
0x67: {  	_ =	shalt  }
0x68: {  	_ =	shalt  }
0x69: {  	_ =	shalt  }
0x6a: {  	_ =	shalt  }
0x6b: {  	_ =	shalt  }
0x6c: {  	_ =	shalt  }
0x6d: {  	_ =	shalt  }
0x6e: {  	_ =	shalt  }
0x6f: {  	_ =	shalt  }
0x70: {  	_ =	shalt  }
0x71: {  	_ =	shalt  }
0x72: {  	_ =	shalt  }
0x73: {  	_ =	shalt  }
0x74: {  	_ =	shalt  }
0x75: {  	_ =	shalt  }
0x76: {  	_ =	shalt  }
0x77: {  	_ =	shalt  }
0x78: {  	_ =	shalt  }
0x79: {  	_ =	shalt  }
0x7a: {  	_ =	shalt  }
0x7b: {  	_ =	shalt  }
0x7c: {  	_ =	shalt  }
0x7d: {  	_ =	shalt  }
0x7e: {  	_ =	shalt  }
0x7f: {  	_ =	shalt  }
0x80: {  	_ =	shalt  }
0x81: {  	_ =	shalt  }
0x82: {  	_ =	shalt  }
0x83: {  	_ =	shalt  }
0x84: {  	_ =	shalt  }
0x85: {  	_ =	shalt  }
0x86: {  	_ =	shalt  }
0x87: {  	_ =	shalt  }
.Lfunc_end0:
.L_simem_size_0:
called_computation.1_lowered:
.L_overlay_start_0:
0x88: {  	s2 =	sld [smem:$0x3FD9]  }
0x89: {  	s3 =	sld [smem:$0x3FFE];
	_ =	sdelay $0x1  }
0x8a: {  	s1 =	srdreg.scid  }
0x8b: {  	s0 =	sand.u32 $0x1, s1  }
0x8c: {  	s14 =	sshll.u32 s0, $0xA;
	s2 =	sadd.s32 s3, s2  }
0x8d: {  	s2 =	sadd.s32 s2, s14  }
0x8e: {  	[smem:$0x3FC3] =	sst s2  }
0x8f: {  	_ = 	snop  }
0x90: {  	s2 =	sld [smem:$0x3FD0];
	_ =	sdelay $0x2  }
0x91: {  	s15 =	simm.s32 $0xB;
	s4 =	simm.s32 $0x10  }
0x92: {  	[smem:s4], [sflag:s15] =	dma.local [hbm:s2], $0x1  }
0x93: {  	_ =	swait.eq [sflag:s15], $0x1  }
0x94: {  	[sflag:s15] =	ssyncset.done $0x0  }
0x95: {  	s16 =	sld [smem:$0x10];
	[sflag:s15] =	ssyncadd.s32 $0xFFFFFFFF  }
0x96: {  	s17 =	sld [smem:$0x11];
	(tm) =	ssettm $0x1  }
0x97: {  	s18 =	sld [smem:$0x3FFB];
	_ =	sdelay $0x3  }
0x98: {  	_ =	strace s18  }
0x99: {  	s4 =	sld [smem:$0x3FFC];
	_ =	sdelay $0x3  }
0x9a: {  	_ =	strace s4  }
0x9b: {  	s4 =	sld [smem:$0x3FFD];
	_ =	sdelay $0x3  }
0x9c: {  	_ =	strace s4  }
0x9d: {  	_ =	strace $0x8FFFFFFF  }
0x9e: {  	s19 =	sld [smem:$0x3FDB];
	_ =	sdelay $0x1  }
0x9f: {  	s5 =	simm.s32 $_scs_section_size  }
0xa0: {  	s6 =	simm.s32 $_size__tile_overlayer_lowered;
	s7 =	simm.s32 $_tile_overlayer_lowered  }
0xa1: {  	s22 =	simm.s32 $0x1BFF;
	s21 =	sshll.u32 s7, $0x1;
	s4 =	sadd.s32 s5, s19  }
0xa2: {  	s8 =	simm.s32 $0x0;
	s20 =	sshll.u32 s6, $0x1;
	s6 =	sadd.s32 s21, s4  }
0xa3: {  	[timem:s8], [sflag:s22] =	dma.local [hbm:s6], s20  }
0xa4: {  	_ =	swait.ge [sflag:s22], s20  }
0xa5: {  	s5 =	ssub.s32 $0x0, s20;
	[sflag:s22] =	ssyncset.done $0x0  }
0xa6: {  	[sflag:s22] =	ssyncadd.s32 s5;
	_ =	sdelay $0x1  }
0xa7: {  	s23 =	simm.s32 $0x1B8B  }
0xa8: {  	_ =	swait.ge [sflag:s23], $0x1  }
0xa9: {  	[sflag:s23] =	ssyncset.done $0x0  }
0xaa: {  	s25 =	simm.s32 $0x1B8E;
	s24 =	sld [smem:$0x3FFE];
	[sflag:s23] =	ssyncadd.s32 $0xFFFFFFFF  }
0xab: {  	s26 =	simm.s32 $execute0_lowered;
	[smem:$0x3FD2] =	sst s25  }
0xac: {  	s6 =	sshll.u32 s26, $0x1;
	_ =	strace $0x80000046;
	[dreg:$0x1] =	wrdreg $0xFFFFFFFF  }
0xad: {  	s28 =	simm.s32 $_size_execute0_lowered;
	s4 =	sadd.s32 s4, s6;
	[dreg:$0x0] =	wrdreg $0x0  }
0xae: {  	s6 =	sshll.u32 s28, $0x1;
	[dreg:$0x2] =	wrdreg s4  }
0xaf: {  	[dreg:$0x3] =	wrdreg s6  }
0xb0: {  	[dreg:$0x4] =	wrdreg $0xC0  }
0xb1: {  	_ =	task [dreg:s8], $0x5FFFF  }
0xb2: {  	[dreg:$0x1] =	wrdreg $0xFFFFFFFF  }
0xb3: {  	[dreg:$0x0] =	wrdreg $0x60  }
0xb4: {  	[dreg:$0x2] =	wrdreg s24  }
0xb5: {  	[dreg:$0x3] =	wrdreg s16  }
0xb6: {  	[dreg:$0x4] =	wrdreg s17  }
0xb7: {  	[dreg:$0x5] =	wrdreg $0xA  }
0xb8: {  	_ =	task.clear_ibuf [dreg:s8], $0x6FFFF;
	_ =	strace $0x90000046  }
0xb9: {  	s29 =	simm.s32 $0xA;
	_ =	strace $0x80000048  }
0xba: {  	_ =	swait.ge [sflag:s29], $0x1  }
0xbb: {  	[sflag:s29] =	ssyncadd.s32 $0xFFFFFFFF  }
0xbc: {  	_ =	strace $0x90000048  }
0xbd: {  	_ =	sfence  }
0xbe: {  	s30 =	sld [smem:$0x0];
	_ =	sdelay $0x2  }
0xbf: {  	s31 =	sshll.u32 s1, $0xD;
	s1 =	sshrl.u32 s1, $0x2  }
0xc0: {  	s3 =	sand.u32 $0x4000, s31;
	s1 =	sadd.s32 s1, s30  }
0xc1: {  	s0 =	sor.u32 s3, s0;
	s1 =	sshll.u32 s1, $0x11  }
0xc2: {  	s0 =	sor.u32 s1, s0  }
0xc3: {  	s0 =	sadd.s32 $0x8F2B, s0  }
0xc4: {  	[sflag:s0] =	ssyncadd.remote.s32 $0x1  }
0xc5: {  	_ =	sfence.sel $0xFFFF  }
0xc6: {  	[dreg:$0x0] =	wrdreg $0xFFFFFFFF;
	(pc) =	sbr.abs _section_cstart, $3  }
0xc7: {  	[dreg:$0x1] =	wrdreg $0xFFFFFFFF  }
0xc8: {  	_ =	task.clear_ibuf [dreg:s8], $0x2FFFF;
	_ =	strace $0x9FFFFFFF  }
0xc9: {  	(tm) =	ssettm $0x7FFFFFFF  }
tec
execute0_lowered:
.L_overlay_start_1:
0x0: {  	(tag) =	ssettag $0x1  }
0x1: {  	s0 =	rddreg [dreg:$0x0]  }
0x2: {  	s2 =	rddreg [dreg:$0x2]  }
0x3: {  	s1 =	srdreg.scid;
	s4 =	simm.s32 $0x0;
	s5 =	stileid.u32  }
0x4: {  	s16 =	simm.s32 $0x3;
	s20 =	simm.s32 $0x19780;
	s21 =	simm.s32 $0x1A780  }
0x5: {  	s22 =	simm.s32 $0x1AF80;
	s23 =	simm.s32 $0x1B780;
	s24 =	simm.s32 $0x1  }
0x6: {  	s25 =	simm.s32 $0x19F80;
	s26 =	simm.s32 $0x2;
	s28 =	simm.s32 $0x1BF80  }
0x7: {  	s29 =	simm.s32 $0x0;
	s1 =	sand.u32 $0x1, s1;
	[smem:$0x7FF] =	sst s4  }
0x8: {  	s6 =	sadd.s32 $0x189200, s0;
	s3 =	sshll.u32 s1, $0x4;
	s1 =	ssub.s32 $0x2, s1  }
0x9: {  	s7 =	sadd.s32 $0xC5C00, s0;
	s3 =	sor.u32 s5, s3;
	s30 =	sshrl.u32 s1, $0x1  }
0xa: {  	s8 =	sadd.s32 $0x2600, s0;
	s5 =	smul.u32 $0x30D40, s3;
	s31 =	ssub.s32 s1, s30  }
0xb: {  	s9 =	sadd.s32 $0x24C800, s0;
	_ =	strace $0x80000047;
	s15 =	smax.u32 s31, $0x1  }
0xc: {  	s12 =	sshrl.u32 s5, $0x3;
	s13 =	sadd.s32 $0x7D0, s5;
	s14 =	sadd.s32 $0xFA0, s5  }
0xd: {  	s10 =	sadd.s32 s6, s12;
	s11 =	sadd.s32 s7, s12;
	s12 =	sadd.s32 s8, s12  }
.LBB2_1:
0xe: {  	s0 =	rddreg [dreg:$0x1]  }
0xf: {  	[tilespmem:s4], [sflag:$0x3] =	stream.linear.gather [hbm4b:s0+s4], $0x18700, $0x38;
	[tilespmem:$0x1C780] =	vst v63  }
0x10: {  	_ =	swait.ge [sflag:s16], $0x18700  }
0x11: {  	[sflag:s16] =	ssyncset.done $0x0  }
0x12: {  	s18 =	simm.s32 $0x18700;
	[sflag:s16] =	ssyncadd.s32 $0xFFFE7900  }
0x13: {  	[tilespmem:s18], [sflag:$0x3] =	stream.linear.gather [hbm4b:s9+s4], $0x80, $0x38;
	[tilespmem:$0x1C780] =	vst v63  }
0x14: {  	_ =	swait.ge [sflag:s16], $0x80  }
0x15: {  	[sflag:s16] =	ssyncset.done $0x0  }
0x16: {  	s19 =	simm.s32 $0x18780;
	[sflag:s16] =	ssyncadd.s32 $0xFFFFFF80  }
0x17: {  	[tilespmem:s19], [sflag:$0x1] =	stream.linear.gather [hbm4b:s10+s4], $0x7D0, $0x38;
	[tilespmem:$0x1C780] =	vst v63  }
0x18: {  	s30 =	simm.s32 $0x18F80  }
0x19: {  	[tilespmem:s30], [sflag:$0x1] =	stream.linear.gather [hbm4b:s11+s4], $0x7D0, $0x38;
	[tilespmem:$0x1C780] =	vst v63  }
0x1a: {  	s31 =	simm.s32 $0x0  }
0x1b: {  	[tilespmem:s20], [sflag:$0x1] =	stream.linear.gather [hbm4b:s12+s4], $0x7D0, $0x38;
	[tilespmem:$0x1C780] =	vst v63  }
.LBB2_2:
0x1c: {  	s0 =	smul.u32 $0xFA0, s31;
	_ =	sdelay $0x1  }
0x1d: {  	s1 =	sadd.s32 s0, s13  }
0x1e: {  	s30 =	sshrl.u32 s1, $0x3  }
0x1f: {  	s1 =	sadd.s32 s6, s30  }
0x20: {  	[tilespmem:s21], [sflag:$0x2] =	stream.linear.gather [hbm4b:s1+s4], $0x7D0, $0x38;
	[tilespmem:$0x1C780] =	vst v63  }
0x21: {  	s18 =	sadd.s32 s7, s30  }
0x22: {  	[tilespmem:s22], [sflag:$0x2] =	stream.linear.gather [hbm4b:s18+s4], $0x7D0, $0x38;
	[tilespmem:$0x1C780] =	vst v63  }
0x23: {  	s19 =	sadd.s32 s8, s30  }
0x24: {  	[tilespmem:s23], [sflag:$0x2] =	stream.linear.gather [hbm4b:s19+s4], $0x7D0, $0x38;
	[tilespmem:$0x1C780] =	vst v63  }
0x25: {  	_ =	swait.ge [sflag:s24], $0x7D0  }
0x26: {  	[sflag:s24] =	ssyncset.done $0x0  }
0x27: {  	[sflag:s24] =	ssyncadd.s32 $0xFFFFF830  }
0x28: {  	_ =	swait.ge [sflag:s24], $0x7D0  }
0x29: {  	[sflag:s24] =	ssyncset.done $0x0  }
0x2a: {  	[sflag:s24] =	ssyncadd.s32 $0xFFFFF830  }
0x2b: {  	_ =	swait.ge [sflag:s24], $0x7D0  }
0x2c: {  	[sflag:s24] =	ssyncset.done $0x0  }
0x2d: {  	s3 =	simm.s32 $0xFFFFFFF8;
	s17 =	simm.s32 $0x18FC0;
	[sflag:s24] =	ssyncadd.s32 $0xFFFFF830  }
0x2e: {  	s1 =	simm.s32 $0x187C0;
	s18 =	simm.s32 $0x197C0;
	s19 =	simm.s32 $0x19FC0;
	v0 =	vld [tilespmem:$0x18700]  }
.LBB2_3:
0x2f: {  	v1 =	vld [tilespmem:s1+$0xFFFFFFC0]  }
0x30: {  	v2 =	vld [tilespmem:s17+$0xFFFFFFC0];
	_ =	sdelay $0x6  }
0x31: {  	v1 =	vld.idx.msk [tilespmem:v1+s4+$0x0], $0xffff  }
0x32: {  	v2 =	vld.idx.msk [tilespmem:v2+s4+$0x0], $0xffff;
	_ =	sdelay $0x4  }
0x33: {  	v1 =	vmax.f32 v1, v2;
	v2 =	vld [tilespmem:s18+$0xFFFFFFC0]  }
0x34: {  	v1 =	vmul.f32 v1, v0;
	_ =	sdelay $0x1  }
0x35: {  	v1 =	vadd.f32 $1.000000000e+00, v1;
	_ =	sdelay $0x1  }
0x36: {  	v1 =	vmul.f32 v1, v2;
	v2 =	vsub.f32 $1.000000000e+00, v2;
	_ =	sdelay $0x1  }
0x37: {  	v2 =	vadd.f32 v1, v2;
	_ =	sdelay $0x1  }
0x38: {  	(erf) = vrcp.f32 v2;
	_ =	sdelay $0x8  }
0x39: {  	v2 =	vpop (erf)  }
0x3a: {  	v1 =	vmul.f32 v2, v1;
	_ =	sdelay $0x1  }
0x3b: {  	[tilespmem:s19+$0xFFFFFFC0] =	vst v1  }
0x3c: {  	v1 =	vld [tilespmem:s1+$0xFFFFFFD0]  }
0x3d: {  	v2 =	vld [tilespmem:s17+$0xFFFFFFD0];
	_ =	sdelay $0x6  }
0x3e: {  	v1 =	vld.idx.msk [tilespmem:v1+s4+$0x0], $0xffff  }
0x3f: {  	v2 =	vld.idx.msk [tilespmem:v2+s4+$0x0], $0xffff;
	_ =	sdelay $0x4  }
0x40: {  	v1 =	vmax.f32 v1, v2;
	v2 =	vld [tilespmem:s18+$0xFFFFFFD0]  }
0x41: {  	v1 =	vmul.f32 v1, v0;
	_ =	sdelay $0x1  }
0x42: {  	v1 =	vadd.f32 $1.000000000e+00, v1;
	_ =	sdelay $0x1  }
0x43: {  	v1 =	vmul.f32 v1, v2;
	v2 =	vsub.f32 $1.000000000e+00, v2;
	_ =	sdelay $0x1  }
0x44: {  	v2 =	vadd.f32 v1, v2;
	_ =	sdelay $0x1  }
0x45: {  	(erf) = vrcp.f32 v2;
	_ =	sdelay $0x8  }
0x46: {  	v2 =	vpop (erf)  }
0x47: {  	v1 =	vmul.f32 v2, v1;
	_ =	sdelay $0x1  }
0x48: {  	[tilespmem:s19+$0xFFFFFFD0] =	vst v1  }
0x49: {  	v1 =	vld [tilespmem:s1+$0xFFFFFFE0]  }
0x4a: {  	v2 =	vld [tilespmem:s17+$0xFFFFFFE0];
	_ =	sdelay $0x6  }
0x4b: {  	v1 =	vld.idx.msk [tilespmem:v1+s4+$0x0], $0xffff  }
0x4c: {  	v2 =	vld.idx.msk [tilespmem:v2+s4+$0x0], $0xffff;
	_ =	sdelay $0x4  }
0x4d: {  	v1 =	vmax.f32 v1, v2;
	v2 =	vld [tilespmem:s18+$0xFFFFFFE0]  }
0x4e: {  	v1 =	vmul.f32 v1, v0;
	_ =	sdelay $0x1  }
0x4f: {  	v1 =	vadd.f32 $1.000000000e+00, v1;
	_ =	sdelay $0x1  }
0x50: {  	v1 =	vmul.f32 v1, v2;
	v2 =	vsub.f32 $1.000000000e+00, v2;
	_ =	sdelay $0x1  }
0x51: {  	v2 =	vadd.f32 v1, v2;
	_ =	sdelay $0x1  }
0x52: {  	(erf) = vrcp.f32 v2;
	_ =	sdelay $0x8  }
0x53: {  	v2 =	vpop (erf)  }
0x54: {  	v1 =	vmul.f32 v2, v1;
	_ =	sdelay $0x1  }
0x55: {  	[tilespmem:s19+$0xFFFFFFE0] =	vst v1  }
0x56: {  	v1 =	vld [tilespmem:s1+$0xFFFFFFF0]  }
0x57: {  	v2 =	vld [tilespmem:s17+$0xFFFFFFF0];
	_ =	sdelay $0x6  }
0x58: {  	v1 =	vld.idx.msk [tilespmem:v1+s4+$0x0], $0xffff  }
0x59: {  	v2 =	vld.idx.msk [tilespmem:v2+s4+$0x0], $0xffff;
	_ =	sdelay $0x4  }
0x5a: {  	v1 =	vmax.f32 v1, v2;
	v2 =	vld [tilespmem:s18+$0xFFFFFFF0]  }
0x5b: {  	v1 =	vmul.f32 v1, v0;
	_ =	sdelay $0x1  }
0x5c: {  	v1 =	vadd.f32 $1.000000000e+00, v1;
	_ =	sdelay $0x1  }
0x5d: {  	v1 =	vmul.f32 v1, v2;
	v2 =	vsub.f32 $1.000000000e+00, v2;
	_ =	sdelay $0x1  }
0x5e: {  	v2 =	vadd.f32 v1, v2;
	_ =	sdelay $0x1  }
0x5f: {  	(erf) = vrcp.f32 v2;
	_ =	sdelay $0x8  }
0x60: {  	v2 =	vpop (erf)  }
0x61: {  	v1 =	vmul.f32 v2, v1;
	_ =	sdelay $0x1  }
0x62: {  	[tilespmem:s19+$0xFFFFFFF0] =	vst v1  }
0x63: {  	v1 =	vld [tilespmem:s1+$0x0]  }
0x64: {  	v2 =	vld [tilespmem:s17+$0x0];
	_ =	sdelay $0x6  }
0x65: {  	v1 =	vld.idx.msk [tilespmem:v1+s4+$0x0], $0xffff  }
0x66: {  	v2 =	vld.idx.msk [tilespmem:v2+s4+$0x0], $0xffff;
	_ =	sdelay $0x4  }
0x67: {  	v1 =	vmax.f32 v1, v2;
	v2 =	vld [tilespmem:s18+$0x0]  }
0x68: {  	v1 =	vmul.f32 v1, v0;
	_ =	sdelay $0x1  }
0x69: {  	v1 =	vadd.f32 $1.000000000e+00, v1;
	_ =	sdelay $0x1  }
0x6a: {  	v1 =	vmul.f32 v1, v2;
	v2 =	vsub.f32 $1.000000000e+00, v2;
	_ =	sdelay $0x1  }
0x6b: {  	v2 =	vadd.f32 v1, v2;
	_ =	sdelay $0x1  }
0x6c: {  	(erf) = vrcp.f32 v2;
	_ =	sdelay $0x8  }
0x6d: {  	v2 =	vpop (erf)  }
0x6e: {  	v1 =	vmul.f32 v2, v1;
	_ =	sdelay $0x1  }
0x6f: {  	[tilespmem:s19+$0x0] =	vst v1  }
0x70: {  	v1 =	vld [tilespmem:s1+$0x10]  }
0x71: {  	v2 =	vld [tilespmem:s17+$0x10];
	_ =	sdelay $0x6  }
0x72: {  	v1 =	vld.idx.msk [tilespmem:v1+s4+$0x0], $0xffff  }
0x73: {  	v2 =	vld.idx.msk [tilespmem:v2+s4+$0x0], $0xffff;
	_ =	sdelay $0x4  }
0x74: {  	v1 =	vmax.f32 v1, v2;
	v2 =	vld [tilespmem:s18+$0x10]  }
0x75: {  	v1 =	vmul.f32 v1, v0;
	_ =	sdelay $0x1  }
0x76: {  	v1 =	vadd.f32 $1.000000000e+00, v1;
	_ =	sdelay $0x1  }
0x77: {  	v1 =	vmul.f32 v1, v2;
	v2 =	vsub.f32 $1.000000000e+00, v2;
	_ =	sdelay $0x1  }
0x78: {  	v2 =	vadd.f32 v1, v2;
	_ =	sdelay $0x1  }
0x79: {  	(erf) = vrcp.f32 v2;
	_ =	sdelay $0x8  }
0x7a: {  	v2 =	vpop (erf)  }
0x7b: {  	v1 =	vmul.f32 v2, v1;
	_ =	sdelay $0x1  }
0x7c: {  	[tilespmem:s19+$0x10] =	vst v1  }
0x7d: {  	v1 =	vld [tilespmem:s1+$0x20]  }
0x7e: {  	v2 =	vld [tilespmem:s17+$0x20];
	_ =	sdelay $0x6  }
0x7f: {  	v1 =	vld.idx.msk [tilespmem:v1+s4+$0x0], $0xffff  }
0x80: {  	v2 =	vld.idx.msk [tilespmem:v2+s4+$0x0], $0xffff;
	_ =	sdelay $0x4  }
0x81: {  	v1 =	vmax.f32 v1, v2;
	v2 =	vld [tilespmem:s18+$0x20]  }
0x82: {  	v1 =	vmul.f32 v1, v0;
	_ =	sdelay $0x1  }
0x83: {  	v1 =	vadd.f32 $1.000000000e+00, v1;
	_ =	sdelay $0x1  }
0x84: {  	v1 =	vmul.f32 v1, v2;
	v2 =	vsub.f32 $1.000000000e+00, v2;
	_ =	sdelay $0x1  }
0x85: {  	v2 =	vadd.f32 v1, v2;
	_ =	sdelay $0x1  }
0x86: {  	(erf) = vrcp.f32 v2;
	_ =	sdelay $0x8  }
0x87: {  	v2 =	vpop (erf)  }
0x88: {  	v1 =	vmul.f32 v2, v1;
	_ =	sdelay $0x1  }
0x89: {  	[tilespmem:s19+$0x20] =	vst v1  }
0x8a: {  	v1 =	vld [tilespmem:s1+$0x30]  }
0x8b: {  	v2 =	vld [tilespmem:s17+$0x30];
	_ =	sdelay $0x6  }
0x8c: {  	v1 =	vld.idx.msk [tilespmem:v1+s4+$0x0], $0xffff  }
0x8d: {  	v2 =	vld.idx.msk [tilespmem:v2+s4+$0x0], $0xffff;
	_ =	sdelay $0x4  }
0x8e: {  	v1 =	vmax.f32 v1, v2;
	v2 =	vld [tilespmem:s18+$0x30]  }
0x8f: {  	v1 =	vmul.f32 v1, v0;
	_ =	sdelay $0x1  }
0x90: {  	v1 =	vadd.f32 $1.000000000e+00, v1;
	_ =	sdelay $0x1  }
0x91: {  	v1 =	vmul.f32 v1, v2;
	v2 =	vsub.f32 $1.000000000e+00, v2;
	_ =	sdelay $0x1  }
0x92: {  	v2 =	vadd.f32 v1, v2;
	_ =	sdelay $0x1  }
0x93: {  	(erf) = vrcp.f32 v2;
	_ =	sdelay $0x5  }
0x94: {  	s3 =	sadd.s32 $0x8, s3  }
0x95: {  	p0 =	slt.u32 s3, $0x70  }
.Ltmp0:
0x96: {  	_ = 	snop;
	(pc) =	sbr.rel @p0 .LBB2_3-.Ltmp0, $4  }
0x97: {  	v2 =	vpop (erf)  }
0x98: {  	v1 =	vmul.f32 v2, v1  }
0x99: {  	s1 =	sadd.s32 $0x80, s1  }
0x9a: {  	s17 =	sadd.s32 $0x80, s17;
	s18 =	sadd.s32 $0x80, s18;
	[tilespmem:s19+$0x30] =	vst v1;
	s19 =	sadd.s32 $0x80, s19  }
0x9b: {  	v1 =	vld [tilespmem:$0x18F00]  }
0x9c: {  	v2 =	vld [tilespmem:$0x19700];
	_ =	sdelay $0x6  }
0x9d: {  	v1 =	vld.idx.msk [tilespmem:v1+s4+$0x0], $0xffff  }
0x9e: {  	v2 =	vld.idx.msk [tilespmem:v2+s4+$0x0], $0xffff;
	_ =	sdelay $0x4  }
0x9f: {  	v1 =	vmax.f32 v1, v2;
	v2 =	vld [tilespmem:$0x19F00]  }
0xa0: {  	v1 =	vmul.f32 v1, v0;
	_ =	sdelay $0x1  }
0xa1: {  	v1 =	vadd.f32 $1.000000000e+00, v1;
	_ =	sdelay $0x1  }
0xa2: {  	v1 =	vmul.f32 v1, v2;
	v2 =	vsub.f32 $1.000000000e+00, v2;
	_ =	sdelay $0x1  }
0xa3: {  	v2 =	vadd.f32 v1, v2;
	_ =	sdelay $0x1  }
0xa4: {  	(erf) = vrcp.f32 v2;
	_ =	sdelay $0x4  }
0xa5: {  	v2 =	vld [tilespmem:$0x18F10]  }
0xa6: {  	v3 =	vld [tilespmem:$0x19710];
	_ =	sdelay $0x2  }
0xa7: {  	v4 =	vpop (erf)  }
0xa8: {  	v1 =	vmul.f32 v4, v1;
	_ =	sdelay $0x1  }
0xa9: {  	[tilespmem:$0x1A700] =	vst v1  }
0xaa: {  	v1 =	vld.idx.msk [tilespmem:v2+s4+$0x0], $0xffff  }
0xab: {  	v2 =	vld.idx.msk [tilespmem:v3+s4+$0x0], $0xffff;
	_ =	sdelay $0x4  }
0xac: {  	v1 =	vmax.f32 v1, v2;
	v2 =	vld [tilespmem:$0x19F10]  }
0xad: {  	v1 =	vmul.f32 v1, v0;
	_ =	sdelay $0x1  }
0xae: {  	v1 =	vadd.f32 $1.000000000e+00, v1;
	_ =	sdelay $0x1  }
0xaf: {  	v1 =	vmul.f32 v1, v2;
	v2 =	vsub.f32 $1.000000000e+00, v2;
	_ =	sdelay $0x1  }
0xb0: {  	v2 =	vadd.f32 v1, v2;
	_ =	sdelay $0x1  }
0xb1: {  	(erf) = vrcp.f32 v2;
	_ =	sdelay $0x4  }
0xb2: {  	v2 =	vld [tilespmem:$0x18F20]  }
0xb3: {  	v3 =	vld [tilespmem:$0x19720];
	_ =	sdelay $0x2  }
0xb4: {  	v61 =	vpop (erf)  }
0xb5: {  	v1 =	vmul.f32 v61, v1;
	_ =	sdelay $0x1  }
0xb6: {  	[tilespmem:$0x1A710] =	vst v1  }
0xb7: {  	v1 =	vld.idx.msk [tilespmem:v2+s4+$0x0], $0xffff  }
0xb8: {  	v2 =	vld.idx.msk [tilespmem:v3+s4+$0x0], $0xffff;
	_ =	sdelay $0x4  }
0xb9: {  	v1 =	vmax.f32 v1, v2;
	v2 =	vld [tilespmem:$0x19F20]  }
0xba: {  	v1 =	vmul.f32 v1, v0;
	_ =	sdelay $0x1  }
0xbb: {  	v1 =	vadd.f32 $1.000000000e+00, v1;
	_ =	sdelay $0x1  }
0xbc: {  	v1 =	vmul.f32 v1, v2;
	v2 =	vsub.f32 $1.000000000e+00, v2;
	_ =	sdelay $0x1  }
0xbd: {  	v2 =	vadd.f32 v1, v2;
	_ =	sdelay $0x1  }
0xbe: {  	(erf) = vrcp.f32 v2;
	_ =	sdelay $0x4  }
0xbf: {  	v2 =	vld [tilespmem:$0x18F30]  }
0xc0: {  	v3 =	vld [tilespmem:$0x19730];
	_ =	sdelay $0x2  }
0xc1: {  	v62 =	vpop (erf)  }
0xc2: {  	v1 =	vmul.f32 v62, v1;
	_ =	sdelay $0x1  }
0xc3: {  	[tilespmem:$0x1A720] =	vst v1  }
0xc4: {  	v1 =	vld.idx.msk [tilespmem:v2+s4+$0x0], $0xffff  }
0xc5: {  	v2 =	vld.idx.msk [tilespmem:v3+s4+$0x0], $0xffff;
	_ =	sdelay $0x4  }
0xc6: {  	v1 =	vmax.f32 v1, v2;
	v2 =	vld [tilespmem:$0x19F30]  }
0xc7: {  	v1 =	vmul.f32 v1, v0;
	_ =	sdelay $0x1  }
0xc8: {  	v1 =	vadd.f32 $1.000000000e+00, v1;
	_ =	sdelay $0x1  }
0xc9: {  	v1 =	vmul.f32 v1, v2;
	v2 =	vsub.f32 $1.000000000e+00, v2;
	_ =	sdelay $0x1  }
0xca: {  	v2 =	vadd.f32 v1, v2;
	_ =	sdelay $0x1  }
0xcb: {  	(erf) = vrcp.f32 v2;
	_ =	sdelay $0x4  }
0xcc: {  	v2 =	vld [tilespmem:$0x18F40]  }
0xcd: {  	v3 =	vld [tilespmem:$0x19740];
	_ =	sdelay $0x2  }
0xce: {  	v63 =	vpop (erf)  }
0xcf: {  	v1 =	vmul.f32 v63, v1;
	_ =	sdelay $0x1  }
0xd0: {  	[tilespmem:$0x1A730] =	vst v1  }
0xd1: {  	v1 =	vld.idx.msk [tilespmem:v2+s4+$0x0], $0xffff  }
0xd2: {  	v2 =	vld.idx.msk [tilespmem:v3+s4+$0x0], $0xffff;
	_ =	sdelay $0x4  }
0xd3: {  	v1 =	vmax.f32 v1, v2;
	v2 =	vld [tilespmem:$0x19F40]  }
0xd4: {  	v0 =	vmul.f32 v1, v0;
	_ =	sdelay $0x1  }
0xd5: {  	v0 =	vadd.f32 $1.000000000e+00, v0;
	_ =	sdelay $0x1  }
0xd6: {  	v0 =	vmul.f32 v0, v2;
	v1 =	vsub.f32 $1.000000000e+00, v2;
	_ =	sdelay $0x1  }
0xd7: {  	v1 =	vadd.f32 v0, v1;
	_ =	sdelay $0x1  }
0xd8: {  	(erf) = vrcp.f32 v1;
	_ =	sdelay $0x8  }
0xd9: {  	v1 =	vpop (erf)  }
0xda: {  	s1 =	sadd.s32 s5, s0;
	v0 =	vmul.f32 v1, v0  }
0xdb: {  	s1 =	sshrl.u32 s1, $0x3  }
0xdc: {  	p0 =	seq.s32 s31, $0x31;
	s1 =	sadd.s32 s2, s1;
	[tilespmem:$0x1A740] =	vst v0  }
0xdd: {  	[hbm4b:s1+s4] =	stream.linear.scatter [tilespmem:s25], [sflag:$0x3], $0x7D0, $0x38;
	[tilespmem:$0x1C780] =	vst v63  }
0xde: {  	s0 =	sadd.s32 @!p0 s0, s14;
	_ =	swait.ge [sflag:s16], $0x7D0  }
0xdf: {  	s3 =	simm.s32 @!p0 $0x0;
	s0 =	sshrl.u32 @!p0 s0, $0x3;
	[sflag:s16] =	ssyncset.done $0x0  }
0xe0: {  	s17 =	simm.s32 @!p0 $0x18780;
	s1 =	sadd.s32 @!p0 s6, s0;
	[sflag:s16] =	ssyncadd.s32 $0xFFFFF830  }
0xe1: {  	[tilespmem:s17], [sflag:$0x1] =	stream.linear.gather @!p0 [hbm4b:s1+s3], $0x7D0, $0x38;
	[tilespmem:$0x1C780] =	vst v63  }
0xe2: {  	s1 =	sadd.s32 @!p0 s7, s0;
	s17 =	simm.s32 @!p0 $0x18F80  }
0xe3: {  	[tilespmem:s17], [sflag:$0x1] =	stream.linear.gather @!p0 [hbm4b:s1+s3], $0x7D0, $0x38;
	[tilespmem:$0x1C780] =	vst v63  }
0xe4: {  	s0 =	sadd.s32 @!p0 s8, s0;
	s1 =	simm.s32 @!p0 $0x19780  }
0xe5: {  	[tilespmem:s1], [sflag:$0x1] =	stream.linear.gather @!p0 [hbm4b:s0+s3], $0x7D0, $0x38;
	[tilespmem:$0x1C780] =	vst v63  }
0xe6: {  	_ =	swait.ge [sflag:s26], $0x7D0  }
0xe7: {  	[sflag:s26] =	ssyncset.done $0x0  }
0xe8: {  	[sflag:s26] =	ssyncadd.s32 $0xFFFFF830  }
0xe9: {  	_ =	swait.ge [sflag:s26], $0x7D0  }
0xea: {  	[sflag:s26] =	ssyncset.done $0x0  }
0xeb: {  	[sflag:s26] =	ssyncadd.s32 $0xFFFFF830  }
0xec: {  	_ =	swait.ge [sflag:s26], $0x7D0  }
0xed: {  	s31 =	sadd.s32 $0x1, s31;
	[sflag:s26] =	ssyncset.done $0x0  }
0xee: {  	s18 =	simm.s32 $0x1BFC0;
	s17 =	simm.s32 $0x1B7C0;
	[sflag:s26] =	ssyncadd.s32 $0xFFFFF830  }
0xef: {  	s0 =	simm.s32 $0xFFFFFFF8;
	s1 =	simm.s32 $0x1A7C0;
	s3 =	simm.s32 $0x1AFC0;
	v0 =	vld [tilespmem:$0x18700]  }
.LBB2_5:
0xf0: {  	v1 =	vld [tilespmem:s1+$0xFFFFFFC0]  }
0xf1: {  	v2 =	vld [tilespmem:s3+$0xFFFFFFC0];
	_ =	sdelay $0x6  }
0xf2: {  	v1 =	vld.idx.msk [tilespmem:v1+s4+$0x0], $0xffff  }
0xf3: {  	v2 =	vld.idx.msk [tilespmem:v2+s4+$0x0], $0xffff;
	_ =	sdelay $0x4  }
0xf4: {  	v1 =	vmax.f32 v1, v2;
	v2 =	vld [tilespmem:s17+$0xFFFFFFC0]  }
0xf5: {  	v1 =	vmul.f32 v1, v0;
	_ =	sdelay $0x1  }
0xf6: {  	v1 =	vadd.f32 $1.000000000e+00, v1;
	_ =	sdelay $0x1  }
0xf7: {  	v1 =	vmul.f32 v1, v2;
	v2 =	vsub.f32 $1.000000000e+00, v2;
	_ =	sdelay $0x1  }
0xf8: {  	v2 =	vadd.f32 v1, v2;
	_ =	sdelay $0x1  }
0xf9: {  	(erf) = vrcp.f32 v2;
	_ =	sdelay $0x8  }
0xfa: {  	v2 =	vpop (erf)  }
0xfb: {  	v1 =	vmul.f32 v2, v1;
	_ =	sdelay $0x1  }
0xfc: {  	[tilespmem:s18+$0xFFFFFFC0] =	vst v1  }
0xfd: {  	v1 =	vld [tilespmem:s1+$0xFFFFFFD0]  }
0xfe: {  	v2 =	vld [tilespmem:s3+$0xFFFFFFD0];
	_ =	sdelay $0x6  }
0xff: {  	v1 =	vld.idx.msk [tilespmem:v1+s4+$0x0], $0xffff  }
0x100: {  	v2 =	vld.idx.msk [tilespmem:v2+s4+$0x0], $0xffff;
	_ =	sdelay $0x4  }
0x101: {  	v1 =	vmax.f32 v1, v2;
	v2 =	vld [tilespmem:s17+$0xFFFFFFD0]  }
0x102: {  	v1 =	vmul.f32 v1, v0;
	_ =	sdelay $0x1  }
0x103: {  	v1 =	vadd.f32 $1.000000000e+00, v1;
	_ =	sdelay $0x1  }
0x104: {  	v1 =	vmul.f32 v1, v2;
	v2 =	vsub.f32 $1.000000000e+00, v2;
	_ =	sdelay $0x1  }
0x105: {  	v2 =	vadd.f32 v1, v2;
	_ =	sdelay $0x1  }
0x106: {  	(erf) = vrcp.f32 v2;
	_ =	sdelay $0x8  }
0x107: {  	v2 =	vpop (erf)  }
0x108: {  	v1 =	vmul.f32 v2, v1;
	_ =	sdelay $0x1  }
0x109: {  	[tilespmem:s18+$0xFFFFFFD0] =	vst v1  }
0x10a: {  	v1 =	vld [tilespmem:s1+$0xFFFFFFE0]  }
0x10b: {  	v2 =	vld [tilespmem:s3+$0xFFFFFFE0];
	_ =	sdelay $0x6  }
0x10c: {  	v1 =	vld.idx.msk [tilespmem:v1+s4+$0x0], $0xffff  }
0x10d: {  	v2 =	vld.idx.msk [tilespmem:v2+s4+$0x0], $0xffff;
	_ =	sdelay $0x4  }
0x10e: {  	v1 =	vmax.f32 v1, v2;
	v2 =	vld [tilespmem:s17+$0xFFFFFFE0]  }
0x10f: {  	v1 =	vmul.f32 v1, v0;
	_ =	sdelay $0x1  }
0x110: {  	v1 =	vadd.f32 $1.000000000e+00, v1;
	_ =	sdelay $0x1  }
0x111: {  	v1 =	vmul.f32 v1, v2;
	v2 =	vsub.f32 $1.000000000e+00, v2;
	_ =	sdelay $0x1  }
0x112: {  	v2 =	vadd.f32 v1, v2;
	_ =	sdelay $0x1  }
0x113: {  	(erf) = vrcp.f32 v2;
	_ =	sdelay $0x8  }
0x114: {  	v2 =	vpop (erf)  }
0x115: {  	v1 =	vmul.f32 v2, v1;
	_ =	sdelay $0x1  }
0x116: {  	[tilespmem:s18+$0xFFFFFFE0] =	vst v1  }
0x117: {  	v1 =	vld [tilespmem:s1+$0xFFFFFFF0]  }
0x118: {  	v2 =	vld [tilespmem:s3+$0xFFFFFFF0];
	_ =	sdelay $0x6  }
0x119: {  	v1 =	vld.idx.msk [tilespmem:v1+s4+$0x0], $0xffff  }
0x11a: {  	v2 =	vld.idx.msk [tilespmem:v2+s4+$0x0], $0xffff;
	_ =	sdelay $0x4  }
0x11b: {  	v1 =	vmax.f32 v1, v2;
	v2 =	vld [tilespmem:s17+$0xFFFFFFF0]  }
0x11c: {  	v1 =	vmul.f32 v1, v0;
	_ =	sdelay $0x1  }
0x11d: {  	v1 =	vadd.f32 $1.000000000e+00, v1;
	_ =	sdelay $0x1  }
0x11e: {  	v1 =	vmul.f32 v1, v2;
	v2 =	vsub.f32 $1.000000000e+00, v2;
	_ =	sdelay $0x1  }
0x11f: {  	v2 =	vadd.f32 v1, v2;
	_ =	sdelay $0x1  }
0x120: {  	(erf) = vrcp.f32 v2;
	_ =	sdelay $0x8  }
0x121: {  	v2 =	vpop (erf)  }
0x122: {  	v1 =	vmul.f32 v2, v1;
	_ =	sdelay $0x1  }
0x123: {  	[tilespmem:s18+$0xFFFFFFF0] =	vst v1  }
0x124: {  	v1 =	vld [tilespmem:s1+$0x0]  }
0x125: {  	v2 =	vld [tilespmem:s3+$0x0];
	_ =	sdelay $0x6  }
0x126: {  	v1 =	vld.idx.msk [tilespmem:v1+s4+$0x0], $0xffff  }
0x127: {  	v2 =	vld.idx.msk [tilespmem:v2+s4+$0x0], $0xffff;
	_ =	sdelay $0x4  }
0x128: {  	v1 =	vmax.f32 v1, v2;
	v2 =	vld [tilespmem:s17+$0x0]  }
0x129: {  	v1 =	vmul.f32 v1, v0;
	_ =	sdelay $0x1  }
0x12a: {  	v1 =	vadd.f32 $1.000000000e+00, v1;
	_ =	sdelay $0x1  }
0x12b: {  	v1 =	vmul.f32 v1, v2;
	v2 =	vsub.f32 $1.000000000e+00, v2;
	_ =	sdelay $0x1  }
0x12c: {  	v2 =	vadd.f32 v1, v2;
	_ =	sdelay $0x1  }
0x12d: {  	(erf) = vrcp.f32 v2;
	_ =	sdelay $0x8  }
0x12e: {  	v2 =	vpop (erf)  }
0x12f: {  	v1 =	vmul.f32 v2, v1;
	_ =	sdelay $0x1  }
0x130: {  	[tilespmem:s18+$0x0] =	vst v1  }
0x131: {  	v1 =	vld [tilespmem:s1+$0x10]  }
0x132: {  	v2 =	vld [tilespmem:s3+$0x10];
	_ =	sdelay $0x6  }
0x133: {  	v1 =	vld.idx.msk [tilespmem:v1+s4+$0x0], $0xffff  }
0x134: {  	v2 =	vld.idx.msk [tilespmem:v2+s4+$0x0], $0xffff;
	_ =	sdelay $0x4  }
0x135: {  	v1 =	vmax.f32 v1, v2;
	v2 =	vld [tilespmem:s17+$0x10]  }
0x136: {  	v1 =	vmul.f32 v1, v0;
	_ =	sdelay $0x1  }
0x137: {  	v1 =	vadd.f32 $1.000000000e+00, v1;
	_ =	sdelay $0x1  }
0x138: {  	v1 =	vmul.f32 v1, v2;
	v2 =	vsub.f32 $1.000000000e+00, v2;
	_ =	sdelay $0x1  }
0x139: {  	v2 =	vadd.f32 v1, v2;
	_ =	sdelay $0x1  }
0x13a: {  	(erf) = vrcp.f32 v2;
	_ =	sdelay $0x8  }
0x13b: {  	v2 =	vpop (erf)  }
0x13c: {  	v1 =	vmul.f32 v2, v1;
	_ =	sdelay $0x1  }
0x13d: {  	[tilespmem:s18+$0x10] =	vst v1  }
0x13e: {  	v1 =	vld [tilespmem:s1+$0x20]  }
0x13f: {  	v2 =	vld [tilespmem:s3+$0x20];
	_ =	sdelay $0x6  }
0x140: {  	v1 =	vld.idx.msk [tilespmem:v1+s4+$0x0], $0xffff  }
0x141: {  	v2 =	vld.idx.msk [tilespmem:v2+s4+$0x0], $0xffff;
	_ =	sdelay $0x4  }
0x142: {  	v1 =	vmax.f32 v1, v2;
	v2 =	vld [tilespmem:s17+$0x20]  }
0x143: {  	v1 =	vmul.f32 v1, v0;
	_ =	sdelay $0x1  }
0x144: {  	v1 =	vadd.f32 $1.000000000e+00, v1;
	_ =	sdelay $0x1  }
0x145: {  	v1 =	vmul.f32 v1, v2;
	v2 =	vsub.f32 $1.000000000e+00, v2;
	_ =	sdelay $0x1  }
0x146: {  	v2 =	vadd.f32 v1, v2;
	_ =	sdelay $0x1  }
0x147: {  	(erf) = vrcp.f32 v2;
	_ =	sdelay $0x8  }
0x148: {  	v2 =	vpop (erf)  }
0x149: {  	v1 =	vmul.f32 v2, v1;
	_ =	sdelay $0x1  }
0x14a: {  	[tilespmem:s18+$0x20] =	vst v1  }
0x14b: {  	v1 =	vld [tilespmem:s1+$0x30]  }
0x14c: {  	v2 =	vld [tilespmem:s3+$0x30];
	_ =	sdelay $0x6  }
0x14d: {  	v1 =	vld.idx.msk [tilespmem:v1+s4+$0x0], $0xffff  }
0x14e: {  	v2 =	vld.idx.msk [tilespmem:v2+s4+$0x0], $0xffff;
	_ =	sdelay $0x4  }
0x14f: {  	v1 =	vmax.f32 v1, v2;
	v2 =	vld [tilespmem:s17+$0x30]  }
0x150: {  	v1 =	vmul.f32 v1, v0;
	_ =	sdelay $0x1  }
0x151: {  	v1 =	vadd.f32 $1.000000000e+00, v1;
	_ =	sdelay $0x1  }
0x152: {  	v1 =	vmul.f32 v1, v2;
	v2 =	vsub.f32 $1.000000000e+00, v2;
	_ =	sdelay $0x1  }
0x153: {  	v2 =	vadd.f32 v1, v2;
	_ =	sdelay $0x1  }
0x154: {  	(erf) = vrcp.f32 v2;
	_ =	sdelay $0x5  }
0x155: {  	s0 =	sadd.s32 $0x8, s0  }
0x156: {  	p0 =	slt.u32 s0, $0x70  }
.Ltmp1:
0x157: {  	_ = 	snop;
	(pc) =	sbr.rel @p0 .LBB2_5-.Ltmp1, $4  }
0x158: {  	v2 =	vpop (erf)  }
0x159: {  	v1 =	vmul.f32 v2, v1  }
0x15a: {  	s1 =	sadd.s32 $0x80, s1  }
0x15b: {  	s3 =	sadd.s32 $0x80, s3;
	s17 =	sadd.s32 $0x80, s17;
	[tilespmem:s18+$0x30] =	vst v1;
	s18 =	sadd.s32 $0x80, s18  }
0x15c: {  	v1 =	vld [tilespmem:$0x1AF00]  }
0x15d: {  	v2 =	vld [tilespmem:$0x1B700];
	_ =	sdelay $0x6  }
0x15e: {  	v1 =	vld.idx.msk [tilespmem:v1+s4+$0x0], $0xffff  }
0x15f: {  	v2 =	vld.idx.msk [tilespmem:v2+s4+$0x0], $0xffff;
	_ =	sdelay $0x4  }
0x160: {  	v43 =	vld [tilespmem:$0x1BF00];
	v1 =	vmax.f32 v1, v2  }
0x161: {  	v1 =	vmul.f32 v1, v0;
	_ =	sdelay $0x1  }
0x162: {  	v1 =	vadd.f32 $1.000000000e+00, v1;
	_ =	sdelay $0x1  }
0x163: {  	v2 =	vsub.f32 $1.000000000e+00, v43;
	v1 =	vmul.f32 v1, v43;
	_ =	sdelay $0x1  }
0x164: {  	v2 =	vadd.f32 v1, v2;
	_ =	sdelay $0x1  }
0x165: {  	(erf) = vrcp.f32 v2;
	_ =	sdelay $0x4  }
0x166: {  	v44 =	vld [tilespmem:$0x1AF10]  }
0x167: {  	v3 =	vld [tilespmem:$0x1B710];
	_ =	sdelay $0x2  }
0x168: {  	v4 =	vpop (erf)  }
0x169: {  	v1 =	vmul.f32 v4, v1;
	_ =	sdelay $0x1  }
0x16a: {  	[tilespmem:$0x1C700] =	vst v1  }
0x16b: {  	v1 =	vld.idx.msk [tilespmem:v44+s4+$0x0], $0xffff  }
0x16c: {  	v45 =	vld.idx.msk [tilespmem:v3+s4+$0x0], $0xffff;
	_ =	sdelay $0x4  }
0x16d: {  	v46 =	vld [tilespmem:$0x1BF10];
	v1 =	vmax.f32 v1, v45  }
0x16e: {  	v1 =	vmul.f32 v1, v0;
	_ =	sdelay $0x1  }
0x16f: {  	v1 =	vadd.f32 $1.000000000e+00, v1;
	_ =	sdelay $0x1  }
0x170: {  	v2 =	vsub.f32 $1.000000000e+00, v46;
	v1 =	vmul.f32 v1, v46;
	_ =	sdelay $0x1  }
0x171: {  	v2 =	vadd.f32 v1, v2;
	_ =	sdelay $0x1  }
0x172: {  	(erf) = vrcp.f32 v2;
	_ =	sdelay $0x4  }
0x173: {  	v47 =	vld [tilespmem:$0x1AF20]  }
0x174: {  	v48 =	vld [tilespmem:$0x1B720];
	_ =	sdelay $0x2  }
0x175: {  	v49 =	vpop (erf)  }
0x176: {  	v1 =	vmul.f32 v49, v1;
	_ =	sdelay $0x1  }
0x177: {  	[tilespmem:$0x1C710] =	vst v1  }
0x178: {  	v1 =	vld.idx.msk [tilespmem:v47+s4+$0x0], $0xffff  }
0x179: {  	v50 =	vld.idx.msk [tilespmem:v48+s4+$0x0], $0xffff;
	_ =	sdelay $0x4  }
0x17a: {  	v51 =	vld [tilespmem:$0x1BF20];
	v1 =	vmax.f32 v1, v50  }
0x17b: {  	v1 =	vmul.f32 v1, v0;
	_ =	sdelay $0x1  }
0x17c: {  	v1 =	vadd.f32 $1.000000000e+00, v1;
	_ =	sdelay $0x1  }
0x17d: {  	v2 =	vsub.f32 $1.000000000e+00, v51;
	v1 =	vmul.f32 v1, v51;
	_ =	sdelay $0x1  }
0x17e: {  	v2 =	vadd.f32 v1, v2;
	_ =	sdelay $0x1  }
0x17f: {  	(erf) = vrcp.f32 v2;
	_ =	sdelay $0x4  }
0x180: {  	v52 =	vld [tilespmem:$0x1AF30]  }
0x181: {  	v53 =	vld [tilespmem:$0x1B730];
	_ =	sdelay $0x2  }
0x182: {  	v54 =	vpop (erf)  }
0x183: {  	v1 =	vmul.f32 v54, v1;
	_ =	sdelay $0x1  }
0x184: {  	[tilespmem:$0x1C720] =	vst v1  }
0x185: {  	v1 =	vld.idx.msk [tilespmem:v52+s4+$0x0], $0xffff  }
0x186: {  	v55 =	vld.idx.msk [tilespmem:v53+s4+$0x0], $0xffff;
	_ =	sdelay $0x4  }
0x187: {  	v56 =	vld [tilespmem:$0x1BF30];
	v1 =	vmax.f32 v1, v55  }
0x188: {  	v1 =	vmul.f32 v1, v0;
	_ =	sdelay $0x1  }
0x189: {  	v1 =	vadd.f32 $1.000000000e+00, v1;
	_ =	sdelay $0x1  }
0x18a: {  	v2 =	vsub.f32 $1.000000000e+00, v56;
	v1 =	vmul.f32 v1, v56;
	_ =	sdelay $0x1  }
0x18b: {  	v2 =	vadd.f32 v1, v2;
	_ =	sdelay $0x1  }
0x18c: {  	(erf) = vrcp.f32 v2;
	_ =	sdelay $0x4  }
0x18d: {  	v57 =	vld [tilespmem:$0x1AF40]  }
0x18e: {  	v58 =	vld [tilespmem:$0x1B740];
	_ =	sdelay $0x2  }
0x18f: {  	v59 =	vpop (erf)  }
0x190: {  	v1 =	vmul.f32 v59, v1;
	_ =	sdelay $0x1  }
0x191: {  	[tilespmem:$0x1C730] =	vst v1  }
0x192: {  	v1 =	vld.idx.msk [tilespmem:v57+s4+$0x0], $0xffff  }
0x193: {  	v60 =	vld.idx.msk [tilespmem:v58+s4+$0x0], $0xffff;
	_ =	sdelay $0x4  }
0x194: {  	v61 =	vld [tilespmem:$0x1BF40];
	v1 =	vmax.f32 v1, v60  }
0x195: {  	v62 =	vmul.f32 v1, v0;
	_ =	sdelay $0x1  }
0x196: {  	v0 =	vadd.f32 $1.000000000e+00, v62;
	_ =	sdelay $0x1  }
0x197: {  	v63 =	vsub.f32 $1.000000000e+00, v61;
	v0 =	vmul.f32 v0, v61;
	_ =	sdelay $0x1  }
0x198: {  	v1 =	vadd.f32 v0, v63;
	_ =	sdelay $0x1  }
0x199: {  	(erf) = vrcp.f32 v1;
	_ =	sdelay $0x8  }
0x19a: {  	v1 =	vpop (erf)  }
0x19b: {  	v0 =	vmul.f32 v1, v0  }
0x19c: {  	p0 =	sne.s32 s31, $0x32  }
.Ltmp2:
0x19d: {  	s0 =	sadd.s32 s2, s30;
	[tilespmem:$0x1C740] =	vst v0;
	(pc) =	sbr.rel @p0 .LBB2_2-.Ltmp2, $4  }
0x19e: {  	[hbm4b:s0+s4] =	stream.linear.scatter [tilespmem:s28], [sflag:$0x3], $0x7D0, $0x38;
	[tilespmem:$0x1C780] =	vst v63  }
0x19f: {  	_ =	swait.ge [sflag:s16], $0x7D0  }
0x1a0: {  	[sflag:s16] =	ssyncset.done $0x0  }
0x1a1: {  	[sflag:s16] =	ssyncadd.s32 $0xFFFFF830  }
0x1a2: {  	s29 =	sadd.s32 $0x1, s29  }
0x1a3: {  	p0 =	sne.s32 s29, s15  }
.Ltmp3:
0x1a4: {  	_ = 	snop;
	(pc) =	sbr.rel @p0 .LBB2_1-.Ltmp3, $1  }
0x1a5: {  	_ =	sdelay $0x3  }
0x1a6: {  	_ =	sfence.sel $0x180000  }
0x1a7: {  	[bflag:$0x0] =	sbarrier.arrive $0xFFFF  }
0x1a8: {  	_ =	strace $0x90000047  }
0x1a9: {  	s0 =	stileid.u32;
	[bflag:$0x2] =	sbarrier.arrive $0xFFFF  }
0x1aa: {  	p0 =	sne.s32 s0, $0x0;
	s0 =	rddreg [dreg:$0x3]  }
0x1ab: {  	s0 =	sadd.s32 @!p0 $0x100000, s0  }
0x1ac: {  	[sflag:s0] =	ssyncadd.tile.s32 @!p0 $0x1;
	_ =	shalt  }
.Lfunc_end2:
_tile_overlayer_lowered:
.L_overlay_start_2:
0x1ad: {  	(tag) =	ssettag $0x2  }
0x1ae: {  	s0 =	rddreg [dreg:$0x0];
	s2 =	stileid.u32  }
0x1af: {  	s1 =	rddreg [dreg:$0x1];
	p0 =	sne.s32 s2, $0x0  }
0x1b0: {  	s3 =	rddreg [dreg:$0x2];
	[bflag:$0x3] =	sbarrier.arrive $0xFFFF;
	s2 =	simm.s32 @!p0 $0x1C03  }
0x1b1: {  	[timem:s3], [sflag:s2] =	dma.local @!p0 [hbm:s0], s1  }
0x1b2: {  	s0 =	simm.s32 @!p0 $0x3  }
0x1b3: {  	_ =	swait.ge @!p0 [sflag:s0], s1  }
0x1b4: {  	s1 =	ssub.s32 @!p0 $0x0, s1;
	[sflag:s0] =	ssyncset.done @!p0 $0x0  }
0x1b5: {  	[sflag:s0] =	ssyncadd.s32 @!p0 s1  }
0x1b6: {  	[bflag:$0x3] =	sbarrier.arrive $0xFFFF  }
0x1b7: {  	_ =	shalt  }

// kernel: kernel.19.cloned.1.call-start
scs
__scs_entry_jumppad:
0x0: {  	(pc) =	sbr.rel $0x88, $3  }
0x1: {  	(tag) =	ssettag $0x0;
	lr =	simm.s32 $0x1  }
0x2: {  	[smem:$0x3F9C] =	sst lr;
	_ =	strace $0xD0000000  }
0x3: {  	_ = 	snop  }
0x4: {  	_ = 	snop  }
0x5: {  	_ = 	snop  }
0x6: {  	_ = 	snop  }
0x7: {  	_ = 	snop  }
__scs_overlays_trampoline_lowered:
0x8: {  	[smem:$0x3FAB] =	sst s0  }
0x9: {  	[smem:$0x3FAC] =	sst s1  }
0xa: {  	[smem:$0x3FAD] =	sst s2  }
0xb: {  	[smem:$0x3FAE] =	sst s3  }
0xc: {  	[smem:$0x3FAF] =	sst s4  }
0xd: {  	[smem:$0x3FB0] =	sst s5  }
0xe: {  	[smem:$0x3FB1] =	sst s6  }
0xf: {  	[smem:$0x3FB2] =	sst s7  }
0x10: {  	[smem:$0x3FB3] =	sst s8  }
0x11: {  	[smem:$0x3FB4] =	sst s9;
	s0 =	simm.s32 @!p0 $0x0  }
0x12: {  	s1 =	sld [smem:$0x3F9A];
	s0 =	simm.s32 @p0 $0x1  }
0x13: {  	[smem:$0x3FB5] =	sst s0;
	s0 =	simm.s32 @!p1 $0x0  }
0x14: {  	s2 =	sld [smem:$0x3F99];
	s0 =	simm.s32 @p1 $0x1  }
0x15: {  	[smem:$0x3FB6] =	sst s0;
	s0 =	simm.s32 @!p2 $0x0  }
0x16: {  	s3 =	sld [smem:$0x3FDB];
	s0 =	simm.s32 @p2 $0x1  }
0x17: {  	s4 =	simm.s32 $0x1BF5;
	[smem:$0x3FB8] =	sst s0  }
0x18: {  	s0 =	sld [smem:$0x3F9B];
	_ =	swait.ge [sflag:s4], $0x0  }
0x19: {  	s7 =	sld [smem:$0x3F9C]  }
0x1a: {  	s8 =	sadd.s32 $0xFFFFE003, lr  }
0x1b: {  	s9 =	sadd.s32 $0xFFFFFEF7, lr;
	s5 =	simm.s32 $0xFFFFFFFF;
	p2 =	slt.u32 s8, $0xFFFFF086  }
0x1c: {  	p1 =	slt.u32 s9, $0xF7A;
	s5 =	simm.s32 @!p2 $0x0  }
0x1d: {  	s5 =	simm.s32 @p1 $0x1;
	p0 =	seq.s32 s7, s2  }
0x1e: {  	s7 =	smul.u32 @!p0 $0xF7A, s2;
	p2 =	seq.s32 @!p0 s5, $0x0  }
0x1f: {  	s9 =	smul.u32 $0xF7A, s1;
	s8 =	simm.s32 @!p0 $0x1BF5;
	p2 =	por !p2, p0  }
0x20: {  	[sflag:s8] =	ssyncset.s32 @!p0 $0xFFFFF086;
	s6 =	sadd.s32 @!p0 s3, s7;
	s7 =	simm.s32 @!p0 $0x108  }
0x21: {  	s3 =	sadd.s32 s3, s9;
	s6 =	sadd.s32 @!p0 $0x88, s6;
	s7 =	simm.s32 @p2 $0x1082  }
0x22: {  	[simem:s7], [sflag:s8] =	dma.local @!p0 [hbm:s6], $0xF7A  }
0x23: {  	s9 =	sor.u32 $0xD0000000, s2;
	s6 =	simm.s32 $0x108;
	_ =	swait.ge @!p0 [sflag:s8], $0x0  }
0x24: {  	s3 =	sadd.s32 $0x88, s3;
	s6 =	simm.s32 @!p1 $0x1082;
	[sflag:s4] =	ssyncset.s32 $0xFFFFF086  }
0x25: {  	[simem:s6], [sflag:s4] =	dma.local [hbm:s3], $0xF7A  }
0x26: {  	[smem:$0x3F9C] =	sst s1;
	(tag) =	ssettag s2;
	_ =	strace s9  }
0x27: {  	s1 =	sld [smem:$0x3FAC]  }
0x28: {  	s2 =	sld [smem:$0x3FAD]  }
0x29: {  	s4 =	sld [smem:$0x3FAF]  }
0x2a: {  	p0 =	seq.s32 s5, $0x0;
	s5 =	sld [smem:$0x3FB0]  }
0x2b: {  	s6 =	sld [smem:$0x3FB1]  }
0x2c: {  	s7 =	sld [smem:$0x3FB2]  }
0x2d: {  	s3 =	simm.s32 $0x108;
	s8 =	sld [smem:$0x3FB3]  }
0x2e: {  	s3 =	simm.s32 @!p0 $0x1082;
	s9 =	sld [smem:$0x3FB4]  }
0x2f: {  	lr =	sadd.s32 s0, s3;
	s0 =	sld [smem:$0x3FAB]  }
0x30: {  	s3 =	sld [smem:$0x3FAE]  }
0x31: {  	[smem:$0x3FB7] =	sst s10  }
0x32: {  	s10 =	sld [smem:$0x3FB5];
	_ =	sdelay $0x3  }
0x33: {  	p0 =	seq.s32 s10, $0x1;
	s10 =	sld [smem:$0x3FB7];
	_ =	sdelay $0x3  }
0x34: {  	[smem:$0x3FB7] =	sst s10  }
0x35: {  	s10 =	sld [smem:$0x3FB6];
	_ =	sdelay $0x3  }
0x36: {  	p1 =	seq.s32 s10, $0x1;
	s10 =	sld [smem:$0x3FB7];
	_ =	sdelay $0x3  }
0x37: {  	[smem:$0x3FB7] =	sst s10  }
0x38: {  	s10 =	sld [smem:$0x3FB8]  }
0x39: {  	_ = 	snop;
	(pc) =	sbr.ind lr, $3  }
0x3a: {  	_ = 	snop  }
0x3b: {  	_ = 	snop  }
0x3c: {  	p2 =	seq.s32 s10, $0x1;
	s10 =	sld [smem:$0x3FB7]  }
0x3d: {  	_ =	shalt  }
0x3e: {  	_ =	shalt  }
0x3f: {  	_ =	shalt  }
0x40: {  	_ =	shalt  }
0x41: {  	_ =	shalt  }
0x42: {  	_ =	shalt  }
0x43: {  	_ =	shalt  }
0x44: {  	_ =	shalt  }
0x45: {  	_ =	shalt  }
0x46: {  	_ =	shalt  }
0x47: {  	_ =	shalt  }
0x48: {  	_ =	shalt  }
0x49: {  	_ =	shalt  }
0x4a: {  	_ =	shalt  }
0x4b: {  	_ =	shalt  }
0x4c: {  	_ =	shalt  }
0x4d: {  	_ =	shalt  }
0x4e: {  	_ =	shalt  }
0x4f: {  	_ =	shalt  }
0x50: {  	_ =	shalt  }
0x51: {  	_ =	shalt  }
0x52: {  	_ =	shalt  }
0x53: {  	_ =	shalt  }
0x54: {  	_ =	shalt  }
0x55: {  	_ =	shalt  }
0x56: {  	_ =	shalt  }
0x57: {  	_ =	shalt  }
0x58: {  	_ =	shalt  }
0x59: {  	_ =	shalt  }
0x5a: {  	_ =	shalt  }
0x5b: {  	_ =	shalt  }
0x5c: {  	_ =	shalt  }
0x5d: {  	_ =	shalt  }
0x5e: {  	_ =	shalt  }
0x5f: {  	_ =	shalt  }
0x60: {  	_ =	shalt  }
0x61: {  	_ =	shalt  }
0x62: {  	_ =	shalt  }
0x63: {  	_ =	shalt  }
0x64: {  	_ =	shalt  }
0x65: {  	_ =	shalt  }
0x66: {  	_ =	shalt  }
0x67: {  	_ =	shalt  }
0x68: {  	_ =	shalt  }
0x69: {  	_ =	shalt  }
0x6a: {  	_ =	shalt  }
0x6b: {  	_ =	shalt  }
0x6c: {  	_ =	shalt  }
0x6d: {  	_ =	shalt  }
0x6e: {  	_ =	shalt  }
0x6f: {  	_ =	shalt  }
0x70: {  	_ =	shalt  }
0x71: {  	_ =	shalt  }
0x72: {  	_ =	shalt  }
0x73: {  	_ =	shalt  }
0x74: {  	_ =	shalt  }
0x75: {  	_ =	shalt  }
0x76: {  	_ =	shalt  }
0x77: {  	_ =	shalt  }
0x78: {  	_ =	shalt  }
0x79: {  	_ =	shalt  }
0x7a: {  	_ =	shalt  }
0x7b: {  	_ =	shalt  }
0x7c: {  	_ =	shalt  }
0x7d: {  	_ =	shalt  }
0x7e: {  	_ =	shalt  }
0x7f: {  	_ =	shalt  }
0x80: {  	_ =	shalt  }
0x81: {  	_ =	shalt  }
0x82: {  	_ =	shalt  }
0x83: {  	_ =	shalt  }
0x84: {  	_ =	shalt  }
0x85: {  	_ =	shalt  }
0x86: {  	_ =	shalt  }
0x87: {  	_ =	shalt  }
.Lfunc_end0:
.L_simem_size_0:
called_computation.2_lowered:
.L_overlay_start_0:
0x88: {  	s2 =	sld [smem:$0x3FD9]  }
0x89: {  	s3 =	sld [smem:$0x3FFE];
	_ =	sdelay $0x1  }
0x8a: {  	s1 =	srdreg.scid  }
0x8b: {  	s0 =	sand.u32 $0x1, s1  }
0x8c: {  	s15 =	sshll.u32 s0, $0xA;
	s2 =	sadd.s32 s3, s2  }
0x8d: {  	s2 =	sadd.s32 s2, s15  }
0x8e: {  	[smem:$0x3FC3] =	sst s2  }
0x8f: {  	_ = 	snop  }
0x90: {  	s2 =	sld [smem:$0x3FD0];
	_ =	sdelay $0x2  }
0x91: {  	s16 =	simm.s32 $0xB;
	s4 =	simm.s32 $0x10  }
0x92: {  	[smem:s4], [sflag:s16] =	dma.local [hbm:s2], $0x1  }
0x93: {  	_ =	swait.eq [sflag:s16], $0x1  }
0x94: {  	[sflag:s16] =	ssyncset.done $0x0  }
0x95: {  	[sflag:s16] =	ssyncadd.s32 $0xFFFFFFFF  }
0x96: {  	s17 =	sld [smem:$0x11];
	(tm) =	ssettm $0x1  }
0x97: {  	s18 =	sld [smem:$0x3FFB];
	_ =	sdelay $0x3  }
0x98: {  	_ =	strace s18  }
0x99: {  	s2 =	sld [smem:$0x3FFC];
	_ =	sdelay $0x3  }
0x9a: {  	_ =	strace s2  }
0x9b: {  	s2 =	sld [smem:$0x3FFD];
	_ =	sdelay $0x3  }
0x9c: {  	_ =	strace s2  }
0x9d: {  	_ =	strace $0x8FFFFFFF  }
0x9e: {  	s19 =	sld [smem:$0x3FDB];
	_ =	sdelay $0x1  }
0x9f: {  	s20 =	simm.s32 $_scs_section_size  }
0xa0: {  	s5 =	simm.s32 $_size__tile_overlayer_lowered;
	s6 =	simm.s32 $_tile_overlayer_lowered  }
0xa1: {  	s7 =	simm.s32 $0x1BFF;
	s21 =	sshll.u32 s6, $0x1;
	s4 =	sadd.s32 s20, s19  }
0xa2: {  	s22 =	simm.s32 $0x0;
	s5 =	sshll.u32 s5, $0x1;
	s6 =	sadd.s32 s21, s4  }
0xa3: {  	[timem:s22], [sflag:s7] =	dma.local [hbm:s6], s5  }
0xa4: {  	_ =	swait.ge [sflag:s7], s5  }
0xa5: {  	s5 =	ssub.s32 $0x0, s5;
	[sflag:s7] =	ssyncset.done $0x0  }
0xa6: {  	[sflag:s7] =	ssyncadd.s32 s5;
	_ =	sdelay $0x1  }
0xa7: {  	s23 =	simm.s32 $0x1B8B  }
0xa8: {  	_ =	swait.ge [sflag:s23], $0x1  }
0xa9: {  	[sflag:s23] =	ssyncset.done $0x0  }
0xaa: {  	[sflag:s23] =	ssyncadd.s32 $0xFFFFFFFF  }
0xab: {  	s5 =	sld [smem:$0x0]  }
0xac: {  	s6 =	sand.u32 $0xFFFFFFFE, s1  }
0xad: {  	p0 =	sne.s32 s1, s6  }
0xae: {  	s6 =	sshll.u32 @p0 s6, $0xE  }
0xaf: {  	s6 =	sadd.s32 @p0 $0x11B8D, s6;
	s7 =	sshll.u32 @p0 s5, $0x11  }
0xb0: {  	s6 =	sor.u32 @p0 s7, s6  }
0xb1: {  	[sflag:s6] =	ssyncadd.remote.s32 @p0 $0x1;
	_ =	sdelay $0x1  }
0xb2: {  	s6 =	simm.s32 @p0 $0x1B8D  }
0xb3: {  	_ =	swait.eq @p0 [sflag:s6], $0x1  }
0xb4: {  	[sflag:s6] =	ssyncadd.s32 @p0 $0xFFFFFFFF  }
0xb5: {  	s7 =	sshll.u32 @!p0 s1, $0xE  }
0xb6: {  	s7 =	sor.u32 @!p0 $0x4000, s7;
	s6 =	simm.s32 @!p0 $0x1B8D  }
0xb7: {  	s5 =	sshll.u32 @!p0 s5, $0x11;
	s7 =	sadd.s32 @!p0 $0x11B8D, s7;
	_ =	swait.eq @!p0 [sflag:s6], $0x1  }
0xb8: {  	s5 =	sor.u32 @!p0 s5, s7;
	[sflag:s6] =	ssyncadd.s32 @!p0 $0xFFFFFFFF  }
0xb9: {  	s25 =	simm.s32 $0x1B8E;
	s24 =	sld [smem:$0x3FFE];
	[sflag:s5] =	ssyncadd.remote.s32 @!p0 $0x1  }
0xba: {  	s26 =	simm.s32 $execute0_lowered;
	[smem:$0x3FD2] =	sst s25  }
0xbb: {  	s6 =	sshll.u32 s26, $0x1;
	_ =	strace $0x8000004C;
	[dreg:$0x1] =	wrdreg $0xFFFFFFFF  }
0xbc: {  	s28 =	simm.s32 $_size_execute0_lowered;
	s4 =	sadd.s32 s4, s6;
	[dreg:$0x0] =	wrdreg $0x0  }
0xbd: {  	s6 =	sshll.u32 s28, $0x1;
	[dreg:$0x2] =	wrdreg s4  }
0xbe: {  	[dreg:$0x3] =	wrdreg s6  }
0xbf: {  	[dreg:$0x4] =	wrdreg $0xC0  }
0xc0: {  	_ =	task [dreg:s22], $0x5FFFF  }
0xc1: {  	[dreg:$0x1] =	wrdreg $0xFFFFFFFF  }
0xc2: {  	[dreg:$0x0] =	wrdreg $0x60  }
0xc3: {  	[dreg:$0x2] =	wrdreg s24  }
0xc4: {  	[dreg:$0x3] =	wrdreg s17  }
0xc5: {  	[dreg:$0x4] =	wrdreg $0xA  }
0xc6: {  	_ =	task.clear_ibuf [dreg:s22], $0x5FFFF;
	_ =	strace $0x9000004C  }
0xc7: {  	s29 =	simm.s32 $0xA;
	_ =	strace $0x8000004E  }
0xc8: {  	_ =	swait.ge [sflag:s29], $0x1  }
0xc9: {  	[sflag:s29] =	ssyncadd.s32 $0xFFFFFFFF  }
0xca: {  	_ =	strace $0x9000004E  }
0xcb: {  	_ =	sfence  }
0xcc: {  	s30 =	sld [smem:$0x0];
	_ =	sdelay $0x2  }
0xcd: {  	s31 =	sshll.u32 s1, $0xD;
	s1 =	sshrl.u32 s1, $0x2  }
0xce: {  	s4 =	sand.u32 $0x4000, s31;
	s1 =	sadd.s32 s1, s30  }
0xcf: {  	s0 =	sor.u32 s4, s0;
	s1 =	sshll.u32 s1, $0x11  }
0xd0: {  	s0 =	sor.u32 s1, s0  }
0xd1: {  	s0 =	sadd.s32 $0x8F2B, s0  }
0xd2: {  	[sflag:s0] =	ssyncadd.remote.s32 $0x1  }
0xd3: {  	_ =	sfence.sel $0xFFFF  }
0xd4: {  	[dreg:$0x0] =	wrdreg $0xFFFFFFFF;
	(pc) =	sbr.abs _section_cstart, $3  }
0xd5: {  	[dreg:$0x1] =	wrdreg $0xFFFFFFFF  }
0xd6: {  	_ =	task.clear_ibuf [dreg:s22], $0x2FFFF;
	_ =	strace $0x9FFFFFFF  }
0xd7: {  	(tm) =	ssettm $0x7FFFFFFF  }
tec
execute0_lowered:
.L_overlay_start_1:
0x0: {  	(tag) =	ssettag $0x1  }
0x1: {  	s0 =	srdreg.scid;
	s6 =	rddreg [dreg:$0x0]  }
0x2: {  	s2 =	rddreg [dreg:$0x1];
	s1 =	stileid.u32;
	s3 =	simm.s32 $0x0  }
0x3: {  	s14 =	simm.s32 $0x19700;
	s15 =	simm.s32 $0x1A700;
	s16 =	simm.s32 $0x1B700  }
0x4: {  	s17 =	simm.s32 $0x1C700;
	s18 =	simm.s32 $0x1D700;
	s19 =	simm.s32 $0x1  }
0x5: {  	s20 =	simm.s32 $0x2;
	s21 =	simm.s32 $0x80;
	s22 =	simm.s32 $0x400  }
0x6: {  	s23 =	simm.s32 $0x3;
	s7 =	sand.u32 $0x1, s0;
	s0 =	rddreg [dreg:$0x2]  }
0x7: {  	s24 =	simm.s32 $0x0;
	[smem:$0x7FF] =	sst s3;
	s4 =	sshll.u32 s7, $0x4  }
0x8: {  	s9 =	sshll.u32 s1, $0x7;
	_ =	strace $0x8000004D;
	s5 =	sor.u32 s1, s4  }
0x9: {  	s7 =	ssub.s32 $0x2, s7;
	s4 =	sshrl.u32 s5, $0x3;
	s10 =	smul.u32 $0x30D40, s5  }
0xa: {  	s9 =	sand.u32 $0x380, s9;
	s31 =	sshrl.u32 s7, $0x1;
	s8 =	smul.u32 $0xC3800, s4  }
0xb: {  	s5 =	sadd.s32 $0xC5C00, s6;
	s13 =	ssub.s32 s7, s31;
	s11 =	sshrl.u32 s10, $0x3  }
0xc: {  	s4 =	sadd.s32 $0x189200, s6;
	s8 =	sor.u32 s9, s8;
	s7 =	sadd.s32 s5, s11  }
0xd: {  	s9 =	sadd.s32 $0xFA0, s10;
	s10 =	sadd.s32 $0x1F40, s10;
	s8 =	sshrl.u32 s8, $0x3  }
0xe: {  	s12 =	sadd.s32 s8, s6;
	s6 =	sadd.s32 s4, s11;
	s8 =	sadd.s32 s2, s11  }
0xf: {  	v0 =	vimm.f32 $0.0e+00;
	s11 =	sadd.s32 $0x2AE600, s12;
	s12 =	smax.u32 s13, $0x1;
	s13 =	simm.s32 $0x18700  }
.LBB2_1:
0x10: {  	s25 =	simm.s32 $0x20  }
0x11: {  	[tilespmem:s25+$0xFFFFFFE0] =	vst v0  }
0x12: {  	[tilespmem:s25+$0x10] =	vst v0  }
0x13: {  	s26 =	simm.s32 $0x0;
	[tilespmem:s25+$0x0] =	vst v0  }
.LBB2_2:
0x14: {  	s26 =	sadd.s32 $0x4, s26  }
0x15: {  	[tilespmem:s25+$0xFFFFFFF0] =	vst v0;
	s25 =	sadd.s32 $0x40, s25;
	p0 =	slt.u32 s26, $0x186C  }
.Ltmp0:
0x16: {  	[tilespmem:s25+$0xFFFFFFE0] =	vst v0;
	(pc) =	sbr.rel @p0 .LBB2_2-.Ltmp0, $3  }
0x17: {  	_ =	sdelay $0x1  }
0x18: {  	[tilespmem:s25+$0x10] =	vst v0  }
0x19: {  	[tilespmem:s25+$0x0] =	vst v0  }
0x1a: {  	[tilespmem:s25+$0xFFFFFFF0] =	vst v0;
	s25 =	simm.s32 $0x0  }
0x1b: {  	[tilespmem:s13], [sflag:$0x1] =	stream.linear.gather [hbm4b:s6+s25], $0xFA0, $0x38;
	[tilespmem:$0x1E700] =	vst v63  }
0x1c: {  	_ = 	snop  }
0x1d: {  	[tilespmem:s14], [sflag:$0x1] =	stream.linear.gather [hbm4b:s7+s25], $0xFA0, $0x38;
	[tilespmem:$0x1E700] =	vst v63  }
0x1e: {  	_ = 	snop  }
0x1f: {  	[tilespmem:s15], [sflag:$0x1] =	stream.linear.gather [hbm4b:s8+s25], $0xFA0, $0x38;
	[tilespmem:$0x1E700] =	vst v63  }
.LBB2_4:
0x20: {  	s26 =	smul.u32 $0x1F40, s25;
	_ =	sdelay $0x1  }
0x21: {  	s28 =	sadd.s32 s26, s9  }
0x22: {  	s28 =	sshrl.u32 s28, $0x3  }
0x23: {  	s29 =	sadd.s32 s4, s28  }
0x24: {  	[tilespmem:s16], [sflag:$0x2] =	stream.linear.gather [hbm4b:s29+s3], $0xFA0, $0x38;
	[tilespmem:$0x1E700] =	vst v63  }
0x25: {  	s29 =	sadd.s32 s5, s28  }
0x26: {  	[tilespmem:s17], [sflag:$0x2] =	stream.linear.gather [hbm4b:s29+s3], $0xFA0, $0x38;
	[tilespmem:$0x1E700] =	vst v63  }
0x27: {  	s28 =	sadd.s32 s2, s28  }
0x28: {  	[tilespmem:s18], [sflag:$0x2] =	stream.linear.gather [hbm4b:s28+s3], $0xFA0, $0x38;
	[tilespmem:$0x1E700] =	vst v63  }
0x29: {  	_ =	swait.ge [sflag:s19], $0xFA0  }
0x2a: {  	[sflag:s19] =	ssyncset.done $0x0  }
0x2b: {  	[sflag:s19] =	ssyncadd.s32 $0xFFFFF060  }
0x2c: {  	_ =	swait.ge [sflag:s19], $0xFA0  }
0x2d: {  	[sflag:s19] =	ssyncset.done $0x0  }
0x2e: {  	[sflag:s19] =	ssyncadd.s32 $0xFFFFF060  }
0x2f: {  	_ =	swait.ge [sflag:s19], $0xFA0  }
0x30: {  	s30 =	simm.s32 $0x18720;
	s31 =	simm.s32 $0x1A720;
	[sflag:s19] =	ssyncset.done $0x0  }
0x31: {  	s29 =	simm.s32 $0x19720;
	s28 =	simm.s32 $0xFFFFFFFC;
	[sflag:s19] =	ssyncadd.s32 $0xFFFFF060  }
.LBB2_5:
0x32: {  	v1 =	vld [tilespmem:s30+$0xFFFFFFE0];
	_ =	sdelay $0x2  }
0x33: {  	v2 =	vld [tilespmem:s31+$0xFFFFFFE0];
	_ =	sdelay $0x4  }
0x34: {  	[tilespmem:v1+s3+$0x0] =	vst.idx.add.f32.msk $0xffff, v2  }
0x35: {  	v1 =	vld [tilespmem:s29+$0xFFFFFFE0];
	_ =	sdelay $0x7  }
0x36: {  	[tilespmem:v1+s3+$0x0] =	vst.idx.add.f32.msk $0xffff, v2  }
0x37: {  	v1 =	vld [tilespmem:s30+$0xFFFFFFF0];
	_ =	sdelay $0x2  }
0x38: {  	v2 =	vld [tilespmem:s31+$0xFFFFFFF0];
	_ =	sdelay $0x4  }
0x39: {  	[tilespmem:v1+s3+$0x0] =	vst.idx.add.f32.msk $0xffff, v2  }
0x3a: {  	v1 =	vld [tilespmem:s29+$0xFFFFFFF0];
	_ =	sdelay $0x7  }
0x3b: {  	[tilespmem:v1+s3+$0x0] =	vst.idx.add.f32.msk $0xffff, v2  }
0x3c: {  	v1 =	vld [tilespmem:s30+$0x0];
	_ =	sdelay $0x2  }
0x3d: {  	v2 =	vld [tilespmem:s31+$0x0];
	_ =	sdelay $0x4  }
0x3e: {  	[tilespmem:v1+s3+$0x0] =	vst.idx.add.f32.msk $0xffff, v2  }
0x3f: {  	v1 =	vld [tilespmem:s29+$0x0];
	_ =	sdelay $0x7  }
0x40: {  	[tilespmem:v1+s3+$0x0] =	vst.idx.add.f32.msk $0xffff, v2  }
0x41: {  	v1 =	vld [tilespmem:s30+$0x10];
	_ =	sdelay $0x2  }
0x42: {  	v2 =	vld [tilespmem:s31+$0x10];
	_ =	sdelay $0x4  }
0x43: {  	[tilespmem:v1+s3+$0x0] =	vst.idx.add.f32.msk $0xffff, v2  }
0x44: {  	v1 =	vld [tilespmem:s29+$0x10];
	_ =	sdelay $0x1  }
0x45: {  	s28 =	sadd.s32 $0x4, s28  }
0x46: {  	p0 =	slt.u32 s28, $0xF4  }
.Ltmp1:
0x47: {  	_ = 	snop;
	(pc) =	sbr.rel @p0 .LBB2_5-.Ltmp1, $2  }
0x48: {  	_ =	sdelay $0x2  }
0x49: {  	s30 =	sadd.s32 $0x40, s30;
	s31 =	sadd.s32 $0x40, s31;
	s29 =	sadd.s32 $0x40, s29;
	[tilespmem:v1+s3+$0x0] =	vst.idx.add.f32.msk $0xffff, v2  }
0x4a: {  	v1 =	vld [tilespmem:$0x19680];
	_ =	sdelay $0x2  }
0x4b: {  	v2 =	vld [tilespmem:$0x1B680];
	_ =	sdelay $0x4  }
0x4c: {  	[tilespmem:v1+s3+$0x0] =	vst.idx.add.f32.msk $0xffff, v2  }
0x4d: {  	v1 =	vld [tilespmem:$0x1A680];
	_ =	sdelay $0x7  }
0x4e: {  	[tilespmem:v1+s3+$0x0] =	vst.idx.add.f32.msk $0xffff, v2  }
0x4f: {  	v1 =	vld [tilespmem:$0x19690];
	_ =	sdelay $0x2  }
0x50: {  	v2 =	vld [tilespmem:$0x1B690];
	_ =	sdelay $0x4  }
0x51: {  	[tilespmem:v1+s3+$0x0] =	vst.idx.add.f32.msk $0xffff, v2  }
0x52: {  	v1 =	vld [tilespmem:$0x1A690];
	_ =	sdelay $0x4  }
0x53: {  	p0 =	seq.s32 s25, $0x18  }
0x54: {  	s26 =	sadd.s32 @!p0 s26, s10  }
0x55: {  	s26 =	sshrl.u32 @!p0 s26, $0x3  }
0x56: {  	s29 =	simm.s32 @!p0 $0x0;
	s30 =	simm.s32 @!p0 $0x18700;
	s28 =	sadd.s32 @!p0 s4, s26;
	[tilespmem:v1+s3+$0x0] =	vst.idx.add.f32.msk $0xffff, v2  }
0x57: {  	[tilespmem:s30], [sflag:$0x1] =	stream.linear.gather @!p0 [hbm4b:s28+s29], $0xFA0, $0x38;
	[tilespmem:$0x1E700] =	vst v63  }
0x58: {  	s28 =	sadd.s32 @!p0 s5, s26;
	s30 =	simm.s32 @!p0 $0x19700  }
0x59: {  	[tilespmem:s30], [sflag:$0x1] =	stream.linear.gather @!p0 [hbm4b:s28+s29], $0xFA0, $0x38;
	[tilespmem:$0x1E700] =	vst v63  }
0x5a: {  	s26 =	sadd.s32 @!p0 s2, s26;
	s28 =	simm.s32 @!p0 $0x1A700  }
0x5b: {  	[tilespmem:s28], [sflag:$0x1] =	stream.linear.gather @!p0 [hbm4b:s26+s29], $0xFA0, $0x38;
	[tilespmem:$0x1E700] =	vst v63  }
0x5c: {  	_ =	swait.ge [sflag:s20], $0xFA0  }
0x5d: {  	[sflag:s20] =	ssyncset.done $0x0  }
0x5e: {  	[sflag:s20] =	ssyncadd.s32 $0xFFFFF060  }
0x5f: {  	_ =	swait.ge [sflag:s20], $0xFA0  }
0x60: {  	[sflag:s20] =	ssyncset.done $0x0  }
0x61: {  	[sflag:s20] =	ssyncadd.s32 $0xFFFFF060  }
0x62: {  	s25 =	sadd.s32 $0x1, s25;
	_ =	swait.ge [sflag:s20], $0xFA0  }
0x63: {  	s30 =	simm.s32 $0x1D720;
	s26 =	simm.s32 $0xFFFFFFFC;
	[sflag:s20] =	ssyncset.done $0x0  }
0x64: {  	s28 =	simm.s32 $0x1C720;
	s29 =	simm.s32 $0x1B720;
	[sflag:s20] =	ssyncadd.s32 $0xFFFFF060  }
.LBB2_7:
0x65: {  	v1 =	vld [tilespmem:s29+$0xFFFFFFE0];
	_ =	sdelay $0x2  }
0x66: {  	v2 =	vld [tilespmem:s30+$0xFFFFFFE0];
	_ =	sdelay $0x4  }
0x67: {  	[tilespmem:v1+s3+$0x0] =	vst.idx.add.f32.msk $0xffff, v2  }
0x68: {  	v1 =	vld [tilespmem:s28+$0xFFFFFFE0];
	_ =	sdelay $0x7  }
0x69: {  	[tilespmem:v1+s3+$0x0] =	vst.idx.add.f32.msk $0xffff, v2  }
0x6a: {  	v1 =	vld [tilespmem:s29+$0xFFFFFFF0];
	_ =	sdelay $0x2  }
0x6b: {  	v2 =	vld [tilespmem:s30+$0xFFFFFFF0];
	_ =	sdelay $0x4  }
0x6c: {  	[tilespmem:v1+s3+$0x0] =	vst.idx.add.f32.msk $0xffff, v2  }
0x6d: {  	v1 =	vld [tilespmem:s28+$0xFFFFFFF0];
	_ =	sdelay $0x7  }
0x6e: {  	[tilespmem:v1+s3+$0x0] =	vst.idx.add.f32.msk $0xffff, v2  }
0x6f: {  	v1 =	vld [tilespmem:s29+$0x0];
	_ =	sdelay $0x2  }
0x70: {  	v2 =	vld [tilespmem:s30+$0x0];
	_ =	sdelay $0x4  }
0x71: {  	[tilespmem:v1+s3+$0x0] =	vst.idx.add.f32.msk $0xffff, v2  }
0x72: {  	v1 =	vld [tilespmem:s28+$0x0];
	_ =	sdelay $0x7  }
0x73: {  	[tilespmem:v1+s3+$0x0] =	vst.idx.add.f32.msk $0xffff, v2  }
0x74: {  	v1 =	vld [tilespmem:s29+$0x10];
	_ =	sdelay $0x2  }
0x75: {  	v2 =	vld [tilespmem:s30+$0x10];
	_ =	sdelay $0x4  }
0x76: {  	[tilespmem:v1+s3+$0x0] =	vst.idx.add.f32.msk $0xffff, v2  }
0x77: {  	v1 =	vld [tilespmem:s28+$0x10];
	_ =	sdelay $0x1  }
0x78: {  	s26 =	sadd.s32 $0x4, s26  }
0x79: {  	p0 =	slt.u32 s26, $0xF4  }
.Ltmp2:
0x7a: {  	_ = 	snop;
	(pc) =	sbr.rel @p0 .LBB2_7-.Ltmp2, $2  }
0x7b: {  	_ =	sdelay $0x2  }
0x7c: {  	s29 =	sadd.s32 $0x40, s29;
	s30 =	sadd.s32 $0x40, s30;
	s28 =	sadd.s32 $0x40, s28;
	[tilespmem:v1+s3+$0x0] =	vst.idx.add.f32.msk $0xffff, v2  }
0x7d: {  	v1 =	vld [tilespmem:$0x1C680];
	_ =	sdelay $0x2  }
0x7e: {  	v2 =	vld [tilespmem:$0x1E680];
	_ =	sdelay $0x4  }
0x7f: {  	[tilespmem:v1+s3+$0x0] =	vst.idx.add.f32.msk $0xffff, v2  }
0x80: {  	v1 =	vld [tilespmem:$0x1D680];
	_ =	sdelay $0x7  }
0x81: {  	[tilespmem:v1+s3+$0x0] =	vst.idx.add.f32.msk $0xffff, v2  }
0x82: {  	v1 =	vld [tilespmem:$0x1C690];
	_ =	sdelay $0x2  }
0x83: {  	v2 =	vld [tilespmem:$0x1E690];
	_ =	sdelay $0x4  }
0x84: {  	[tilespmem:v1+s3+$0x0] =	vst.idx.add.f32.msk $0xffff, v2  }
0x85: {  	v1 =	vld [tilespmem:$0x1D690];
	_ =	sdelay $0x2  }
0x86: {  	p0 =	sne.s32 s25, $0x19  }
.Ltmp3:
0x87: {  	_ = 	snop;
	(pc) =	sbr.rel @p0 .LBB2_4-.Ltmp3, $2  }
0x88: {  	_ =	sdelay $0x2  }
0x89: {  	[tilespmem:v1+s3+$0x0] =	vst.idx.add.f32.msk $0xffff, v2  }
0x8a: {  	s24 =	sadd.s32 $0x1, s24  }
0x8b: {  	p0 =	sne.s32 s24, s12  }
.Ltmp4:
0x8c: {  	_ = 	snop;
	(pc) =	sbr.rel @p0 .LBB2_1-.Ltmp4, $4  }
0x8d: {  	[hbm4b:s11+s21] =	stream.strided.scatter [tilespmem:s3], [sflag:$0x3], $0x18700, s22, s21, $0x38;
	[tilespmem:$0x1E700] =	vst v63  }
0x8e: {  	_ =	swait.ge [sflag:s23], $0x18700  }
0x8f: {  	[sflag:s23] =	ssyncset.done $0x0  }
0x90: {  	[sflag:s23] =	ssyncadd.s32 $0xFFFE7900  }
0x91: {  	_ =	sfence.sel $0x180000  }
0x92: {  	[bflag:$0x0] =	sbarrier.arrive $0xFFFF  }
0x93: {  	p0 =	sne.s32 s1, $0x0;
	_ =	strace $0x9000004D  }
0x94: {  	s0 =	sadd.s32 @!p0 $0x100000, s0;
	[bflag:$0x2] =	sbarrier.arrive $0xFFFF  }
0x95: {  	[sflag:s0] =	ssyncadd.tile.s32 @!p0 $0x1;
	_ =	shalt  }
.Lfunc_end2:
_tile_overlayer_lowered:
.L_overlay_start_2:
0x96: {  	(tag) =	ssettag $0x2  }
0x97: {  	s0 =	rddreg [dreg:$0x0];
	s2 =	stileid.u32  }
0x98: {  	s1 =	rddreg [dreg:$0x1];
	p0 =	sne.s32 s2, $0x0  }
0x99: {  	s3 =	rddreg [dreg:$0x2];
	[bflag:$0x3] =	sbarrier.arrive $0xFFFF;
	s2 =	simm.s32 @!p0 $0x1C03  }
0x9a: {  	[timem:s3], [sflag:s2] =	dma.local @!p0 [hbm:s0], s1  }
0x9b: {  	s0 =	simm.s32 @!p0 $0x3  }
0x9c: {  	_ =	swait.ge @!p0 [sflag:s0], s1  }
0x9d: {  	s1 =	ssub.s32 @!p0 $0x0, s1;
	[sflag:s0] =	ssyncset.done @!p0 $0x0  }
0x9e: {  	[sflag:s0] =	ssyncadd.s32 @!p0 s1  }
0x9f: {  	[bflag:$0x3] =	sbarrier.arrive $0xFFFF  }
0xa0: {  	_ =	shalt  }

// kernel: kernel.22.cloned.1.call-start
scs
__scs_entry_jumppad:
0x0: {  	(pc) =	sbr.rel $0x88, $3  }
0x1: {  	(tag) =	ssettag $0x0;
	lr =	simm.s32 $0x1  }
0x2: {  	[smem:$0x3F9C] =	sst lr;
	_ =	strace $0xD0000000  }
0x3: {  	_ = 	snop  }
0x4: {  	_ = 	snop  }
0x5: {  	_ = 	snop  }
0x6: {  	_ = 	snop  }
0x7: {  	_ = 	snop  }
__scs_overlays_trampoline_lowered:
0x8: {  	[smem:$0x3FAB] =	sst s0  }
0x9: {  	[smem:$0x3FAC] =	sst s1  }
0xa: {  	[smem:$0x3FAD] =	sst s2  }
0xb: {  	[smem:$0x3FAE] =	sst s3  }
0xc: {  	[smem:$0x3FAF] =	sst s4  }
0xd: {  	[smem:$0x3FB0] =	sst s5  }
0xe: {  	[smem:$0x3FB1] =	sst s6  }
0xf: {  	[smem:$0x3FB2] =	sst s7  }
0x10: {  	[smem:$0x3FB3] =	sst s8  }
0x11: {  	[smem:$0x3FB4] =	sst s9;
	s0 =	simm.s32 @!p0 $0x0  }
0x12: {  	s1 =	sld [smem:$0x3F9A];
	s0 =	simm.s32 @p0 $0x1  }
0x13: {  	[smem:$0x3FB5] =	sst s0;
	s0 =	simm.s32 @!p1 $0x0  }
0x14: {  	s2 =	sld [smem:$0x3F99];
	s0 =	simm.s32 @p1 $0x1  }
0x15: {  	[smem:$0x3FB6] =	sst s0;
	s0 =	simm.s32 @!p2 $0x0  }
0x16: {  	s3 =	sld [smem:$0x3FDB];
	s0 =	simm.s32 @p2 $0x1  }
0x17: {  	s4 =	simm.s32 $0x1BF5;
	[smem:$0x3FB8] =	sst s0  }
0x18: {  	s0 =	sld [smem:$0x3F9B];
	_ =	swait.ge [sflag:s4], $0x0  }
0x19: {  	s7 =	sld [smem:$0x3F9C]  }
0x1a: {  	s8 =	sadd.s32 $0xFFFFE003, lr  }
0x1b: {  	s9 =	sadd.s32 $0xFFFFFEF7, lr;
	s5 =	simm.s32 $0xFFFFFFFF;
	p2 =	slt.u32 s8, $0xFFFFF086  }
0x1c: {  	p1 =	slt.u32 s9, $0xF7A;
	s5 =	simm.s32 @!p2 $0x0  }
0x1d: {  	s5 =	simm.s32 @p1 $0x1;
	p0 =	seq.s32 s7, s2  }
0x1e: {  	s7 =	smul.u32 @!p0 $0xF7A, s2;
	p2 =	seq.s32 @!p0 s5, $0x0  }
0x1f: {  	s9 =	smul.u32 $0xF7A, s1;
	s8 =	simm.s32 @!p0 $0x1BF5;
	p2 =	por !p2, p0  }
0x20: {  	[sflag:s8] =	ssyncset.s32 @!p0 $0xFFFFF086;
	s6 =	sadd.s32 @!p0 s3, s7;
	s7 =	simm.s32 @!p0 $0x108  }
0x21: {  	s3 =	sadd.s32 s3, s9;
	s6 =	sadd.s32 @!p0 $0x88, s6;
	s7 =	simm.s32 @p2 $0x1082  }
0x22: {  	[simem:s7], [sflag:s8] =	dma.local @!p0 [hbm:s6], $0xF7A  }
0x23: {  	s9 =	sor.u32 $0xD0000000, s2;
	s6 =	simm.s32 $0x108;
	_ =	swait.ge @!p0 [sflag:s8], $0x0  }
0x24: {  	s3 =	sadd.s32 $0x88, s3;
	s6 =	simm.s32 @!p1 $0x1082;
	[sflag:s4] =	ssyncset.s32 $0xFFFFF086  }
0x25: {  	[simem:s6], [sflag:s4] =	dma.local [hbm:s3], $0xF7A  }
0x26: {  	[smem:$0x3F9C] =	sst s1;
	(tag) =	ssettag s2;
	_ =	strace s9  }
0x27: {  	s1 =	sld [smem:$0x3FAC]  }
0x28: {  	s2 =	sld [smem:$0x3FAD]  }
0x29: {  	s4 =	sld [smem:$0x3FAF]  }
0x2a: {  	p0 =	seq.s32 s5, $0x0;
	s5 =	sld [smem:$0x3FB0]  }
0x2b: {  	s6 =	sld [smem:$0x3FB1]  }
0x2c: {  	s7 =	sld [smem:$0x3FB2]  }
0x2d: {  	s3 =	simm.s32 $0x108;
	s8 =	sld [smem:$0x3FB3]  }
0x2e: {  	s3 =	simm.s32 @!p0 $0x1082;
	s9 =	sld [smem:$0x3FB4]  }
0x2f: {  	lr =	sadd.s32 s0, s3;
	s0 =	sld [smem:$0x3FAB]  }
0x30: {  	s3 =	sld [smem:$0x3FAE]  }
0x31: {  	[smem:$0x3FB7] =	sst s10  }
0x32: {  	s10 =	sld [smem:$0x3FB5];
	_ =	sdelay $0x3  }
0x33: {  	p0 =	seq.s32 s10, $0x1;
	s10 =	sld [smem:$0x3FB7];
	_ =	sdelay $0x3  }
0x34: {  	[smem:$0x3FB7] =	sst s10  }
0x35: {  	s10 =	sld [smem:$0x3FB6];
	_ =	sdelay $0x3  }
0x36: {  	p1 =	seq.s32 s10, $0x1;
	s10 =	sld [smem:$0x3FB7];
	_ =	sdelay $0x3  }
0x37: {  	[smem:$0x3FB7] =	sst s10  }
0x38: {  	s10 =	sld [smem:$0x3FB8]  }
0x39: {  	_ = 	snop;
	(pc) =	sbr.ind lr, $3  }
0x3a: {  	_ = 	snop  }
0x3b: {  	_ = 	snop  }
0x3c: {  	p2 =	seq.s32 s10, $0x1;
	s10 =	sld [smem:$0x3FB7]  }
0x3d: {  	_ =	shalt  }
0x3e: {  	_ =	shalt  }
0x3f: {  	_ =	shalt  }
0x40: {  	_ =	shalt  }
0x41: {  	_ =	shalt  }
0x42: {  	_ =	shalt  }
0x43: {  	_ =	shalt  }
0x44: {  	_ =	shalt  }
0x45: {  	_ =	shalt  }
0x46: {  	_ =	shalt  }
0x47: {  	_ =	shalt  }
0x48: {  	_ =	shalt  }
0x49: {  	_ =	shalt  }
0x4a: {  	_ =	shalt  }
0x4b: {  	_ =	shalt  }
0x4c: {  	_ =	shalt  }
0x4d: {  	_ =	shalt  }
0x4e: {  	_ =	shalt  }
0x4f: {  	_ =	shalt  }
0x50: {  	_ =	shalt  }
0x51: {  	_ =	shalt  }
0x52: {  	_ =	shalt  }
0x53: {  	_ =	shalt  }
0x54: {  	_ =	shalt  }
0x55: {  	_ =	shalt  }
0x56: {  	_ =	shalt  }
0x57: {  	_ =	shalt  }
0x58: {  	_ =	shalt  }
0x59: {  	_ =	shalt  }
0x5a: {  	_ =	shalt  }
0x5b: {  	_ =	shalt  }
0x5c: {  	_ =	shalt  }
0x5d: {  	_ =	shalt  }
0x5e: {  	_ =	shalt  }
0x5f: {  	_ =	shalt  }
0x60: {  	_ =	shalt  }
0x61: {  	_ =	shalt  }
0x62: {  	_ =	shalt  }
0x63: {  	_ =	shalt  }
0x64: {  	_ =	shalt  }
0x65: {  	_ =	shalt  }
0x66: {  	_ =	shalt  }
0x67: {  	_ =	shalt  }
0x68: {  	_ =	shalt  }
0x69: {  	_ =	shalt  }
0x6a: {  	_ =	shalt  }
0x6b: {  	_ =	shalt  }
0x6c: {  	_ =	shalt  }
0x6d: {  	_ =	shalt  }
0x6e: {  	_ =	shalt  }
0x6f: {  	_ =	shalt  }
0x70: {  	_ =	shalt  }
0x71: {  	_ =	shalt  }
0x72: {  	_ =	shalt  }
0x73: {  	_ =	shalt  }
0x74: {  	_ =	shalt  }
0x75: {  	_ =	shalt  }
0x76: {  	_ =	shalt  }
0x77: {  	_ =	shalt  }
0x78: {  	_ =	shalt  }
0x79: {  	_ =	shalt  }
0x7a: {  	_ =	shalt  }
0x7b: {  	_ =	shalt  }
0x7c: {  	_ =	shalt  }
0x7d: {  	_ =	shalt  }
0x7e: {  	_ =	shalt  }
0x7f: {  	_ =	shalt  }
0x80: {  	_ =	shalt  }
0x81: {  	_ =	shalt  }
0x82: {  	_ =	shalt  }
0x83: {  	_ =	shalt  }
0x84: {  	_ =	shalt  }
0x85: {  	_ =	shalt  }
0x86: {  	_ =	shalt  }
0x87: {  	_ =	shalt  }
.Lfunc_end0:
.L_simem_size_0:
called_computation.3_lowered:
.L_overlay_start_0:
0x88: {  	s2 =	sld [smem:$0x3FD9]  }
0x89: {  	s3 =	sld [smem:$0x3FFE];
	_ =	sdelay $0x1  }
0x8a: {  	s1 =	srdreg.scid  }
0x8b: {  	s0 =	sand.u32 $0x1, s1  }
0x8c: {  	s14 =	sshll.u32 s0, $0xA;
	s2 =	sadd.s32 s3, s2  }
0x8d: {  	s2 =	sadd.s32 s2, s14  }
0x8e: {  	[smem:$0x3FC3] =	sst s2  }
0x8f: {  	_ = 	snop  }
0x90: {  	s2 =	sld [smem:$0x3FD0];
	_ =	sdelay $0x2  }
0x91: {  	s15 =	simm.s32 $0xB;
	s4 =	simm.s32 $0x10  }
0x92: {  	[smem:s4], [sflag:s15] =	dma.local [hbm:s2], $0x1  }
0x93: {  	_ =	swait.eq [sflag:s15], $0x1  }
0x94: {  	[sflag:s15] =	ssyncset.done $0x0  }
0x95: {  	[sflag:s15] =	ssyncadd.s32 $0xFFFFFFFF  }
0x96: {  	s16 =	sld [smem:$0x11];
	(tm) =	ssettm $0x1  }
0x97: {  	s17 =	sld [smem:$0x3FFB];
	_ =	sdelay $0x3  }
0x98: {  	_ =	strace s17  }
0x99: {  	s3 =	sld [smem:$0x3FFC];
	_ =	sdelay $0x3  }
0x9a: {  	_ =	strace s3  }
0x9b: {  	s3 =	sld [smem:$0x3FFD];
	_ =	sdelay $0x3  }
0x9c: {  	_ =	strace s3  }
0x9d: {  	_ =	strace $0x8FFFFFFF  }
0x9e: {  	s18 =	sld [smem:$0x3FDB];
	_ =	sdelay $0x1  }
0x9f: {  	s19 =	simm.s32 $_scs_section_size  }
0xa0: {  	s5 =	simm.s32 $_size__tile_overlayer_lowered;
	s6 =	simm.s32 $_tile_overlayer_lowered  }
0xa1: {  	s22 =	simm.s32 $0x1BFF;
	s21 =	sshll.u32 s6, $0x1;
	s3 =	sadd.s32 s19, s18  }
0xa2: {  	s7 =	simm.s32 $0x0;
	s20 =	sshll.u32 s5, $0x1;
	s5 =	sadd.s32 s21, s3  }
0xa3: {  	[timem:s7], [sflag:s22] =	dma.local [hbm:s5], s20  }
0xa4: {  	_ =	swait.ge [sflag:s22], s20  }
0xa5: {  	s4 =	ssub.s32 $0x0, s20;
	[sflag:s22] =	ssyncset.done $0x0  }
0xa6: {  	[sflag:s22] =	ssyncadd.s32 s4;
	_ =	sdelay $0x1  }
0xa7: {  	s23 =	simm.s32 $0x1B8B  }
0xa8: {  	_ =	swait.ge [sflag:s23], $0x1  }
0xa9: {  	[sflag:s23] =	ssyncset.done $0x0  }
0xaa: {  	s25 =	simm.s32 $0x1B8E;
	s24 =	sld [smem:$0x3FFE];
	[sflag:s23] =	ssyncadd.s32 $0xFFFFFFFF  }
0xab: {  	s26 =	simm.s32 $execute0_lowered;
	[smem:$0x3FD2] =	sst s25  }
0xac: {  	s5 =	sshll.u32 s26, $0x1;
	_ =	strace $0x8000004F;
	[dreg:$0x1] =	wrdreg $0xFFFFFFFF  }
0xad: {  	s28 =	simm.s32 $_size_execute0_lowered;
	s3 =	sadd.s32 s3, s5;
	[dreg:$0x0] =	wrdreg $0x0  }
0xae: {  	s5 =	sshll.u32 s28, $0x1;
	[dreg:$0x2] =	wrdreg s3  }
0xaf: {  	[dreg:$0x3] =	wrdreg s5  }
0xb0: {  	[dreg:$0x4] =	wrdreg $0xC0  }
0xb1: {  	_ =	task [dreg:s7], $0x5FFFF  }
0xb2: {  	[dreg:$0x1] =	wrdreg $0xFFFFFFFF  }
0xb3: {  	[dreg:$0x0] =	wrdreg $0x60  }
0xb4: {  	[dreg:$0x2] =	wrdreg s24  }
0xb5: {  	[dreg:$0x3] =	wrdreg s16  }
0xb6: {  	[dreg:$0x4] =	wrdreg $0x9  }
0xb7: {  	_ =	task.clear_ibuf [dreg:s7], $0x5FFFF;
	_ =	strace $0x9000004F  }
0xb8: {  	s29 =	simm.s32 $0x9;
	_ =	strace $0x80000051  }
0xb9: {  	_ =	swait.ge [sflag:s29], $0x1  }
0xba: {  	[sflag:s29] =	ssyncadd.s32 $0xFFFFFFFF  }
0xbb: {  	_ =	strace $0x90000051  }
0xbc: {  	_ =	sfence  }
0xbd: {  	s30 =	sld [smem:$0x0];
	_ =	sdelay $0x2  }
0xbe: {  	s31 =	sshll.u32 s1, $0xD;
	s1 =	sshrl.u32 s1, $0x2  }
0xbf: {  	s3 =	sand.u32 $0x4000, s31;
	s1 =	sadd.s32 s1, s30  }
0xc0: {  	s0 =	sor.u32 s3, s0;
	s1 =	sshll.u32 s1, $0x11  }
0xc1: {  	s0 =	sor.u32 s1, s0  }
0xc2: {  	s0 =	sadd.s32 $0x8F2B, s0  }
0xc3: {  	[sflag:s0] =	ssyncadd.remote.s32 $0x1  }
0xc4: {  	_ =	sfence.sel $0xFFFF  }
0xc5: {  	[dreg:$0x0] =	wrdreg $0xFFFFFFFF;
	(pc) =	sbr.abs _section_cstart, $3  }
0xc6: {  	[dreg:$0x1] =	wrdreg $0xFFFFFFFF  }
0xc7: {  	_ =	task.clear_ibuf [dreg:s7], $0x2FFFF;
	_ =	strace $0x9FFFFFFF  }
0xc8: {  	(tm) =	ssettm $0x7FFFFFFF  }
0xc9: {  	_ =	shalt  }
tec
execute0_lowered:
.L_overlay_start_1:
0x0: {  	(tag) =	ssettag $0x1  }
0x1: {  	s0 =	rddreg [dreg:$0x0]  }
0x2: {  	s1 =	rddreg [dreg:$0x1]  }
0x3: {  	s2 =	srdreg.scid;
	s3 =	simm.s32 $0x0;
	s5 =	stileid.u32  }
0x4: {  	s16 =	simm.s32 $0x3;
	s21 =	simm.s32 $0x1A780;
	s22 =	simm.s32 $0x1AF80  }
0x5: {  	s23 =	simm.s32 $0x1B780;
	s24 =	simm.s32 $0x1;
	s25 =	simm.s32 $0x19F80  }
0x6: {  	s26 =	simm.s32 $0x2;
	s28 =	simm.s32 $0x1BF80;
	s29 =	simm.s32 $0x0  }
0x7: {  	s2 =	sand.u32 $0x1, s2;
	[smem:$0x7FF] =	sst s3;
	s6 =	sadd.s32 $0xC5C00, s0  }
0x8: {  	s7 =	sadd.s32 $0x24CA00, s0;
	s4 =	sshll.u32 s2, $0x4;
	s2 =	ssub.s32 $0x2, s2  }
0x9: {  	s8 =	sadd.s32 $0x24C800, s0;
	s5 =	sor.u32 s5, s4;
	s10 =	sshrl.u32 s2, $0x1  }
0xa: {  	s9 =	sadd.s32 $0x310400, s0;
	s5 =	smul.u32 $0x30D40, s5;
	s31 =	ssub.s32 s2, s10  }
0xb: {  	_ =	strace $0x80000050;
	s4 =	sadd.s32 $0x189200, s0;
	s15 =	smax.u32 s31, $0x1  }
0xc: {  	s12 =	sshrl.u32 s5, $0x3;
	s13 =	sadd.s32 $0x7D0, s5;
	s14 =	sadd.s32 $0xFA0, s5  }
0xd: {  	s10 =	sadd.s32 s4, s12;
	s11 =	sadd.s32 s6, s12;
	s12 =	sadd.s32 s1, s12  }
.LBB2_1:
0xe: {  	[tilespmem:s3], [sflag:$0x3] =	stream.linear.gather [hbm4b:s7+s3], $0x18700, $0x38;
	[tilespmem:$0x1C780] =	vst v63  }
0xf: {  	_ =	swait.ge [sflag:s16], $0x18700  }
0x10: {  	[sflag:s16] =	ssyncset.done $0x0  }
0x11: {  	s0 =	simm.s32 $0x18700;
	[sflag:s16] =	ssyncadd.s32 $0xFFFE7900  }
0x12: {  	[tilespmem:s0], [sflag:$0x3] =	stream.linear.gather [hbm4b:s8+s3], $0x80, $0x38;
	[tilespmem:$0x1C780] =	vst v63  }
0x13: {  	_ =	swait.ge [sflag:s16], $0x80  }
0x14: {  	[sflag:s16] =	ssyncset.done $0x0  }
0x15: {  	s19 =	simm.s32 $0x18780;
	[sflag:s16] =	ssyncadd.s32 $0xFFFFFF80  }
0x16: {  	[tilespmem:s19], [sflag:$0x1] =	stream.linear.gather [hbm4b:s10+s3], $0x7D0, $0x38;
	[tilespmem:$0x1C780] =	vst v63  }
0x17: {  	s20 =	simm.s32 $0x18F80  }
0x18: {  	[tilespmem:s20], [sflag:$0x1] =	stream.linear.gather [hbm4b:s11+s3], $0x7D0, $0x38;
	[tilespmem:$0x1C780] =	vst v63  }
0x19: {  	s30 =	simm.s32 $0x19780;
	s31 =	simm.s32 $0x0  }
0x1a: {  	[tilespmem:s30], [sflag:$0x1] =	stream.linear.gather [hbm4b:s12+s3], $0x7D0, $0x38;
	[tilespmem:$0x1C780] =	vst v63  }
.LBB2_2:
0x1b: {  	s0 =	smul.u32 $0xFA0, s31;
	_ =	sdelay $0x1  }
0x1c: {  	s2 =	sadd.s32 s0, s13  }
0x1d: {  	s30 =	sshrl.u32 s2, $0x3  }
0x1e: {  	s2 =	sadd.s32 s4, s30  }
0x1f: {  	[tilespmem:s21], [sflag:$0x2] =	stream.linear.gather [hbm4b:s2+s3], $0x7D0, $0x38;
	[tilespmem:$0x1C780] =	vst v63  }
0x20: {  	s19 =	sadd.s32 s6, s30  }
0x21: {  	[tilespmem:s22], [sflag:$0x2] =	stream.linear.gather [hbm4b:s19+s3], $0x7D0, $0x38;
	[tilespmem:$0x1C780] =	vst v63  }
0x22: {  	s20 =	sadd.s32 s1, s30  }
0x23: {  	[tilespmem:s23], [sflag:$0x2] =	stream.linear.gather [hbm4b:s20+s3], $0x7D0, $0x38;
	[tilespmem:$0x1C780] =	vst v63  }
0x24: {  	_ =	swait.ge [sflag:s24], $0x7D0  }
0x25: {  	[sflag:s24] =	ssyncset.done $0x0  }
0x26: {  	[sflag:s24] =	ssyncadd.s32 $0xFFFFF830  }
0x27: {  	_ =	swait.ge [sflag:s24], $0x7D0  }
0x28: {  	[sflag:s24] =	ssyncset.done $0x0  }
0x29: {  	[sflag:s24] =	ssyncadd.s32 $0xFFFFF830  }
0x2a: {  	_ =	swait.ge [sflag:s24], $0x7D0  }
0x2b: {  	[sflag:s24] =	ssyncset.done $0x0  }
0x2c: {  	s17 =	simm.s32 $0x187C0;
	s18 =	simm.s32 $0x18FC0;
	[sflag:s24] =	ssyncadd.s32 $0xFFFFF830  }
0x2d: {  	s2 =	simm.s32 $0xFFFFFFF8;
	s19 =	simm.s32 $0x197C0;
	s20 =	simm.s32 $0x19FC0;
	v0 =	vld [tilespmem:$0x18700]  }
.LBB2_3:
0x2e: {  	v1 =	vld [tilespmem:s17+$0xFFFFFFC0]  }
0x2f: {  	v2 =	vld [tilespmem:s18+$0xFFFFFFC0];
	_ =	sdelay $0x6  }
0x30: {  	v1 =	vld.idx.msk [tilespmem:v1+s3+$0x0], $0xffff  }
0x31: {  	v2 =	vld.idx.msk [tilespmem:v2+s3+$0x0], $0xffff;
	_ =	sdelay $0x4  }
0x32: {  	v1 =	vmax.f32 v1, v2;
	v2 =	vld [tilespmem:s19+$0xFFFFFFC0]  }
0x33: {  	v1 =	vmul.f32 v1, v0;
	_ =	sdelay $0x1  }
0x34: {  	v1 =	vadd.f32 $1.000000000e+00, v1;
	_ =	sdelay $0x1  }
0x35: {  	v1 =	vmul.f32 v1, v2;
	v2 =	vsub.f32 $1.000000000e+00, v2;
	_ =	sdelay $0x1  }
0x36: {  	v2 =	vadd.f32 v1, v2;
	_ =	sdelay $0x1  }
0x37: {  	(erf) = vrcp.f32 v2;
	_ =	sdelay $0x8  }
0x38: {  	v2 =	vpop (erf)  }
0x39: {  	v1 =	vmul.f32 v2, v1;
	_ =	sdelay $0x1  }
0x3a: {  	[tilespmem:s20+$0xFFFFFFC0] =	vst v1  }
0x3b: {  	v1 =	vld [tilespmem:s17+$0xFFFFFFD0]  }
0x3c: {  	v2 =	vld [tilespmem:s18+$0xFFFFFFD0];
	_ =	sdelay $0x6  }
0x3d: {  	v1 =	vld.idx.msk [tilespmem:v1+s3+$0x0], $0xffff  }
0x3e: {  	v2 =	vld.idx.msk [tilespmem:v2+s3+$0x0], $0xffff;
	_ =	sdelay $0x4  }
0x3f: {  	v1 =	vmax.f32 v1, v2;
	v2 =	vld [tilespmem:s19+$0xFFFFFFD0]  }
0x40: {  	v1 =	vmul.f32 v1, v0;
	_ =	sdelay $0x1  }
0x41: {  	v1 =	vadd.f32 $1.000000000e+00, v1;
	_ =	sdelay $0x1  }
0x42: {  	v1 =	vmul.f32 v1, v2;
	v2 =	vsub.f32 $1.000000000e+00, v2;
	_ =	sdelay $0x1  }
0x43: {  	v2 =	vadd.f32 v1, v2;
	_ =	sdelay $0x1  }
0x44: {  	(erf) = vrcp.f32 v2;
	_ =	sdelay $0x8  }
0x45: {  	v2 =	vpop (erf)  }
0x46: {  	v1 =	vmul.f32 v2, v1;
	_ =	sdelay $0x1  }
0x47: {  	[tilespmem:s20+$0xFFFFFFD0] =	vst v1  }
0x48: {  	v1 =	vld [tilespmem:s17+$0xFFFFFFE0]  }
0x49: {  	v2 =	vld [tilespmem:s18+$0xFFFFFFE0];
	_ =	sdelay $0x6  }
0x4a: {  	v1 =	vld.idx.msk [tilespmem:v1+s3+$0x0], $0xffff  }
0x4b: {  	v2 =	vld.idx.msk [tilespmem:v2+s3+$0x0], $0xffff;
	_ =	sdelay $0x4  }
0x4c: {  	v1 =	vmax.f32 v1, v2;
	v2 =	vld [tilespmem:s19+$0xFFFFFFE0]  }
0x4d: {  	v1 =	vmul.f32 v1, v0;
	_ =	sdelay $0x1  }
0x4e: {  	v1 =	vadd.f32 $1.000000000e+00, v1;
	_ =	sdelay $0x1  }
0x4f: {  	v1 =	vmul.f32 v1, v2;
	v2 =	vsub.f32 $1.000000000e+00, v2;
	_ =	sdelay $0x1  }
0x50: {  	v2 =	vadd.f32 v1, v2;
	_ =	sdelay $0x1  }
0x51: {  	(erf) = vrcp.f32 v2;
	_ =	sdelay $0x8  }
0x52: {  	v2 =	vpop (erf)  }
0x53: {  	v1 =	vmul.f32 v2, v1;
	_ =	sdelay $0x1  }
0x54: {  	[tilespmem:s20+$0xFFFFFFE0] =	vst v1  }
0x55: {  	v1 =	vld [tilespmem:s17+$0xFFFFFFF0]  }
0x56: {  	v2 =	vld [tilespmem:s18+$0xFFFFFFF0];
	_ =	sdelay $0x6  }
0x57: {  	v1 =	vld.idx.msk [tilespmem:v1+s3+$0x0], $0xffff  }
0x58: {  	v2 =	vld.idx.msk [tilespmem:v2+s3+$0x0], $0xffff;
	_ =	sdelay $0x4  }
0x59: {  	v1 =	vmax.f32 v1, v2;
	v2 =	vld [tilespmem:s19+$0xFFFFFFF0]  }
0x5a: {  	v1 =	vmul.f32 v1, v0;
	_ =	sdelay $0x1  }
0x5b: {  	v1 =	vadd.f32 $1.000000000e+00, v1;
	_ =	sdelay $0x1  }
0x5c: {  	v1 =	vmul.f32 v1, v2;
	v2 =	vsub.f32 $1.000000000e+00, v2;
	_ =	sdelay $0x1  }
0x5d: {  	v2 =	vadd.f32 v1, v2;
	_ =	sdelay $0x1  }
0x5e: {  	(erf) = vrcp.f32 v2;
	_ =	sdelay $0x8  }
0x5f: {  	v2 =	vpop (erf)  }
0x60: {  	v1 =	vmul.f32 v2, v1;
	_ =	sdelay $0x1  }
0x61: {  	[tilespmem:s20+$0xFFFFFFF0] =	vst v1  }
0x62: {  	v1 =	vld [tilespmem:s17+$0x0]  }
0x63: {  	v2 =	vld [tilespmem:s18+$0x0];
	_ =	sdelay $0x6  }
0x64: {  	v1 =	vld.idx.msk [tilespmem:v1+s3+$0x0], $0xffff  }
0x65: {  	v2 =	vld.idx.msk [tilespmem:v2+s3+$0x0], $0xffff;
	_ =	sdelay $0x4  }
0x66: {  	v1 =	vmax.f32 v1, v2;
	v2 =	vld [tilespmem:s19+$0x0]  }
0x67: {  	v1 =	vmul.f32 v1, v0;
	_ =	sdelay $0x1  }
0x68: {  	v1 =	vadd.f32 $1.000000000e+00, v1;
	_ =	sdelay $0x1  }
0x69: {  	v1 =	vmul.f32 v1, v2;
	v2 =	vsub.f32 $1.000000000e+00, v2;
	_ =	sdelay $0x1  }
0x6a: {  	v2 =	vadd.f32 v1, v2;
	_ =	sdelay $0x1  }
0x6b: {  	(erf) = vrcp.f32 v2;
	_ =	sdelay $0x8  }
0x6c: {  	v2 =	vpop (erf)  }
0x6d: {  	v1 =	vmul.f32 v2, v1;
	_ =	sdelay $0x1  }
0x6e: {  	[tilespmem:s20+$0x0] =	vst v1  }
0x6f: {  	v1 =	vld [tilespmem:s17+$0x10]  }
0x70: {  	v2 =	vld [tilespmem:s18+$0x10];
	_ =	sdelay $0x6  }
0x71: {  	v1 =	vld.idx.msk [tilespmem:v1+s3+$0x0], $0xffff  }
0x72: {  	v2 =	vld.idx.msk [tilespmem:v2+s3+$0x0], $0xffff;
	_ =	sdelay $0x4  }
0x73: {  	v1 =	vmax.f32 v1, v2;
	v2 =	vld [tilespmem:s19+$0x10]  }
0x74: {  	v1 =	vmul.f32 v1, v0;
	_ =	sdelay $0x1  }
0x75: {  	v1 =	vadd.f32 $1.000000000e+00, v1;
	_ =	sdelay $0x1  }
0x76: {  	v1 =	vmul.f32 v1, v2;
	v2 =	vsub.f32 $1.000000000e+00, v2;
	_ =	sdelay $0x1  }
0x77: {  	v2 =	vadd.f32 v1, v2;
	_ =	sdelay $0x1  }
0x78: {  	(erf) = vrcp.f32 v2;
	_ =	sdelay $0x8  }
0x79: {  	v2 =	vpop (erf)  }
0x7a: {  	v1 =	vmul.f32 v2, v1;
	_ =	sdelay $0x1  }
0x7b: {  	[tilespmem:s20+$0x10] =	vst v1  }
0x7c: {  	v1 =	vld [tilespmem:s17+$0x20]  }
0x7d: {  	v2 =	vld [tilespmem:s18+$0x20];
	_ =	sdelay $0x6  }
0x7e: {  	v1 =	vld.idx.msk [tilespmem:v1+s3+$0x0], $0xffff  }
0x7f: {  	v2 =	vld.idx.msk [tilespmem:v2+s3+$0x0], $0xffff;
	_ =	sdelay $0x4  }
0x80: {  	v1 =	vmax.f32 v1, v2;
	v2 =	vld [tilespmem:s19+$0x20]  }
0x81: {  	v1 =	vmul.f32 v1, v0;
	_ =	sdelay $0x1  }
0x82: {  	v1 =	vadd.f32 $1.000000000e+00, v1;
	_ =	sdelay $0x1  }
0x83: {  	v1 =	vmul.f32 v1, v2;
	v2 =	vsub.f32 $1.000000000e+00, v2;
	_ =	sdelay $0x1  }
0x84: {  	v2 =	vadd.f32 v1, v2;
	_ =	sdelay $0x1  }
0x85: {  	(erf) = vrcp.f32 v2;
	_ =	sdelay $0x8  }
0x86: {  	v2 =	vpop (erf)  }
0x87: {  	v1 =	vmul.f32 v2, v1;
	_ =	sdelay $0x1  }
0x88: {  	[tilespmem:s20+$0x20] =	vst v1  }
0x89: {  	v1 =	vld [tilespmem:s17+$0x30]  }
0x8a: {  	v2 =	vld [tilespmem:s18+$0x30];
	_ =	sdelay $0x6  }
0x8b: {  	v1 =	vld.idx.msk [tilespmem:v1+s3+$0x0], $0xffff  }
0x8c: {  	v2 =	vld.idx.msk [tilespmem:v2+s3+$0x0], $0xffff;
	_ =	sdelay $0x4  }
0x8d: {  	v1 =	vmax.f32 v1, v2;
	v2 =	vld [tilespmem:s19+$0x30]  }
0x8e: {  	v1 =	vmul.f32 v1, v0;
	_ =	sdelay $0x1  }
0x8f: {  	v1 =	vadd.f32 $1.000000000e+00, v1;
	_ =	sdelay $0x1  }
0x90: {  	v1 =	vmul.f32 v1, v2;
	v2 =	vsub.f32 $1.000000000e+00, v2;
	_ =	sdelay $0x1  }
0x91: {  	v2 =	vadd.f32 v1, v2;
	_ =	sdelay $0x1  }
0x92: {  	(erf) = vrcp.f32 v2;
	_ =	sdelay $0x5  }
0x93: {  	s2 =	sadd.s32 $0x8, s2  }
0x94: {  	p0 =	slt.u32 s2, $0x70  }
.Ltmp0:
0x95: {  	_ = 	snop;
	(pc) =	sbr.rel @p0 .LBB2_3-.Ltmp0, $4  }
0x96: {  	v2 =	vpop (erf)  }
0x97: {  	v1 =	vmul.f32 v2, v1  }
0x98: {  	s17 =	sadd.s32 $0x80, s17  }
0x99: {  	s18 =	sadd.s32 $0x80, s18;
	s19 =	sadd.s32 $0x80, s19;
	[tilespmem:s20+$0x30] =	vst v1;
	s20 =	sadd.s32 $0x80, s20  }
0x9a: {  	v1 =	vld [tilespmem:$0x18F00]  }
0x9b: {  	v2 =	vld [tilespmem:$0x19700];
	_ =	sdelay $0x6  }
0x9c: {  	v1 =	vld.idx.msk [tilespmem:v1+s3+$0x0], $0xffff  }
0x9d: {  	v2 =	vld.idx.msk [tilespmem:v2+s3+$0x0], $0xffff;
	_ =	sdelay $0x4  }
0x9e: {  	v1 =	vmax.f32 v1, v2;
	v2 =	vld [tilespmem:$0x19F00]  }
0x9f: {  	v1 =	vmul.f32 v1, v0;
	_ =	sdelay $0x1  }
0xa0: {  	v1 =	vadd.f32 $1.000000000e+00, v1;
	_ =	sdelay $0x1  }
0xa1: {  	v1 =	vmul.f32 v1, v2;
	v2 =	vsub.f32 $1.000000000e+00, v2;
	_ =	sdelay $0x1  }
0xa2: {  	v2 =	vadd.f32 v1, v2;
	_ =	sdelay $0x1  }
0xa3: {  	(erf) = vrcp.f32 v2;
	_ =	sdelay $0x4  }
0xa4: {  	v2 =	vld [tilespmem:$0x18F10]  }
0xa5: {  	v3 =	vld [tilespmem:$0x19710];
	_ =	sdelay $0x2  }
0xa6: {  	v4 =	vpop (erf)  }
0xa7: {  	v1 =	vmul.f32 v4, v1;
	_ =	sdelay $0x1  }
0xa8: {  	[tilespmem:$0x1A700] =	vst v1  }
0xa9: {  	v1 =	vld.idx.msk [tilespmem:v2+s3+$0x0], $0xffff  }
0xaa: {  	v2 =	vld.idx.msk [tilespmem:v3+s3+$0x0], $0xffff;
	_ =	sdelay $0x4  }
0xab: {  	v1 =	vmax.f32 v1, v2;
	v2 =	vld [tilespmem:$0x19F10]  }
0xac: {  	v1 =	vmul.f32 v1, v0;
	_ =	sdelay $0x1  }
0xad: {  	v1 =	vadd.f32 $1.000000000e+00, v1;
	_ =	sdelay $0x1  }
0xae: {  	v1 =	vmul.f32 v1, v2;
	v2 =	vsub.f32 $1.000000000e+00, v2;
	_ =	sdelay $0x1  }
0xaf: {  	v2 =	vadd.f32 v1, v2;
	_ =	sdelay $0x1  }
0xb0: {  	(erf) = vrcp.f32 v2;
	_ =	sdelay $0x4  }
0xb1: {  	v2 =	vld [tilespmem:$0x18F20]  }
0xb2: {  	v3 =	vld [tilespmem:$0x19720];
	_ =	sdelay $0x2  }
0xb3: {  	v61 =	vpop (erf)  }
0xb4: {  	v1 =	vmul.f32 v61, v1;
	_ =	sdelay $0x1  }
0xb5: {  	[tilespmem:$0x1A710] =	vst v1  }
0xb6: {  	v1 =	vld.idx.msk [tilespmem:v2+s3+$0x0], $0xffff  }
0xb7: {  	v2 =	vld.idx.msk [tilespmem:v3+s3+$0x0], $0xffff;
	_ =	sdelay $0x4  }
0xb8: {  	v1 =	vmax.f32 v1, v2;
	v2 =	vld [tilespmem:$0x19F20]  }
0xb9: {  	v1 =	vmul.f32 v1, v0;
	_ =	sdelay $0x1  }
0xba: {  	v1 =	vadd.f32 $1.000000000e+00, v1;
	_ =	sdelay $0x1  }
0xbb: {  	v1 =	vmul.f32 v1, v2;
	v2 =	vsub.f32 $1.000000000e+00, v2;
	_ =	sdelay $0x1  }
0xbc: {  	v2 =	vadd.f32 v1, v2;
	_ =	sdelay $0x1  }
0xbd: {  	(erf) = vrcp.f32 v2;
	_ =	sdelay $0x4  }
0xbe: {  	v2 =	vld [tilespmem:$0x18F30]  }
0xbf: {  	v3 =	vld [tilespmem:$0x19730];
	_ =	sdelay $0x2  }
0xc0: {  	v62 =	vpop (erf)  }
0xc1: {  	v1 =	vmul.f32 v62, v1;
	_ =	sdelay $0x1  }
0xc2: {  	[tilespmem:$0x1A720] =	vst v1  }
0xc3: {  	v1 =	vld.idx.msk [tilespmem:v2+s3+$0x0], $0xffff  }
0xc4: {  	v2 =	vld.idx.msk [tilespmem:v3+s3+$0x0], $0xffff;
	_ =	sdelay $0x4  }
0xc5: {  	v1 =	vmax.f32 v1, v2;
	v2 =	vld [tilespmem:$0x19F30]  }
0xc6: {  	v1 =	vmul.f32 v1, v0;
	_ =	sdelay $0x1  }
0xc7: {  	v1 =	vadd.f32 $1.000000000e+00, v1;
	_ =	sdelay $0x1  }
0xc8: {  	v1 =	vmul.f32 v1, v2;
	v2 =	vsub.f32 $1.000000000e+00, v2;
	_ =	sdelay $0x1  }
0xc9: {  	v2 =	vadd.f32 v1, v2;
	_ =	sdelay $0x1  }
0xca: {  	(erf) = vrcp.f32 v2;
	_ =	sdelay $0x4  }
0xcb: {  	v2 =	vld [tilespmem:$0x18F40]  }
0xcc: {  	v3 =	vld [tilespmem:$0x19740];
	_ =	sdelay $0x2  }
0xcd: {  	v63 =	vpop (erf)  }
0xce: {  	v1 =	vmul.f32 v63, v1;
	_ =	sdelay $0x1  }
0xcf: {  	[tilespmem:$0x1A730] =	vst v1  }
0xd0: {  	v1 =	vld.idx.msk [tilespmem:v2+s3+$0x0], $0xffff  }
0xd1: {  	v2 =	vld.idx.msk [tilespmem:v3+s3+$0x0], $0xffff;
	_ =	sdelay $0x4  }
0xd2: {  	v1 =	vmax.f32 v1, v2;
	v2 =	vld [tilespmem:$0x19F40]  }
0xd3: {  	v0 =	vmul.f32 v1, v0;
	_ =	sdelay $0x1  }
0xd4: {  	v0 =	vadd.f32 $1.000000000e+00, v0;
	_ =	sdelay $0x1  }
0xd5: {  	v0 =	vmul.f32 v0, v2;
	v1 =	vsub.f32 $1.000000000e+00, v2;
	_ =	sdelay $0x1  }
0xd6: {  	v1 =	vadd.f32 v0, v1;
	_ =	sdelay $0x1  }
0xd7: {  	(erf) = vrcp.f32 v1;
	_ =	sdelay $0x8  }
0xd8: {  	v1 =	vpop (erf)  }
0xd9: {  	s2 =	sadd.s32 s5, s0;
	v0 =	vmul.f32 v1, v0  }
0xda: {  	s2 =	sshrl.u32 s2, $0x3  }
0xdb: {  	p0 =	seq.s32 s31, $0x31;
	s2 =	sadd.s32 s9, s2;
	[tilespmem:$0x1A740] =	vst v0  }
0xdc: {  	[hbm4b:s2+s3] =	stream.linear.scatter [tilespmem:s25], [sflag:$0x3], $0x7D0, $0x38;
	[tilespmem:$0x1C780] =	vst v63  }
0xdd: {  	s0 =	sadd.s32 @!p0 s0, s14;
	_ =	swait.ge [sflag:s16], $0x7D0  }
0xde: {  	s17 =	simm.s32 @!p0 $0x0;
	s0 =	sshrl.u32 @!p0 s0, $0x3;
	[sflag:s16] =	ssyncset.done $0x0  }
0xdf: {  	s18 =	simm.s32 @!p0 $0x18780;
	s2 =	sadd.s32 @!p0 s4, s0;
	[sflag:s16] =	ssyncadd.s32 $0xFFFFF830  }
0xe0: {  	[tilespmem:s18], [sflag:$0x1] =	stream.linear.gather @!p0 [hbm4b:s2+s17], $0x7D0, $0x38;
	[tilespmem:$0x1C780] =	vst v63  }
0xe1: {  	s2 =	sadd.s32 @!p0 s6, s0;
	s18 =	simm.s32 @!p0 $0x18F80  }
0xe2: {  	[tilespmem:s18], [sflag:$0x1] =	stream.linear.gather @!p0 [hbm4b:s2+s17], $0x7D0, $0x38;
	[tilespmem:$0x1C780] =	vst v63  }
0xe3: {  	s0 =	sadd.s32 @!p0 s1, s0;
	s2 =	simm.s32 @!p0 $0x19780  }
0xe4: {  	[tilespmem:s2], [sflag:$0x1] =	stream.linear.gather @!p0 [hbm4b:s0+s17], $0x7D0, $0x38;
	[tilespmem:$0x1C780] =	vst v63  }
0xe5: {  	_ =	swait.ge [sflag:s26], $0x7D0  }
0xe6: {  	[sflag:s26] =	ssyncset.done $0x0  }
0xe7: {  	[sflag:s26] =	ssyncadd.s32 $0xFFFFF830  }
0xe8: {  	_ =	swait.ge [sflag:s26], $0x7D0  }
0xe9: {  	[sflag:s26] =	ssyncset.done $0x0  }
0xea: {  	[sflag:s26] =	ssyncadd.s32 $0xFFFFF830  }
0xeb: {  	_ =	swait.ge [sflag:s26], $0x7D0  }
0xec: {  	s31 =	sadd.s32 $0x1, s31;
	[sflag:s26] =	ssyncset.done $0x0  }
0xed: {  	s19 =	simm.s32 $0x1BFC0;
	s18 =	simm.s32 $0x1B7C0;
	[sflag:s26] =	ssyncadd.s32 $0xFFFFF830  }
0xee: {  	s0 =	simm.s32 $0xFFFFFFF8;
	s2 =	simm.s32 $0x1A7C0;
	s17 =	simm.s32 $0x1AFC0;
	v0 =	vld [tilespmem:$0x18700]  }
.LBB2_5:
0xef: {  	v1 =	vld [tilespmem:s2+$0xFFFFFFC0]  }
0xf0: {  	v2 =	vld [tilespmem:s17+$0xFFFFFFC0];
	_ =	sdelay $0x6  }
0xf1: {  	v1 =	vld.idx.msk [tilespmem:v1+s3+$0x0], $0xffff  }
0xf2: {  	v2 =	vld.idx.msk [tilespmem:v2+s3+$0x0], $0xffff;
	_ =	sdelay $0x4  }
0xf3: {  	v1 =	vmax.f32 v1, v2;
	v2 =	vld [tilespmem:s18+$0xFFFFFFC0]  }
0xf4: {  	v1 =	vmul.f32 v1, v0;
	_ =	sdelay $0x1  }
0xf5: {  	v1 =	vadd.f32 $1.000000000e+00, v1;
	_ =	sdelay $0x1  }
0xf6: {  	v1 =	vmul.f32 v1, v2;
	v2 =	vsub.f32 $1.000000000e+00, v2;
	_ =	sdelay $0x1  }
0xf7: {  	v2 =	vadd.f32 v1, v2;
	_ =	sdelay $0x1  }
0xf8: {  	(erf) = vrcp.f32 v2;
	_ =	sdelay $0x8  }
0xf9: {  	v2 =	vpop (erf)  }
0xfa: {  	v1 =	vmul.f32 v2, v1;
	_ =	sdelay $0x1  }
0xfb: {  	[tilespmem:s19+$0xFFFFFFC0] =	vst v1  }
0xfc: {  	v1 =	vld [tilespmem:s2+$0xFFFFFFD0]  }
0xfd: {  	v2 =	vld [tilespmem:s17+$0xFFFFFFD0];
	_ =	sdelay $0x6  }
0xfe: {  	v1 =	vld.idx.msk [tilespmem:v1+s3+$0x0], $0xffff  }
0xff: {  	v2 =	vld.idx.msk [tilespmem:v2+s3+$0x0], $0xffff;
	_ =	sdelay $0x4  }
0x100: {  	v1 =	vmax.f32 v1, v2;
	v2 =	vld [tilespmem:s18+$0xFFFFFFD0]  }
0x101: {  	v1 =	vmul.f32 v1, v0;
	_ =	sdelay $0x1  }
0x102: {  	v1 =	vadd.f32 $1.000000000e+00, v1;
	_ =	sdelay $0x1  }
0x103: {  	v1 =	vmul.f32 v1, v2;
	v2 =	vsub.f32 $1.000000000e+00, v2;
	_ =	sdelay $0x1  }
0x104: {  	v2 =	vadd.f32 v1, v2;
	_ =	sdelay $0x1  }
0x105: {  	(erf) = vrcp.f32 v2;
	_ =	sdelay $0x8  }
0x106: {  	v2 =	vpop (erf)  }
0x107: {  	v1 =	vmul.f32 v2, v1;
	_ =	sdelay $0x1  }
0x108: {  	[tilespmem:s19+$0xFFFFFFD0] =	vst v1  }
0x109: {  	v1 =	vld [tilespmem:s2+$0xFFFFFFE0]  }
0x10a: {  	v2 =	vld [tilespmem:s17+$0xFFFFFFE0];
	_ =	sdelay $0x6  }
0x10b: {  	v1 =	vld.idx.msk [tilespmem:v1+s3+$0x0], $0xffff  }
0x10c: {  	v2 =	vld.idx.msk [tilespmem:v2+s3+$0x0], $0xffff;
	_ =	sdelay $0x4  }
0x10d: {  	v1 =	vmax.f32 v1, v2;
	v2 =	vld [tilespmem:s18+$0xFFFFFFE0]  }
0x10e: {  	v1 =	vmul.f32 v1, v0;
	_ =	sdelay $0x1  }
0x10f: {  	v1 =	vadd.f32 $1.000000000e+00, v1;
	_ =	sdelay $0x1  }
0x110: {  	v1 =	vmul.f32 v1, v2;
	v2 =	vsub.f32 $1.000000000e+00, v2;
	_ =	sdelay $0x1  }
0x111: {  	v2 =	vadd.f32 v1, v2;
	_ =	sdelay $0x1  }
0x112: {  	(erf) = vrcp.f32 v2;
	_ =	sdelay $0x8  }
0x113: {  	v2 =	vpop (erf)  }
0x114: {  	v1 =	vmul.f32 v2, v1;
	_ =	sdelay $0x1  }
0x115: {  	[tilespmem:s19+$0xFFFFFFE0] =	vst v1  }
0x116: {  	v1 =	vld [tilespmem:s2+$0xFFFFFFF0]  }
0x117: {  	v2 =	vld [tilespmem:s17+$0xFFFFFFF0];
	_ =	sdelay $0x6  }
0x118: {  	v1 =	vld.idx.msk [tilespmem:v1+s3+$0x0], $0xffff  }
0x119: {  	v2 =	vld.idx.msk [tilespmem:v2+s3+$0x0], $0xffff;
	_ =	sdelay $0x4  }
0x11a: {  	v1 =	vmax.f32 v1, v2;
	v2 =	vld [tilespmem:s18+$0xFFFFFFF0]  }
0x11b: {  	v1 =	vmul.f32 v1, v0;
	_ =	sdelay $0x1  }
0x11c: {  	v1 =	vadd.f32 $1.000000000e+00, v1;
	_ =	sdelay $0x1  }
0x11d: {  	v1 =	vmul.f32 v1, v2;
	v2 =	vsub.f32 $1.000000000e+00, v2;
	_ =	sdelay $0x1  }
0x11e: {  	v2 =	vadd.f32 v1, v2;
	_ =	sdelay $0x1  }
0x11f: {  	(erf) = vrcp.f32 v2;
	_ =	sdelay $0x8  }
0x120: {  	v2 =	vpop (erf)  }
0x121: {  	v1 =	vmul.f32 v2, v1;
	_ =	sdelay $0x1  }
0x122: {  	[tilespmem:s19+$0xFFFFFFF0] =	vst v1  }
0x123: {  	v1 =	vld [tilespmem:s2+$0x0]  }
0x124: {  	v2 =	vld [tilespmem:s17+$0x0];
	_ =	sdelay $0x6  }
0x125: {  	v1 =	vld.idx.msk [tilespmem:v1+s3+$0x0], $0xffff  }
0x126: {  	v2 =	vld.idx.msk [tilespmem:v2+s3+$0x0], $0xffff;
	_ =	sdelay $0x4  }
0x127: {  	v1 =	vmax.f32 v1, v2;
	v2 =	vld [tilespmem:s18+$0x0]  }
0x128: {  	v1 =	vmul.f32 v1, v0;
	_ =	sdelay $0x1  }
0x129: {  	v1 =	vadd.f32 $1.000000000e+00, v1;
	_ =	sdelay $0x1  }
0x12a: {  	v1 =	vmul.f32 v1, v2;
	v2 =	vsub.f32 $1.000000000e+00, v2;
	_ =	sdelay $0x1  }
0x12b: {  	v2 =	vadd.f32 v1, v2;
	_ =	sdelay $0x1  }
0x12c: {  	(erf) = vrcp.f32 v2;
	_ =	sdelay $0x8  }
0x12d: {  	v2 =	vpop (erf)  }
0x12e: {  	v1 =	vmul.f32 v2, v1;
	_ =	sdelay $0x1  }
0x12f: {  	[tilespmem:s19+$0x0] =	vst v1  }
0x130: {  	v1 =	vld [tilespmem:s2+$0x10]  }
0x131: {  	v2 =	vld [tilespmem:s17+$0x10];
	_ =	sdelay $0x6  }
0x132: {  	v1 =	vld.idx.msk [tilespmem:v1+s3+$0x0], $0xffff  }
0x133: {  	v2 =	vld.idx.msk [tilespmem:v2+s3+$0x0], $0xffff;
	_ =	sdelay $0x4  }
0x134: {  	v1 =	vmax.f32 v1, v2;
	v2 =	vld [tilespmem:s18+$0x10]  }
0x135: {  	v1 =	vmul.f32 v1, v0;
	_ =	sdelay $0x1  }
0x136: {  	v1 =	vadd.f32 $1.000000000e+00, v1;
	_ =	sdelay $0x1  }
0x137: {  	v1 =	vmul.f32 v1, v2;
	v2 =	vsub.f32 $1.000000000e+00, v2;
	_ =	sdelay $0x1  }
0x138: {  	v2 =	vadd.f32 v1, v2;
	_ =	sdelay $0x1  }
0x139: {  	(erf) = vrcp.f32 v2;
	_ =	sdelay $0x8  }
0x13a: {  	v2 =	vpop (erf)  }
0x13b: {  	v1 =	vmul.f32 v2, v1;
	_ =	sdelay $0x1  }
0x13c: {  	[tilespmem:s19+$0x10] =	vst v1  }
0x13d: {  	v1 =	vld [tilespmem:s2+$0x20]  }
0x13e: {  	v2 =	vld [tilespmem:s17+$0x20];
	_ =	sdelay $0x6  }
0x13f: {  	v1 =	vld.idx.msk [tilespmem:v1+s3+$0x0], $0xffff  }
0x140: {  	v2 =	vld.idx.msk [tilespmem:v2+s3+$0x0], $0xffff;
	_ =	sdelay $0x4  }
0x141: {  	v1 =	vmax.f32 v1, v2;
	v2 =	vld [tilespmem:s18+$0x20]  }
0x142: {  	v1 =	vmul.f32 v1, v0;
	_ =	sdelay $0x1  }
0x143: {  	v1 =	vadd.f32 $1.000000000e+00, v1;
	_ =	sdelay $0x1  }
0x144: {  	v1 =	vmul.f32 v1, v2;
	v2 =	vsub.f32 $1.000000000e+00, v2;
	_ =	sdelay $0x1  }
0x145: {  	v2 =	vadd.f32 v1, v2;
	_ =	sdelay $0x1  }
0x146: {  	(erf) = vrcp.f32 v2;
	_ =	sdelay $0x8  }
0x147: {  	v2 =	vpop (erf)  }
0x148: {  	v1 =	vmul.f32 v2, v1;
	_ =	sdelay $0x1  }
0x149: {  	[tilespmem:s19+$0x20] =	vst v1  }
0x14a: {  	v1 =	vld [tilespmem:s2+$0x30]  }
0x14b: {  	v2 =	vld [tilespmem:s17+$0x30];
	_ =	sdelay $0x6  }
0x14c: {  	v1 =	vld.idx.msk [tilespmem:v1+s3+$0x0], $0xffff  }
0x14d: {  	v2 =	vld.idx.msk [tilespmem:v2+s3+$0x0], $0xffff;
	_ =	sdelay $0x4  }
0x14e: {  	v1 =	vmax.f32 v1, v2;
	v2 =	vld [tilespmem:s18+$0x30]  }
0x14f: {  	v1 =	vmul.f32 v1, v0;
	_ =	sdelay $0x1  }
0x150: {  	v1 =	vadd.f32 $1.000000000e+00, v1;
	_ =	sdelay $0x1  }
0x151: {  	v1 =	vmul.f32 v1, v2;
	v2 =	vsub.f32 $1.000000000e+00, v2;
	_ =	sdelay $0x1  }
0x152: {  	v2 =	vadd.f32 v1, v2;
	_ =	sdelay $0x1  }
0x153: {  	(erf) = vrcp.f32 v2;
	_ =	sdelay $0x5  }
0x154: {  	s0 =	sadd.s32 $0x8, s0  }
0x155: {  	p0 =	slt.u32 s0, $0x70  }
.Ltmp1:
0x156: {  	_ = 	snop;
	(pc) =	sbr.rel @p0 .LBB2_5-.Ltmp1, $4  }
0x157: {  	v2 =	vpop (erf)  }
0x158: {  	v1 =	vmul.f32 v2, v1  }
0x159: {  	s2 =	sadd.s32 $0x80, s2  }
0x15a: {  	s17 =	sadd.s32 $0x80, s17;
	s18 =	sadd.s32 $0x80, s18;
	[tilespmem:s19+$0x30] =	vst v1;
	s19 =	sadd.s32 $0x80, s19  }
0x15b: {  	v1 =	vld [tilespmem:$0x1AF00]  }
0x15c: {  	v2 =	vld [tilespmem:$0x1B700];
	_ =	sdelay $0x6  }
0x15d: {  	v1 =	vld.idx.msk [tilespmem:v1+s3+$0x0], $0xffff  }
0x15e: {  	v2 =	vld.idx.msk [tilespmem:v2+s3+$0x0], $0xffff;
	_ =	sdelay $0x4  }
0x15f: {  	v43 =	vld [tilespmem:$0x1BF00];
	v1 =	vmax.f32 v1, v2  }
0x160: {  	v1 =	vmul.f32 v1, v0;
	_ =	sdelay $0x1  }
0x161: {  	v1 =	vadd.f32 $1.000000000e+00, v1;
	_ =	sdelay $0x1  }
0x162: {  	v2 =	vsub.f32 $1.000000000e+00, v43;
	v1 =	vmul.f32 v1, v43;
	_ =	sdelay $0x1  }
0x163: {  	v2 =	vadd.f32 v1, v2;
	_ =	sdelay $0x1  }
0x164: {  	(erf) = vrcp.f32 v2;
	_ =	sdelay $0x4  }
0x165: {  	v44 =	vld [tilespmem:$0x1AF10]  }
0x166: {  	v3 =	vld [tilespmem:$0x1B710];
	_ =	sdelay $0x2  }
0x167: {  	v4 =	vpop (erf)  }
0x168: {  	v1 =	vmul.f32 v4, v1;
	_ =	sdelay $0x1  }
0x169: {  	[tilespmem:$0x1C700] =	vst v1  }
0x16a: {  	v1 =	vld.idx.msk [tilespmem:v44+s3+$0x0], $0xffff  }
0x16b: {  	v45 =	vld.idx.msk [tilespmem:v3+s3+$0x0], $0xffff;
	_ =	sdelay $0x4  }
0x16c: {  	v46 =	vld [tilespmem:$0x1BF10];
	v1 =	vmax.f32 v1, v45  }
0x16d: {  	v1 =	vmul.f32 v1, v0;
	_ =	sdelay $0x1  }
0x16e: {  	v1 =	vadd.f32 $1.000000000e+00, v1;
	_ =	sdelay $0x1  }
0x16f: {  	v2 =	vsub.f32 $1.000000000e+00, v46;
	v1 =	vmul.f32 v1, v46;
	_ =	sdelay $0x1  }
0x170: {  	v2 =	vadd.f32 v1, v2;
	_ =	sdelay $0x1  }
0x171: {  	(erf) = vrcp.f32 v2;
	_ =	sdelay $0x4  }
0x172: {  	v47 =	vld [tilespmem:$0x1AF20]  }
0x173: {  	v48 =	vld [tilespmem:$0x1B720];
	_ =	sdelay $0x2  }
0x174: {  	v49 =	vpop (erf)  }
0x175: {  	v1 =	vmul.f32 v49, v1;
	_ =	sdelay $0x1  }
0x176: {  	[tilespmem:$0x1C710] =	vst v1  }
0x177: {  	v1 =	vld.idx.msk [tilespmem:v47+s3+$0x0], $0xffff  }
0x178: {  	v50 =	vld.idx.msk [tilespmem:v48+s3+$0x0], $0xffff;
	_ =	sdelay $0x4  }
0x179: {  	v51 =	vld [tilespmem:$0x1BF20];
	v1 =	vmax.f32 v1, v50  }
0x17a: {  	v1 =	vmul.f32 v1, v0;
	_ =	sdelay $0x1  }
0x17b: {  	v1 =	vadd.f32 $1.000000000e+00, v1;
	_ =	sdelay $0x1  }
0x17c: {  	v2 =	vsub.f32 $1.000000000e+00, v51;
	v1 =	vmul.f32 v1, v51;
	_ =	sdelay $0x1  }
0x17d: {  	v2 =	vadd.f32 v1, v2;
	_ =	sdelay $0x1  }
0x17e: {  	(erf) = vrcp.f32 v2;
	_ =	sdelay $0x4  }
0x17f: {  	v52 =	vld [tilespmem:$0x1AF30]  }
0x180: {  	v53 =	vld [tilespmem:$0x1B730];
	_ =	sdelay $0x2  }
0x181: {  	v54 =	vpop (erf)  }
0x182: {  	v1 =	vmul.f32 v54, v1;
	_ =	sdelay $0x1  }
0x183: {  	[tilespmem:$0x1C720] =	vst v1  }
0x184: {  	v1 =	vld.idx.msk [tilespmem:v52+s3+$0x0], $0xffff  }
0x185: {  	v55 =	vld.idx.msk [tilespmem:v53+s3+$0x0], $0xffff;
	_ =	sdelay $0x4  }
0x186: {  	v56 =	vld [tilespmem:$0x1BF30];
	v1 =	vmax.f32 v1, v55  }
0x187: {  	v1 =	vmul.f32 v1, v0;
	_ =	sdelay $0x1  }
0x188: {  	v1 =	vadd.f32 $1.000000000e+00, v1;
	_ =	sdelay $0x1  }
0x189: {  	v2 =	vsub.f32 $1.000000000e+00, v56;
	v1 =	vmul.f32 v1, v56;
	_ =	sdelay $0x1  }
0x18a: {  	v2 =	vadd.f32 v1, v2;
	_ =	sdelay $0x1  }
0x18b: {  	(erf) = vrcp.f32 v2;
	_ =	sdelay $0x4  }
0x18c: {  	v57 =	vld [tilespmem:$0x1AF40]  }
0x18d: {  	v58 =	vld [tilespmem:$0x1B740];
	_ =	sdelay $0x2  }
0x18e: {  	v59 =	vpop (erf)  }
0x18f: {  	v1 =	vmul.f32 v59, v1;
	_ =	sdelay $0x1  }
0x190: {  	[tilespmem:$0x1C730] =	vst v1  }
0x191: {  	v1 =	vld.idx.msk [tilespmem:v57+s3+$0x0], $0xffff  }
0x192: {  	v60 =	vld.idx.msk [tilespmem:v58+s3+$0x0], $0xffff;
	_ =	sdelay $0x4  }
0x193: {  	v61 =	vld [tilespmem:$0x1BF40];
	v1 =	vmax.f32 v1, v60  }
0x194: {  	v62 =	vmul.f32 v1, v0;
	_ =	sdelay $0x1  }
0x195: {  	v0 =	vadd.f32 $1.000000000e+00, v62;
	_ =	sdelay $0x1  }
0x196: {  	v63 =	vsub.f32 $1.000000000e+00, v61;
	v0 =	vmul.f32 v0, v61;
	_ =	sdelay $0x1  }
0x197: {  	v1 =	vadd.f32 v0, v63;
	_ =	sdelay $0x1  }
0x198: {  	(erf) = vrcp.f32 v1;
	_ =	sdelay $0x8  }
0x199: {  	v1 =	vpop (erf)  }
0x19a: {  	v0 =	vmul.f32 v1, v0  }
0x19b: {  	p0 =	sne.s32 s31, $0x32  }
.Ltmp2:
0x19c: {  	s0 =	sadd.s32 s9, s30;
	[tilespmem:$0x1C740] =	vst v0;
	(pc) =	sbr.rel @p0 .LBB2_2-.Ltmp2, $4  }
0x19d: {  	[hbm4b:s0+s3] =	stream.linear.scatter [tilespmem:s28], [sflag:$0x3], $0x7D0, $0x38;
	[tilespmem:$0x1C780] =	vst v63  }
0x19e: {  	_ =	swait.ge [sflag:s16], $0x7D0  }
0x19f: {  	[sflag:s16] =	ssyncset.done $0x0  }
0x1a0: {  	[sflag:s16] =	ssyncadd.s32 $0xFFFFF830  }
0x1a1: {  	s29 =	sadd.s32 $0x1, s29  }
0x1a2: {  	p0 =	sne.s32 s29, s15  }
.Ltmp3:
0x1a3: {  	_ = 	snop;
	(pc) =	sbr.rel @p0 .LBB2_1-.Ltmp3, $1  }
0x1a4: {  	_ =	sdelay $0x3  }
0x1a5: {  	_ =	sfence.sel $0x180000  }
0x1a6: {  	[bflag:$0x0] =	sbarrier.arrive $0xFFFF  }
0x1a7: {  	_ =	strace $0x90000050  }
0x1a8: {  	s0 =	stileid.u32;
	[bflag:$0x2] =	sbarrier.arrive $0xFFFF  }
0x1a9: {  	p0 =	sne.s32 s0, $0x0;
	s0 =	rddreg [dreg:$0x2]  }
0x1aa: {  	s0 =	sadd.s32 @!p0 $0x100000, s0  }
0x1ab: {  	[sflag:s0] =	ssyncadd.tile.s32 @!p0 $0x1;
	_ =	shalt  }
.Lfunc_end2:
_tile_overlayer_lowered:
.L_overlay_start_2:
0x1ac: {  	(tag) =	ssettag $0x2  }
0x1ad: {  	s0 =	rddreg [dreg:$0x0];
	s2 =	stileid.u32  }
0x1ae: {  	s1 =	rddreg [dreg:$0x1];
	p0 =	sne.s32 s2, $0x0  }
0x1af: {  	s3 =	rddreg [dreg:$0x2];
	[bflag:$0x3] =	sbarrier.arrive $0xFFFF;
	s2 =	simm.s32 @!p0 $0x1C03  }
0x1b0: {  	[timem:s3], [sflag:s2] =	dma.local @!p0 [hbm:s0], s1  }
0x1b1: {  	s0 =	simm.s32 @!p0 $0x3  }
0x1b2: {  	_ =	swait.ge @!p0 [sflag:s0], s1  }
0x1b3: {  	s1 =	ssub.s32 @!p0 $0x0, s1;
	[sflag:s0] =	ssyncset.done @!p0 $0x0  }
0x1b4: {  	[sflag:s0] =	ssyncadd.s32 @!p0 s1  }
0x1b5: {  	[bflag:$0x3] =	sbarrier.arrive $0xFFFF  }
0x1b6: {  	_ =	shalt  }

// kernel: kernel.25.cloned.1.call-start
scs
__scs_entry_jumppad:
0x0: {  	(pc) =	sbr.rel $0x88, $3  }
0x1: {  	(tag) =	ssettag $0x0;
	lr =	simm.s32 $0x1  }
0x2: {  	[smem:$0x3F9C] =	sst lr;
	_ =	strace $0xD0000000  }
0x3: {  	_ = 	snop  }
0x4: {  	_ = 	snop  }
0x5: {  	_ = 	snop  }
0x6: {  	_ = 	snop  }
0x7: {  	_ = 	snop  }
__scs_overlays_trampoline_lowered:
0x8: {  	[smem:$0x3FAB] =	sst s0  }
0x9: {  	[smem:$0x3FAC] =	sst s1  }
0xa: {  	[smem:$0x3FAD] =	sst s2  }
0xb: {  	[smem:$0x3FAE] =	sst s3  }
0xc: {  	[smem:$0x3FAF] =	sst s4  }
0xd: {  	[smem:$0x3FB0] =	sst s5  }
0xe: {  	[smem:$0x3FB1] =	sst s6  }
0xf: {  	[smem:$0x3FB2] =	sst s7  }
0x10: {  	[smem:$0x3FB3] =	sst s8  }
0x11: {  	[smem:$0x3FB4] =	sst s9;
	s0 =	simm.s32 @!p0 $0x0  }
0x12: {  	s1 =	sld [smem:$0x3F9A];
	s0 =	simm.s32 @p0 $0x1  }
0x13: {  	[smem:$0x3FB5] =	sst s0;
	s0 =	simm.s32 @!p1 $0x0  }
0x14: {  	s2 =	sld [smem:$0x3F99];
	s0 =	simm.s32 @p1 $0x1  }
0x15: {  	[smem:$0x3FB6] =	sst s0;
	s0 =	simm.s32 @!p2 $0x0  }
0x16: {  	s3 =	sld [smem:$0x3FDB];
	s0 =	simm.s32 @p2 $0x1  }
0x17: {  	s4 =	simm.s32 $0x1BF5;
	[smem:$0x3FB8] =	sst s0  }
0x18: {  	s0 =	sld [smem:$0x3F9B];
	_ =	swait.ge [sflag:s4], $0x0  }
0x19: {  	s7 =	sld [smem:$0x3F9C]  }
0x1a: {  	s8 =	sadd.s32 $0xFFFFE003, lr  }
0x1b: {  	s9 =	sadd.s32 $0xFFFFFEF7, lr;
	s5 =	simm.s32 $0xFFFFFFFF;
	p2 =	slt.u32 s8, $0xFFFFF086  }
0x1c: {  	p1 =	slt.u32 s9, $0xF7A;
	s5 =	simm.s32 @!p2 $0x0  }
0x1d: {  	s5 =	simm.s32 @p1 $0x1;
	p0 =	seq.s32 s7, s2  }
0x1e: {  	s7 =	smul.u32 @!p0 $0xF7A, s2;
	p2 =	seq.s32 @!p0 s5, $0x0  }
0x1f: {  	s9 =	smul.u32 $0xF7A, s1;
	s8 =	simm.s32 @!p0 $0x1BF5;
	p2 =	por !p2, p0  }
0x20: {  	[sflag:s8] =	ssyncset.s32 @!p0 $0xFFFFF086;
	s6 =	sadd.s32 @!p0 s3, s7;
	s7 =	simm.s32 @!p0 $0x108  }
0x21: {  	s3 =	sadd.s32 s3, s9;
	s6 =	sadd.s32 @!p0 $0x88, s6;
	s7 =	simm.s32 @p2 $0x1082  }
0x22: {  	[simem:s7], [sflag:s8] =	dma.local @!p0 [hbm:s6], $0xF7A  }
0x23: {  	s9 =	sor.u32 $0xD0000000, s2;
	s6 =	simm.s32 $0x108;
	_ =	swait.ge @!p0 [sflag:s8], $0x0  }
0x24: {  	s3 =	sadd.s32 $0x88, s3;
	s6 =	simm.s32 @!p1 $0x1082;
	[sflag:s4] =	ssyncset.s32 $0xFFFFF086  }
0x25: {  	[simem:s6], [sflag:s4] =	dma.local [hbm:s3], $0xF7A  }
0x26: {  	[smem:$0x3F9C] =	sst s1;
	(tag) =	ssettag s2;
	_ =	strace s9  }
0x27: {  	s1 =	sld [smem:$0x3FAC]  }
0x28: {  	s2 =	sld [smem:$0x3FAD]  }
0x29: {  	s4 =	sld [smem:$0x3FAF]  }
0x2a: {  	p0 =	seq.s32 s5, $0x0;
	s5 =	sld [smem:$0x3FB0]  }
0x2b: {  	s6 =	sld [smem:$0x3FB1]  }
0x2c: {  	s7 =	sld [smem:$0x3FB2]  }
0x2d: {  	s3 =	simm.s32 $0x108;
	s8 =	sld [smem:$0x3FB3]  }
0x2e: {  	s3 =	simm.s32 @!p0 $0x1082;
	s9 =	sld [smem:$0x3FB4]  }
0x2f: {  	lr =	sadd.s32 s0, s3;
	s0 =	sld [smem:$0x3FAB]  }
0x30: {  	s3 =	sld [smem:$0x3FAE]  }
0x31: {  	[smem:$0x3FB7] =	sst s10  }
0x32: {  	s10 =	sld [smem:$0x3FB5];
	_ =	sdelay $0x3  }
0x33: {  	p0 =	seq.s32 s10, $0x1;
	s10 =	sld [smem:$0x3FB7];
	_ =	sdelay $0x3  }
0x34: {  	[smem:$0x3FB7] =	sst s10  }
0x35: {  	s10 =	sld [smem:$0x3FB6];
	_ =	sdelay $0x3  }
0x36: {  	p1 =	seq.s32 s10, $0x1;
	s10 =	sld [smem:$0x3FB7];
	_ =	sdelay $0x3  }
0x37: {  	[smem:$0x3FB7] =	sst s10  }
0x38: {  	s10 =	sld [smem:$0x3FB8]  }
0x39: {  	_ = 	snop;
	(pc) =	sbr.ind lr, $3  }
0x3a: {  	_ = 	snop  }
0x3b: {  	_ = 	snop  }
0x3c: {  	p2 =	seq.s32 s10, $0x1;
	s10 =	sld [smem:$0x3FB7]  }
0x3d: {  	_ =	shalt  }
0x3e: {  	_ =	shalt  }
0x3f: {  	_ =	shalt  }
0x40: {  	_ =	shalt  }
0x41: {  	_ =	shalt  }
0x42: {  	_ =	shalt  }
0x43: {  	_ =	shalt  }
0x44: {  	_ =	shalt  }
0x45: {  	_ =	shalt  }
0x46: {  	_ =	shalt  }
0x47: {  	_ =	shalt  }
0x48: {  	_ =	shalt  }
0x49: {  	_ =	shalt  }
0x4a: {  	_ =	shalt  }
0x4b: {  	_ =	shalt  }
0x4c: {  	_ =	shalt  }
0x4d: {  	_ =	shalt  }
0x4e: {  	_ =	shalt  }
0x4f: {  	_ =	shalt  }
0x50: {  	_ =	shalt  }
0x51: {  	_ =	shalt  }
0x52: {  	_ =	shalt  }
0x53: {  	_ =	shalt  }
0x54: {  	_ =	shalt  }
0x55: {  	_ =	shalt  }
0x56: {  	_ =	shalt  }
0x57: {  	_ =	shalt  }
0x58: {  	_ =	shalt  }
0x59: {  	_ =	shalt  }
0x5a: {  	_ =	shalt  }
0x5b: {  	_ =	shalt  }
0x5c: {  	_ =	shalt  }
0x5d: {  	_ =	shalt  }
0x5e: {  	_ =	shalt  }
0x5f: {  	_ =	shalt  }
0x60: {  	_ =	shalt  }
0x61: {  	_ =	shalt  }
0x62: {  	_ =	shalt  }
0x63: {  	_ =	shalt  }
0x64: {  	_ =	shalt  }
0x65: {  	_ =	shalt  }
0x66: {  	_ =	shalt  }
0x67: {  	_ =	shalt  }
0x68: {  	_ =	shalt  }
0x69: {  	_ =	shalt  }
0x6a: {  	_ =	shalt  }
0x6b: {  	_ =	shalt  }
0x6c: {  	_ =	shalt  }
0x6d: {  	_ =	shalt  }
0x6e: {  	_ =	shalt  }
0x6f: {  	_ =	shalt  }
0x70: {  	_ =	shalt  }
0x71: {  	_ =	shalt  }
0x72: {  	_ =	shalt  }
0x73: {  	_ =	shalt  }
0x74: {  	_ =	shalt  }
0x75: {  	_ =	shalt  }
0x76: {  	_ =	shalt  }
0x77: {  	_ =	shalt  }
0x78: {  	_ =	shalt  }
0x79: {  	_ =	shalt  }
0x7a: {  	_ =	shalt  }
0x7b: {  	_ =	shalt  }
0x7c: {  	_ =	shalt  }
0x7d: {  	_ =	shalt  }
0x7e: {  	_ =	shalt  }
0x7f: {  	_ =	shalt  }
0x80: {  	_ =	shalt  }
0x81: {  	_ =	shalt  }
0x82: {  	_ =	shalt  }
0x83: {  	_ =	shalt  }
0x84: {  	_ =	shalt  }
0x85: {  	_ =	shalt  }
0x86: {  	_ =	shalt  }
0x87: {  	_ =	shalt  }
.Lfunc_end0:
.L_simem_size_0:
called_computation.4_lowered:
.L_overlay_start_0:
0x88: {  	s2 =	sld [smem:$0x3FD9]  }
0x89: {  	s3 =	sld [smem:$0x3FFE];
	_ =	sdelay $0x1  }
0x8a: {  	s1 =	srdreg.scid  }
0x8b: {  	s0 =	sand.u32 $0x1, s1  }
0x8c: {  	s16 =	sshll.u32 s0, $0xA;
	s2 =	sadd.s32 s3, s2  }
0x8d: {  	s2 =	sadd.s32 s2, s16  }
0x8e: {  	[smem:$0x3FC3] =	sst s2  }
0x8f: {  	_ = 	snop  }
0x90: {  	(tm) =	ssettm $0x1  }
0x91: {  	s17 =	sld [smem:$0x3FFB];
	_ =	sdelay $0x3  }
0x92: {  	_ =	strace s17  }
0x93: {  	s2 =	sld [smem:$0x3FFC];
	_ =	sdelay $0x3  }
0x94: {  	_ =	strace s2  }
0x95: {  	s2 =	sld [smem:$0x3FFD];
	_ =	sdelay $0x3  }
0x96: {  	_ =	strace s2  }
0x97: {  	_ =	strace $0x8FFFFFFF  }
0x98: {  	s18 =	sld [smem:$0x3FDB];
	_ =	sdelay $0x1  }
0x99: {  	s19 =	simm.s32 $_scs_section_size  }
0x9a: {  	s4 =	simm.s32 $_size__tile_overlayer_lowered;
	s5 =	simm.s32 $_tile_overlayer_lowered  }
0x9b: {  	s22 =	simm.s32 $0x1BFF;
	s21 =	sshll.u32 s5, $0x1;
	s2 =	sadd.s32 s19, s18  }
0x9c: {  	s6 =	simm.s32 $0x0;
	s20 =	sshll.u32 s4, $0x1;
	s4 =	sadd.s32 s21, s2  }
0x9d: {  	[timem:s6], [sflag:s22] =	dma.local [hbm:s4], s20  }
0x9e: {  	_ =	swait.ge [sflag:s22], s20  }
0x9f: {  	s3 =	ssub.s32 $0x0, s20;
	[sflag:s22] =	ssyncset.done $0x0  }
0xa0: {  	[sflag:s22] =	ssyncadd.s32 s3;
	_ =	sdelay $0x1  }
0xa1: {  	s23 =	simm.s32 $0x1B8B  }
0xa2: {  	_ =	swait.ge [sflag:s23], $0x1  }
0xa3: {  	[sflag:s23] =	ssyncset.done $0x0  }
0xa4: {  	s25 =	simm.s32 $0x1B8E;
	s24 =	sld [smem:$0x3FFE];
	[sflag:s23] =	ssyncadd.s32 $0xFFFFFFFF  }
0xa5: {  	s26 =	simm.s32 $execute0_lowered;
	[smem:$0x3FD2] =	sst s25  }
0xa6: {  	s4 =	sshll.u32 s26, $0x1;
	_ =	strace $0x80000052;
	[dreg:$0x1] =	wrdreg $0xFFFFFFFF  }
0xa7: {  	s28 =	simm.s32 $_size_execute0_lowered;
	s2 =	sadd.s32 s2, s4;
	[dreg:$0x0] =	wrdreg $0x0  }
0xa8: {  	s4 =	sshll.u32 s28, $0x1;
	[dreg:$0x2] =	wrdreg s2  }
0xa9: {  	[dreg:$0x3] =	wrdreg s4  }
0xaa: {  	[dreg:$0x4] =	wrdreg $0xC0  }
0xab: {  	_ =	task [dreg:s6], $0x5FFFF  }
0xac: {  	[dreg:$0x1] =	wrdreg $0xFFFFFFFF  }
0xad: {  	[dreg:$0x0] =	wrdreg $0x60  }
0xae: {  	[dreg:$0x2] =	wrdreg s24  }
0xaf: {  	[dreg:$0x3] =	wrdreg $0x9  }
0xb0: {  	_ =	task.clear_ibuf [dreg:s6], $0x4FFFF;
	_ =	strace $0x90000052  }
0xb1: {  	s29 =	simm.s32 $0x9;
	_ =	strace $0x80000054  }
0xb2: {  	_ =	swait.ge [sflag:s29], $0x1  }
0xb3: {  	[sflag:s29] =	ssyncadd.s32 $0xFFFFFFFF  }
0xb4: {  	_ =	strace $0x90000054  }
0xb5: {  	_ =	sfence  }
0xb6: {  	s30 =	sld [smem:$0x0];
	_ =	sdelay $0x2  }
0xb7: {  	s31 =	sshll.u32 s1, $0xD;
	s1 =	sshrl.u32 s1, $0x2  }
0xb8: {  	s3 =	sand.u32 $0x4000, s31;
	s1 =	sadd.s32 s1, s30  }
0xb9: {  	s0 =	sor.u32 s3, s0;
	s1 =	sshll.u32 s1, $0x11  }
0xba: {  	s0 =	sor.u32 s1, s0  }
0xbb: {  	s0 =	sadd.s32 $0x8F2B, s0  }
0xbc: {  	[sflag:s0] =	ssyncadd.remote.s32 $0x1  }
0xbd: {  	_ =	sfence.sel $0xFFFF  }
0xbe: {  	[dreg:$0x0] =	wrdreg $0xFFFFFFFF;
	(pc) =	sbr.abs _section_cstart, $3  }
0xbf: {  	[dreg:$0x1] =	wrdreg $0xFFFFFFFF  }
0xc0: {  	_ =	task.clear_ibuf [dreg:s6], $0x2FFFF;
	_ =	strace $0x9FFFFFFF  }
0xc1: {  	(tm) =	ssettm $0x7FFFFFFF  }
tec
execute0_lowered:
.L_overlay_start_1:
0x0: {  	(tag) =	ssettag $0x1  }
0x1: {  	s6 =	rddreg [dreg:$0x0];
	s1 =	srdreg.scid  }
0x2: {  	s0 =	rddreg [dreg:$0x1];
	s2 =	simm.s32 $0x0;
	s14 =	simm.s32 $0x19700  }
0x3: {  	s15 =	simm.s32 $0x1A700;
	s16 =	simm.s32 $0x1B700;
	s17 =	simm.s32 $0x1C700  }
0x4: {  	s18 =	simm.s32 $0x1D700;
	s19 =	simm.s32 $0x1;
	s20 =	simm.s32 $0x2  }
0x5: {  	s21 =	simm.s32 $0x80;
	s22 =	simm.s32 $0x400;
	s23 =	simm.s32 $0x3  }
0x6: {  	s24 =	simm.s32 $0x0;
	s7 =	sand.u32 $0x1, s1;
	[smem:$0x7FF] =	sst s2  }
0x7: {  	s1 =	stileid.u32;
	s3 =	sshll.u32 s7, $0x4;
	_ =	strace $0x80000053  }
0x8: {  	s9 =	sshll.u32 s1, $0x7;
	s7 =	ssub.s32 $0x2, s7;
	s5 =	sor.u32 s1, s3  }
0x9: {  	s3 =	sadd.s32 $0x189200, s6;
	s4 =	sshrl.u32 s5, $0x3;
	s10 =	smul.u32 $0x30D40, s5  }
0xa: {  	s9 =	sand.u32 $0x380, s9;
	s31 =	sshrl.u32 s7, $0x1;
	s8 =	smul.u32 $0xC3800, s4  }
0xb: {  	s5 =	sadd.s32 $0x310400, s6;
	s4 =	sadd.s32 $0xC5C00, s6;
	s11 =	sshrl.u32 s10, $0x3  }
0xc: {  	s13 =	ssub.s32 s7, s31;
	s8 =	sor.u32 s9, s8;
	s7 =	sadd.s32 s4, s11  }
0xd: {  	s9 =	sadd.s32 $0xFA0, s10;
	s10 =	sadd.s32 $0x1F40, s10;
	s8 =	sshrl.u32 s8, $0x3  }
0xe: {  	s12 =	sadd.s32 s8, s6;
	s6 =	sadd.s32 s3, s11;
	s8 =	sadd.s32 s5, s11  }
0xf: {  	v0 =	vimm.f32 $0.0e+00;
	s11 =	sadd.s32 $0x252E00, s12;
	s12 =	smax.u32 s13, $0x1;
	s13 =	simm.s32 $0x18700  }
.LBB2_1:
0x10: {  	s25 =	simm.s32 $0x20  }
0x11: {  	[tilespmem:s25+$0xFFFFFFE0] =	vst v0  }
0x12: {  	[tilespmem:s25+$0x10] =	vst v0  }
0x13: {  	s26 =	simm.s32 $0x0;
	[tilespmem:s25+$0x0] =	vst v0  }
.LBB2_2:
0x14: {  	s26 =	sadd.s32 $0x4, s26  }
0x15: {  	[tilespmem:s25+$0xFFFFFFF0] =	vst v0;
	s25 =	sadd.s32 $0x40, s25;
	p0 =	slt.u32 s26, $0x186C  }
.Ltmp0:
0x16: {  	[tilespmem:s25+$0xFFFFFFE0] =	vst v0;
	(pc) =	sbr.rel @p0 .LBB2_2-.Ltmp0, $3  }
0x17: {  	_ =	sdelay $0x1  }
0x18: {  	[tilespmem:s25+$0x10] =	vst v0  }
0x19: {  	[tilespmem:s25+$0x0] =	vst v0  }
0x1a: {  	[tilespmem:s25+$0xFFFFFFF0] =	vst v0;
	s25 =	simm.s32 $0x0  }
0x1b: {  	[tilespmem:s13], [sflag:$0x1] =	stream.linear.gather [hbm4b:s6+s25], $0xFA0, $0x38;
	[tilespmem:$0x1E700] =	vst v63  }
0x1c: {  	_ = 	snop  }
0x1d: {  	[tilespmem:s14], [sflag:$0x1] =	stream.linear.gather [hbm4b:s7+s25], $0xFA0, $0x38;
	[tilespmem:$0x1E700] =	vst v63  }
0x1e: {  	_ = 	snop  }
0x1f: {  	[tilespmem:s15], [sflag:$0x1] =	stream.linear.gather [hbm4b:s8+s25], $0xFA0, $0x38;
	[tilespmem:$0x1E700] =	vst v63  }
.LBB2_4:
0x20: {  	s26 =	smul.u32 $0x1F40, s25;
	_ =	sdelay $0x1  }
0x21: {  	s28 =	sadd.s32 s26, s9  }
0x22: {  	s28 =	sshrl.u32 s28, $0x3  }
0x23: {  	s29 =	sadd.s32 s3, s28  }
0x24: {  	[tilespmem:s16], [sflag:$0x2] =	stream.linear.gather [hbm4b:s29+s2], $0xFA0, $0x38;
	[tilespmem:$0x1E700] =	vst v63  }
0x25: {  	s29 =	sadd.s32 s4, s28  }
0x26: {  	[tilespmem:s17], [sflag:$0x2] =	stream.linear.gather [hbm4b:s29+s2], $0xFA0, $0x38;
	[tilespmem:$0x1E700] =	vst v63  }
0x27: {  	s28 =	sadd.s32 s5, s28  }
0x28: {  	[tilespmem:s18], [sflag:$0x2] =	stream.linear.gather [hbm4b:s28+s2], $0xFA0, $0x38;
	[tilespmem:$0x1E700] =	vst v63  }
0x29: {  	_ =	swait.ge [sflag:s19], $0xFA0  }
0x2a: {  	[sflag:s19] =	ssyncset.done $0x0  }
0x2b: {  	[sflag:s19] =	ssyncadd.s32 $0xFFFFF060  }
0x2c: {  	_ =	swait.ge [sflag:s19], $0xFA0  }
0x2d: {  	[sflag:s19] =	ssyncset.done $0x0  }
0x2e: {  	[sflag:s19] =	ssyncadd.s32 $0xFFFFF060  }
0x2f: {  	_ =	swait.ge [sflag:s19], $0xFA0  }
0x30: {  	s30 =	simm.s32 $0x18720;
	s31 =	simm.s32 $0x1A720;
	[sflag:s19] =	ssyncset.done $0x0  }
0x31: {  	s29 =	simm.s32 $0x19720;
	s28 =	simm.s32 $0xFFFFFFFC;
	[sflag:s19] =	ssyncadd.s32 $0xFFFFF060  }
.LBB2_5:
0x32: {  	v1 =	vld [tilespmem:s30+$0xFFFFFFE0];
	_ =	sdelay $0x2  }
0x33: {  	v2 =	vld [tilespmem:s31+$0xFFFFFFE0];
	_ =	sdelay $0x4  }
0x34: {  	[tilespmem:v1+s2+$0x0] =	vst.idx.add.f32.msk $0xffff, v2  }
0x35: {  	v1 =	vld [tilespmem:s29+$0xFFFFFFE0];
	_ =	sdelay $0x7  }
0x36: {  	[tilespmem:v1+s2+$0x0] =	vst.idx.add.f32.msk $0xffff, v2  }
0x37: {  	v1 =	vld [tilespmem:s30+$0xFFFFFFF0];
	_ =	sdelay $0x2  }
0x38: {  	v2 =	vld [tilespmem:s31+$0xFFFFFFF0];
	_ =	sdelay $0x4  }
0x39: {  	[tilespmem:v1+s2+$0x0] =	vst.idx.add.f32.msk $0xffff, v2  }
0x3a: {  	v1 =	vld [tilespmem:s29+$0xFFFFFFF0];
	_ =	sdelay $0x7  }
0x3b: {  	[tilespmem:v1+s2+$0x0] =	vst.idx.add.f32.msk $0xffff, v2  }
0x3c: {  	v1 =	vld [tilespmem:s30+$0x0];
	_ =	sdelay $0x2  }
0x3d: {  	v2 =	vld [tilespmem:s31+$0x0];
	_ =	sdelay $0x4  }
0x3e: {  	[tilespmem:v1+s2+$0x0] =	vst.idx.add.f32.msk $0xffff, v2  }
0x3f: {  	v1 =	vld [tilespmem:s29+$0x0];
	_ =	sdelay $0x7  }
0x40: {  	[tilespmem:v1+s2+$0x0] =	vst.idx.add.f32.msk $0xffff, v2  }
0x41: {  	v1 =	vld [tilespmem:s30+$0x10];
	_ =	sdelay $0x2  }
0x42: {  	v2 =	vld [tilespmem:s31+$0x10];
	_ =	sdelay $0x4  }
0x43: {  	[tilespmem:v1+s2+$0x0] =	vst.idx.add.f32.msk $0xffff, v2  }
0x44: {  	v1 =	vld [tilespmem:s29+$0x10];
	_ =	sdelay $0x1  }
0x45: {  	s28 =	sadd.s32 $0x4, s28  }
0x46: {  	p0 =	slt.u32 s28, $0xF4  }
.Ltmp1:
0x47: {  	_ = 	snop;
	(pc) =	sbr.rel @p0 .LBB2_5-.Ltmp1, $2  }
0x48: {  	_ =	sdelay $0x2  }
0x49: {  	s30 =	sadd.s32 $0x40, s30;
	s31 =	sadd.s32 $0x40, s31;
	s29 =	sadd.s32 $0x40, s29;
	[tilespmem:v1+s2+$0x0] =	vst.idx.add.f32.msk $0xffff, v2  }
0x4a: {  	v1 =	vld [tilespmem:$0x19680];
	_ =	sdelay $0x2  }
0x4b: {  	v2 =	vld [tilespmem:$0x1B680];
	_ =	sdelay $0x4  }
0x4c: {  	[tilespmem:v1+s2+$0x0] =	vst.idx.add.f32.msk $0xffff, v2  }
0x4d: {  	v1 =	vld [tilespmem:$0x1A680];
	_ =	sdelay $0x7  }
0x4e: {  	[tilespmem:v1+s2+$0x0] =	vst.idx.add.f32.msk $0xffff, v2  }
0x4f: {  	v1 =	vld [tilespmem:$0x19690];
	_ =	sdelay $0x2  }
0x50: {  	v2 =	vld [tilespmem:$0x1B690];
	_ =	sdelay $0x4  }
0x51: {  	[tilespmem:v1+s2+$0x0] =	vst.idx.add.f32.msk $0xffff, v2  }
0x52: {  	v1 =	vld [tilespmem:$0x1A690];
	_ =	sdelay $0x4  }
0x53: {  	p0 =	seq.s32 s25, $0x18  }
0x54: {  	s26 =	sadd.s32 @!p0 s26, s10  }
0x55: {  	s26 =	sshrl.u32 @!p0 s26, $0x3  }
0x56: {  	s29 =	simm.s32 @!p0 $0x0;
	s30 =	simm.s32 @!p0 $0x18700;
	s28 =	sadd.s32 @!p0 s3, s26;
	[tilespmem:v1+s2+$0x0] =	vst.idx.add.f32.msk $0xffff, v2  }
0x57: {  	[tilespmem:s30], [sflag:$0x1] =	stream.linear.gather @!p0 [hbm4b:s28+s29], $0xFA0, $0x38;
	[tilespmem:$0x1E700] =	vst v63  }
0x58: {  	s28 =	sadd.s32 @!p0 s4, s26;
	s30 =	simm.s32 @!p0 $0x19700  }
0x59: {  	[tilespmem:s30], [sflag:$0x1] =	stream.linear.gather @!p0 [hbm4b:s28+s29], $0xFA0, $0x38;
	[tilespmem:$0x1E700] =	vst v63  }
0x5a: {  	s26 =	sadd.s32 @!p0 s5, s26;
	s28 =	simm.s32 @!p0 $0x1A700  }
0x5b: {  	[tilespmem:s28], [sflag:$0x1] =	stream.linear.gather @!p0 [hbm4b:s26+s29], $0xFA0, $0x38;
	[tilespmem:$0x1E700] =	vst v63  }
0x5c: {  	_ =	swait.ge [sflag:s20], $0xFA0  }
0x5d: {  	[sflag:s20] =	ssyncset.done $0x0  }
0x5e: {  	[sflag:s20] =	ssyncadd.s32 $0xFFFFF060  }
0x5f: {  	_ =	swait.ge [sflag:s20], $0xFA0  }
0x60: {  	[sflag:s20] =	ssyncset.done $0x0  }
0x61: {  	[sflag:s20] =	ssyncadd.s32 $0xFFFFF060  }
0x62: {  	s25 =	sadd.s32 $0x1, s25;
	_ =	swait.ge [sflag:s20], $0xFA0  }
0x63: {  	s30 =	simm.s32 $0x1D720;
	s26 =	simm.s32 $0xFFFFFFFC;
	[sflag:s20] =	ssyncset.done $0x0  }
0x64: {  	s28 =	simm.s32 $0x1C720;
	s29 =	simm.s32 $0x1B720;
	[sflag:s20] =	ssyncadd.s32 $0xFFFFF060  }
.LBB2_7:
0x65: {  	v1 =	vld [tilespmem:s29+$0xFFFFFFE0];
	_ =	sdelay $0x2  }
0x66: {  	v2 =	vld [tilespmem:s30+$0xFFFFFFE0];
	_ =	sdelay $0x4  }
0x67: {  	[tilespmem:v1+s2+$0x0] =	vst.idx.add.f32.msk $0xffff, v2  }
0x68: {  	v1 =	vld [tilespmem:s28+$0xFFFFFFE0];
	_ =	sdelay $0x7  }
0x69: {  	[tilespmem:v1+s2+$0x0] =	vst.idx.add.f32.msk $0xffff, v2  }
0x6a: {  	v1 =	vld [tilespmem:s29+$0xFFFFFFF0];
	_ =	sdelay $0x2  }
0x6b: {  	v2 =	vld [tilespmem:s30+$0xFFFFFFF0];
	_ =	sdelay $0x4  }
0x6c: {  	[tilespmem:v1+s2+$0x0] =	vst.idx.add.f32.msk $0xffff, v2  }
0x6d: {  	v1 =	vld [tilespmem:s28+$0xFFFFFFF0];
	_ =	sdelay $0x7  }
0x6e: {  	[tilespmem:v1+s2+$0x0] =	vst.idx.add.f32.msk $0xffff, v2  }
0x6f: {  	v1 =	vld [tilespmem:s29+$0x0];
	_ =	sdelay $0x2  }
0x70: {  	v2 =	vld [tilespmem:s30+$0x0];
	_ =	sdelay $0x4  }
0x71: {  	[tilespmem:v1+s2+$0x0] =	vst.idx.add.f32.msk $0xffff, v2  }
0x72: {  	v1 =	vld [tilespmem:s28+$0x0];
	_ =	sdelay $0x7  }
0x73: {  	[tilespmem:v1+s2+$0x0] =	vst.idx.add.f32.msk $0xffff, v2  }
0x74: {  	v1 =	vld [tilespmem:s29+$0x10];
	_ =	sdelay $0x2  }
0x75: {  	v2 =	vld [tilespmem:s30+$0x10];
	_ =	sdelay $0x4  }
0x76: {  	[tilespmem:v1+s2+$0x0] =	vst.idx.add.f32.msk $0xffff, v2  }
0x77: {  	v1 =	vld [tilespmem:s28+$0x10];
	_ =	sdelay $0x1  }
0x78: {  	s26 =	sadd.s32 $0x4, s26  }
0x79: {  	p0 =	slt.u32 s26, $0xF4  }
.Ltmp2:
0x7a: {  	_ = 	snop;
	(pc) =	sbr.rel @p0 .LBB2_7-.Ltmp2, $2  }
0x7b: {  	_ =	sdelay $0x2  }
0x7c: {  	s29 =	sadd.s32 $0x40, s29;
	s30 =	sadd.s32 $0x40, s30;
	s28 =	sadd.s32 $0x40, s28;
	[tilespmem:v1+s2+$0x0] =	vst.idx.add.f32.msk $0xffff, v2  }
0x7d: {  	v1 =	vld [tilespmem:$0x1C680];
	_ =	sdelay $0x2  }
0x7e: {  	v2 =	vld [tilespmem:$0x1E680];
	_ =	sdelay $0x4  }
0x7f: {  	[tilespmem:v1+s2+$0x0] =	vst.idx.add.f32.msk $0xffff, v2  }
0x80: {  	v1 =	vld [tilespmem:$0x1D680];
	_ =	sdelay $0x7  }
0x81: {  	[tilespmem:v1+s2+$0x0] =	vst.idx.add.f32.msk $0xffff, v2  }
0x82: {  	v1 =	vld [tilespmem:$0x1C690];
	_ =	sdelay $0x2  }
0x83: {  	v2 =	vld [tilespmem:$0x1E690];
	_ =	sdelay $0x4  }
0x84: {  	[tilespmem:v1+s2+$0x0] =	vst.idx.add.f32.msk $0xffff, v2  }
0x85: {  	v1 =	vld [tilespmem:$0x1D690];
	_ =	sdelay $0x2  }
0x86: {  	p0 =	sne.s32 s25, $0x19  }
.Ltmp3:
0x87: {  	_ = 	snop;
	(pc) =	sbr.rel @p0 .LBB2_4-.Ltmp3, $2  }
0x88: {  	_ =	sdelay $0x2  }
0x89: {  	[tilespmem:v1+s2+$0x0] =	vst.idx.add.f32.msk $0xffff, v2  }
0x8a: {  	s24 =	sadd.s32 $0x1, s24  }
0x8b: {  	p0 =	sne.s32 s24, s12  }
.Ltmp4:
0x8c: {  	_ = 	snop;
	(pc) =	sbr.rel @p0 .LBB2_1-.Ltmp4, $4  }
0x8d: {  	[hbm4b:s11+s21] =	stream.strided.scatter [tilespmem:s2], [sflag:$0x3], $0x18700, s22, s21, $0x38;
	[tilespmem:$0x1E700] =	vst v63  }
0x8e: {  	_ =	swait.ge [sflag:s23], $0x18700  }
0x8f: {  	[sflag:s23] =	ssyncset.done $0x0  }
0x90: {  	[sflag:s23] =	ssyncadd.s32 $0xFFFE7900  }
0x91: {  	_ =	sfence.sel $0x180000  }
0x92: {  	[bflag:$0x0] =	sbarrier.arrive $0xFFFF  }
0x93: {  	p0 =	sne.s32 s1, $0x0;
	_ =	strace $0x90000053  }
0x94: {  	s0 =	sadd.s32 @!p0 $0x100000, s0;
	[bflag:$0x2] =	sbarrier.arrive $0xFFFF  }
0x95: {  	[sflag:s0] =	ssyncadd.tile.s32 @!p0 $0x1;
	_ =	shalt  }
.Lfunc_end2:
_tile_overlayer_lowered:
.L_overlay_start_2:
0x96: {  	(tag) =	ssettag $0x2  }
0x97: {  	s0 =	rddreg [dreg:$0x0];
	s2 =	stileid.u32  }
0x98: {  	s1 =	rddreg [dreg:$0x1];
	p0 =	sne.s32 s2, $0x0  }
0x99: {  	s3 =	rddreg [dreg:$0x2];
	[bflag:$0x3] =	sbarrier.arrive $0xFFFF;
	s2 =	simm.s32 @!p0 $0x1C03  }
0x9a: {  	[timem:s3], [sflag:s2] =	dma.local @!p0 [hbm:s0], s1  }
0x9b: {  	s0 =	simm.s32 @!p0 $0x3  }
0x9c: {  	_ =	swait.ge @!p0 [sflag:s0], s1  }
0x9d: {  	s1 =	ssub.s32 @!p0 $0x0, s1;
	[sflag:s0] =	ssyncset.done @!p0 $0x0  }
0x9e: {  	[sflag:s0] =	ssyncadd.s32 @!p0 s1  }
0x9f: {  	[bflag:$0x3] =	sbarrier.arrive $0xFFFF  }
0xa0: {  	_ =	shalt  }

</sc_bundles>
